<compile_context>
chip_gen: v7x
topology: tpu7x:2x2x1
jax: 0.10.2.dev20260603
libtpu: 0.0.44.dev20260713+nightly
codegen_flags: <defaults>
</compile_context>

<pallas_src>
import functools

import jax
import jax.numpy as jnp
from jax import lax
from jax.experimental import pallas as pl
from jax.experimental.pallas import tpu as pltpu
from jax.experimental.pallas import tpu_sc as plsc

N = 10000
E = 320000
IN_DIM = 128
HID = 256
OUT_DIM = 128

NC = 2
NS = 16
CH = 128
G = 16

E_PAD = 327680
N_CHUNK_ROWS = E_PAD // CH
REAL_PER_CHUNK = E // N_CHUNK_ROWS
ACC_N = N + 96

_TILE_ROWS = 624
_REM_OFF = NS * _TILE_ROWS
_REM_OUT = N - _REM_OFF
_REM_ZERO = ACC_N - _REM_OFF


def _make_agg(table_blocks: int, edge_split: bool):
    if edge_split:
        edges_per_tile = E_PAD // (NC * NS)
    else:
        edges_per_tile = E_PAD // NS
    n_chunks = edges_per_tile // CH
    n_blocks = n_chunks // G
    assert n_chunks % (2 * G) == 0 or n_chunks % G == 0

    mesh = plsc.VectorSubcoreMesh(core_axis_name="c", subcore_axis_name="s")

    @functools.partial(
        pl.kernel,
        mesh=mesh,
        out_type=jax.ShapeDtypeStruct((NC, N, 128), jnp.float32),
        scratch_types=[
            pltpu.VMEM((2 * G, CH), jnp.int32),
            pltpu.VMEM((2 * G, CH), jnp.int32),
            pltpu.VMEM((CH, 128), jnp.float32),
            pltpu.VMEM((CH, 128), jnp.float32),
            pltpu.VMEM_SHARED((ACC_N, 128), jnp.float32),
            pltpu.SemaphoreType.DMA,
            pltpu.SemaphoreType.DMA,
            pltpu.SemaphoreType.DMA,
            pltpu.SemaphoreType.DMA,
        ],
    )
    def agg(table, src2d, dst2d, out,
            idx_s, idx_d, rows0, rows1, acc, sem0, sem1, semi0, semi1):
        c = lax.axis_index("c")
        s = lax.axis_index("s")
        row0 = s * _TILE_ROWS
        zvec = jnp.zeros((16,), jnp.float32)

        def zrow(i, carry):
            for j in range(8):
                rows0[i, pl.ds(16 * j, 16)] = zvec
            return carry

        lax.fori_loop(0, CH, zrow, 0)
        nz = _TILE_ROWS // CH
        for k in range(nz):
            pltpu.async_copy(rows0, acc.at[pl.ds(row0 + k * CH, CH)], sem1)
        _part = _TILE_ROWS % CH
        pltpu.async_copy(rows0.at[pl.ds(0, _part)],
                         acc.at[pl.ds(row0 + nz * CH, _part)], sem1)

        @pl.when(s == NS - 1)
        def _():
            pltpu.async_copy(rows0.at[pl.ds(0, _REM_ZERO)],
                             acc.at[pl.ds(_REM_OFF, _REM_ZERO)], sem1)

        if table_blocks == 2:
            tref = table.at[c]
        else:
            tref = table.at[0]
        if edge_split:
            tile_id = c * NS + s
        else:
            tile_id = s
        chunk0 = tile_id * n_chunks

        def fire_idx(b, semi):
            boff = (b % 2) * G
            pltpu.async_copy(src2d.at[pl.ds(chunk0 + b * G, G)],
                             idx_s.at[pl.ds(boff, G)], semi)
            pltpu.async_copy(dst2d.at[pl.ds(chunk0 + b * G, G)],
                             idx_d.at[pl.ds(boff, G)], semi)

        def wait_idx(semi):
            pltpu.make_async_copy(src2d.at[pl.ds(0, G)],
                                  idx_s.at[pl.ds(0, G)], semi).wait()
            pltpu.make_async_copy(dst2d.at[pl.ds(0, G)],
                                  idx_d.at[pl.ds(0, G)], semi).wait()

        def irow(i):
            return ((i // G) % 2) * G + lax.rem(i, G)

        def fire(i, buf, sem):
            return pltpu.async_copy(tref.at[idx_s.at[irow(i)]], buf, sem)

        def drain(buf, sem):
            pltpu.make_async_copy(tref.at[idx_s.at[0]], buf, sem).wait()

        fire_idx(0, semi0)
        if n_blocks > 1:
            fire_idx(1, semi1)
        for k in range(nz):
            pltpu.make_async_copy(rows0, acc.at[pl.ds(row0, CH)], sem1).wait()
        pltpu.make_async_copy(rows0.at[pl.ds(0, _part)],
                              acc.at[pl.ds(row0, _part)], sem1).wait()

        @pl.when(s == NS - 1)
        def _():
            pltpu.make_async_copy(rows0.at[pl.ds(0, _REM_ZERO)],
                                  acc.at[pl.ds(row0, _REM_ZERO)], sem1).wait()

        plsc.subcore_barrier()
        wait_idx(semi0)
        fire(0, rows0, sem0)

        def step(j, carry):
            i0 = 2 * j
            i1 = i0 + 1
            nxt = i0 + 2
            fire(i1, rows1, sem1)
            drain(rows0, sem0)
            pltpu.sync_copy(rows0, acc.at[idx_d.at[irow(i0)]], add=True)

            @pl.when((nxt < n_chunks) & (lax.rem(nxt, G) == 0))
            def _():
                @pl.when(lax.rem(nxt // G, 2) == 0)
                def _():
                    wait_idx(semi0)

                @pl.when(lax.rem(nxt // G, 2) == 1)
                def _():
                    wait_idx(semi1)

            @pl.when(nxt < n_chunks)
            def _():
                fire(nxt, rows0, sem0)

            drain(rows1, sem1)
            pltpu.sync_copy(rows1, acc.at[idx_d.at[irow(i1)]], add=True)

            @pl.when((lax.rem(nxt, G) == 0) & (nxt // G + 1 < n_blocks))
            def _():
                b1 = nxt // G + 1

                @pl.when(lax.rem(b1, 2) == 0)
                def _():
                    fire_idx(b1, semi0)

                @pl.when(lax.rem(b1, 2) == 1)
                def _():
                    fire_idx(b1, semi1)

            return carry

        lax.fori_loop(0, n_chunks // 2, step, 0)
        plsc.subcore_barrier()
        pltpu.sync_copy(acc.at[pl.ds(row0, _TILE_ROWS)],
                        out.at[c].at[pl.ds(row0, _TILE_ROWS)])

        @pl.when(s == NS - 1)
        def _():
            pltpu.sync_copy(acc.at[pl.ds(_REM_OFF, _REM_OUT)],
                            out.at[c].at[pl.ds(_REM_OFF, _REM_OUT)])

    return agg


@functools.lru_cache(maxsize=None)
def _get_aggs():
    return (_make_agg(table_blocks=1, edge_split=True),
            _make_agg(table_blocks=2, edge_split=False))

_R = 2000


def _prep_body(x_ref, pos_ref, o_ref):
    o_ref[...] = x_ref[...] + pos_ref[...]


def _mm1_body(p_ref, w_ref, b_ref, pos_ref, o_ref):
    agg = p_ref[0] + p_ref[1]
    y = jnp.dot(agg, w_ref[...], preferred_element_type=jnp.float32)
    y = jnp.maximum(y + b_ref[...], 0.0) + pos_ref[...]
    o_ref[0] = y[:, 0:128]
    o_ref[1] = y[:, 128:256]


def _mm23_body(a_ref, w2_ref, b2_ref, pos3_ref, w3_ref, o_ref):
    h = jnp.dot(a_ref[0], w2_ref[0:128, :], preferred_element_type=jnp.float32)
    h = h + jnp.dot(a_ref[1], w2_ref[128:256, :],
                    preferred_element_type=jnp.float32)
    y2 = jnp.maximum(h + b2_ref[...], 0.0) + pos3_ref[...]
    o_ref[...] = jnp.dot(y2, w3_ref[...], preferred_element_type=jnp.float32)


def _final_body(p_ref, b_ref, o_ref):
    o_ref[...] = p_ref[0] + p_ref[1] + b_ref[...]


def kernel(x, edge_index, pos1, W1, b1, pos2, W2, b2, pos3, W3, b3, Wlin, blin):
    npad = CH - REAL_PER_CHUNK
    src_r = edge_index[0].reshape(N_CHUNK_ROWS, REAL_PER_CHUNK)
    dst_r = edge_index[1].reshape(N_CHUNK_ROWS, REAL_PER_CHUNK)
    chunk_ids = jnp.arange(N_CHUNK_ROWS, dtype=jnp.int32)
    pad_src = (chunk_ids[:, None] * 37
               + jnp.arange(npad, dtype=jnp.int32)[None, :] * 13) % N
    src2d = jnp.concatenate([src_r, pad_src], axis=1)
    chunk_tile = chunk_ids // 80
    pad_dst = (N + chunk_tile[:, None] * npad
               + jnp.arange(npad, dtype=jnp.int32)[None, :])
    dst2d = jnp.concatenate([dst_r, pad_dst], axis=1)
    _agg_w128, _agg_w256 = _get_aggs()

    t1 = pl.pallas_call(
        _prep_body,
        grid=(N // _R,),
        in_specs=[
            pl.BlockSpec((_R, IN_DIM), lambda i: (i, 0)),
            pl.BlockSpec((1, IN_DIM), lambda i: (0, 0)),
        ],
        out_specs=pl.BlockSpec((_R, IN_DIM), lambda i: (i, 0)),
        out_shape=jax.ShapeDtypeStruct((N, IN_DIM), jnp.float32),
    )(x, pos1)

    p1 = _agg_w128(t1[None], src2d, dst2d)

    t2 = pl.pallas_call(
        _mm1_body,
        grid=(N // _R,),
        in_specs=[
            pl.BlockSpec((2, _R, IN_DIM), lambda i: (0, i, 0)),
            pl.BlockSpec((IN_DIM, HID), lambda i: (0, 0)),
            pl.BlockSpec((1, HID), lambda i: (0, 0)),
            pl.BlockSpec((1, HID), lambda i: (0, 0)),
        ],
        out_specs=pl.BlockSpec((2, _R, 128), lambda i: (0, i, 0)),
        out_shape=jax.ShapeDtypeStruct((2, N, 128), jnp.float32),
    )(p1, W1, b1[None], pos2)

    a2 = _agg_w256(t2, src2d, dst2d)

    t3 = pl.pallas_call(
        _mm23_body,
        grid=(N // _R,),
        in_specs=[
            pl.BlockSpec((2, _R, 128), lambda i: (0, i, 0)),
            pl.BlockSpec((HID, HID), lambda i: (0, 0)),
            pl.BlockSpec((1, HID), lambda i: (0, 0)),
            pl.BlockSpec((1, HID), lambda i: (0, 0)),
            pl.BlockSpec((HID, OUT_DIM), lambda i: (0, 0)),
        ],
        out_specs=pl.BlockSpec((_R, OUT_DIM), lambda i: (i, 0)),
        out_shape=jax.ShapeDtypeStruct((N, OUT_DIM), jnp.float32),
    )(a2, W2, b2[None], pos3, W3)

    p3 = _agg_w128(t3[None], src2d, dst2d)

    out = pl.pallas_call(
        _final_body,
        grid=(N // _R,),
        in_specs=[
            pl.BlockSpec((2, _R, OUT_DIM), lambda i: (0, i, 0)),
            pl.BlockSpec((1, OUT_DIM), lambda i: (0, 0)),
        ],
        out_specs=pl.BlockSpec((_R, OUT_DIM), lambda i: (i, 0)),
        out_shape=jax.ShapeDtypeStruct((N, OUT_DIM), jnp.float32),
    )(p3, b3[None])
    return out

# --- scband reference (transcript-rebuilt; emitter-appended) ---
"""Pipeline reference for scband-deeper-synergy-gnn-36369783062751 (READ-ONLY COPY).

The authoritative reference and input builder live on the scoring server;
editing this copy changes nothing except your own understanding.
"""

import jax, jax.numpy as jnp
import numpy as np

N = 10000
E = 320000
IN_DIM = 128
HID = 256
OUT = 128


def setup_inputs(seed: int = 0) -> dict:
    key = jax.random.key(seed)
    ks = jax.random.split(key, 16)
    x = jax.random.normal(ks[0], (N, IN_DIM), dtype=jnp.float32)
    edge_index = jax.random.randint(ks[1], (2, E), 0, N, dtype=jnp.int32)

    def lin_init(k, fan_in, fan_out):
        bound = 1.0 / np.sqrt(fan_in)
        k1, k2 = jax.random.split(k)
        W = jax.random.uniform(k1, (fan_in, fan_out), minval=-bound, maxval=bound, dtype=jnp.float32)
        b = jax.random.uniform(k2, (fan_out,), minval=-bound, maxval=bound, dtype=jnp.float32)
        return W, b

    # shared residual linear: in_dim -> hidden_dim
    Wlin, blin = lin_init(ks[2], IN_DIM, HID)
    # PAGNNConv 1: in_dim -> hidden_dim
    pos1 = jax.random.normal(ks[3], (1, IN_DIM), dtype=jnp.float32)
    W1, b1 = lin_init(ks[4], IN_DIM, HID)
    # PAGNNConv 2: hidden_dim -> hidden_dim
    pos2 = jax.random.normal(ks[5], (1, HID), dtype=jnp.float32)
    W2, b2 = lin_init(ks[6], HID, HID)
    # PAGNNConv 3: hidden_dim -> out_dim
    pos3 = jax.random.normal(ks[7], (1, HID), dtype=jnp.float32)
    W3, b3 = lin_init(ks[8], HID, OUT)

    return {"x": x, "edge_index": edge_index,
            "pos1": pos1, "W1": W1, "b1": b1,
            "pos2": pos2, "W2": W2, "b2": b2,
            "pos3": pos3, "W3": W3, "b3": b3,
            "Wlin": Wlin, "blin": blin}


def reference(x, edge_index, pos1, W1, b1, pos2, W2, b2, pos3, W3, b3, Wlin, blin):
    src = edge_index[0]
    dst = edge_index[1]

    def pagnn(h, pos, W, b):
        # PAGNNConv: add positional encoding, message = x_j, aggr='add' by dst,
        # update = Linear(aggr_out)
        hp = h + pos
        msg = jnp.take(hp, src, axis=0)
        agg = jax.ops.segment_sum(msg, dst, num_segments=N)
        return agg @ W + b

    # Branch 1: conv_type in ['GAT','GIN','PAGNN'] (dropout p=0.6 is identity in eval)
    x1 = jax.nn.leaky_relu(pagnn(x, pos1, W1, b1) + (x @ Wlin + blin), negative_slope=0.2)
    x2 = jax.nn.leaky_relu(pagnn(x1, pos2, W2, b2), negative_slope=0.2)
    out_a = pagnn(x2, pos3, W3, b3)  # appended to conv_outputs but overwritten by [-1]

    # Final else-branch (conv_type not in ['ALL']): also executes for PAGNN
    y1 = jax.nn.relu(pagnn(x, pos1, W1, b1))
    y2 = jax.nn.relu(pagnn(y1, pos2, W2, b2))
    out_b = pagnn(y2, pos3, W3, b3)

    # output_type == 'single' -> conv_outputs[-1] == out_b
    del out_a
    return out_b

if __name__ == "__main__":
    import jax
    _d = setup_inputs()
    print(jax.jit(kernel)(*tuple(_d.values())))

</pallas_src>

<mosaic_0001>
#map = affine_map<(d0, d1) -> (0, 0, 0)>
#map1 = affine_map<(d0, d1) -> (0, 0)>
module attributes {stable_mosaic.version = 14 : i64} {
  func.func @agg(%arg0: i32, %arg1: i32, %arg2: memref<1x10000x128xf32, #tpu.memory_space<hbm>>, %arg3: memref<2560x128xi32, #tpu.memory_space<hbm>>, %arg4: memref<2560x128xi32, #tpu.memory_space<hbm>>, %arg5: memref<2x10000x128xf32, #tpu.memory_space<hbm>>, %arg6: memref<32x128xi32, #tpu.memory_space<vmem>>, %arg7: memref<32x128xi32, #tpu.memory_space<vmem>>, %arg8: memref<128x128xf32, #tpu.memory_space<vmem>>, %arg9: memref<128x128xf32, #tpu.memory_space<vmem>>, %arg10: memref<10096x128xf32, #tpu.memory_space<vmem_shared>>, %arg11: memref<!tpu.dma_semaphore, #tpu.memory_space<semaphore_mem>>, %arg12: memref<!tpu.dma_semaphore, #tpu.memory_space<semaphore_mem>>, %arg13: memref<!tpu.dma_semaphore, #tpu.memory_space<semaphore_mem>>, %arg14: memref<!tpu.dma_semaphore, #tpu.memory_space<semaphore_mem>>) attributes {dimension_semantics = [#tpu.dimension_semantics<core_parallel>, #tpu.dimension_semantics<subcore_parallel>], iteration_bounds = array<i64: 2, 16>, scalar_prefetch = 0 : i64, scratch_operands = 9 : i64, tpu.core_type = #tpu.core_type<sc_vector_subcore>, window_params = [{transform_indices = #map}, {transform_indices = #map1}, {transform_indices = #map1}, {transform_indices = #map}]} {
    %mul3A = arith.constant 624 : i32
    %mul3A_0 = arith.muli %arg1, %mul3A : i32
    %broadcast_in_dim3A = arith.constant 0.000000e+00 : f32
    %broadcast_in_dim3A_1 = vector.broadcast %broadcast_in_dim3A : f32 to vector<16xf32>
    %scan3A = arith.constant 0 : i32
    %scan3A_2 = arith.constant 0 : i32
    %scan3A_3 = arith.constant 128 : i32
    %scan3A_4 = arith.addi %scan3A_2, %scan3A_3 : i32
    %scan3A_5 = arith.constant 1 : i32
    scf.for %scan3A_178 = %scan3A_2 to %scan3A_4 step %scan3A_5  : i32 {
      %swap3A = arith.index_cast %scan3A_178 : i32 to index
      %swap3A_179 = arith.constant 0 : index
      %swap3A_180 = tpu.vector_load %arg8[%swap3A, %swap3A_179] {strides = array<i32>} : memref<128x128xf32, #tpu.memory_space<vmem>>, vector<1x16xf32>,
      %swap3A_181 = vector.shape_cast %swap3A_180 : vector<1x16xf32> to vector<16xf32>
      %swap3A_182 = vector.shape_cast %broadcast_in_dim3A_1 : vector<16xf32> to vector<1x16xf32>
      tpu.vector_store %arg8[%swap3A, %swap3A_179], %swap3A_182 {strides = array<i32>} : memref<128x128xf32, #tpu.memory_space<vmem>>, vector<1x16xf32>,
      %swap3A_183 = arith.index_cast %scan3A_178 : i32 to index
      %swap3A_184 = arith.constant 16 : index
      %swap3A_185 = tpu.vector_load %arg8[%swap3A_183, %swap3A_184] {strides = array<i32>} : memref<128x128xf32, #tpu.memory_space<vmem>>, vector<1x16xf32>,
      %swap3A_186 = vector.shape_cast %swap3A_185 : vector<1x16xf32> to vector<16xf32>
      %swap3A_187 = vector.shape_cast %broadcast_in_dim3A_1 : vector<16xf32> to vector<1x16xf32>
      tpu.vector_store %arg8[%swap3A_183, %swap3A_184], %swap3A_187 {strides = array<i32>} : memref<128x128xf32, #tpu.memory_space<vmem>>, vector<1x16xf32>,
      %swap3A_188 = arith.index_cast %scan3A_178 : i32 to index
      %swap3A_189 = arith.constant 32 : index
      %swap3A_190 = tpu.vector_load %arg8[%swap3A_188, %swap3A_189] {strides = array<i32>} : memref<128x128xf32, #tpu.memory_space<vmem>>, vector<1x16xf32>,
      %swap3A_191 = vector.shape_cast %swap3A_190 : vector<1x16xf32> to vector<16xf32>
      %swap3A_192 = vector.shape_cast %broadcast_in_dim3A_1 : vector<16xf32> to vector<1x16xf32>
      tpu.vector_store %arg8[%swap3A_188, %swap3A_189], %swap3A_192 {strides = array<i32>} : memref<128x128xf32, #tpu.memory_space<vmem>>, vector<1x16xf32>,
      %swap3A_193 = arith.index_cast %scan3A_178 : i32 to index
      %swap3A_194 = arith.constant 48 : index
      %swap3A_195 = tpu.vector_load %arg8[%swap3A_193, %swap3A_194] {strides = array<i32>} : memref<128x128xf32, #tpu.memory_space<vmem>>, vector<1x16xf32>,
      %swap3A_196 = vector.shape_cast %swap3A_195 : vector<1x16xf32> to vector<16xf32>
      %swap3A_197 = vector.shape_cast %broadcast_in_dim3A_1 : vector<16xf32> to vector<1x16xf32>
      tpu.vector_store %arg8[%swap3A_193, %swap3A_194], %swap3A_197 {strides = array<i32>} : memref<128x128xf32, #tpu.memory_space<vmem>>, vector<1x16xf32>,
      %swap3A_198 = arith.index_cast %scan3A_178 : i32 to index
      %swap3A_199 = arith.constant 64 : index
      %swap3A_200 = tpu.vector_load %arg8[%swap3A_198, %swap3A_199] {strides = array<i32>} : memref<128x128xf32, #tpu.memory_space<vmem>>, vector<1x16xf32>,
      %swap3A_201 = vector.shape_cast %swap3A_200 : vector<1x16xf32> to vector<16xf32>
      %swap3A_202 = vector.shape_cast %broadcast_in_dim3A_1 : vector<16xf32> to vector<1x16xf32>
      tpu.vector_store %arg8[%swap3A_198, %swap3A_199], %swap3A_202 {strides = array<i32>} : memref<128x128xf32, #tpu.memory_space<vmem>>, vector<1x16xf32>,
      %swap3A_203 = arith.index_cast %scan3A_178 : i32 to index
      %swap3A_204 = arith.constant 80 : index
      %swap3A_205 = tpu.vector_load %arg8[%swap3A_203, %swap3A_204] {strides = array<i32>} : memref<128x128xf32, #tpu.memory_space<vmem>>, vector<1x16xf32>,
      %swap3A_206 = vector.shape_cast %swap3A_205 : vector<1x16xf32> to vector<16xf32>
      %swap3A_207 = vector.shape_cast %broadcast_in_dim3A_1 : vector<16xf32> to vector<1x16xf32>
      tpu.vector_store %arg8[%swap3A_203, %swap3A_204], %swap3A_207 {strides = array<i32>} : memref<128x128xf32, #tpu.memory_space<vmem>>, vector<1x16xf32>,
      %swap3A_208 = arith.index_cast %scan3A_178 : i32 to index
      %swap3A_209 = arith.constant 96 : index
      %swap3A_210 = tpu.vector_load %arg8[%swap3A_208, %swap3A_209] {strides = array<i32>} : memref<128x128xf32, #tpu.memory_space<vmem>>, vector<1x16xf32>,
      %swap3A_211 = vector.shape_cast %swap3A_210 : vector<1x16xf32> to vector<16xf32>
      %swap3A_212 = vector.shape_cast %broadcast_in_dim3A_1 : vector<16xf32> to vector<1x16xf32>
      tpu.vector_store %arg8[%swap3A_208, %swap3A_209], %swap3A_212 {strides = array<i32>} : memref<128x128xf32, #tpu.memory_space<vmem>>, vector<1x16xf32>,
      %swap3A_213 = arith.index_cast %scan3A_178 : i32 to index
      %swap3A_214 = arith.constant 112 : index
      %swap3A_215 = tpu.vector_load %arg8[%swap3A_213, %swap3A_214] {strides = array<i32>} : memref<128x128xf32, #tpu.memory_space<vmem>>, vector<1x16xf32>,
      %swap3A_216 = vector.shape_cast %swap3A_215 : vector<1x16xf32> to vector<16xf32>
      %swap3A_217 = vector.shape_cast %broadcast_in_dim3A_1 : vector<16xf32> to vector<1x16xf32>
      tpu.vector_store %arg8[%swap3A_213, %swap3A_214], %swap3A_217 {strides = array<i32>} : memref<128x128xf32, #tpu.memory_space<vmem>>, vector<1x16xf32>,
    }
    %scan3A_6 = arith.constant 128 : i32
    %add3A = arith.constant 0 : i32
    %add3A_7 = arith.addi %mul3A_0, %add3A : i32
    %dma_start3A = arith.constant 0 : i32
    %dma_start3A_8 = tpu.memref_slice %arg10[%add3A_7, %dma_start3A] : memref<10096x128xf32, #tpu.memory_space<vmem_shared>> -> memref<128x128xf32, #tpu.memory_space<vmem_shared>>
    %dma_start3A_9 = arith.constant 0 : i32
    %dma_start3A_10 = tpu.memref_slice %arg10[%add3A_7, %dma_start3A_9] : memref<10096x128xf32, #tpu.memory_space<vmem_shared>> -> memref<128x128xf32, #tpu.memory_space<vmem_shared>>
    tpu.enqueue_dma source(%arg8 : memref<128x128xf32, #tpu.memory_space<vmem>>) target(%dma_start3A_10 : memref<128x128xf32, #tpu.memory_space<vmem_shared>>) target_semaphore(%arg12 : memref<!tpu.dma_semaphore, #tpu.memory_space<semaphore_mem>>)
    %add3A_11 = arith.constant 128 : i32
    %add3A_12 = arith.addi %mul3A_0, %add3A_11 : i32
    %dma_start3A_13 = arith.constant 0 : i32
    %dma_start3A_14 = tpu.memref_slice %arg10[%add3A_12, %dma_start3A_13] : memref<10096x128xf32, #tpu.memory_space<vmem_shared>> -> memref<128x128xf32, #tpu.memory_space<vmem_shared>>
    %dma_start3A_15 = arith.constant 0 : i32
    %dma_start3A_16 = tpu.memref_slice %arg10[%add3A_12, %dma_start3A_15] : memref<10096x128xf32, #tpu.memory_space<vmem_shared>> -> memref<128x128xf32, #tpu.memory_space<vmem_shared>>
    tpu.enqueue_dma source(%arg8 : memref<128x128xf32, #tpu.memory_space<vmem>>) target(%dma_start3A_16 : memref<128x128xf32, #tpu.memory_space<vmem_shared>>) target_semaphore(%arg12 : memref<!tpu.dma_semaphore, #tpu.memory_space<semaphore_mem>>)
    %add3A_17 = arith.constant 256 : i32
    %add3A_18 = arith.addi %mul3A_0, %add3A_17 : i32
    %dma_start3A_19 = arith.constant 0 : i32
    %dma_start3A_20 = tpu.memref_slice %arg10[%add3A_18, %dma_start3A_19] : memref<10096x128xf32, #tpu.memory_space<vmem_shared>> -> memref<128x128xf32, #tpu.memory_space<vmem_shared>>
    %dma_start3A_21 = arith.constant 0 : i32
    %dma_start3A_22 = tpu.memref_slice %arg10[%add3A_18, %dma_start3A_21] : memref<10096x128xf32, #tpu.memory_space<vmem_shared>> -> memref<128x128xf32, #tpu.memory_space<vmem_shared>>
    tpu.enqueue_dma source(%arg8 : memref<128x128xf32, #tpu.memory_space<vmem>>) target(%dma_start3A_22 : memref<128x128xf32, #tpu.memory_space<vmem_shared>>) target_semaphore(%arg12 : memref<!tpu.dma_semaphore, #tpu.memory_space<semaphore_mem>>)
    %add3A_23 = arith.constant 384 : i32
    %add3A_24 = arith.addi %mul3A_0, %add3A_23 : i32
    %dma_start3A_25 = arith.constant 0 : i32
    %dma_start3A_26 = tpu.memref_slice %arg10[%add3A_24, %dma_start3A_25] : memref<10096x128xf32, #tpu.memory_space<vmem_shared>> -> memref<128x128xf32, #tpu.memory_space<vmem_shared>>
    %dma_start3A_27 = arith.constant 0 : i32
    %dma_start3A_28 = tpu.memref_slice %arg10[%add3A_24, %dma_start3A_27] : memref<10096x128xf32, #tpu.memory_space<vmem_shared>> -> memref<128x128xf32, #tpu.memory_space<vmem_shared>>
    tpu.enqueue_dma source(%arg8 : memref<128x128xf32, #tpu.memory_space<vmem>>) target(%dma_start3A_28 : memref<128x128xf32, #tpu.memory_space<vmem_shared>>) target_semaphore(%arg12 : memref<!tpu.dma_semaphore, #tpu.memory_space<semaphore_mem>>)
    %add3A_29 = arith.constant 512 : i32
    %add3A_30 = arith.addi %mul3A_0, %add3A_29 : i32
    %dma_start3A_31 = arith.constant 0 : i32
    %dma_start3A_32 = arith.constant 0 : i32
    %dma_start3A_33 = tpu.memref_slice %arg8[%dma_start3A_31, %dma_start3A_32] : memref<128x128xf32, #tpu.memory_space<vmem>> -> memref<112x128xf32, #tpu.memory_space<vmem>>
    %dma_start3A_34 = arith.constant 0 : i32
    %dma_start3A_35 = tpu.memref_slice %arg10[%add3A_30, %dma_start3A_34] : memref<10096x128xf32, #tpu.memory_space<vmem_shared>> -> memref<112x128xf32, #tpu.memory_space<vmem_shared>>
    %dma_start3A_36 = arith.constant 0 : i32
    %dma_start3A_37 = tpu.memref_slice %arg10[%add3A_30, %dma_start3A_36] : memref<10096x128xf32, #tpu.memory_space<vmem_shared>> -> memref<112x128xf32, #tpu.memory_space<vmem_shared>>
    %dma_start3A_38 = arith.constant 0 : i32
    %dma_start3A_39 = arith.constant 0 : i32
    %dma_start3A_40 = tpu.memref_slice %arg8[%dma_start3A_38, %dma_start3A_39] : memref<128x128xf32, #tpu.memory_space<vmem>> -> memref<112x128xf32, #tpu.memory_space<vmem>>
    tpu.enqueue_dma source(%dma_start3A_40 : memref<112x128xf32, #tpu.memory_space<vmem>>) target(%dma_start3A_37 : memref<112x128xf32, #tpu.memory_space<vmem_shared>>) target_semaphore(%arg12 : memref<!tpu.dma_semaphore, #tpu.memory_space<semaphore_mem>>)
    %eq3A = arith.constant 15 : i32
    %eq3A_41 = arith.cmpi eq, %arg1, %eq3A : i32
    %convert_element_type3A = arith.extui %eq3A_41 : i1 to i32
    %cond3A = arith.constant 0 : i32
    %cond3A_42 = arith.cmpi ne, %convert_element_type3A, %cond3A : i32
    scf.if %cond3A_42 {
      %dma_start3A_178 = arith.constant 0 : i32
      %dma_start3A_179 = arith.constant 0 : i32
      %dma_start3A_180 = tpu.memref_slice %arg8[%dma_start3A_178, %dma_start3A_179] : memref<128x128xf32, #tpu.memory_space<vmem>> -> memref<112x128xf32, #tpu.memory_space<vmem>>
      %dma_start3A_181 = arith.constant 9984 : i32
      %dma_start3A_182 = arith.constant 0 : i32
      %dma_start3A_183 = tpu.memref_slice %arg10[%dma_start3A_181, %dma_start3A_182] : memref<10096x128xf32, #tpu.memory_space<vmem_shared>> -> memref<112x128xf32, #tpu.memory_space<vmem_shared>>
      %dma_start3A_184 = arith.constant 9984 : i32
      %dma_start3A_185 = arith.constant 0 : i32
      %dma_start3A_186 = tpu.memref_slice %arg10[%dma_start3A_184, %dma_start3A_185] : memref<10096x128xf32, #tpu.memory_space<vmem_shared>> -> memref<112x128xf32, #tpu.memory_space<vmem_shared>>
      %dma_start3A_187 = arith.constant 0 : i32
      %dma_start3A_188 = arith.constant 0 : i32
      %dma_start3A_189 = tpu.memref_slice %arg8[%dma_start3A_187, %dma_start3A_188] : memref<128x128xf32, #tpu.memory_space<vmem>> -> memref<112x128xf32, #tpu.memory_space<vmem>>
      tpu.enqueue_dma source(%dma_start3A_189 : memref<112x128xf32, #tpu.memory_space<vmem>>) target(%dma_start3A_186 : memref<112x128xf32, #tpu.memory_space<vmem_shared>>) target_semaphore(%arg12 : memref<!tpu.dma_semaphore, #tpu.memory_space<semaphore_mem>>)
    } else {
    }
    %mul3A_43 = arith.constant 16 : i32
    %mul3A_44 = arith.muli %arg0, %mul3A_43 : i32
    %add3A_45 = arith.addi %mul3A_44, %arg1 : i32
    %mul3A_46 = arith.constant 80 : i32
    %mul3A_47 = arith.muli %add3A_45, %mul3A_46 : i32
    %add3A_48 = arith.constant 0 : i32
    %add3A_49 = arith.addi %mul3A_47, %add3A_48 : i32
    %dma_start3A_50 = arith.constant 0 : i32
    %dma_start3A_51 = arith.constant 0 : i32
    %dma_start3A_52 = tpu.memref_slice %arg6[%dma_start3A_50, %dma_start3A_51] : memref<32x128xi32, #tpu.memory_space<vmem>> -> memref<16x128xi32, #tpu.memory_space<vmem>>
    %dma_start3A_53 = arith.constant 0 : i32
    %dma_start3A_54 = tpu.memref_slice %arg3[%add3A_49, %dma_start3A_53] : memref<2560x128xi32, #tpu.memory_space<hbm>> -> memref<16x128xi32, #tpu.memory_space<hbm>>
    %dma_start3A_55 = arith.constant 0 : i32
    %dma_start3A_56 = arith.constant 0 : i32
    %dma_start3A_57 = tpu.memref_slice %arg6[%dma_start3A_55, %dma_start3A_56] : memref<32x128xi32, #tpu.memory_space<vmem>> -> memref<16x128xi32, #tpu.memory_space<vmem>>
    %dma_start3A_58 = arith.constant 0 : i32
    %dma_start3A_59 = tpu.memref_slice %arg3[%add3A_49, %dma_start3A_58] : memref<2560x128xi32, #tpu.memory_space<hbm>> -> memref<16x128xi32, #tpu.memory_space<hbm>>
    tpu.enqueue_dma source(%dma_start3A_59 : memref<16x128xi32, #tpu.memory_space<hbm>>) target(%dma_start3A_57 : memref<16x128xi32, #tpu.memory_space<vmem>>) target_semaphore(%arg13 : memref<!tpu.dma_semaphore, #tpu.memory_space<semaphore_mem>>)
    %add3A_60 = arith.constant 0 : i32
    %add3A_61 = arith.addi %mul3A_47, %add3A_60 : i32
    %dma_start3A_62 = arith.constant 0 : i32
    %dma_start3A_63 = arith.constant 0 : i32
    %dma_start3A_64 = tpu.memref_slice %arg7[%dma_start3A_62, %dma_start3A_63] : memref<32x128xi32, #tpu.memory_space<vmem>> -> memref<16x128xi32, #tpu.memory_space<vmem>>
    %dma_start3A_65 = arith.constant 0 : i32
    %dma_start3A_66 = tpu.memref_slice %arg4[%add3A_61, %dma_start3A_65] : memref<2560x128xi32, #tpu.memory_space<hbm>> -> memref<16x128xi32, #tpu.memory_space<hbm>>
    %dma_start3A_67 = arith.constant 0 : i32
    %dma_start3A_68 = arith.constant 0 : i32
    %dma_start3A_69 = tpu.memref_slice %arg7[%dma_start3A_67, %dma_start3A_68] : memref<32x128xi32, #tpu.memory_space<vmem>> -> memref<16x128xi32, #tpu.memory_space<vmem>>
    %dma_start3A_70 = arith.constant 0 : i32
    %dma_start3A_71 = tpu.memref_slice %arg4[%add3A_61, %dma_start3A_70] : memref<2560x128xi32, #tpu.memory_space<hbm>> -> memref<16x128xi32, #tpu.memory_space<hbm>>
    tpu.enqueue_dma source(%dma_start3A_71 : memref<16x128xi32, #tpu.memory_space<hbm>>) target(%dma_start3A_69 : memref<16x128xi32, #tpu.memory_space<vmem>>) target_semaphore(%arg13 : memref<!tpu.dma_semaphore, #tpu.memory_space<semaphore_mem>>)
    %add3A_72 = arith.constant 16 : i32
    %add3A_73 = arith.addi %mul3A_47, %add3A_72 : i32
    %dma_start3A_74 = arith.constant 16 : i32
    %dma_start3A_75 = arith.constant 0 : i32
    %dma_start3A_76 = tpu.memref_slice %arg6[%dma_start3A_74, %dma_start3A_75] : memref<32x128xi32, #tpu.memory_space<vmem>> -> memref<16x128xi32, #tpu.memory_space<vmem>>
    %dma_start3A_77 = arith.constant 0 : i32
    %dma_start3A_78 = tpu.memref_slice %arg3[%add3A_73, %dma_start3A_77] : memref<2560x128xi32, #tpu.memory_space<hbm>> -> memref<16x128xi32, #tpu.memory_space<hbm>>
    %dma_start3A_79 = arith.constant 16 : i32
    %dma_start3A_80 = arith.constant 0 : i32
    %dma_start3A_81 = tpu.memref_slice %arg6[%dma_start3A_79, %dma_start3A_80] : memref<32x128xi32, #tpu.memory_space<vmem>> -> memref<16x128xi32, #tpu.memory_space<vmem>>
    %dma_start3A_82 = arith.constant 0 : i32
    %dma_start3A_83 = tpu.memref_slice %arg3[%add3A_73, %dma_start3A_82] : memref<2560x128xi32, #tpu.memory_space<hbm>> -> memref<16x128xi32, #tpu.memory_space<hbm>>
    tpu.enqueue_dma source(%dma_start3A_83 : memref<16x128xi32, #tpu.memory_space<hbm>>) target(%dma_start3A_81 : memref<16x128xi32, #tpu.memory_space<vmem>>) target_semaphore(%arg14 : memref<!tpu.dma_semaphore, #tpu.memory_space<semaphore_mem>>)
    %add3A_84 = arith.constant 16 : i32
    %add3A_85 = arith.addi %mul3A_47, %add3A_84 : i32
    %dma_start3A_86 = arith.constant 16 : i32
    %dma_start3A_87 = arith.constant 0 : i32
    %dma_start3A_88 = tpu.memref_slice %arg7[%dma_start3A_86, %dma_start3A_87] : memref<32x128xi32, #tpu.memory_space<vmem>> -> memref<16x128xi32, #tpu.memory_space<vmem>>
    %dma_start3A_89 = arith.constant 0 : i32
    %dma_start3A_90 = tpu.memref_slice %arg4[%add3A_85, %dma_start3A_89] : memref<2560x128xi32, #tpu.memory_space<hbm>> -> memref<16x128xi32, #tpu.memory_space<hbm>>
    %dma_start3A_91 = arith.constant 16 : i32
    %dma_start3A_92 = arith.constant 0 : i32
    %dma_start3A_93 = tpu.memref_slice %arg7[%dma_start3A_91, %dma_start3A_92] : memref<32x128xi32, #tpu.memory_space<vmem>> -> memref<16x128xi32, #tpu.memory_space<vmem>>
    %dma_start3A_94 = arith.constant 0 : i32
    %dma_start3A_95 = tpu.memref_slice %arg4[%add3A_85, %dma_start3A_94] : memref<2560x128xi32, #tpu.memory_space<hbm>> -> memref<16x128xi32, #tpu.memory_space<hbm>>
    tpu.enqueue_dma source(%dma_start3A_95 : memref<16x128xi32, #tpu.memory_space<hbm>>) target(%dma_start3A_93 : memref<16x128xi32, #tpu.memory_space<vmem>>) target_semaphore(%arg14 : memref<!tpu.dma_semaphore, #tpu.memory_space<semaphore_mem>>)
    %dma_wait3A = arith.constant 0 : i32
    %dma_wait3A_96 = tpu.memref_slice %arg10[%mul3A_0, %dma_wait3A] : memref<10096x128xf32, #tpu.memory_space<vmem_shared>> -> memref<128x128xf32, #tpu.memory_space<vmem_shared>>
    %dma_wait3A_97 = arith.constant 0 : i32
    %dma_wait3A_98 = tpu.memref_slice %arg10[%mul3A_0, %dma_wait3A_97] : memref<10096x128xf32, #tpu.memory_space<vmem_shared>> -> memref<128x128xf32, #tpu.memory_space<vmem_shared>>
    tpu.wait_dma2 semaphore(%arg12 : memref<!tpu.dma_semaphore, #tpu.memory_space<semaphore_mem>>) src(%arg8 : memref<128x128xf32, #tpu.memory_space<vmem>>) dst(%dma_wait3A_98 : memref<128x128xf32, #tpu.memory_space<vmem_shared>>)
    %dma_wait3A_99 = arith.constant 0 : i32
    %dma_wait3A_100 = tpu.memref_slice %arg10[%mul3A_0, %dma_wait3A_99] : memref<10096x128xf32, #tpu.memory_space<vmem_shared>> -> memref<128x128xf32, #tpu.memory_space<vmem_shared>>
    %dma_wait3A_101 = arith.constant 0 : i32
    %dma_wait3A_102 = tpu.memref_slice %arg10[%mul3A_0, %dma_wait3A_101] : memref<10096x128xf32, #tpu.memory_space<vmem_shared>> -> memref<128x128xf32, #tpu.memory_space<vmem_shared>>
    tpu.wait_dma2 semaphore(%arg12 : memref<!tpu.dma_semaphore, #tpu.memory_space<semaphore_mem>>) src(%arg8 : memref<128x128xf32, #tpu.memory_space<vmem>>) dst(%dma_wait3A_102 : memref<128x128xf32, #tpu.memory_space<vmem_shared>>)
    %dma_wait3A_103 = arith.constant 0 : i32
    %dma_wait3A_104 = tpu.memref_slice %arg10[%mul3A_0, %dma_wait3A_103] : memref<10096x128xf32, #tpu.memory_space<vmem_shared>> -> memref<128x128xf32, #tpu.memory_space<vmem_shared>>
    %dma_wait3A_105 = arith.constant 0 : i32
    %dma_wait3A_106 = tpu.memref_slice %arg10[%mul3A_0, %dma_wait3A_105] : memref<10096x128xf32, #tpu.memory_space<vmem_shared>> -> memref<128x128xf32, #tpu.memory_space<vmem_shared>>
    tpu.wait_dma2 semaphore(%arg12 : memref<!tpu.dma_semaphore, #tpu.memory_space<semaphore_mem>>) src(%arg8 : memref<128x128xf32, #tpu.memory_space<vmem>>) dst(%dma_wait3A_106 : memref<128x128xf32, #tpu.memory_space<vmem_shared>>)
    %dma_wait3A_107 = arith.constant 0 : i32
    %dma_wait3A_108 = tpu.memref_slice %arg10[%mul3A_0, %dma_wait3A_107] : memref<10096x128xf32, #tpu.memory_space<vmem_shared>> -> memref<128x128xf32, #tpu.memory_space<vmem_shared>>
    %dma_wait3A_109 = arith.constant 0 : i32
    %dma_wait3A_110 = tpu.memref_slice %arg10[%mul3A_0, %dma_wait3A_109] : memref<10096x128xf32, #tpu.memory_space<vmem_shared>> -> memref<128x128xf32, #tpu.memory_space<vmem_shared>>
    tpu.wait_dma2 semaphore(%arg12 : memref<!tpu.dma_semaphore, #tpu.memory_space<semaphore_mem>>) src(%arg8 : memref<128x128xf32, #tpu.memory_space<vmem>>) dst(%dma_wait3A_110 : memref<128x128xf32, #tpu.memory_space<vmem_shared>>)
    %dma_wait3A_111 = arith.constant 0 : i32
    %dma_wait3A_112 = arith.constant 0 : i32
    %dma_wait3A_113 = tpu.memref_slice %arg8[%dma_wait3A_111, %dma_wait3A_112] : memref<128x128xf32, #tpu.memory_space<vmem>> -> memref<112x128xf32, #tpu.memory_space<vmem>>
    %dma_wait3A_114 = arith.constant 0 : i32
    %dma_wait3A_115 = tpu.memref_slice %arg10[%mul3A_0, %dma_wait3A_114] : memref<10096x128xf32, #tpu.memory_space<vmem_shared>> -> memref<112x128xf32, #tpu.memory_space<vmem_shared>>
    %dma_wait3A_116 = arith.constant 0 : i32
    %dma_wait3A_117 = tpu.memref_slice %arg10[%mul3A_0, %dma_wait3A_116] : memref<10096x128xf32, #tpu.memory_space<vmem_shared>> -> memref<112x128xf32, #tpu.memory_space<vmem_shared>>
    %dma_wait3A_118 = arith.constant 0 : i32
    %dma_wait3A_119 = arith.constant 0 : i32
    %dma_wait3A_120 = tpu.memref_slice %arg8[%dma_wait3A_118, %dma_wait3A_119] : memref<128x128xf32, #tpu.memory_space<vmem>> -> memref<112x128xf32, #tpu.memory_space<vmem>>
    tpu.wait_dma2 semaphore(%arg12 : memref<!tpu.dma_semaphore, #tpu.memory_space<semaphore_mem>>) src(%dma_wait3A_120 : memref<112x128xf32, #tpu.memory_space<vmem>>) dst(%dma_wait3A_117 : memref<112x128xf32, #tpu.memory_space<vmem_shared>>)
    %eq3A_121 = arith.constant 15 : i32
    %eq3A_122 = arith.cmpi eq, %arg1, %eq3A_121 : i32
    %convert_element_type3A_123 = arith.extui %eq3A_122 : i1 to i32
    %cond3A_124 = arith.constant 0 : i32
    %cond3A_125 = arith.cmpi ne, %convert_element_type3A_123, %cond3A_124 : i32
    scf.if %cond3A_125 {
      %dma_wait3A_178 = arith.constant 0 : i32
      %dma_wait3A_179 = arith.constant 0 : i32
      %dma_wait3A_180 = tpu.memref_slice %arg8[%dma_wait3A_178, %dma_wait3A_179] : memref<128x128xf32, #tpu.memory_space<vmem>> -> memref<112x128xf32, #tpu.memory_space<vmem>>
      %dma_wait3A_181 = arith.constant 0 : i32
      %dma_wait3A_182 = tpu.memref_slice %arg10[%mul3A_0, %dma_wait3A_181] : memref<10096x128xf32, #tpu.memory_space<vmem_shared>> -> memref<112x128xf32, #tpu.memory_space<vmem_shared>>
      %dma_wait3A_183 = arith.constant 0 : i32
      %dma_wait3A_184 = tpu.memref_slice %arg10[%mul3A_0, %dma_wait3A_183] : memref<10096x128xf32, #tpu.memory_space<vmem_shared>> -> memref<112x128xf32, #tpu.memory_space<vmem_shared>>
      %dma_wait3A_185 = arith.constant 0 : i32
      %dma_wait3A_186 = arith.constant 0 : i32
      %dma_wait3A_187 = tpu.memref_slice %arg8[%dma_wait3A_185, %dma_wait3A_186] : memref<128x128xf32, #tpu.memory_space<vmem>> -> memref<112x128xf32, #tpu.memory_space<vmem>>
      tpu.wait_dma2 semaphore(%arg12 : memref<!tpu.dma_semaphore, #tpu.memory_space<semaphore_mem>>) src(%dma_wait3A_187 : memref<112x128xf32, #tpu.memory_space<vmem>>) dst(%dma_wait3A_184 : memref<112x128xf32, #tpu.memory_space<vmem_shared>>)
    } else {
    }
    %barrier3A = arith.constant 0 : index
    tpu.barrier barrier_id(%barrier3A)
    %dma_wait3A_126 = arith.constant 0 : i32
    %dma_wait3A_127 = arith.constant 0 : i32
    %dma_wait3A_128 = tpu.memref_slice %arg6[%dma_wait3A_126, %dma_wait3A_127] : memref<32x128xi32, #tpu.memory_space<vmem>> -> memref<16x128xi32, #tpu.memory_space<vmem>>
    %dma_wait3A_129 = arith.constant 0 : i32
    %dma_wait3A_130 = arith.constant 0 : i32
    %dma_wait3A_131 = tpu.memref_slice %arg3[%dma_wait3A_129, %dma_wait3A_130] : memref<2560x128xi32, #tpu.memory_space<hbm>> -> memref<16x128xi32, #tpu.memory_space<hbm>>
    %dma_wait3A_132 = arith.constant 0 : i32
    %dma_wait3A_133 = arith.constant 0 : i32
    %dma_wait3A_134 = tpu.memref_slice %arg6[%dma_wait3A_132, %dma_wait3A_133] : memref<32x128xi32, #tpu.memory_space<vmem>> -> memref<16x128xi32, #tpu.memory_space<vmem>>
    %dma_wait3A_135 = arith.constant 0 : i32
    %dma_wait3A_136 = arith.constant 0 : i32
    %dma_wait3A_137 = tpu.memref_slice %arg3[%dma_wait3A_135, %dma_wait3A_136] : memref<2560x128xi32, #tpu.memory_space<hbm>> -> memref<16x128xi32, #tpu.memory_space<hbm>>
    tpu.wait_dma2 semaphore(%arg13 : memref<!tpu.dma_semaphore, #tpu.memory_space<semaphore_mem>>) src(%dma_wait3A_137 : memref<16x128xi32, #tpu.memory_space<hbm>>) dst(%dma_wait3A_134 : memref<16x128xi32, #tpu.memory_space<vmem>>)
    %dma_wait3A_138 = arith.constant 0 : i32
    %dma_wait3A_139 = arith.constant 0 : i32
    %dma_wait3A_140 = tpu.memref_slice %arg7[%dma_wait3A_138, %dma_wait3A_139] : memref<32x128xi32, #tpu.memory_space<vmem>> -> memref<16x128xi32, #tpu.memory_space<vmem>>
    %dma_wait3A_141 = arith.constant 0 : i32
    %dma_wait3A_142 = arith.constant 0 : i32
    %dma_wait3A_143 = tpu.memref_slice %arg4[%dma_wait3A_141, %dma_wait3A_142] : memref<2560x128xi32, #tpu.memory_space<hbm>> -> memref<16x128xi32, #tpu.memory_space<hbm>>
    %dma_wait3A_144 = arith.constant 0 : i32
    %dma_wait3A_145 = arith.constant 0 : i32
    %dma_wait3A_146 = tpu.memref_slice %arg7[%dma_wait3A_144, %dma_wait3A_145] : memref<32x128xi32, #tpu.memory_space<vmem>> -> memref<16x128xi32, #tpu.memory_space<vmem>>
    %dma_wait3A_147 = arith.constant 0 : i32
    %dma_wait3A_148 = arith.constant 0 : i32
    %dma_wait3A_149 = tpu.memref_slice %arg4[%dma_wait3A_147, %dma_wait3A_148] : memref<2560x128xi32, #tpu.memory_space<hbm>> -> memref<16x128xi32, #tpu.memory_space<hbm>>
    tpu.wait_dma2 semaphore(%arg13 : memref<!tpu.dma_semaphore, #tpu.memory_space<semaphore_mem>>) src(%dma_wait3A_149 : memref<16x128xi32, #tpu.memory_space<hbm>>) dst(%dma_wait3A_146 : memref<16x128xi32, #tpu.memory_space<vmem>>)
    %rem3A = arith.constant 0 : i32
    %rem3A_150 = arith.constant 16 : i32
    %rem3A_151 = arith.remsi %rem3A, %rem3A_150 : i32
    %add3A_152 = arith.constant 0 : i32
    %add3A_153 = arith.addi %add3A_152, %rem3A_151 : i32
    %dma_start3A_154 = arith.constant 0 : i32
    %dma_start3A_155 = arith.constant 0 : i32
    %dma_start3A_156 = tpu.memref_slice %arg6[%add3A_153, %dma_start3A_155] : memref<32x128xi32, #tpu.memory_space<vmem>> -> memref<1x128xi32, #tpu.memory_space<vmem>>
    %dma_start3A_157 = tpu.memref_squeeze %dma_start3A_156 : memref<1x128xi32, #tpu.memory_space<vmem>> -> memref<128xi32, #tpu.memory_space<vmem>>
    %dma_start3A_158 = arith.constant 0 : i32
    %dma_start3A_159 = arith.constant 0 : i32
    %dma_start3A_160 = tpu.memref_slice %arg2[%dma_start3A_154, %dma_start3A_158, %dma_start3A_159] : memref<1x10000x128xf32, #tpu.memory_space<hbm>> -> memref<1x10000x128xf32, #tpu.memory_space<hbm>>
    %dma_start3A_161 = tpu.memref_squeeze %dma_start3A_160 : memref<1x10000x128xf32, #tpu.memory_space<hbm>> -> memref<10000x128xf32, #tpu.memory_space<hbm>>
    %dma_start3A_162 = arith.constant 0 : i32
    %dma_start3A_163 = arith.constant 0 : i32
    %dma_start3A_164 = tpu.memref_slice %dma_start3A_161[%dma_start3A_162, %dma_start3A_163] : memref<10000x128xf32, #tpu.memory_space<hbm>> -> memref<10000x128xf32, #tpu.memory_space<hbm>>
    tpu.enqueue_indirect_dma source(%dma_start3A_164 : memref<10000x128xf32, #tpu.memory_space<hbm>>) target(%arg8 : memref<128x128xf32, #tpu.memory_space<vmem>>) offsets(%dma_start3A_157 : memref<128xi32, #tpu.memory_space<vmem>>) semaphore(%arg11 : memref<!tpu.dma_semaphore, #tpu.memory_space<semaphore_mem>>)
    %scan3A_165 = arith.constant 0 : i32
    %scan3A_166 = arith.constant 0 : i32
    %scan3A_167 = arith.constant 0 : i32
    %scan3A_168 = arith.constant 40 : i32
    %scan3A_169 = arith.addi %scan3A_167, %scan3A_168 : i32
    %scan3A_170 = arith.constant 1 : i32
    scf.for %scan3A_178 = %scan3A_167 to %scan3A_169 step %scan3A_170  : i32 {
      %mul3A_179 = arith.constant 2 : i32
      %mul3A_180 = arith.muli %mul3A_179, %scan3A_178 : i32
      %add3A_181 = arith.constant 1 : i32
      %add3A_182 = arith.addi %mul3A_180, %add3A_181 : i32
      %add3A_183 = arith.constant 2 : i32
      %add3A_184 = arith.addi %mul3A_180, %add3A_183 : i32
      %jit3A = arith.constant 16 : i32
      %div3A = arith.divsi %add3A_182, %jit3A : i32
      %sign3A = arith.constant 0 : i32
      %sign3A_185 = arith.cmpi sgt, %add3A_182, %sign3A : i32
      %sign3A_186 = arith.extui %sign3A_185 : i1 to i32
      %sign3A_187 = arith.constant 0 : i32
      %sign3A_188 = arith.cmpi slt, %add3A_182, %sign3A_187 : i32
      %sign3A_189 = arith.extui %sign3A_188 : i1 to i32
      %sign3A_190 = arith.subi %sign3A_186, %sign3A_189 : i32
      %sign3A_191 = arith.constant 0 : i32
      %sign3A_192 = arith.cmpi sgt, %jit3A, %sign3A_191 : i32
      %sign3A_193 = arith.extui %sign3A_192 : i1 to i32
      %sign3A_194 = arith.constant 0 : i32
      %sign3A_195 = arith.cmpi slt, %jit3A, %sign3A_194 : i32
      %sign3A_196 = arith.extui %sign3A_195 : i1 to i32
      %sign3A_197 = arith.subi %sign3A_193, %sign3A_196 : i32
      %ne3A = arith.cmpi ne, %sign3A_190, %sign3A_197 : i32
      %rem3A_198 = arith.remsi %add3A_182, %jit3A : i32
      %ne3A_199 = arith.constant 0 : i32
      %ne3A_200 = arith.cmpi ne, %rem3A_198, %ne3A_199 : i32
      %and3A = arith.andi %ne3A, %ne3A_200 : i1
      %sub3A = arith.constant 1 : i32
      %sub3A_201 = arith.subi %div3A, %sub3A : i32
      %select_n3A = arith.select %and3A, %sub3A_201, %div3A : i32
      %jit3A_202 = arith.constant 2 : i32
      %eq3A_203 = arith.constant 0 : i32
      %eq3A_204 = arith.cmpi eq, %jit3A_202, %eq3A_203 : i32
      %jit3A_205 = arith.constant 1 : i32
      %select_n3A_206 = arith.select %eq3A_204, %jit3A_205, %jit3A_202 : i32
      %rem3A_207 = arith.remsi %select_n3A, %select_n3A_206 : i32
      %ne3A_208 = arith.constant 0 : i32
      %ne3A_209 = arith.cmpi ne, %rem3A_207, %ne3A_208 : i32
      %lt3A = arith.constant 0 : i32
      %lt3A_210 = arith.cmpi slt, %rem3A_207, %lt3A : i32
      %lt3A_211 = arith.constant 0 : i32
      %lt3A_212 = arith.cmpi slt, %select_n3A_206, %lt3A_211 : i32
      %ne3A_213 = arith.xori %lt3A_210, %lt3A_212 : i1
      %and3A_214 = arith.andi %ne3A_213, %ne3A_209 : i1
      %add3A_215 = arith.addi %rem3A_207, %select_n3A_206 : i32
      %select_n3A_216 = arith.select %and3A_214, %add3A_215, %rem3A_207 : i32
      %mul3A_217 = arith.constant 16 : i32
      %mul3A_218 = arith.muli %select_n3A_216, %mul3A_217 : i32
      %rem3A_219 = arith.constant 16 : i32
      %rem3A_220 = arith.remsi %add3A_182, %rem3A_219 : i32
      %add3A_221 = arith.addi %mul3A_218, %rem3A_220 : i32
      %dma_start3A_222 = arith.constant 0 : i32
      %dma_start3A_223 = tpu.memref_slice %arg6[%add3A_221, %dma_start3A_222] : memref<32x128xi32, #tpu.memory_space<vmem>> -> memref<1x128xi32, #tpu.memory_space<vmem>>
      %dma_start3A_224 = tpu.memref_squeeze %dma_start3A_223 : memref<1x128xi32, #tpu.memory_space<vmem>> -> memref<128xi32, #tpu.memory_space<vmem>>
      %dma_start3A_225 = arith.constant 0 : i32
      %dma_start3A_226 = arith.constant 0 : i32
      %dma_start3A_227 = tpu.memref_slice %arg2[%scan3A_166, %dma_start3A_225, %dma_start3A_226] : memref<1x10000x128xf32, #tpu.memory_space<hbm>> -> memref<1x10000x128xf32, #tpu.memory_space<hbm>>
      %dma_start3A_228 = tpu.memref_squeeze %dma_start3A_227 : memref<1x10000x128xf32, #tpu.memory_space<hbm>> -> memref<10000x128xf32, #tpu.memory_space<hbm>>
      %dma_start3A_229 = arith.constant 0 : i32
      %dma_start3A_230 = arith.constant 0 : i32
      %dma_start3A_231 = tpu.memref_slice %dma_start3A_228[%dma_start3A_229, %dma_start3A_230] : memref<10000x128xf32, #tpu.memory_space<hbm>> -> memref<10000x128xf32, #tpu.memory_space<hbm>>
      tpu.enqueue_indirect_dma source(%dma_start3A_231 : memref<10000x128xf32, #tpu.memory_space<hbm>>) target(%arg9 : memref<128x128xf32, #tpu.memory_space<vmem>>) offsets(%dma_start3A_224 : memref<128xi32, #tpu.memory_space<vmem>>) semaphore(%arg12 : memref<!tpu.dma_semaphore, #tpu.memory_space<semaphore_mem>>)
      %dma_wait3A_232 = arith.constant 0 : i32
      %dma_wait3A_233 = arith.constant 0 : i32
      %dma_wait3A_234 = tpu.memref_slice %arg6[%dma_wait3A_232, %dma_wait3A_233] : memref<32x128xi32, #tpu.memory_space<vmem>> -> memref<1x128xi32, #tpu.memory_space<vmem>>
      %dma_wait3A_235 = tpu.memref_squeeze %dma_wait3A_234 : memref<1x128xi32, #tpu.memory_space<vmem>> -> memref<128xi32, #tpu.memory_space<vmem>>
      %dma_wait3A_236 = arith.constant 0 : i32
      %dma_wait3A_237 = arith.constant 0 : i32
      %dma_wait3A_238 = tpu.memref_slice %arg2[%scan3A_166, %dma_wait3A_236, %dma_wait3A_237] : memref<1x10000x128xf32, #tpu.memory_space<hbm>> -> memref<1x10000x128xf32, #tpu.memory_space<hbm>>
      %dma_wait3A_239 = tpu.memref_squeeze %dma_wait3A_238 : memref<1x10000x128xf32, #tpu.memory_space<hbm>> -> memref<10000x128xf32, #tpu.memory_space<hbm>>
      %dma_wait3A_240 = arith.constant 0 : i32
      %dma_wait3A_241 = arith.constant 0 : i32
      %dma_wait3A_242 = tpu.memref_slice %dma_wait3A_239[%dma_wait3A_240, %dma_wait3A_241] : memref<10000x128xf32, #tpu.memory_space<hbm>> -> memref<10000x128xf32, #tpu.memory_space<hbm>>
      tpu.wait_indirect_dma semaphore(%arg11 : memref<!tpu.dma_semaphore, #tpu.memory_space<semaphore_mem>>) src(%dma_wait3A_242 : memref<10000x128xf32, #tpu.memory_space<hbm>>) dst(%arg8 : memref<128x128xf32, #tpu.memory_space<vmem>>)
      %jit3A_243 = arith.constant 16 : i32
      %div3A_244 = arith.divsi %mul3A_180, %jit3A_243 : i32
      %sign3A_245 = arith.constant 0 : i32
      %sign3A_246 = arith.cmpi sgt, %mul3A_180, %sign3A_245 : i32
      %sign3A_247 = arith.extui %sign3A_246 : i1 to i32
      %sign3A_248 = arith.constant 0 : i32
      %sign3A_249 = arith.cmpi slt, %mul3A_180, %sign3A_248 : i32
      %sign3A_250 = arith.extui %sign3A_249 : i1 to i32
      %sign3A_251 = arith.subi %sign3A_247, %sign3A_250 : i32
      %sign3A_252 = arith.constant 0 : i32
      %sign3A_253 = arith.cmpi sgt, %jit3A_243, %sign3A_252 : i32
      %sign3A_254 = arith.extui %sign3A_253 : i1 to i32
      %sign3A_255 = arith.constant 0 : i32
      %sign3A_256 = arith.cmpi slt, %jit3A_243, %sign3A_255 : i32
      %sign3A_257 = arith.extui %sign3A_256 : i1 to i32
      %sign3A_258 = arith.subi %sign3A_254, %sign3A_257 : i32
      %ne3A_259 = arith.cmpi ne, %sign3A_251, %sign3A_258 : i32
      %rem3A_260 = arith.remsi %mul3A_180, %jit3A_243 : i32
      %ne3A_261 = arith.constant 0 : i32
      %ne3A_262 = arith.cmpi ne, %rem3A_260, %ne3A_261 : i32
      %and3A_263 = arith.andi %ne3A_259, %ne3A_262 : i1
      %sub3A_264 = arith.constant 1 : i32
      %sub3A_265 = arith.subi %div3A_244, %sub3A_264 : i32
      %select_n3A_266 = arith.select %and3A_263, %sub3A_265, %div3A_244 : i32
      %jit3A_267 = arith.constant 2 : i32
      %eq3A_268 = arith.constant 0 : i32
      %eq3A_269 = arith.cmpi eq, %jit3A_267, %eq3A_268 : i32
      %jit3A_270 = arith.constant 1 : i32
      %select_n3A_271 = arith.select %eq3A_269, %jit3A_270, %jit3A_267 : i32
      %rem3A_272 = arith.remsi %select_n3A_266, %select_n3A_271 : i32
      %ne3A_273 = arith.constant 0 : i32
      %ne3A_274 = arith.cmpi ne, %rem3A_272, %ne3A_273 : i32
      %lt3A_275 = arith.constant 0 : i32
      %lt3A_276 = arith.cmpi slt, %rem3A_272, %lt3A_275 : i32
      %lt3A_277 = arith.constant 0 : i32
      %lt3A_278 = arith.cmpi slt, %select_n3A_271, %lt3A_277 : i32
      %ne3A_279 = arith.xori %lt3A_276, %lt3A_278 : i1
      %and3A_280 = arith.andi %ne3A_279, %ne3A_274 : i1
      %add3A_281 = arith.addi %rem3A_272, %select_n3A_271 : i32
      %select_n3A_282 = arith.select %and3A_280, %add3A_281, %rem3A_272 : i32
      %mul3A_283 = arith.constant 16 : i32
      %mul3A_284 = arith.muli %select_n3A_282, %mul3A_283 : i32
      %rem3A_285 = arith.constant 16 : i32
      %rem3A_286 = arith.remsi %mul3A_180, %rem3A_285 : i32
      %add3A_287 = arith.addi %mul3A_284, %rem3A_286 : i32
      "tpu.region"() ({
        %run_scoped3A = tpu.sem_alloc : memref<!tpu.dma_semaphore, #tpu.memory_space<semaphore_mem>>
        %dma_start3A_395 = arith.constant 0 : i32
        %dma_start3A_396 = tpu.memref_slice %arg7[%add3A_287, %dma_start3A_395] : memref<32x128xi32, #tpu.memory_space<vmem>> -> memref<1x128xi32, #tpu.memory_space<vmem>>
        %dma_start3A_397 = tpu.memref_squeeze %dma_start3A_396 : memref<1x128xi32, #tpu.memory_space<vmem>> -> memref<128xi32, #tpu.memory_space<vmem>>
        %dma_start3A_398 = arith.constant 0 : i32
        %dma_start3A_399 = arith.constant 0 : i32
        %dma_start3A_400 = tpu.memref_slice %arg10[%dma_start3A_398, %dma_start3A_399] : memref<10096x128xf32, #tpu.memory_space<vmem_shared>> -> memref<10096x128xf32, #tpu.memory_space<vmem_shared>>
        tpu.enqueue_indirect_dma source(%arg8 : memref<128x128xf32, #tpu.memory_space<vmem>>) target(%dma_start3A_400 : memref<10096x128xf32, #tpu.memory_space<vmem_shared>>) offsets(%dma_start3A_397 : memref<128xi32, #tpu.memory_space<vmem>>) semaphore(%run_scoped3A : memref<!tpu.dma_semaphore, #tpu.memory_space<semaphore_mem>>) {add = true}
        %dma_wait3A_401 = arith.constant 0 : i32
        %dma_wait3A_402 = tpu.memref_slice %arg7[%add3A_287, %dma_wait3A_401] : memref<32x128xi32, #tpu.memory_space<vmem>> -> memref<1x128xi32, #tpu.memory_space<vmem>>
        %dma_wait3A_403 = tpu.memref_squeeze %dma_wait3A_402 : memref<1x128xi32, #tpu.memory_space<vmem>> -> memref<128xi32, #tpu.memory_space<vmem>>
        %dma_wait3A_404 = arith.constant 0 : i32
        %dma_wait3A_405 = arith.constant 0 : i32
        %dma_wait3A_406 = tpu.memref_slice %arg10[%dma_wait3A_404, %dma_wait3A_405] : memref<10096x128xf32, #tpu.memory_space<vmem_shared>> -> memref<10096x128xf32, #tpu.memory_space<vmem_shared>>
        tpu.wait_indirect_dma semaphore(%run_scoped3A : memref<!tpu.dma_semaphore, #tpu.memory_space<semaphore_mem>>) src(%arg8 : memref<128x128xf32, #tpu.memory_space<vmem>>) dst(%dma_wait3A_406 : memref<10096x128xf32, #tpu.memory_space<vmem_shared>>)
        tpu.yield
      }) : () -> ()
      %lt3A_288 = arith.constant 80 : i32
      %lt3A_289 = arith.cmpi slt, %add3A_184, %lt3A_288 : i32
      %rem3A_290 = arith.constant 16 : i32
      %rem3A_291 = arith.remsi %add3A_184, %rem3A_290 : i32
      %eq3A_292 = arith.constant 0 : i32
      %eq3A_293 = arith.cmpi eq, %rem3A_291, %eq3A_292 : i32
      %and3A_294 = arith.andi %lt3A_289, %eq3A_293 : i1
      %convert_element_type3A_295 = arith.extui %and3A_294 : i1 to i32
      %cond3A_296 = arith.constant 0 : i32
      %cond3A_297 = arith.cmpi ne, %convert_element_type3A_295, %cond3A_296 : i32
      scf.if %cond3A_297 {
        %jit3A_395 = arith.constant 16 : i32
        %div3A_396 = arith.divsi %add3A_184, %jit3A_395 : i32
        %sign3A_397 = arith.constant 0 : i32
        %sign3A_398 = arith.cmpi sgt, %add3A_184, %sign3A_397 : i32
        %sign3A_399 = arith.extui %sign3A_398 : i1 to i32
        %sign3A_400 = arith.constant 0 : i32
        %sign3A_401 = arith.cmpi slt, %add3A_184, %sign3A_400 : i32
        %sign3A_402 = arith.extui %sign3A_401 : i1 to i32
        %sign3A_403 = arith.subi %sign3A_399, %sign3A_402 : i32
        %sign3A_404 = arith.constant 0 : i32
        %sign3A_405 = arith.cmpi sgt, %jit3A_395, %sign3A_404 : i32
        %sign3A_406 = arith.extui %sign3A_405 : i1 to i32
        %sign3A_407 = arith.constant 0 : i32
        %sign3A_408 = arith.cmpi slt, %jit3A_395, %sign3A_407 : i32
        %sign3A_409 = arith.extui %sign3A_408 : i1 to i32
        %sign3A_410 = arith.subi %sign3A_406, %sign3A_409 : i32
        %ne3A_411 = arith.cmpi ne, %sign3A_403, %sign3A_410 : i32
        %rem3A_412 = arith.remsi %add3A_184, %jit3A_395 : i32
        %ne3A_413 = arith.constant 0 : i32
        %ne3A_414 = arith.cmpi ne, %rem3A_412, %ne3A_413 : i32
        %and3A_415 = arith.andi %ne3A_411, %ne3A_414 : i1
        %sub3A_416 = arith.constant 1 : i32
        %sub3A_417 = arith.subi %div3A_396, %sub3A_416 : i32
        %select_n3A_418 = arith.select %and3A_415, %sub3A_417, %div3A_396 : i32
        %rem3A_419 = arith.constant 2 : i32
        %rem3A_420 = arith.remsi %select_n3A_418, %rem3A_419 : i32
        %eq3A_421 = arith.constant 0 : i32
        %eq3A_422 = arith.cmpi eq, %rem3A_420, %eq3A_421 : i32
        %convert_element_type3A_423 = arith.extui %eq3A_422 : i1 to i32
        %cond3A_424 = arith.constant 0 : i32
        %cond3A_425 = arith.cmpi ne, %convert_element_type3A_423, %cond3A_424 : i32
        scf.if %cond3A_425 {
          %dma_wait3A_457 = arith.constant 0 : i32
          %dma_wait3A_458 = arith.constant 0 : i32
          %dma_wait3A_459 = tpu.memref_slice %arg6[%dma_wait3A_457, %dma_wait3A_458] : memref<32x128xi32, #tpu.memory_space<vmem>> -> memref<16x128xi32, #tpu.memory_space<vmem>>
          %dma_wait3A_460 = arith.constant 0 : i32
          %dma_wait3A_461 = arith.constant 0 : i32
          %dma_wait3A_462 = tpu.memref_slice %arg3[%dma_wait3A_460, %dma_wait3A_461] : memref<2560x128xi32, #tpu.memory_space<hbm>> -> memref<16x128xi32, #tpu.memory_space<hbm>>
          %dma_wait3A_463 = arith.constant 0 : i32
          %dma_wait3A_464 = arith.constant 0 : i32
          %dma_wait3A_465 = tpu.memref_slice %arg6[%dma_wait3A_463, %dma_wait3A_464] : memref<32x128xi32, #tpu.memory_space<vmem>> -> memref<16x128xi32, #tpu.memory_space<vmem>>
          %dma_wait3A_466 = arith.constant 0 : i32
          %dma_wait3A_467 = arith.constant 0 : i32
          %dma_wait3A_468 = tpu.memref_slice %arg3[%dma_wait3A_466, %dma_wait3A_467] : memref<2560x128xi32, #tpu.memory_space<hbm>> -> memref<16x128xi32, #tpu.memory_space<hbm>>
          tpu.wait_dma2 semaphore(%arg13 : memref<!tpu.dma_semaphore, #tpu.memory_space<semaphore_mem>>) src(%dma_wait3A_468 : memref<16x128xi32, #tpu.memory_space<hbm>>) dst(%dma_wait3A_465 : memref<16x128xi32, #tpu.memory_space<vmem>>)
          %dma_wait3A_469 = arith.constant 0 : i32
          %dma_wait3A_470 = arith.constant 0 : i32
          %dma_wait3A_471 = tpu.memref_slice %arg7[%dma_wait3A_469, %dma_wait3A_470] : memref<32x128xi32, #tpu.memory_space<vmem>> -> memref<16x128xi32, #tpu.memory_space<vmem>>
          %dma_wait3A_472 = arith.constant 0 : i32
          %dma_wait3A_473 = arith.constant 0 : i32
          %dma_wait3A_474 = tpu.memref_slice %arg4[%dma_wait3A_472, %dma_wait3A_473] : memref<2560x128xi32, #tpu.memory_space<hbm>> -> memref<16x128xi32, #tpu.memory_space<hbm>>
          %dma_wait3A_475 = arith.constant 0 : i32
          %dma_wait3A_476 = arith.constant 0 : i32
          %dma_wait3A_477 = tpu.memref_slice %arg7[%dma_wait3A_475, %dma_wait3A_476] : memref<32x128xi32, #tpu.memory_space<vmem>> -> memref<16x128xi32, #tpu.memory_space<vmem>>
          %dma_wait3A_478 = arith.constant 0 : i32
          %dma_wait3A_479 = arith.constant 0 : i32
          %dma_wait3A_480 = tpu.memref_slice %arg4[%dma_wait3A_478, %dma_wait3A_479] : memref<2560x128xi32, #tpu.memory_space<hbm>> -> memref<16x128xi32, #tpu.memory_space<hbm>>
          tpu.wait_dma2 semaphore(%arg13 : memref<!tpu.dma_semaphore, #tpu.memory_space<semaphore_mem>>) src(%dma_wait3A_480 : memref<16x128xi32, #tpu.memory_space<hbm>>) dst(%dma_wait3A_477 : memref<16x128xi32, #tpu.memory_space<vmem>>)
        } else {
        }
        %jit3A_426 = arith.constant 16 : i32
        %div3A_427 = arith.divsi %add3A_184, %jit3A_426 : i32
        %sign3A_428 = arith.constant 0 : i32
        %sign3A_429 = arith.cmpi sgt, %add3A_184, %sign3A_428 : i32
        %sign3A_430 = arith.extui %sign3A_429 : i1 to i32
        %sign3A_431 = arith.constant 0 : i32
        %sign3A_432 = arith.cmpi slt, %add3A_184, %sign3A_431 : i32
        %sign3A_433 = arith.extui %sign3A_432 : i1 to i32
        %sign3A_434 = arith.subi %sign3A_430, %sign3A_433 : i32
        %sign3A_435 = arith.constant 0 : i32
        %sign3A_436 = arith.cmpi sgt, %jit3A_426, %sign3A_435 : i32
        %sign3A_437 = arith.extui %sign3A_436 : i1 to i32
        %sign3A_438 = arith.constant 0 : i32
        %sign3A_439 = arith.cmpi slt, %jit3A_426, %sign3A_438 : i32
        %sign3A_440 = arith.extui %sign3A_439 : i1 to i32
        %sign3A_441 = arith.subi %sign3A_437, %sign3A_440 : i32
        %ne3A_442 = arith.cmpi ne, %sign3A_434, %sign3A_441 : i32
        %rem3A_443 = arith.remsi %add3A_184, %jit3A_426 : i32
        %ne3A_444 = arith.constant 0 : i32
        %ne3A_445 = arith.cmpi ne, %rem3A_443, %ne3A_444 : i32
        %and3A_446 = arith.andi %ne3A_442, %ne3A_445 : i1
        %sub3A_447 = arith.constant 1 : i32
        %sub3A_448 = arith.subi %div3A_427, %sub3A_447 : i32
        %select_n3A_449 = arith.select %and3A_446, %sub3A_448, %div3A_427 : i32
        %rem3A_450 = arith.constant 2 : i32
        %rem3A_451 = arith.remsi %select_n3A_449, %rem3A_450 : i32
        %eq3A_452 = arith.constant 1 : i32
        %eq3A_453 = arith.cmpi eq, %rem3A_451, %eq3A_452 : i32
        %convert_element_type3A_454 = arith.extui %eq3A_453 : i1 to i32
        %cond3A_455 = arith.constant 0 : i32
        %cond3A_456 = arith.cmpi ne, %convert_element_type3A_454, %cond3A_455 : i32
        scf.if %cond3A_456 {
          %dma_wait3A_457 = arith.constant 0 : i32
          %dma_wait3A_458 = arith.constant 0 : i32
          %dma_wait3A_459 = tpu.memref_slice %arg6[%dma_wait3A_457, %dma_wait3A_458] : memref<32x128xi32, #tpu.memory_space<vmem>> -> memref<16x128xi32, #tpu.memory_space<vmem>>
          %dma_wait3A_460 = arith.constant 0 : i32
          %dma_wait3A_461 = arith.constant 0 : i32
          %dma_wait3A_462 = tpu.memref_slice %arg3[%dma_wait3A_460, %dma_wait3A_461] : memref<2560x128xi32, #tpu.memory_space<hbm>> -> memref<16x128xi32, #tpu.memory_space<hbm>>
          %dma_wait3A_463 = arith.constant 0 : i32
          %dma_wait3A_464 = arith.constant 0 : i32
          %dma_wait3A_465 = tpu.memref_slice %arg6[%dma_wait3A_463, %dma_wait3A_464] : memref<32x128xi32, #tpu.memory_space<vmem>> -> memref<16x128xi32, #tpu.memory_space<vmem>>
          %dma_wait3A_466 = arith.constant 0 : i32
          %dma_wait3A_467 = arith.constant 0 : i32
          %dma_wait3A_468 = tpu.memref_slice %arg3[%dma_wait3A_466, %dma_wait3A_467] : memref<2560x128xi32, #tpu.memory_space<hbm>> -> memref<16x128xi32, #tpu.memory_space<hbm>>
          tpu.wait_dma2 semaphore(%arg14 : memref<!tpu.dma_semaphore, #tpu.memory_space<semaphore_mem>>) src(%dma_wait3A_468 : memref<16x128xi32, #tpu.memory_space<hbm>>) dst(%dma_wait3A_465 : memref<16x128xi32, #tpu.memory_space<vmem>>)
          %dma_wait3A_469 = arith.constant 0 : i32
          %dma_wait3A_470 = arith.constant 0 : i32
          %dma_wait3A_471 = tpu.memref_slice %arg7[%dma_wait3A_469, %dma_wait3A_470] : memref<32x128xi32, #tpu.memory_space<vmem>> -> memref<16x128xi32, #tpu.memory_space<vmem>>
          %dma_wait3A_472 = arith.constant 0 : i32
          %dma_wait3A_473 = arith.constant 0 : i32
          %dma_wait3A_474 = tpu.memref_slice %arg4[%dma_wait3A_472, %dma_wait3A_473] : memref<2560x128xi32, #tpu.memory_space<hbm>> -> memref<16x128xi32, #tpu.memory_space<hbm>>
          %dma_wait3A_475 = arith.constant 0 : i32
          %dma_wait3A_476 = arith.constant 0 : i32
          %dma_wait3A_477 = tpu.memref_slice %arg7[%dma_wait3A_475, %dma_wait3A_476] : memref<32x128xi32, #tpu.memory_space<vmem>> -> memref<16x128xi32, #tpu.memory_space<vmem>>
          %dma_wait3A_478 = arith.constant 0 : i32
          %dma_wait3A_479 = arith.constant 0 : i32
          %dma_wait3A_480 = tpu.memref_slice %arg4[%dma_wait3A_478, %dma_wait3A_479] : memref<2560x128xi32, #tpu.memory_space<hbm>> -> memref<16x128xi32, #tpu.memory_space<hbm>>
          tpu.wait_dma2 semaphore(%arg14 : memref<!tpu.dma_semaphore, #tpu.memory_space<semaphore_mem>>) src(%dma_wait3A_480 : memref<16x128xi32, #tpu.memory_space<hbm>>) dst(%dma_wait3A_477 : memref<16x128xi32, #tpu.memory_space<vmem>>)
        } else {
        }
      } else {
      }
      %lt3A_298 = arith.constant 80 : i32
      %lt3A_299 = arith.cmpi slt, %add3A_184, %lt3A_298 : i32
      %convert_element_type3A_300 = arith.extui %lt3A_299 : i1 to i32
      %cond3A_301 = arith.constant 0 : i32
      %cond3A_302 = arith.cmpi ne, %convert_element_type3A_300, %cond3A_301 : i32
      scf.if %cond3A_302 {
        %jit3A_395 = arith.constant 16 : i32
        %div3A_396 = arith.divsi %add3A_184, %jit3A_395 : i32
        %sign3A_397 = arith.constant 0 : i32
        %sign3A_398 = arith.cmpi sgt, %add3A_184, %sign3A_397 : i32
        %sign3A_399 = arith.extui %sign3A_398 : i1 to i32
        %sign3A_400 = arith.constant 0 : i32
        %sign3A_401 = arith.cmpi slt, %add3A_184, %sign3A_400 : i32
        %sign3A_402 = arith.extui %sign3A_401 : i1 to i32
        %sign3A_403 = arith.subi %sign3A_399, %sign3A_402 : i32
        %sign3A_404 = arith.constant 0 : i32
        %sign3A_405 = arith.cmpi sgt, %jit3A_395, %sign3A_404 : i32
        %sign3A_406 = arith.extui %sign3A_405 : i1 to i32
        %sign3A_407 = arith.constant 0 : i32
        %sign3A_408 = arith.cmpi slt, %jit3A_395, %sign3A_407 : i32
        %sign3A_409 = arith.extui %sign3A_408 : i1 to i32
        %sign3A_410 = arith.subi %sign3A_406, %sign3A_409 : i32
        %ne3A_411 = arith.cmpi ne, %sign3A_403, %sign3A_410 : i32
        %rem3A_412 = arith.remsi %add3A_184, %jit3A_395 : i32
        %ne3A_413 = arith.constant 0 : i32
        %ne3A_414 = arith.cmpi ne, %rem3A_412, %ne3A_413 : i32
        %and3A_415 = arith.andi %ne3A_411, %ne3A_414 : i1
        %sub3A_416 = arith.constant 1 : i32
        %sub3A_417 = arith.subi %div3A_396, %sub3A_416 : i32
        %select_n3A_418 = arith.select %and3A_415, %sub3A_417, %div3A_396 : i32
        %jit3A_419 = arith.constant 2 : i32
        %eq3A_420 = arith.constant 0 : i32
        %eq3A_421 = arith.cmpi eq, %jit3A_419, %eq3A_420 : i32
        %jit3A_422 = arith.constant 1 : i32
        %select_n3A_423 = arith.select %eq3A_421, %jit3A_422, %jit3A_419 : i32
        %rem3A_424 = arith.remsi %select_n3A_418, %select_n3A_423 : i32
        %ne3A_425 = arith.constant 0 : i32
        %ne3A_426 = arith.cmpi ne, %rem3A_424, %ne3A_425 : i32
        %lt3A_427 = arith.constant 0 : i32
        %lt3A_428 = arith.cmpi slt, %rem3A_424, %lt3A_427 : i32
        %lt3A_429 = arith.constant 0 : i32
        %lt3A_430 = arith.cmpi slt, %select_n3A_423, %lt3A_429 : i32
        %ne3A_431 = arith.xori %lt3A_428, %lt3A_430 : i1
        %and3A_432 = arith.andi %ne3A_431, %ne3A_426 : i1
        %add3A_433 = arith.addi %rem3A_424, %select_n3A_423 : i32
        %select_n3A_434 = arith.select %and3A_432, %add3A_433, %rem3A_424 : i32
        %mul3A_435 = arith.constant 16 : i32
        %mul3A_436 = arith.muli %select_n3A_434, %mul3A_435 : i32
        %rem3A_437 = arith.constant 16 : i32
        %rem3A_438 = arith.remsi %add3A_184, %rem3A_437 : i32
        %add3A_439 = arith.addi %mul3A_436, %rem3A_438 : i32
        %dma_start3A_440 = arith.constant 0 : i32
        %dma_start3A_441 = tpu.memref_slice %arg6[%add3A_439, %dma_start3A_440] : memref<32x128xi32, #tpu.memory_space<vmem>> -> memref<1x128xi32, #tpu.memory_space<vmem>>
        %dma_start3A_442 = tpu.memref_squeeze %dma_start3A_441 : memref<1x128xi32, #tpu.memory_space<vmem>> -> memref<128xi32, #tpu.memory_space<vmem>>
        %dma_start3A_443 = arith.constant 0 : i32
        %dma_start3A_444 = arith.constant 0 : i32
        %dma_start3A_445 = tpu.memref_slice %arg2[%scan3A_166, %dma_start3A_443, %dma_start3A_444] : memref<1x10000x128xf32, #tpu.memory_space<hbm>> -> memref<1x10000x128xf32, #tpu.memory_space<hbm>>
        %dma_start3A_446 = tpu.memref_squeeze %dma_start3A_445 : memref<1x10000x128xf32, #tpu.memory_space<hbm>> -> memref<10000x128xf32, #tpu.memory_space<hbm>>
        %dma_start3A_447 = arith.constant 0 : i32
        %dma_start3A_448 = arith.constant 0 : i32
        %dma_start3A_449 = tpu.memref_slice %dma_start3A_446[%dma_start3A_447, %dma_start3A_448] : memref<10000x128xf32, #tpu.memory_space<hbm>> -> memref<10000x128xf32, #tpu.memory_space<hbm>>
        tpu.enqueue_indirect_dma source(%dma_start3A_449 : memref<10000x128xf32, #tpu.memory_space<hbm>>) target(%arg8 : memref<128x128xf32, #tpu.memory_space<vmem>>) offsets(%dma_start3A_442 : memref<128xi32, #tpu.memory_space<vmem>>) semaphore(%arg11 : memref<!tpu.dma_semaphore, #tpu.memory_space<semaphore_mem>>)
      } else {
      }
      %dma_wait3A_303 = arith.constant 0 : i32
      %dma_wait3A_304 = arith.constant 0 : i32
      %dma_wait3A_305 = tpu.memref_slice %arg6[%dma_wait3A_303, %dma_wait3A_304] : memref<32x128xi32, #tpu.memory_space<vmem>> -> memref<1x128xi32, #tpu.memory_space<vmem>>
      %dma_wait3A_306 = tpu.memref_squeeze %dma_wait3A_305 : memref<1x128xi32, #tpu.memory_space<vmem>> -> memref<128xi32, #tpu.memory_space<vmem>>
      %dma_wait3A_307 = arith.constant 0 : i32
      %dma_wait3A_308 = arith.constant 0 : i32
      %dma_wait3A_309 = tpu.memref_slice %arg2[%scan3A_166, %dma_wait3A_307, %dma_wait3A_308] : memref<1x10000x128xf32, #tpu.memory_space<hbm>> -> memref<1x10000x128xf32, #tpu.memory_space<hbm>>
      %dma_wait3A_310 = tpu.memref_squeeze %dma_wait3A_309 : memref<1x10000x128xf32, #tpu.memory_space<hbm>> -> memref<10000x128xf32, #tpu.memory_space<hbm>>
      %dma_wait3A_311 = arith.constant 0 : i32
      %dma_wait3A_312 = arith.constant 0 : i32
      %dma_wait3A_313 = tpu.memref_slice %dma_wait3A_310[%dma_wait3A_311, %dma_wait3A_312] : memref<10000x128xf32, #tpu.memory_space<hbm>> -> memref<10000x128xf32, #tpu.memory_space<hbm>>
      tpu.wait_indirect_dma semaphore(%arg12 : memref<!tpu.dma_semaphore, #tpu.memory_space<semaphore_mem>>) src(%dma_wait3A_313 : memref<10000x128xf32, #tpu.memory_space<hbm>>) dst(%arg9 : memref<128x128xf32, #tpu.memory_space<vmem>>)
      %jit3A_314 = arith.constant 16 : i32
      %div3A_315 = arith.divsi %add3A_182, %jit3A_314 : i32
      %sign3A_316 = arith.constant 0 : i32
      %sign3A_317 = arith.cmpi sgt, %add3A_182, %sign3A_316 : i32
      %sign3A_318 = arith.extui %sign3A_317 : i1 to i32
      %sign3A_319 = arith.constant 0 : i32
      %sign3A_320 = arith.cmpi slt, %add3A_182, %sign3A_319 : i32
      %sign3A_321 = arith.extui %sign3A_320 : i1 to i32
      %sign3A_322 = arith.subi %sign3A_318, %sign3A_321 : i32
      %sign3A_323 = arith.constant 0 : i32
      %sign3A_324 = arith.cmpi sgt, %jit3A_314, %sign3A_323 : i32
      %sign3A_325 = arith.extui %sign3A_324 : i1 to i32
      %sign3A_326 = arith.constant 0 : i32
      %sign3A_327 = arith.cmpi slt, %jit3A_314, %sign3A_326 : i32
      %sign3A_328 = arith.extui %sign3A_327 : i1 to i32
      %sign3A_329 = arith.subi %sign3A_325, %sign3A_328 : i32
      %ne3A_330 = arith.cmpi ne, %sign3A_322, %sign3A_329 : i32
      %rem3A_331 = arith.remsi %add3A_182, %jit3A_314 : i32
      %ne3A_332 = arith.constant 0 : i32
      %ne3A_333 = arith.cmpi ne, %rem3A_331, %ne3A_332 : i32
      %and3A_334 = arith.andi %ne3A_330, %ne3A_333 : i1
      %sub3A_335 = arith.constant 1 : i32
      %sub3A_336 = arith.subi %div3A_315, %sub3A_335 : i32
      %select_n3A_337 = arith.select %and3A_334, %sub3A_336, %div3A_315 : i32
      %jit3A_338 = arith.constant 2 : i32
      %eq3A_339 = arith.constant 0 : i32
      %eq3A_340 = arith.cmpi eq, %jit3A_338, %eq3A_339 : i32
      %jit3A_341 = arith.constant 1 : i32
      %select_n3A_342 = arith.select %eq3A_340, %jit3A_341, %jit3A_338 : i32
      %rem3A_343 = arith.remsi %select_n3A_337, %select_n3A_342 : i32
      %ne3A_344 = arith.constant 0 : i32
      %ne3A_345 = arith.cmpi ne, %rem3A_343, %ne3A_344 : i32
      %lt3A_346 = arith.constant 0 : i32
      %lt3A_347 = arith.cmpi slt, %rem3A_343, %lt3A_346 : i32
      %lt3A_348 = arith.constant 0 : i32
      %lt3A_349 = arith.cmpi slt, %select_n3A_342, %lt3A_348 : i32
      %ne3A_350 = arith.xori %lt3A_347, %lt3A_349 : i1
      %and3A_351 = arith.andi %ne3A_350, %ne3A_345 : i1
      %add3A_352 = arith.addi %rem3A_343, %select_n3A_342 : i32
      %select_n3A_353 = arith.select %and3A_351, %add3A_352, %rem3A_343 : i32
      %mul3A_354 = arith.constant 16 : i32
      %mul3A_355 = arith.muli %select_n3A_353, %mul3A_354 : i32
      %rem3A_356 = arith.constant 16 : i32
      %rem3A_357 = arith.remsi %add3A_182, %rem3A_356 : i32
      %add3A_358 = arith.addi %mul3A_355, %rem3A_357 : i32
      "tpu.region"() ({
        %run_scoped3A = tpu.sem_alloc : memref<!tpu.dma_semaphore, #tpu.memory_space<semaphore_mem>>
        %dma_start3A_395 = arith.constant 0 : i32
        %dma_start3A_396 = tpu.memref_slice %arg7[%add3A_358, %dma_start3A_395] : memref<32x128xi32, #tpu.memory_space<vmem>> -> memref<1x128xi32, #tpu.memory_space<vmem>>
        %dma_start3A_397 = tpu.memref_squeeze %dma_start3A_396 : memref<1x128xi32, #tpu.memory_space<vmem>> -> memref<128xi32, #tpu.memory_space<vmem>>
        %dma_start3A_398 = arith.constant 0 : i32
        %dma_start3A_399 = arith.constant 0 : i32
        %dma_start3A_400 = tpu.memref_slice %arg10[%dma_start3A_398, %dma_start3A_399] : memref<10096x128xf32, #tpu.memory_space<vmem_shared>> -> memref<10096x128xf32, #tpu.memory_space<vmem_shared>>
        tpu.enqueue_indirect_dma source(%arg9 : memref<128x128xf32, #tpu.memory_space<vmem>>) target(%dma_start3A_400 : memref<10096x128xf32, #tpu.memory_space<vmem_shared>>) offsets(%dma_start3A_397 : memref<128xi32, #tpu.memory_space<vmem>>) semaphore(%run_scoped3A : memref<!tpu.dma_semaphore, #tpu.memory_space<semaphore_mem>>) {add = true}
        %dma_wait3A_401 = arith.constant 0 : i32
        %dma_wait3A_402 = tpu.memref_slice %arg7[%add3A_358, %dma_wait3A_401] : memref<32x128xi32, #tpu.memory_space<vmem>> -> memref<1x128xi32, #tpu.memory_space<vmem>>
        %dma_wait3A_403 = tpu.memref_squeeze %dma_wait3A_402 : memref<1x128xi32, #tpu.memory_space<vmem>> -> memref<128xi32, #tpu.memory_space<vmem>>
        %dma_wait3A_404 = arith.constant 0 : i32
        %dma_wait3A_405 = arith.constant 0 : i32
        %dma_wait3A_406 = tpu.memref_slice %arg10[%dma_wait3A_404, %dma_wait3A_405] : memref<10096x128xf32, #tpu.memory_space<vmem_shared>> -> memref<10096x128xf32, #tpu.memory_space<vmem_shared>>
        tpu.wait_indirect_dma semaphore(%run_scoped3A : memref<!tpu.dma_semaphore, #tpu.memory_space<semaphore_mem>>) src(%arg9 : memref<128x128xf32, #tpu.memory_space<vmem>>) dst(%dma_wait3A_406 : memref<10096x128xf32, #tpu.memory_space<vmem_shared>>)
        tpu.yield
      }) : () -> ()
      %rem3A_359 = arith.constant 16 : i32
      %rem3A_360 = arith.remsi %add3A_184, %rem3A_359 : i32
      %eq3A_361 = arith.constant 0 : i32
      %eq3A_362 = arith.cmpi eq, %rem3A_360, %eq3A_361 : i32
      %jit3A_363 = arith.constant 16 : i32
      %div3A_364 = arith.divsi %add3A_184, %jit3A_363 : i32
      %sign3A_365 = arith.constant 0 : i32
      %sign3A_366 = arith.cmpi sgt, %add3A_184, %sign3A_365 : i32
      %sign3A_367 = arith.extui %sign3A_366 : i1 to i32
      %sign3A_368 = arith.constant 0 : i32
      %sign3A_369 = arith.cmpi slt, %add3A_184, %sign3A_368 : i32
      %sign3A_370 = arith.extui %sign3A_369 : i1 to i32
      %sign3A_371 = arith.subi %sign3A_367, %sign3A_370 : i32
      %sign3A_372 = arith.constant 0 : i32
      %sign3A_373 = arith.cmpi sgt, %jit3A_363, %sign3A_372 : i32
      %sign3A_374 = arith.extui %sign3A_373 : i1 to i32
      %sign3A_375 = arith.constant 0 : i32
      %sign3A_376 = arith.cmpi slt, %jit3A_363, %sign3A_375 : i32
      %sign3A_377 = arith.extui %sign3A_376 : i1 to i32
      %sign3A_378 = arith.subi %sign3A_374, %sign3A_377 : i32
      %ne3A_379 = arith.cmpi ne, %sign3A_371, %sign3A_378 : i32
      %rem3A_380 = arith.remsi %add3A_184, %jit3A_363 : i32
      %ne3A_381 = arith.constant 0 : i32
      %ne3A_382 = arith.cmpi ne, %rem3A_380, %ne3A_381 : i32
      %and3A_383 = arith.andi %ne3A_379, %ne3A_382 : i1
      %sub3A_384 = arith.constant 1 : i32
      %sub3A_385 = arith.subi %div3A_364, %sub3A_384 : i32
      %select_n3A_386 = arith.select %and3A_383, %sub3A_385, %div3A_364 : i32
      %add3A_387 = arith.constant 1 : i32
      %add3A_388 = arith.addi %select_n3A_386, %add3A_387 : i32
      %lt3A_389 = arith.constant 5 : i32
      %lt3A_390 = arith.cmpi slt, %add3A_388, %lt3A_389 : i32
      %and3A_391 = arith.andi %eq3A_362, %lt3A_390 : i1
      %convert_element_type3A_392 = arith.extui %and3A_391 : i1 to i32
      %cond3A_393 = arith.constant 0 : i32
      %cond3A_394 = arith.cmpi ne, %convert_element_type3A_392, %cond3A_393 : i32
      scf.if %cond3A_394 {
        %jit3A_395 = arith.constant 16 : i32
        %div3A_396 = arith.divsi %add3A_184, %jit3A_395 : i32
        %sign3A_397 = arith.constant 0 : i32
        %sign3A_398 = arith.cmpi sgt, %add3A_184, %sign3A_397 : i32
        %sign3A_399 = arith.extui %sign3A_398 : i1 to i32
        %sign3A_400 = arith.constant 0 : i32
        %sign3A_401 = arith.cmpi slt, %add3A_184, %sign3A_400 : i32
        %sign3A_402 = arith.extui %sign3A_401 : i1 to i32
        %sign3A_403 = arith.subi %sign3A_399, %sign3A_402 : i32
        %sign3A_404 = arith.constant 0 : i32
        %sign3A_405 = arith.cmpi sgt, %jit3A_395, %sign3A_404 : i32
        %sign3A_406 = arith.extui %sign3A_405 : i1 to i32
        %sign3A_407 = arith.constant 0 : i32
        %sign3A_408 = arith.cmpi slt, %jit3A_395, %sign3A_407 : i32
        %sign3A_409 = arith.extui %sign3A_408 : i1 to i32
        %sign3A_410 = arith.subi %sign3A_406, %sign3A_409 : i32
        %ne3A_411 = arith.cmpi ne, %sign3A_403, %sign3A_410 : i32
        %rem3A_412 = arith.remsi %add3A_184, %jit3A_395 : i32
        %ne3A_413 = arith.constant 0 : i32
        %ne3A_414 = arith.cmpi ne, %rem3A_412, %ne3A_413 : i32
        %and3A_415 = arith.andi %ne3A_411, %ne3A_414 : i1
        %sub3A_416 = arith.constant 1 : i32
        %sub3A_417 = arith.subi %div3A_396, %sub3A_416 : i32
        %select_n3A_418 = arith.select %and3A_415, %sub3A_417, %div3A_396 : i32
        %add3A_419 = arith.constant 1 : i32
        %add3A_420 = arith.addi %select_n3A_418, %add3A_419 : i32
        %rem3A_421 = arith.constant 2 : i32
        %rem3A_422 = arith.remsi %add3A_420, %rem3A_421 : i32
        %eq3A_423 = arith.constant 0 : i32
        %eq3A_424 = arith.cmpi eq, %rem3A_422, %eq3A_423 : i32
        %convert_element_type3A_425 = arith.extui %eq3A_424 : i1 to i32
        %cond3A_426 = arith.constant 0 : i32
        %cond3A_427 = arith.cmpi ne, %convert_element_type3A_425, %cond3A_426 : i32
        scf.if %cond3A_427 {
          %jit3A_435 = arith.constant 2 : i32
          %eq3A_436 = arith.constant 0 : i32
          %eq3A_437 = arith.cmpi eq, %jit3A_435, %eq3A_436 : i32
          %jit3A_438 = arith.constant 1 : i32
          %select_n3A_439 = arith.select %eq3A_437, %jit3A_438, %jit3A_435 : i32
          %rem3A_440 = arith.remsi %add3A_420, %select_n3A_439 : i32
          %ne3A_441 = arith.constant 0 : i32
          %ne3A_442 = arith.cmpi ne, %rem3A_440, %ne3A_441 : i32
          %lt3A_443 = arith.constant 0 : i32
          %lt3A_444 = arith.cmpi slt, %rem3A_440, %lt3A_443 : i32
          %lt3A_445 = arith.constant 0 : i32
          %lt3A_446 = arith.cmpi slt, %select_n3A_439, %lt3A_445 : i32
          %ne3A_447 = arith.xori %lt3A_444, %lt3A_446 : i1
          %and3A_448 = arith.andi %ne3A_447, %ne3A_442 : i1
          %add3A_449 = arith.addi %rem3A_440, %select_n3A_439 : i32
          %select_n3A_450 = arith.select %and3A_448, %add3A_449, %rem3A_440 : i32
          %mul3A_451 = arith.constant 16 : i32
          %mul3A_452 = arith.muli %select_n3A_450, %mul3A_451 : i32
          %mul3A_453 = arith.constant 16 : i32
          %mul3A_454 = arith.muli %add3A_420, %mul3A_453 : i32
          %add3A_455 = arith.addi %mul3A_47, %mul3A_454 : i32
          %dma_start3A_456 = arith.constant 0 : i32
          %dma_start3A_457 = tpu.memref_slice %arg6[%mul3A_452, %dma_start3A_456] : memref<32x128xi32, #tpu.memory_space<vmem>> -> memref<16x128xi32, #tpu.memory_space<vmem>>
          %dma_start3A_458 = arith.constant 0 : i32
          %dma_start3A_459 = tpu.memref_slice %arg3[%add3A_455, %dma_start3A_458] : memref<2560x128xi32, #tpu.memory_space<hbm>> -> memref<16x128xi32, #tpu.memory_space<hbm>>
          %dma_start3A_460 = arith.constant 0 : i32
          %dma_start3A_461 = tpu.memref_slice %arg6[%mul3A_452, %dma_start3A_460] : memref<32x128xi32, #tpu.memory_space<vmem>> -> memref<16x128xi32, #tpu.memory_space<vmem>>
          %dma_start3A_462 = arith.constant 0 : i32
          %dma_start3A_463 = tpu.memref_slice %arg3[%add3A_455, %dma_start3A_462] : memref<2560x128xi32, #tpu.memory_space<hbm>> -> memref<16x128xi32, #tpu.memory_space<hbm>>
          tpu.enqueue_dma source(%dma_start3A_463 : memref<16x128xi32, #tpu.memory_space<hbm>>) target(%dma_start3A_461 : memref<16x128xi32, #tpu.memory_space<vmem>>) target_semaphore(%arg13 : memref<!tpu.dma_semaphore, #tpu.memory_space<semaphore_mem>>)
          %mul3A_464 = arith.constant 16 : i32
          %mul3A_465 = arith.muli %add3A_420, %mul3A_464 : i32
          %add3A_466 = arith.addi %mul3A_47, %mul3A_465 : i32
          %dma_start3A_467 = arith.constant 0 : i32
          %dma_start3A_468 = tpu.memref_slice %arg7[%mul3A_452, %dma_start3A_467] : memref<32x128xi32, #tpu.memory_space<vmem>> -> memref<16x128xi32, #tpu.memory_space<vmem>>
          %dma_start3A_469 = arith.constant 0 : i32
          %dma_start3A_470 = tpu.memref_slice %arg4[%add3A_466, %dma_start3A_469] : memref<2560x128xi32, #tpu.memory_space<hbm>> -> memref<16x128xi32, #tpu.memory_space<hbm>>
          %dma_start3A_471 = arith.constant 0 : i32
          %dma_start3A_472 = tpu.memref_slice %arg7[%mul3A_452, %dma_start3A_471] : memref<32x128xi32, #tpu.memory_space<vmem>> -> memref<16x128xi32, #tpu.memory_space<vmem>>
          %dma_start3A_473 = arith.constant 0 : i32
          %dma_start3A_474 = tpu.memref_slice %arg4[%add3A_466, %dma_start3A_473] : memref<2560x128xi32, #tpu.memory_space<hbm>> -> memref<16x128xi32, #tpu.memory_space<hbm>>
          tpu.enqueue_dma source(%dma_start3A_474 : memref<16x128xi32, #tpu.memory_space<hbm>>) target(%dma_start3A_472 : memref<16x128xi32, #tpu.memory_space<vmem>>) target_semaphore(%arg13 : memref<!tpu.dma_semaphore, #tpu.memory_space<semaphore_mem>>)
        } else {
        }
        %rem3A_428 = arith.constant 2 : i32
        %rem3A_429 = arith.remsi %add3A_420, %rem3A_428 : i32
        %eq3A_430 = arith.constant 1 : i32
        %eq3A_431 = arith.cmpi eq, %rem3A_429, %eq3A_430 : i32
        %convert_element_type3A_432 = arith.extui %eq3A_431 : i1 to i32
        %cond3A_433 = arith.constant 0 : i32
        %cond3A_434 = arith.cmpi ne, %convert_element_type3A_432, %cond3A_433 : i32
        scf.if %cond3A_434 {
          %jit3A_435 = arith.constant 2 : i32
          %eq3A_436 = arith.constant 0 : i32
          %eq3A_437 = arith.cmpi eq, %jit3A_435, %eq3A_436 : i32
          %jit3A_438 = arith.constant 1 : i32
          %select_n3A_439 = arith.select %eq3A_437, %jit3A_438, %jit3A_435 : i32
          %rem3A_440 = arith.remsi %add3A_420, %select_n3A_439 : i32
          %ne3A_441 = arith.constant 0 : i32
          %ne3A_442 = arith.cmpi ne, %rem3A_440, %ne3A_441 : i32
          %lt3A_443 = arith.constant 0 : i32
          %lt3A_444 = arith.cmpi slt, %rem3A_440, %lt3A_443 : i32
          %lt3A_445 = arith.constant 0 : i32
          %lt3A_446 = arith.cmpi slt, %select_n3A_439, %lt3A_445 : i32
          %ne3A_447 = arith.xori %lt3A_444, %lt3A_446 : i1
          %and3A_448 = arith.andi %ne3A_447, %ne3A_442 : i1
          %add3A_449 = arith.addi %rem3A_440, %select_n3A_439 : i32
          %select_n3A_450 = arith.select %and3A_448, %add3A_449, %rem3A_440 : i32
          %mul3A_451 = arith.constant 16 : i32
          %mul3A_452 = arith.muli %select_n3A_450, %mul3A_451 : i32
          %mul3A_453 = arith.constant 16 : i32
          %mul3A_454 = arith.muli %add3A_420, %mul3A_453 : i32
          %add3A_455 = arith.addi %mul3A_47, %mul3A_454 : i32
          %dma_start3A_456 = arith.constant 0 : i32
          %dma_start3A_457 = tpu.memref_slice %arg6[%mul3A_452, %dma_start3A_456] : memref<32x128xi32, #tpu.memory_space<vmem>> -> memref<16x128xi32, #tpu.memory_space<vmem>>
          %dma_start3A_458 = arith.constant 0 : i32
          %dma_start3A_459 = tpu.memref_slice %arg3[%add3A_455, %dma_start3A_458] : memref<2560x128xi32, #tpu.memory_space<hbm>> -> memref<16x128xi32, #tpu.memory_space<hbm>>
          %dma_start3A_460 = arith.constant 0 : i32
          %dma_start3A_461 = tpu.memref_slice %arg6[%mul3A_452, %dma_start3A_460] : memref<32x128xi32, #tpu.memory_space<vmem>> -> memref<16x128xi32, #tpu.memory_space<vmem>>
          %dma_start3A_462 = arith.constant 0 : i32
          %dma_start3A_463 = tpu.memref_slice %arg3[%add3A_455, %dma_start3A_462] : memref<2560x128xi32, #tpu.memory_space<hbm>> -> memref<16x128xi32, #tpu.memory_space<hbm>>
          tpu.enqueue_dma source(%dma_start3A_463 : memref<16x128xi32, #tpu.memory_space<hbm>>) target(%dma_start3A_461 : memref<16x128xi32, #tpu.memory_space<vmem>>) target_semaphore(%arg14 : memref<!tpu.dma_semaphore, #tpu.memory_space<semaphore_mem>>)
          %mul3A_464 = arith.constant 16 : i32
          %mul3A_465 = arith.muli %add3A_420, %mul3A_464 : i32
          %add3A_466 = arith.addi %mul3A_47, %mul3A_465 : i32
          %dma_start3A_467 = arith.constant 0 : i32
          %dma_start3A_468 = tpu.memref_slice %arg7[%mul3A_452, %dma_start3A_467] : memref<32x128xi32, #tpu.memory_space<vmem>> -> memref<16x128xi32, #tpu.memory_space<vmem>>
          %dma_start3A_469 = arith.constant 0 : i32
          %dma_start3A_470 = tpu.memref_slice %arg4[%add3A_466, %dma_start3A_469] : memref<2560x128xi32, #tpu.memory_space<hbm>> -> memref<16x128xi32, #tpu.memory_space<hbm>>
          %dma_start3A_471 = arith.constant 0 : i32
          %dma_start3A_472 = tpu.memref_slice %arg7[%mul3A_452, %dma_start3A_471] : memref<32x128xi32, #tpu.memory_space<vmem>> -> memref<16x128xi32, #tpu.memory_space<vmem>>
          %dma_start3A_473 = arith.constant 0 : i32
          %dma_start3A_474 = tpu.memref_slice %arg4[%add3A_466, %dma_start3A_473] : memref<2560x128xi32, #tpu.memory_space<hbm>> -> memref<16x128xi32, #tpu.memory_space<hbm>>
          tpu.enqueue_dma source(%dma_start3A_474 : memref<16x128xi32, #tpu.memory_space<hbm>>) target(%dma_start3A_472 : memref<16x128xi32, #tpu.memory_space<vmem>>) target_semaphore(%arg14 : memref<!tpu.dma_semaphore, #tpu.memory_space<semaphore_mem>>)
        } else {
        }
      } else {
      }
    }
    %scan3A_171 = arith.constant 40 : i32
    %barrier3A_172 = arith.constant 0 : index
    tpu.barrier barrier_id(%barrier3A_172)
    "tpu.region"() ({
      %run_scoped3A = tpu.sem_alloc : memref<!tpu.dma_semaphore, #tpu.memory_space<semaphore_mem>>
      %dma_start3A_178 = arith.constant 0 : i32
      %dma_start3A_179 = arith.constant 0 : i32
      %dma_start3A_180 = tpu.memref_slice %arg5[%arg0, %dma_start3A_178, %dma_start3A_179] : memref<2x10000x128xf32, #tpu.memory_space<hbm>> -> memref<1x10000x128xf32, #tpu.memory_space<hbm>>
      %dma_start3A_181 = tpu.memref_squeeze %dma_start3A_180 : memref<1x10000x128xf32, #tpu.memory_space<hbm>> -> memref<10000x128xf32, #tpu.memory_space<hbm>>
      %dma_start3A_182 = arith.constant 0 : i32
      %dma_start3A_183 = tpu.memref_slice %dma_start3A_181[%mul3A_0, %dma_start3A_182] : memref<10000x128xf32, #tpu.memory_space<hbm>> -> memref<624x128xf32, #tpu.memory_space<hbm>>
      %dma_start3A_184 = arith.constant 0 : i32
      %dma_start3A_185 = tpu.memref_slice %arg10[%mul3A_0, %dma_start3A_184] : memref<10096x128xf32, #tpu.memory_space<vmem_shared>> -> memref<624x128xf32, #tpu.memory_space<vmem_shared>>
      tpu.enqueue_dma source(%dma_start3A_185 : memref<624x128xf32, #tpu.memory_space<vmem_shared>>) target(%dma_start3A_183 : memref<624x128xf32, #tpu.memory_space<hbm>>) target_semaphore(%run_scoped3A : memref<!tpu.dma_semaphore, #tpu.memory_space<semaphore_mem>>)
      %dma_wait3A_186 = arith.constant 0 : i32
      %dma_wait3A_187 = arith.constant 0 : i32
      %dma_wait3A_188 = tpu.memref_slice %arg5[%arg0, %dma_wait3A_186, %dma_wait3A_187] : memref<2x10000x128xf32, #tpu.memory_space<hbm>> -> memref<1x10000x128xf32, #tpu.memory_space<hbm>>
      %dma_wait3A_189 = tpu.memref_squeeze %dma_wait3A_188 : memref<1x10000x128xf32, #tpu.memory_space<hbm>> -> memref<10000x128xf32, #tpu.memory_space<hbm>>
      %dma_wait3A_190 = arith.constant 0 : i32
      %dma_wait3A_191 = tpu.memref_slice %dma_wait3A_189[%mul3A_0, %dma_wait3A_190] : memref<10000x128xf32, #tpu.memory_space<hbm>> -> memref<624x128xf32, #tpu.memory_space<hbm>>
      %dma_wait3A_192 = arith.constant 0 : i32
      %dma_wait3A_193 = tpu.memref_slice %arg10[%mul3A_0, %dma_wait3A_192] : memref<10096x128xf32, #tpu.memory_space<vmem_shared>> -> memref<624x128xf32, #tpu.memory_space<vmem_shared>>
      tpu.wait_dma2 semaphore(%run_scoped3A : memref<!tpu.dma_semaphore, #tpu.memory_space<semaphore_mem>>) src(%dma_wait3A_193 : memref<624x128xf32, #tpu.memory_space<vmem_shared>>) dst(%dma_wait3A_191 : memref<624x128xf32, #tpu.memory_space<hbm>>)
      tpu.yield
    }) : () -> ()
    %eq3A_173 = arith.constant 15 : i32
    %eq3A_174 = arith.cmpi eq, %arg1, %eq3A_173 : i32
    %convert_element_type3A_175 = arith.extui %eq3A_174 : i1 to i32
    %cond3A_176 = arith.constant 0 : i32
    %cond3A_177 = arith.cmpi ne, %convert_element_type3A_175, %cond3A_176 : i32
    scf.if %cond3A_177 {
      "tpu.region"() ({
        %run_scoped3A = tpu.sem_alloc : memref<!tpu.dma_semaphore, #tpu.memory_space<semaphore_mem>>
        %dma_start3A_178 = arith.constant 0 : i32
        %dma_start3A_179 = arith.constant 0 : i32
        %dma_start3A_180 = tpu.memref_slice %arg5[%arg0, %dma_start3A_178, %dma_start3A_179] : memref<2x10000x128xf32, #tpu.memory_space<hbm>> -> memref<1x10000x128xf32, #tpu.memory_space<hbm>>
        %dma_start3A_181 = tpu.memref_squeeze %dma_start3A_180 : memref<1x10000x128xf32, #tpu.memory_space<hbm>> -> memref<10000x128xf32, #tpu.memory_space<hbm>>
        %dma_start3A_182 = arith.constant 9984 : i32
        %dma_start3A_183 = arith.constant 0 : i32
        %dma_start3A_184 = tpu.memref_slice %dma_start3A_181[%dma_start3A_182, %dma_start3A_183] : memref<10000x128xf32, #tpu.memory_space<hbm>> -> memref<16x128xf32, #tpu.memory_space<hbm>>
        %dma_start3A_185 = arith.constant 9984 : i32
        %dma_start3A_186 = arith.constant 0 : i32
        %dma_start3A_187 = tpu.memref_slice %arg10[%dma_start3A_185, %dma_start3A_186] : memref<10096x128xf32, #tpu.memory_space<vmem_shared>> -> memref<16x128xf32, #tpu.memory_space<vmem_shared>>
        tpu.enqueue_dma source(%dma_start3A_187 : memref<16x128xf32, #tpu.memory_space<vmem_shared>>) target(%dma_start3A_184 : memref<16x128xf32, #tpu.memory_space<hbm>>) target_semaphore(%run_scoped3A : memref<!tpu.dma_semaphore, #tpu.memory_space<semaphore_mem>>)
        %dma_wait3A_188 = arith.constant 0 : i32
        %dma_wait3A_189 = arith.constant 0 : i32
        %dma_wait3A_190 = tpu.memref_slice %arg5[%arg0, %dma_wait3A_188, %dma_wait3A_189] : memref<2x10000x128xf32, #tpu.memory_space<hbm>> -> memref<1x10000x128xf32, #tpu.memory_space<hbm>>
        %dma_wait3A_191 = tpu.memref_squeeze %dma_wait3A_190 : memref<1x10000x128xf32, #tpu.memory_space<hbm>> -> memref<10000x128xf32, #tpu.memory_space<hbm>>
        %dma_wait3A_192 = arith.constant 9984 : i32
        %dma_wait3A_193 = arith.constant 0 : i32
        %dma_wait3A_194 = tpu.memref_slice %dma_wait3A_191[%dma_wait3A_192, %dma_wait3A_193] : memref<10000x128xf32, #tpu.memory_space<hbm>> -> memref<16x128xf32, #tpu.memory_space<hbm>>
        %dma_wait3A_195 = arith.constant 9984 : i32
        %dma_wait3A_196 = arith.constant 0 : i32
        %dma_wait3A_197 = tpu.memref_slice %arg10[%dma_wait3A_195, %dma_wait3A_196] : memref<10096x128xf32, #tpu.memory_space<vmem_shared>> -> memref<16x128xf32, #tpu.memory_space<vmem_shared>>
        tpu.wait_dma2 semaphore(%run_scoped3A : memref<!tpu.dma_semaphore, #tpu.memory_space<semaphore_mem>>) src(%dma_wait3A_197 : memref<16x128xf32, #tpu.memory_space<vmem_shared>>) dst(%dma_wait3A_194 : memref<16x128xf32, #tpu.memory_space<hbm>>)
        tpu.yield
      }) : () -> ()
    } else {
    }
    return
  }
}

#map = affine_map<(d0, d1) -> (0, 0, 0)>
#map1 = affine_map<(d0, d1) -> (0, 0)>
module attributes {stable_mosaic.version = 14 : i64} {
  func.func @agg(%arg0: i32, %arg1: i32, %arg2: memref<1x10000x128xf32, #tpu.memory_space<hbm>>, %arg3: memref<2560x128xi32, #tpu.memory_space<hbm>>, %arg4: memref<2560x128xi32, #tpu.memory_space<hbm>>, %arg5: memref<2x10000x128xf32, #tpu.memory_space<hbm>>, %arg6: memref<32x128xi32, #tpu.memory_space<vmem>>, %arg7: memref<32x128xi32, #tpu.memory_space<vmem>>, %arg8: memref<128x128xf32, #tpu.memory_space<vmem>>, %arg9: memref<128x128xf32, #tpu.memory_space<vmem>>, %arg10: memref<10096x128xf32, #tpu.memory_space<vmem_shared>>, %arg11: memref<!tpu.dma_semaphore, #tpu.memory_space<semaphore_mem>>, %arg12: memref<!tpu.dma_semaphore, #tpu.memory_space<semaphore_mem>>, %arg13: memref<!tpu.dma_semaphore, #tpu.memory_space<semaphore_mem>>, %arg14: memref<!tpu.dma_semaphore, #tpu.memory_space<semaphore_mem>>) attributes {dimension_semantics = [#tpu.dimension_semantics<core_parallel>, #tpu.dimension_semantics<subcore_parallel>], iteration_bounds = array<i64: 2, 16>, scalar_prefetch = 0 : i64, scratch_operands = 9 : i64, tpu.core_type = #tpu.core_type<sc_vector_subcore>, window_params = [{transform_indices = #map}, {transform_indices = #map1}, {transform_indices = #map1}, {transform_indices = #map}]} {
    %mul3A = arith.constant 624 : i32
    %mul3A_0 = arith.muli %arg1, %mul3A : i32
    %broadcast_in_dim3A = arith.constant 0.000000e+00 : f32
    %broadcast_in_dim3A_1 = vector.broadcast %broadcast_in_dim3A : f32 to vector<16xf32>
    %scan3A = arith.constant 0 : i32
    %scan3A_2 = arith.constant 0 : i32
    %scan3A_3 = arith.constant 128 : i32
    %scan3A_4 = arith.addi %scan3A_2, %scan3A_3 : i32
    %scan3A_5 = arith.constant 1 : i32
    scf.for %scan3A_178 = %scan3A_2 to %scan3A_4 step %scan3A_5  : i32 {
      %swap3A = arith.index_cast %scan3A_178 : i32 to index
      %swap3A_179 = arith.constant 0 : index
      %swap3A_180 = tpu.vector_load %arg8[%swap3A, %swap3A_179] {strides = array<i32>} : memref<128x128xf32, #tpu.memory_space<vmem>>, vector<1x16xf32>,
      %swap3A_181 = vector.shape_cast %swap3A_180 : vector<1x16xf32> to vector<16xf32>
      %swap3A_182 = vector.shape_cast %broadcast_in_dim3A_1 : vector<16xf32> to vector<1x16xf32>
      tpu.vector_store %arg8[%swap3A, %swap3A_179], %swap3A_182 {strides = array<i32>} : memref<128x128xf32, #tpu.memory_space<vmem>>, vector<1x16xf32>,
      %swap3A_183 = arith.index_cast %scan3A_178 : i32 to index
      %swap3A_184 = arith.constant 16 : index
      %swap3A_185 = tpu.vector_load %arg8[%swap3A_183, %swap3A_184] {strides = array<i32>} : memref<128x128xf32, #tpu.memory_space<vmem>>, vector<1x16xf32>,
      %swap3A_186 = vector.shape_cast %swap3A_185 : vector<1x16xf32> to vector<16xf32>
      %swap3A_187 = vector.shape_cast %broadcast_in_dim3A_1 : vector<16xf32> to vector<1x16xf32>
      tpu.vector_store %arg8[%swap3A_183, %swap3A_184], %swap3A_187 {strides = array<i32>} : memref<128x128xf32, #tpu.memory_space<vmem>>, vector<1x16xf32>,
      %swap3A_188 = arith.index_cast %scan3A_178 : i32 to index
      %swap3A_189 = arith.constant 32 : index
      %swap3A_190 = tpu.vector_load %arg8[%swap3A_188, %swap3A_189] {strides = array<i32>} : memref<128x128xf32, #tpu.memory_space<vmem>>, vector<1x16xf32>,
      %swap3A_191 = vector.shape_cast %swap3A_190 : vector<1x16xf32> to vector<16xf32>
      %swap3A_192 = vector.shape_cast %broadcast_in_dim3A_1 : vector<16xf32> to vector<1x16xf32>
      tpu.vector_store %arg8[%swap3A_188, %swap3A_189], %swap3A_192 {strides = array<i32>} : memref<128x128xf32, #tpu.memory_space<vmem>>, vector<1x16xf32>,
      %swap3A_193 = arith.index_cast %scan3A_178 : i32 to index
      %swap3A_194 = arith.constant 48 : index
      %swap3A_195 = tpu.vector_load %arg8[%swap3A_193, %swap3A_194] {strides = array<i32>} : memref<128x128xf32, #tpu.memory_space<vmem>>, vector<1x16xf32>,
      %swap3A_196 = vector.shape_cast %swap3A_195 : vector<1x16xf32> to vector<16xf32>
      %swap3A_197 = vector.shape_cast %broadcast_in_dim3A_1 : vector<16xf32> to vector<1x16xf32>
      tpu.vector_store %arg8[%swap3A_193, %swap3A_194], %swap3A_197 {strides = array<i32>} : memref<128x128xf32, #tpu.memory_space<vmem>>, vector<1x16xf32>,
      %swap3A_198 = arith.index_cast %scan3A_178 : i32 to index
      %swap3A_199 = arith.constant 64 : index
      %swap3A_200 = tpu.vector_load %arg8[%swap3A_198, %swap3A_199] {strides = array<i32>} : memref<128x128xf32, #tpu.memory_space<vmem>>, vector<1x16xf32>,
      %swap3A_201 = vector.shape_cast %swap3A_200 : vector<1x16xf32> to vector<16xf32>
      %swap3A_202 = vector.shape_cast %broadcast_in_dim3A_1 : vector<16xf32> to vector<1x16xf32>
      tpu.vector_store %arg8[%swap3A_198, %swap3A_199], %swap3A_202 {strides = array<i32>} : memref<128x128xf32, #tpu.memory_space<vmem>>, vector<1x16xf32>,
      %swap3A_203 = arith.index_cast %scan3A_178 : i32 to index
      %swap3A_204 = arith.constant 80 : index
      %swap3A_205 = tpu.vector_load %arg8[%swap3A_203, %swap3A_204] {strides = array<i32>} : memref<128x128xf32, #tpu.memory_space<vmem>>, vector<1x16xf32>,
      %swap3A_206 = vector.shape_cast %swap3A_205 : vector<1x16xf32> to vector<16xf32>
      %swap3A_207 = vector.shape_cast %broadcast_in_dim3A_1 : vector<16xf32> to vector<1x16xf32>
      tpu.vector_store %arg8[%swap3A_203, %swap3A_204], %swap3A_207 {strides = array<i32>} : memref<128x128xf32, #tpu.memory_space<vmem>>, vector<1x16xf32>,
      %swap3A_208 = arith.index_cast %scan3A_178 : i32 to index
      %swap3A_209 = arith.constant 96 : index
      %swap3A_210 = tpu.vector_load %arg8[%swap3A_208, %swap3A_209] {strides = array<i32>} : memref<128x128xf32, #tpu.memory_space<vmem>>, vector<1x16xf32>,
      %swap3A_211 = vector.shape_cast %swap3A_210 : vector<1x16xf32> to vector<16xf32>
      %swap3A_212 = vector.shape_cast %broadcast_in_dim3A_1 : vector<16xf32> to vector<1x16xf32>
      tpu.vector_store %arg8[%swap3A_208, %swap3A_209], %swap3A_212 {strides = array<i32>} : memref<128x128xf32, #tpu.memory_space<vmem>>, vector<1x16xf32>,
      %swap3A_213 = arith.index_cast %scan3A_178 : i32 to index
      %swap3A_214 = arith.constant 112 : index
      %swap3A_215 = tpu.vector_load %arg8[%swap3A_213, %swap3A_214] {strides = array<i32>} : memref<128x128xf32, #tpu.memory_space<vmem>>, vector<1x16xf32>,
      %swap3A_216 = vector.shape_cast %swap3A_215 : vector<1x16xf32> to vector<16xf32>
      %swap3A_217 = vector.shape_cast %broadcast_in_dim3A_1 : vector<16xf32> to vector<1x16xf32>
      tpu.vector_store %arg8[%swap3A_213, %swap3A_214], %swap3A_217 {strides = array<i32>} : memref<128x128xf32, #tpu.memory_space<vmem>>, vector<1x16xf32>,
    }
    %scan3A_6 = arith.constant 128 : i32
    %add3A = arith.constant 0 : i32
    %add3A_7 = arith.addi %mul3A_0, %add3A : i32
    %dma_start3A = arith.constant 0 : i32
    %dma_start3A_8 = tpu.memref_slice %arg10[%add3A_7, %dma_start3A] : memref<10096x128xf32, #tpu.memory_space<vmem_shared>> -> memref<128x128xf32, #tpu.memory_space<vmem_shared>>
    %dma_start3A_9 = arith.constant 0 : i32
    %dma_start3A_10 = tpu.memref_slice %arg10[%add3A_7, %dma_start3A_9] : memref<10096x128xf32, #tpu.memory_space<vmem_shared>> -> memref<128x128xf32, #tpu.memory_space<vmem_shared>>
    tpu.enqueue_dma source(%arg8 : memref<128x128xf32, #tpu.memory_space<vmem>>) target(%dma_start3A_10 : memref<128x128xf32, #tpu.memory_space<vmem_shared>>) target_semaphore(%arg12 : memref<!tpu.dma_semaphore, #tpu.memory_space<semaphore_mem>>)
    %add3A_11 = arith.constant 128 : i32
    %add3A_12 = arith.addi %mul3A_0, %add3A_11 : i32
    %dma_start3A_13 = arith.constant 0 : i32
    %dma_start3A_14 = tpu.memref_slice %arg10[%add3A_12, %dma_start3A_13] : memref<10096x128xf32, #tpu.memory_space<vmem_shared>> -> memref<128x128xf32, #tpu.memory_space<vmem_shared>>
    %dma_start3A_15 = arith.constant 0 : i32
    %dma_start3A_16 = tpu.memref_slice %arg10[%add3A_12, %dma_start3A_15] : memref<10096x128xf32, #tpu.memory_space<vmem_shared>> -> memref<128x128xf32, #tpu.memory_space<vmem_shared>>
    tpu.enqueue_dma source(%arg8 : memref<128x128xf32, #tpu.memory_space<vmem>>) target(%dma_start3A_16 : memref<128x128xf32, #tpu.memory_space<vmem_shared>>) target_semaphore(%arg12 : memref<!tpu.dma_semaphore, #tpu.memory_space<semaphore_mem>>)
    %add3A_17 = arith.constant 256 : i32
    %add3A_18 = arith.addi %mul3A_0, %add3A_17 : i32
    %dma_start3A_19 = arith.constant 0 : i32
    %dma_start3A_20 = tpu.memref_slice %arg10[%add3A_18, %dma_start3A_19] : memref<10096x128xf32, #tpu.memory_space<vmem_shared>> -> memref<128x128xf32, #tpu.memory_space<vmem_shared>>
    %dma_start3A_21 = arith.constant 0 : i32
    %dma_start3A_22 = tpu.memref_slice %arg10[%add3A_18, %dma_start3A_21] : memref<10096x128xf32, #tpu.memory_space<vmem_shared>> -> memref<128x128xf32, #tpu.memory_space<vmem_shared>>
    tpu.enqueue_dma source(%arg8 : memref<128x128xf32, #tpu.memory_space<vmem>>) target(%dma_start3A_22 : memref<128x128xf32, #tpu.memory_space<vmem_shared>>) target_semaphore(%arg12 : memref<!tpu.dma_semaphore, #tpu.memory_space<semaphore_mem>>)
    %add3A_23 = arith.constant 384 : i32
    %add3A_24 = arith.addi %mul3A_0, %add3A_23 : i32
    %dma_start3A_25 = arith.constant 0 : i32
    %dma_start3A_26 = tpu.memref_slice %arg10[%add3A_24, %dma_start3A_25] : memref<10096x128xf32, #tpu.memory_space<vmem_shared>> -> memref<128x128xf32, #tpu.memory_space<vmem_shared>>
    %dma_start3A_27 = arith.constant 0 : i32
    %dma_start3A_28 = tpu.memref_slice %arg10[%add3A_24, %dma_start3A_27] : memref<10096x128xf32, #tpu.memory_space<vmem_shared>> -> memref<128x128xf32, #tpu.memory_space<vmem_shared>>
    tpu.enqueue_dma source(%arg8 : memref<128x128xf32, #tpu.memory_space<vmem>>) target(%dma_start3A_28 : memref<128x128xf32, #tpu.memory_space<vmem_shared>>) target_semaphore(%arg12 : memref<!tpu.dma_semaphore, #tpu.memory_space<semaphore_mem>>)
    %add3A_29 = arith.constant 512 : i32
    %add3A_30 = arith.addi %mul3A_0, %add3A_29 : i32
    %dma_start3A_31 = arith.constant 0 : i32
    %dma_start3A_32 = arith.constant 0 : i32
    %dma_start3A_33 = tpu.memref_slice %arg8[%dma_start3A_31, %dma_start3A_32] : memref<128x128xf32, #tpu.memory_space<vmem>> -> memref<112x128xf32, #tpu.memory_space<vmem>>
    %dma_start3A_34 = arith.constant 0 : i32
    %dma_start3A_35 = tpu.memref_slice %arg10[%add3A_30, %dma_start3A_34] : memref<10096x128xf32, #tpu.memory_space<vmem_shared>> -> memref<112x128xf32, #tpu.memory_space<vmem_shared>>
    %dma_start3A_36 = arith.constant 0 : i32
    %dma_start3A_37 = tpu.memref_slice %arg10[%add3A_30, %dma_start3A_36] : memref<10096x128xf32, #tpu.memory_space<vmem_shared>> -> memref<112x128xf32, #tpu.memory_space<vmem_shared>>
    %dma_start3A_38 = arith.constant 0 : i32
    %dma_start3A_39 = arith.constant 0 : i32
    %dma_start3A_40 = tpu.memref_slice %arg8[%dma_start3A_38, %dma_start3A_39] : memref<128x128xf32, #tpu.memory_space<vmem>> -> memref<112x128xf32, #tpu.memory_space<vmem>>
    tpu.enqueue_dma source(%dma_start3A_40 : memref<112x128xf32, #tpu.memory_space<vmem>>) target(%dma_start3A_37 : memref<112x128xf32, #tpu.memory_space<vmem_shared>>) target_semaphore(%arg12 : memref<!tpu.dma_semaphore, #tpu.memory_space<semaphore_mem>>)
    %eq3A = arith.constant 15 : i32
    %eq3A_41 = arith.cmpi eq, %arg1, %eq3A : i32
    %convert_element_type3A = arith.extui %eq3A_41 : i1 to i32
    %cond3A = arith.constant 0 : i32
    %cond3A_42 = arith.cmpi ne, %convert_element_type3A, %cond3A : i32
    scf.if %cond3A_42 {
      %dma_start3A_178 = arith.constant 0 : i32
      %dma_start3A_179 = arith.constant 0 : i32
      %dma_start3A_180 = tpu.memref_slice %arg8[%dma_start3A_178, %dma_start3A_179] : memref<128x128xf32, #tpu.memory_space<vmem>> -> memref<112x128xf32, #tpu.memory_space<vmem>>
      %dma_start3A_181 = arith.constant 9984 : i32
      %dma_start3A_182 = arith.constant 0 : i32
      %dma_start3A_183 = tpu.memref_slice %arg10[%dma_start3A_181, %dma_start3A_182] : memref<10096x128xf32, #tpu.memory_space<vmem_shared>> -> memref<112x128xf32, #tpu.memory_space<vmem_shared>>
      %dma_start3A_184 = arith.constant 9984 : i32
      %dma_start3A_185 = arith.constant 0 : i32
      %dma_start3A_186 = tpu.memref_slice %arg10[%dma_start3A_184, %dma_start3A_185] : memref<10096x128xf32, #tpu.memory_space<vmem_shared>> -> memref<112x128xf32, #tpu.memory_space<vmem_shared>>
      %dma_start3A_187 = arith.constant 0 : i32
      %dma_start3A_188 = arith.constant 0 : i32
      %dma_start3A_189 = tpu.memref_slice %arg8[%dma_start3A_187, %dma_start3A_188] : memref<128x128xf32, #tpu.memory_space<vmem>> -> memref<112x128xf32, #tpu.memory_space<vmem>>
      tpu.enqueue_dma source(%dma_start3A_189 : memref<112x128xf32, #tpu.memory_space<vmem>>) target(%dma_start3A_186 : memref<112x128xf32, #tpu.memory_space<vmem_shared>>) target_semaphore(%arg12 : memref<!tpu.dma_semaphore, #tpu.memory_space<semaphore_mem>>)
    } else {
    }
    %mul3A_43 = arith.constant 16 : i32
    %mul3A_44 = arith.muli %arg0, %mul3A_43 : i32
    %add3A_45 = arith.addi %mul3A_44, %arg1 : i32
    %mul3A_46 = arith.constant 80 : i32
    %mul3A_47 = arith.muli %add3A_45, %mul3A_46 : i32
    %add3A_48 = arith.constant 0 : i32
    %add3A_49 = arith.addi %mul3A_47, %add3A_48 : i32
    %dma_start3A_50 = arith.constant 0 : i32
    %dma_start3A_51 = arith.constant 0 : i32
    %dma_start3A_52 = tpu.memref_slice %arg6[%dma_start3A_50, %dma_start3A_51] : memref<32x128xi32, #tpu.memory_space<vmem>> -> memref<16x128xi32, #tpu.memory_space<vmem>>
    %dma_start3A_53 = arith.constant 0 : i32
    %dma_start3A_54 = tpu.memref_slice %arg3[%add3A_49, %dma_start3A_53] : memref<2560x128xi32, #tpu.memory_space<hbm>> -> memref<16x128xi32, #tpu.memory_space<hbm>>
    %dma_start3A_55 = arith.constant 0 : i32
    %dma_start3A_56 = arith.constant 0 : i32
    %dma_start3A_57 = tpu.memref_slice %arg6[%dma_start3A_55, %dma_start3A_56] : memref<32x128xi32, #tpu.memory_space<vmem>> -> memref<16x128xi32, #tpu.memory_space<vmem>>
    %dma_start3A_58 = arith.constant 0 : i32
    %dma_start3A_59 = tpu.memref_slice %arg3[%add3A_49, %dma_start3A_58] : memref<2560x128xi32, #tpu.memory_space<hbm>> -> memref<16x128xi32, #tpu.memory_space<hbm>>
    tpu.enqueue_dma source(%dma_start3A_59 : memref<16x128xi32, #tpu.memory_space<hbm>>) target(%dma_start3A_57 : memref<16x128xi32, #tpu.memory_space<vmem>>) target_semaphore(%arg13 : memref<!tpu.dma_semaphore, #tpu.memory_space<semaphore_mem>>)
    %add3A_60 = arith.constant 0 : i32
    %add3A_61 = arith.addi %mul3A_47, %add3A_60 : i32
    %dma_start3A_62 = arith.constant 0 : i32
    %dma_start3A_63 = arith.constant 0 : i32
    %dma_start3A_64 = tpu.memref_slice %arg7[%dma_start3A_62, %dma_start3A_63] : memref<32x128xi32, #tpu.memory_space<vmem>> -> memref<16x128xi32, #tpu.memory_space<vmem>>
    %dma_start3A_65 = arith.constant 0 : i32
    %dma_start3A_66 = tpu.memref_slice %arg4[%add3A_61, %dma_start3A_65] : memref<2560x128xi32, #tpu.memory_space<hbm>> -> memref<16x128xi32, #tpu.memory_space<hbm>>
    %dma_start3A_67 = arith.constant 0 : i32
    %dma_start3A_68 = arith.constant 0 : i32
    %dma_start3A_69 = tpu.memref_slice %arg7[%dma_start3A_67, %dma_start3A_68] : memref<32x128xi32, #tpu.memory_space<vmem>> -> memref<16x128xi32, #tpu.memory_space<vmem>>
    %dma_start3A_70 = arith.constant 0 : i32
    %dma_start3A_71 = tpu.memref_slice %arg4[%add3A_61, %dma_start3A_70] : memref<2560x128xi32, #tpu.memory_space<hbm>> -> memref<16x128xi32, #tpu.memory_space<hbm>>
    tpu.enqueue_dma source(%dma_start3A_71 : memref<16x128xi32, #tpu.memory_space<hbm>>) target(%dma_start3A_69 : memref<16x128xi32, #tpu.memory_space<vmem>>) target_semaphore(%arg13 : memref<!tpu.dma_semaphore, #tpu.memory_space<semaphore_mem>>)
    %add3A_72 = arith.constant 16 : i32
    %add3A_73 = arith.addi %mul3A_47, %add3A_72 : i32
    %dma_start3A_74 = arith.constant 16 : i32
    %dma_start3A_75 = arith.constant 0 : i32
    %dma_start3A_76 = tpu.memref_slice %arg6[%dma_start3A_74, %dma_start3A_75] : memref<32x128xi32, #tpu.memory_space<vmem>> -> memref<16x128xi32, #tpu.memory_space<vmem>>
    %dma_start3A_77 = arith.constant 0 : i32
    %dma_start3A_78 = tpu.memref_slice %arg3[%add3A_73, %dma_start3A_77] : memref<2560x128xi32, #tpu.memory_space<hbm>> -> memref<16x128xi32, #tpu.memory_space<hbm>>
    %dma_start3A_79 = arith.constant 16 : i32
    %dma_start3A_80 = arith.constant 0 : i32
    %dma_start3A_81 = tpu.memref_slice %arg6[%dma_start3A_79, %dma_start3A_80] : memref<32x128xi32, #tpu.memory_space<vmem>> -> memref<16x128xi32, #tpu.memory_space<vmem>>
    %dma_start3A_82 = arith.constant 0 : i32
    %dma_start3A_83 = tpu.memref_slice %arg3[%add3A_73, %dma_start3A_82] : memref<2560x128xi32, #tpu.memory_space<hbm>> -> memref<16x128xi32, #tpu.memory_space<hbm>>
    tpu.enqueue_dma source(%dma_start3A_83 : memref<16x128xi32, #tpu.memory_space<hbm>>) target(%dma_start3A_81 : memref<16x128xi32, #tpu.memory_space<vmem>>) target_semaphore(%arg14 : memref<!tpu.dma_semaphore, #tpu.memory_space<semaphore_mem>>)
    %add3A_84 = arith.constant 16 : i32
    %add3A_85 = arith.addi %mul3A_47, %add3A_84 : i32
    %dma_start3A_86 = arith.constant 16 : i32
    %dma_start3A_87 = arith.constant 0 : i32
    %dma_start3A_88 = tpu.memref_slice %arg7[%dma_start3A_86, %dma_start3A_87] : memref<32x128xi32, #tpu.memory_space<vmem>> -> memref<16x128xi32, #tpu.memory_space<vmem>>
    %dma_start3A_89 = arith.constant 0 : i32
    %dma_start3A_90 = tpu.memref_slice %arg4[%add3A_85, %dma_start3A_89] : memref<2560x128xi32, #tpu.memory_space<hbm>> -> memref<16x128xi32, #tpu.memory_space<hbm>>
    %dma_start3A_91 = arith.constant 16 : i32
    %dma_start3A_92 = arith.constant 0 : i32
    %dma_start3A_93 = tpu.memref_slice %arg7[%dma_start3A_91, %dma_start3A_92] : memref<32x128xi32, #tpu.memory_space<vmem>> -> memref<16x128xi32, #tpu.memory_space<vmem>>
    %dma_start3A_94 = arith.constant 0 : i32
    %dma_start3A_95 = tpu.memref_slice %arg4[%add3A_85, %dma_start3A_94] : memref<2560x128xi32, #tpu.memory_space<hbm>> -> memref<16x128xi32, #tpu.memory_space<hbm>>
    tpu.enqueue_dma source(%dma_start3A_95 : memref<16x128xi32, #tpu.memory_space<hbm>>) target(%dma_start3A_93 : memref<16x128xi32, #tpu.memory_space<vmem>>) target_semaphore(%arg14 : memref<!tpu.dma_semaphore, #tpu.memory_space<semaphore_mem>>)
    %dma_wait3A = arith.constant 0 : i32
    %dma_wait3A_96 = tpu.memref_slice %arg10[%mul3A_0, %dma_wait3A] : memref<10096x128xf32, #tpu.memory_space<vmem_shared>> -> memref<128x128xf32, #tpu.memory_space<vmem_shared>>
    %dma_wait3A_97 = arith.constant 0 : i32
    %dma_wait3A_98 = tpu.memref_slice %arg10[%mul3A_0, %dma_wait3A_97] : memref<10096x128xf32, #tpu.memory_space<vmem_shared>> -> memref<128x128xf32, #tpu.memory_space<vmem_shared>>
    tpu.wait_dma2 semaphore(%arg12 : memref<!tpu.dma_semaphore, #tpu.memory_space<semaphore_mem>>) src(%arg8 : memref<128x128xf32, #tpu.memory_space<vmem>>) dst(%dma_wait3A_98 : memref<128x128xf32, #tpu.memory_space<vmem_shared>>)
    %dma_wait3A_99 = arith.constant 0 : i32
    %dma_wait3A_100 = tpu.memref_slice %arg10[%mul3A_0, %dma_wait3A_99] : memref<10096x128xf32, #tpu.memory_space<vmem_shared>> -> memref<128x128xf32, #tpu.memory_space<vmem_shared>>
    %dma_wait3A_101 = arith.constant 0 : i32
    %dma_wait3A_102 = tpu.memref_slice %arg10[%mul3A_0, %dma_wait3A_101] : memref<10096x128xf32, #tpu.memory_space<vmem_shared>> -> memref<128x128xf32, #tpu.memory_space<vmem_shared>>
    tpu.wait_dma2 semaphore(%arg12 : memref<!tpu.dma_semaphore, #tpu.memory_space<semaphore_mem>>) src(%arg8 : memref<128x128xf32, #tpu.memory_space<vmem>>) dst(%dma_wait3A_102 : memref<128x128xf32, #tpu.memory_space<vmem_shared>>)
    %dma_wait3A_103 = arith.constant 0 : i32
    %dma_wait3A_104 = tpu.memref_slice %arg10[%mul3A_0, %dma_wait3A_103] : memref<10096x128xf32, #tpu.memory_space<vmem_shared>> -> memref<128x128xf32, #tpu.memory_space<vmem_shared>>
    %dma_wait3A_105 = arith.constant 0 : i32
    %dma_wait3A_106 = tpu.memref_slice %arg10[%mul3A_0, %dma_wait3A_105] : memref<10096x128xf32, #tpu.memory_space<vmem_shared>> -> memref<128x128xf32, #tpu.memory_space<vmem_shared>>
    tpu.wait_dma2 semaphore(%arg12 : memref<!tpu.dma_semaphore, #tpu.memory_space<semaphore_mem>>) src(%arg8 : memref<128x128xf32, #tpu.memory_space<vmem>>) dst(%dma_wait3A_106 : memref<128x128xf32, #tpu.memory_space<vmem_shared>>)
    %dma_wait3A_107 = arith.constant 0 : i32
    %dma_wait3A_108 = tpu.memref_slice %arg10[%mul3A_0, %dma_wait3A_107] : memref<10096x128xf32, #tpu.memory_space<vmem_shared>> -> memref<128x128xf32, #tpu.memory_space<vmem_shared>>
    %dma_wait3A_109 = arith.constant 0 : i32
    %dma_wait3A_110 = tpu.memref_slice %arg10[%mul3A_0, %dma_wait3A_109] : memref<10096x128xf32, #tpu.memory_space<vmem_shared>> -> memref<128x128xf32, #tpu.memory_space<vmem_shared>>
    tpu.wait_dma2 semaphore(%arg12 : memref<!tpu.dma_semaphore, #tpu.memory_space<semaphore_mem>>) src(%arg8 : memref<128x128xf32, #tpu.memory_space<vmem>>) dst(%dma_wait3A_110 : memref<128x128xf32, #tpu.memory_space<vmem_shared>>)
    %dma_wait3A_111 = arith.constant 0 : i32
    %dma_wait3A_112 = arith.constant 0 : i32
    %dma_wait3A_113 = tpu.memref_slice %arg8[%dma_wait3A_111, %dma_wait3A_112] : memref<128x128xf32, #tpu.memory_space<vmem>> -> memref<112x128xf32, #tpu.memory_space<vmem>>
    %dma_wait3A_114 = arith.constant 0 : i32
    %dma_wait3A_115 = tpu.memref_slice %arg10[%mul3A_0, %dma_wait3A_114] : memref<10096x128xf32, #tpu.memory_space<vmem_shared>> -> memref<112x128xf32, #tpu.memory_space<vmem_shared>>
    %dma_wait3A_116 = arith.constant 0 : i32
    %dma_wait3A_117 = tpu.memref_slice %arg10[%mul3A_0, %dma_wait3A_116] : memref<10096x128xf32, #tpu.memory_space<vmem_shared>> -> memref<112x128xf32, #tpu.memory_space<vmem_shared>>
    %dma_wait3A_118 = arith.constant 0 : i32
    %dma_wait3A_119 = arith.constant 0 : i32
    %dma_wait3A_120 = tpu.memref_slice %arg8[%dma_wait3A_118, %dma_wait3A_119] : memref<128x128xf32, #tpu.memory_space<vmem>> -> memref<112x128xf32, #tpu.memory_space<vmem>>
    tpu.wait_dma2 semaphore(%arg12 : memref<!tpu.dma_semaphore, #tpu.memory_space<semaphore_mem>>) src(%dma_wait3A_120 : memref<112x128xf32, #tpu.memory_space<vmem>>) dst(%dma_wait3A_117 : memref<112x128xf32, #tpu.memory_space<vmem_shared>>)
    %eq3A_121 = arith.constant 15 : i32
    %eq3A_122 = arith.cmpi eq, %arg1, %eq3A_121 : i32
    %convert_element_type3A_123 = arith.extui %eq3A_122 : i1 to i32
    %cond3A_124 = arith.constant 0 : i32
    %cond3A_125 = arith.cmpi ne, %convert_element_type3A_123, %cond3A_124 : i32
    scf.if %cond3A_125 {
      %dma_wait3A_178 = arith.constant 0 : i32
      %dma_wait3A_179 = arith.constant 0 : i32
      %dma_wait3A_180 = tpu.memref_slice %arg8[%dma_wait3A_178, %dma_wait3A_179] : memref<128x128xf32, #tpu.memory_space<vmem>> -> memref<112x128xf32, #tpu.memory_space<vmem>>
      %dma_wait3A_181 = arith.constant 0 : i32
      %dma_wait3A_182 = tpu.memref_slice %arg10[%mul3A_0, %dma_wait3A_181] : memref<10096x128xf32, #tpu.memory_space<vmem_shared>> -> memref<112x128xf32, #tpu.memory_space<vmem_shared>>
      %dma_wait3A_183 = arith.constant 0 : i32
      %dma_wait3A_184 = tpu.memref_slice %arg10[%mul3A_0, %dma_wait3A_183] : memref<10096x128xf32, #tpu.memory_space<vmem_shared>> -> memref<112x128xf32, #tpu.memory_space<vmem_shared>>
      %dma_wait3A_185 = arith.constant 0 : i32
      %dma_wait3A_186 = arith.constant 0 : i32
      %dma_wait3A_187 = tpu.memref_slice %arg8[%dma_wait3A_185, %dma_wait3A_186] : memref<128x128xf32, #tpu.memory_space<vmem>> -> memref<112x128xf32, #tpu.memory_space<vmem>>
      tpu.wait_dma2 semaphore(%arg12 : memref<!tpu.dma_semaphore, #tpu.memory_space<semaphore_mem>>) src(%dma_wait3A_187 : memref<112x128xf32, #tpu.memory_space<vmem>>) dst(%dma_wait3A_184 : memref<112x128xf32, #tpu.memory_space<vmem_shared>>)
    } else {
    }
    %barrier3A = arith.constant 0 : index
    tpu.barrier barrier_id(%barrier3A)
    %dma_wait3A_126 = arith.constant 0 : i32
    %dma_wait3A_127 = arith.constant 0 : i32
    %dma_wait3A_128 = tpu.memref_slice %arg6[%dma_wait3A_126, %dma_wait3A_127] : memref<32x128xi32, #tpu.memory_space<vmem>> -> memref<16x128xi32, #tpu.memory_space<vmem>>
    %dma_wait3A_129 = arith.constant 0 : i32
    %dma_wait3A_130 = arith.constant 0 : i32
    %dma_wait3A_131 = tpu.memref_slice %arg3[%dma_wait3A_129, %dma_wait3A_130] : memref<2560x128xi32, #tpu.memory_space<hbm>> -> memref<16x128xi32, #tpu.memory_space<hbm>>
    %dma_wait3A_132 = arith.constant 0 : i32
    %dma_wait3A_133 = arith.constant 0 : i32
    %dma_wait3A_134 = tpu.memref_slice %arg6[%dma_wait3A_132, %dma_wait3A_133] : memref<32x128xi32, #tpu.memory_space<vmem>> -> memref<16x128xi32, #tpu.memory_space<vmem>>
    %dma_wait3A_135 = arith.constant 0 : i32
    %dma_wait3A_136 = arith.constant 0 : i32
    %dma_wait3A_137 = tpu.memref_slice %arg3[%dma_wait3A_135, %dma_wait3A_136] : memref<2560x128xi32, #tpu.memory_space<hbm>> -> memref<16x128xi32, #tpu.memory_space<hbm>>
    tpu.wait_dma2 semaphore(%arg13 : memref<!tpu.dma_semaphore, #tpu.memory_space<semaphore_mem>>) src(%dma_wait3A_137 : memref<16x128xi32, #tpu.memory_space<hbm>>) dst(%dma_wait3A_134 : memref<16x128xi32, #tpu.memory_space<vmem>>)
    %dma_wait3A_138 = arith.constant 0 : i32
    %dma_wait3A_139 = arith.constant 0 : i32
    %dma_wait3A_140 = tpu.memref_slice %arg7[%dma_wait3A_138, %dma_wait3A_139] : memref<32x128xi32, #tpu.memory_space<vmem>> -> memref<16x128xi32, #tpu.memory_space<vmem>>
    %dma_wait3A_141 = arith.constant 0 : i32
    %dma_wait3A_142 = arith.constant 0 : i32
    %dma_wait3A_143 = tpu.memref_slice %arg4[%dma_wait3A_141, %dma_wait3A_142] : memref<2560x128xi32, #tpu.memory_space<hbm>> -> memref<16x128xi32, #tpu.memory_space<hbm>>
    %dma_wait3A_144 = arith.constant 0 : i32
    %dma_wait3A_145 = arith.constant 0 : i32
    %dma_wait3A_146 = tpu.memref_slice %arg7[%dma_wait3A_144, %dma_wait3A_145] : memref<32x128xi32, #tpu.memory_space<vmem>> -> memref<16x128xi32, #tpu.memory_space<vmem>>
    %dma_wait3A_147 = arith.constant 0 : i32
    %dma_wait3A_148 = arith.constant 0 : i32
    %dma_wait3A_149 = tpu.memref_slice %arg4[%dma_wait3A_147, %dma_wait3A_148] : memref<2560x128xi32, #tpu.memory_space<hbm>> -> memref<16x128xi32, #tpu.memory_space<hbm>>
    tpu.wait_dma2 semaphore(%arg13 : memref<!tpu.dma_semaphore, #tpu.memory_space<semaphore_mem>>) src(%dma_wait3A_149 : memref<16x128xi32, #tpu.memory_space<hbm>>) dst(%dma_wait3A_146 : memref<16x128xi32, #tpu.memory_space<vmem>>)
    %rem3A = arith.constant 0 : i32
    %rem3A_150 = arith.constant 16 : i32
    %rem3A_151 = arith.remsi %rem3A, %rem3A_150 : i32
    %add3A_152 = arith.constant 0 : i32
    %add3A_153 = arith.addi %add3A_152, %rem3A_151 : i32
    %dma_start3A_154 = arith.constant 0 : i32
    %dma_start3A_155 = arith.constant 0 : i32
    %dma_start3A_156 = tpu.memref_slice %arg6[%add3A_153, %dma_start3A_155] : memref<32x128xi32, #tpu.memory_space<vmem>> -> memref<1x128xi32, #tpu.memory_space<vmem>>
    %dma_start3A_157 = tpu.memref_squeeze %dma_start3A_156 : memref<1x128xi32, #tpu.memory_space<vmem>> -> memref<128xi32, #tpu.memory_space<vmem>>
    %dma_start3A_158 = arith.constant 0 : i32
    %dma_start3A_159 = arith.constant 0 : i32
    %dma_start3A_160 = tpu.memref_slice %arg2[%dma_start3A_154, %dma_start3A_158, %dma_start3A_159] : memref<1x10000x128xf32, #tpu.memory_space<hbm>> -> memref<1x10000x128xf32, #tpu.memory_space<hbm>>
    %dma_start3A_161 = tpu.memref_squeeze %dma_start3A_160 : memref<1x10000x128xf32, #tpu.memory_space<hbm>> -> memref<10000x128xf32, #tpu.memory_space<hbm>>
    %dma_start3A_162 = arith.constant 0 : i32
    %dma_start3A_163 = arith.constant 0 : i32
    %dma_start3A_164 = tpu.memref_slice %dma_start3A_161[%dma_start3A_162, %dma_start3A_163] : memref<10000x128xf32, #tpu.memory_space<hbm>> -> memref<10000x128xf32, #tpu.memory_space<hbm>>
    tpu.enqueue_indirect_dma source(%dma_start3A_164 : memref<10000x128xf32, #tpu.memory_space<hbm>>) target(%arg8 : memref<128x128xf32, #tpu.memory_space<vmem>>) offsets(%dma_start3A_157 : memref<128xi32, #tpu.memory_space<vmem>>) semaphore(%arg11 : memref<!tpu.dma_semaphore, #tpu.memory_space<semaphore_mem>>)
    %scan3A_165 = arith.constant 0 : i32
    %scan3A_166 = arith.constant 0 : i32
    %scan3A_167 = arith.constant 0 : i32
    %scan3A_168 = arith.constant 40 : i32
    %scan3A_169 = arith.addi %scan3A_167, %scan3A_168 : i32
    %scan3A_170 = arith.constant 1 : i32
    scf.for %scan3A_178 = %scan3A_167 to %scan3A_169 step %scan3A_170  : i32 {
      %mul3A_179 = arith.constant 2 : i32
      %mul3A_180 = arith.muli %mul3A_179, %scan3A_178 : i32
      %add3A_181 = arith.constant 1 : i32
      %add3A_182 = arith.addi %mul3A_180, %add3A_181 : i32
      %add3A_183 = arith.constant 2 : i32
      %add3A_184 = arith.addi %mul3A_180, %add3A_183 : i32
      %jit3A = arith.constant 16 : i32
      %div3A = arith.divsi %add3A_182, %jit3A : i32
      %sign3A = arith.constant 0 : i32
      %sign3A_185 = arith.cmpi sgt, %add3A_182, %sign3A : i32
      %sign3A_186 = arith.extui %sign3A_185 : i1 to i32
      %sign3A_187 = arith.constant 0 : i32
      %sign3A_188 = arith.cmpi slt, %add3A_182, %sign3A_187 : i32
      %sign3A_189 = arith.extui %sign3A_188 : i1 to i32
      %sign3A_190 = arith.subi %sign3A_186, %sign3A_189 : i32
      %sign3A_191 = arith.constant 0 : i32
      %sign3A_192 = arith.cmpi sgt, %jit3A, %sign3A_191 : i32
      %sign3A_193 = arith.extui %sign3A_192 : i1 to i32
      %sign3A_194 = arith.constant 0 : i32
      %sign3A_195 = arith.cmpi slt, %jit3A, %sign3A_194 : i32
      %sign3A_196 = arith.extui %sign3A_195 : i1 to i32
      %sign3A_197 = arith.subi %sign3A_193, %sign3A_196 : i32
      %ne3A = arith.cmpi ne, %sign3A_190, %sign3A_197 : i32
      %rem3A_198 = arith.remsi %add3A_182, %jit3A : i32
      %ne3A_199 = arith.constant 0 : i32
      %ne3A_200 = arith.cmpi ne, %rem3A_198, %ne3A_199 : i32
      %and3A = arith.andi %ne3A, %ne3A_200 : i1
      %sub3A = arith.constant 1 : i32
      %sub3A_201 = arith.subi %div3A, %sub3A : i32
      %select_n3A = arith.select %and3A, %sub3A_201, %div3A : i32
      %jit3A_202 = arith.constant 2 : i32
      %eq3A_203 = arith.constant 0 : i32
      %eq3A_204 = arith.cmpi eq, %jit3A_202, %eq3A_203 : i32
      %jit3A_205 = arith.constant 1 : i32
      %select_n3A_206 = arith.select %eq3A_204, %jit3A_205, %jit3A_202 : i32
      %rem3A_207 = arith.remsi %select_n3A, %select_n3A_206 : i32
      %ne3A_208 = arith.constant 0 : i32
      %ne3A_209 = arith.cmpi ne, %rem3A_207, %ne3A_208 : i32
      %lt3A = arith.constant 0 : i32
      %lt3A_210 = arith.cmpi slt, %rem3A_207, %lt3A : i32
      %lt3A_211 = arith.constant 0 : i32
      %lt3A_212 = arith.cmpi slt, %select_n3A_206, %lt3A_211 : i32
      %ne3A_213 = arith.xori %lt3A_210, %lt3A_212 : i1
      %and3A_214 = arith.andi %ne3A_213, %ne3A_209 : i1
      %add3A_215 = arith.addi %rem3A_207, %select_n3A_206 : i32
      %select_n3A_216 = arith.select %and3A_214, %add3A_215, %rem3A_207 : i32
      %mul3A_217 = arith.constant 16 : i32
      %mul3A_218 = arith.muli %select_n3A_216, %mul3A_217 : i32
      %rem3A_219 = arith.constant 16 : i32
      %rem3A_220 = arith.remsi %add3A_182, %rem3A_219 : i32
      %add3A_221 = arith.addi %mul3A_218, %rem3A_220 : i32
      %dma_start3A_222 = arith.constant 0 : i32
      %dma_start3A_223 = tpu.memref_slice %arg6[%add3A_221, %dma_start3A_222] : memref<32x128xi32, #tpu.memory_space<vmem>> -> memref<1x128xi32, #tpu.memory_space<vmem>>
      %dma_start3A_224 = tpu.memref_squeeze %dma_start3A_223 : memref<1x128xi32, #tpu.memory_space<vmem>> -> memref<128xi32, #tpu.memory_space<vmem>>
      %dma_start3A_225 = arith.constant 0 : i32
      %dma_start3A_226 = arith.constant 0 : i32
      %dma_start3A_227 = tpu.memref_slice %arg2[%scan3A_166, %dma_start3A_225, %dma_start3A_226] : memref<1x10000x128xf32, #tpu.memory_space<hbm>> -> memref<1x10000x128xf32, #tpu.memory_space<hbm>>
      %dma_start3A_228 = tpu.memref_squeeze %dma_start3A_227 : memref<1x10000x128xf32, #tpu.memory_space<hbm>> -> memref<10000x128xf32, #tpu.memory_space<hbm>>
      %dma_start3A_229 = arith.constant 0 : i32
      %dma_start3A_230 = arith.constant 0 : i32
      %dma_start3A_231 = tpu.memref_slice %dma_start3A_228[%dma_start3A_229, %dma_start3A_230] : memref<10000x128xf32, #tpu.memory_space<hbm>> -> memref<10000x128xf32, #tpu.memory_space<hbm>>
      tpu.enqueue_indirect_dma source(%dma_start3A_231 : memref<10000x128xf32, #tpu.memory_space<hbm>>) target(%arg9 : memref<128x128xf32, #tpu.memory_space<vmem>>) offsets(%dma_start3A_224 : memref<128xi32, #tpu.memory_space<vmem>>) semaphore(%arg12 : memref<!tpu.dma_semaphore, #tpu.memory_space<semaphore_mem>>)
      %dma_wait3A_232 = arith.constant 0 : i32
      %dma_wait3A_233 = arith.constant 0 : i32
      %dma_wait3A_234 = tpu.memref_slice %arg6[%dma_wait3A_232, %dma_wait3A_233] : memref<32x128xi32, #tpu.memory_space<vmem>> -> memref<1x128xi32, #tpu.memory_space<vmem>>
      %dma_wait3A_235 = tpu.memref_squeeze %dma_wait3A_234 : memref<1x128xi32, #tpu.memory_space<vmem>> -> memref<128xi32, #tpu.memory_space<vmem>>
      %dma_wait3A_236 = arith.constant 0 : i32
      %dma_wait3A_237 = arith.constant 0 : i32
      %dma_wait3A_238 = tpu.memref_slice %arg2[%scan3A_166, %dma_wait3A_236, %dma_wait3A_237] : memref<1x10000x128xf32, #tpu.memory_space<hbm>> -> memref<1x10000x128xf32, #tpu.memory_space<hbm>>
      %dma_wait3A_239 = tpu.memref_squeeze %dma_wait3A_238 : memref<1x10000x128xf32, #tpu.memory_space<hbm>> -> memref<10000x128xf32, #tpu.memory_space<hbm>>
      %dma_wait3A_240 = arith.constant 0 : i32
      %dma_wait3A_241 = arith.constant 0 : i32
      %dma_wait3A_242 = tpu.memref_slice %dma_wait3A_239[%dma_wait3A_240, %dma_wait3A_241] : memref<10000x128xf32, #tpu.memory_space<hbm>> -> memref<10000x128xf32, #tpu.memory_space<hbm>>
      tpu.wait_indirect_dma semaphore(%arg11 : memref<!tpu.dma_semaphore, #tpu.memory_space<semaphore_mem>>) src(%dma_wait3A_242 : memref<10000x128xf32, #tpu.memory_space<hbm>>) dst(%arg8 : memref<128x128xf32, #tpu.memory_space<vmem>>)
      %jit3A_243 = arith.constant 16 : i32
      %div3A_244 = arith.divsi %mul3A_180, %jit3A_243 : i32
      %sign3A_245 = arith.constant 0 : i32
      %sign3A_246 = arith.cmpi sgt, %mul3A_180, %sign3A_245 : i32
      %sign3A_247 = arith.extui %sign3A_246 : i1 to i32
      %sign3A_248 = arith.constant 0 : i32
      %sign3A_249 = arith.cmpi slt, %mul3A_180, %sign3A_248 : i32
      %sign3A_250 = arith.extui %sign3A_249 : i1 to i32
      %sign3A_251 = arith.subi %sign3A_247, %sign3A_250 : i32
      %sign3A_252 = arith.constant 0 : i32
      %sign3A_253 = arith.cmpi sgt, %jit3A_243, %sign3A_252 : i32
      %sign3A_254 = arith.extui %sign3A_253 : i1 to i32
      %sign3A_255 = arith.constant 0 : i32
      %sign3A_256 = arith.cmpi slt, %jit3A_243, %sign3A_255 : i32
      %sign3A_257 = arith.extui %sign3A_256 : i1 to i32
      %sign3A_258 = arith.subi %sign3A_254, %sign3A_257 : i32
      %ne3A_259 = arith.cmpi ne, %sign3A_251, %sign3A_258 : i32
      %rem3A_260 = arith.remsi %mul3A_180, %jit3A_243 : i32
      %ne3A_261 = arith.constant 0 : i32
      %ne3A_262 = arith.cmpi ne, %rem3A_260, %ne3A_261 : i32
      %and3A_263 = arith.andi %ne3A_259, %ne3A_262 : i1
      %sub3A_264 = arith.constant 1 : i32
      %sub3A_265 = arith.subi %div3A_244, %sub3A_264 : i32
      %select_n3A_266 = arith.select %and3A_263, %sub3A_265, %div3A_244 : i32
      %jit3A_267 = arith.constant 2 : i32
      %eq3A_268 = arith.constant 0 : i32
      %eq3A_269 = arith.cmpi eq, %jit3A_267, %eq3A_268 : i32
      %jit3A_270 = arith.constant 1 : i32
      %select_n3A_271 = arith.select %eq3A_269, %jit3A_270, %jit3A_267 : i32
      %rem3A_272 = arith.remsi %select_n3A_266, %select_n3A_271 : i32
      %ne3A_273 = arith.constant 0 : i32
      %ne3A_274 = arith.cmpi ne, %rem3A_272, %ne3A_273 : i32
      %lt3A_275 = arith.constant 0 : i32
      %lt3A_276 = arith.cmpi slt, %rem3A_272, %lt3A_275 : i32
      %lt3A_277 = arith.constant 0 : i32
      %lt3A_278 = arith.cmpi slt, %select_n3A_271, %lt3A_277 : i32
      %ne3A_279 = arith.xori %lt3A_276, %lt3A_278 : i1
      %and3A_280 = arith.andi %ne3A_279, %ne3A_274 : i1
      %add3A_281 = arith.addi %rem3A_272, %select_n3A_271 : i32
      %select_n3A_282 = arith.select %and3A_280, %add3A_281, %rem3A_272 : i32
      %mul3A_283 = arith.constant 16 : i32
      %mul3A_284 = arith.muli %select_n3A_282, %mul3A_283 : i32
      %rem3A_285 = arith.constant 16 : i32
      %rem3A_286 = arith.remsi %mul3A_180, %rem3A_285 : i32
      %add3A_287 = arith.addi %mul3A_284, %rem3A_286 : i32
      "tpu.region"() ({
        %run_scoped3A = tpu.sem_alloc : memref<!tpu.dma_semaphore, #tpu.memory_space<semaphore_mem>>
        %dma_start3A_395 = arith.constant 0 : i32
        %dma_start3A_396 = tpu.memref_slice %arg7[%add3A_287, %dma_start3A_395] : memref<32x128xi32, #tpu.memory_space<vmem>> -> memref<1x128xi32, #tpu.memory_space<vmem>>
        %dma_start3A_397 = tpu.memref_squeeze %dma_start3A_396 : memref<1x128xi32, #tpu.memory_space<vmem>> -> memref<128xi32, #tpu.memory_space<vmem>>
        %dma_start3A_398 = arith.constant 0 : i32
        %dma_start3A_399 = arith.constant 0 : i32
        %dma_start3A_400 = tpu.memref_slice %arg10[%dma_start3A_398, %dma_start3A_399] : memref<10096x128xf32, #tpu.memory_space<vmem_shared>> -> memref<10096x128xf32, #tpu.memory_space<vmem_shared>>
        tpu.enqueue_indirect_dma source(%arg8 : memref<128x128xf32, #tpu.memory_space<vmem>>) target(%dma_start3A_400 : memref<10096x128xf32, #tpu.memory_space<vmem_shared>>) offsets(%dma_start3A_397 : memref<128xi32, #tpu.memory_space<vmem>>) semaphore(%run_scoped3A : memref<!tpu.dma_semaphore, #tpu.memory_space<semaphore_mem>>) {add = true}
        %dma_wait3A_401 = arith.constant 0 : i32
        %dma_wait3A_402 = tpu.memref_slice %arg7[%add3A_287, %dma_wait3A_401] : memref<32x128xi32, #tpu.memory_space<vmem>> -> memref<1x128xi32, #tpu.memory_space<vmem>>
        %dma_wait3A_403 = tpu.memref_squeeze %dma_wait3A_402 : memref<1x128xi32, #tpu.memory_space<vmem>> -> memref<128xi32, #tpu.memory_space<vmem>>
        %dma_wait3A_404 = arith.constant 0 : i32
        %dma_wait3A_405 = arith.constant 0 : i32
        %dma_wait3A_406 = tpu.memref_slice %arg10[%dma_wait3A_404, %dma_wait3A_405] : memref<10096x128xf32, #tpu.memory_space<vmem_shared>> -> memref<10096x128xf32, #tpu.memory_space<vmem_shared>>
        tpu.wait_indirect_dma semaphore(%run_scoped3A : memref<!tpu.dma_semaphore, #tpu.memory_space<semaphore_mem>>) src(%arg8 : memref<128x128xf32, #tpu.memory_space<vmem>>) dst(%dma_wait3A_406 : memref<10096x128xf32, #tpu.memory_space<vmem_shared>>)
        tpu.yield
      }) : () -> ()
      %lt3A_288 = arith.constant 80 : i32
      %lt3A_289 = arith.cmpi slt, %add3A_184, %lt3A_288 : i32
      %rem3A_290 = arith.constant 16 : i32
      %rem3A_291 = arith.remsi %add3A_184, %rem3A_290 : i32
      %eq3A_292 = arith.constant 0 : i32
      %eq3A_293 = arith.cmpi eq, %rem3A_291, %eq3A_292 : i32
      %and3A_294 = arith.andi %lt3A_289, %eq3A_293 : i1
      %convert_element_type3A_295 = arith.extui %and3A_294 : i1 to i32
      %cond3A_296 = arith.constant 0 : i32
      %cond3A_297 = arith.cmpi ne, %convert_element_type3A_295, %cond3A_296 : i32
      scf.if %cond3A_297 {
        %jit3A_395 = arith.constant 16 : i32
        %div3A_396 = arith.divsi %add3A_184, %jit3A_395 : i32
        %sign3A_397 = arith.constant 0 : i32
        %sign3A_398 = arith.cmpi sgt, %add3A_184, %sign3A_397 : i32
        %sign3A_399 = arith.extui %sign3A_398 : i1 to i32
        %sign3A_400 = arith.constant 0 : i32
        %sign3A_401 = arith.cmpi slt, %add3A_184, %sign3A_400 : i32
        %sign3A_402 = arith.extui %sign3A_401 : i1 to i32
        %sign3A_403 = arith.subi %sign3A_399, %sign3A_402 : i32
        %sign3A_404 = arith.constant 0 : i32
        %sign3A_405 = arith.cmpi sgt, %jit3A_395, %sign3A_404 : i32
        %sign3A_406 = arith.extui %sign3A_405 : i1 to i32
        %sign3A_407 = arith.constant 0 : i32
        %sign3A_408 = arith.cmpi slt, %jit3A_395, %sign3A_407 : i32
        %sign3A_409 = arith.extui %sign3A_408 : i1 to i32
        %sign3A_410 = arith.subi %sign3A_406, %sign3A_409 : i32
        %ne3A_411 = arith.cmpi ne, %sign3A_403, %sign3A_410 : i32
        %rem3A_412 = arith.remsi %add3A_184, %jit3A_395 : i32
        %ne3A_413 = arith.constant 0 : i32
        %ne3A_414 = arith.cmpi ne, %rem3A_412, %ne3A_413 : i32
        %and3A_415 = arith.andi %ne3A_411, %ne3A_414 : i1
        %sub3A_416 = arith.constant 1 : i32
        %sub3A_417 = arith.subi %div3A_396, %sub3A_416 : i32
        %select_n3A_418 = arith.select %and3A_415, %sub3A_417, %div3A_396 : i32
        %rem3A_419 = arith.constant 2 : i32
        %rem3A_420 = arith.remsi %select_n3A_418, %rem3A_419 : i32
        %eq3A_421 = arith.constant 0 : i32
        %eq3A_422 = arith.cmpi eq, %rem3A_420, %eq3A_421 : i32
        %convert_element_type3A_423 = arith.extui %eq3A_422 : i1 to i32
        %cond3A_424 = arith.constant 0 : i32
        %cond3A_425 = arith.cmpi ne, %convert_element_type3A_423, %cond3A_424 : i32
        scf.if %cond3A_425 {
          %dma_wait3A_457 = arith.constant 0 : i32
          %dma_wait3A_458 = arith.constant 0 : i32
          %dma_wait3A_459 = tpu.memref_slice %arg6[%dma_wait3A_457, %dma_wait3A_458] : memref<32x128xi32, #tpu.memory_space<vmem>> -> memref<16x128xi32, #tpu.memory_space<vmem>>
          %dma_wait3A_460 = arith.constant 0 : i32
          %dma_wait3A_461 = arith.constant 0 : i32
          %dma_wait3A_462 = tpu.memref_slice %arg3[%dma_wait3A_460, %dma_wait3A_461] : memref<2560x128xi32, #tpu.memory_space<hbm>> -> memref<16x128xi32, #tpu.memory_space<hbm>>
          %dma_wait3A_463 = arith.constant 0 : i32
          %dma_wait3A_464 = arith.constant 0 : i32
          %dma_wait3A_465 = tpu.memref_slice %arg6[%dma_wait3A_463, %dma_wait3A_464] : memref<32x128xi32, #tpu.memory_space<vmem>> -> memref<16x128xi32, #tpu.memory_space<vmem>>
          %dma_wait3A_466 = arith.constant 0 : i32
          %dma_wait3A_467 = arith.constant 0 : i32
          %dma_wait3A_468 = tpu.memref_slice %arg3[%dma_wait3A_466, %dma_wait3A_467] : memref<2560x128xi32, #tpu.memory_space<hbm>> -> memref<16x128xi32, #tpu.memory_space<hbm>>
          tpu.wait_dma2 semaphore(%arg13 : memref<!tpu.dma_semaphore, #tpu.memory_space<semaphore_mem>>) src(%dma_wait3A_468 : memref<16x128xi32, #tpu.memory_space<hbm>>) dst(%dma_wait3A_465 : memref<16x128xi32, #tpu.memory_space<vmem>>)
          %dma_wait3A_469 = arith.constant 0 : i32
          %dma_wait3A_470 = arith.constant 0 : i32
          %dma_wait3A_471 = tpu.memref_slice %arg7[%dma_wait3A_469, %dma_wait3A_470] : memref<32x128xi32, #tpu.memory_space<vmem>> -> memref<16x128xi32, #tpu.memory_space<vmem>>
          %dma_wait3A_472 = arith.constant 0 : i32
          %dma_wait3A_473 = arith.constant 0 : i32
          %dma_wait3A_474 = tpu.memref_slice %arg4[%dma_wait3A_472, %dma_wait3A_473] : memref<2560x128xi32, #tpu.memory_space<hbm>> -> memref<16x128xi32, #tpu.memory_space<hbm>>
          %dma_wait3A_475 = arith.constant 0 : i32
          %dma_wait3A_476 = arith.constant 0 : i32
          %dma_wait3A_477 = tpu.memref_slice %arg7[%dma_wait3A_475, %dma_wait3A_476] : memref<32x128xi32, #tpu.memory_space<vmem>> -> memref<16x128xi32, #tpu.memory_space<vmem>>
          %dma_wait3A_478 = arith.constant 0 : i32
          %dma_wait3A_479 = arith.constant 0 : i32
          %dma_wait3A_480 = tpu.memref_slice %arg4[%dma_wait3A_478, %dma_wait3A_479] : memref<2560x128xi32, #tpu.memory_space<hbm>> -> memref<16x128xi32, #tpu.memory_space<hbm>>
          tpu.wait_dma2 semaphore(%arg13 : memref<!tpu.dma_semaphore, #tpu.memory_space<semaphore_mem>>) src(%dma_wait3A_480 : memref<16x128xi32, #tpu.memory_space<hbm>>) dst(%dma_wait3A_477 : memref<16x128xi32, #tpu.memory_space<vmem>>)
        } else {
        }
        %jit3A_426 = arith.constant 16 : i32
        %div3A_427 = arith.divsi %add3A_184, %jit3A_426 : i32
        %sign3A_428 = arith.constant 0 : i32
        %sign3A_429 = arith.cmpi sgt, %add3A_184, %sign3A_428 : i32
        %sign3A_430 = arith.extui %sign3A_429 : i1 to i32
        %sign3A_431 = arith.constant 0 : i32
        %sign3A_432 = arith.cmpi slt, %add3A_184, %sign3A_431 : i32
        %sign3A_433 = arith.extui %sign3A_432 : i1 to i32
        %sign3A_434 = arith.subi %sign3A_430, %sign3A_433 : i32
        %sign3A_435 = arith.constant 0 : i32
        %sign3A_436 = arith.cmpi sgt, %jit3A_426, %sign3A_435 : i32
        %sign3A_437 = arith.extui %sign3A_436 : i1 to i32
        %sign3A_438 = arith.constant 0 : i32
        %sign3A_439 = arith.cmpi slt, %jit3A_426, %sign3A_438 : i32
        %sign3A_440 = arith.extui %sign3A_439 : i1 to i32
        %sign3A_441 = arith.subi %sign3A_437, %sign3A_440 : i32
        %ne3A_442 = arith.cmpi ne, %sign3A_434, %sign3A_441 : i32
        %rem3A_443 = arith.remsi %add3A_184, %jit3A_426 : i32
        %ne3A_444 = arith.constant 0 : i32
        %ne3A_445 = arith.cmpi ne, %rem3A_443, %ne3A_444 : i32
        %and3A_446 = arith.andi %ne3A_442, %ne3A_445 : i1
        %sub3A_447 = arith.constant 1 : i32
        %sub3A_448 = arith.subi %div3A_427, %sub3A_447 : i32
        %select_n3A_449 = arith.select %and3A_446, %sub3A_448, %div3A_427 : i32
        %rem3A_450 = arith.constant 2 : i32
        %rem3A_451 = arith.remsi %select_n3A_449, %rem3A_450 : i32
        %eq3A_452 = arith.constant 1 : i32
        %eq3A_453 = arith.cmpi eq, %rem3A_451, %eq3A_452 : i32
        %convert_element_type3A_454 = arith.extui %eq3A_453 : i1 to i32
        %cond3A_455 = arith.constant 0 : i32
        %cond3A_456 = arith.cmpi ne, %convert_element_type3A_454, %cond3A_455 : i32
        scf.if %cond3A_456 {
          %dma_wait3A_457 = arith.constant 0 : i32
          %dma_wait3A_458 = arith.constant 0 : i32
          %dma_wait3A_459 = tpu.memref_slice %arg6[%dma_wait3A_457, %dma_wait3A_458] : memref<32x128xi32, #tpu.memory_space<vmem>> -> memref<16x128xi32, #tpu.memory_space<vmem>>
          %dma_wait3A_460 = arith.constant 0 : i32
          %dma_wait3A_461 = arith.constant 0 : i32
          %dma_wait3A_462 = tpu.memref_slice %arg3[%dma_wait3A_460, %dma_wait3A_461] : memref<2560x128xi32, #tpu.memory_space<hbm>> -> memref<16x128xi32, #tpu.memory_space<hbm>>
          %dma_wait3A_463 = arith.constant 0 : i32
          %dma_wait3A_464 = arith.constant 0 : i32
          %dma_wait3A_465 = tpu.memref_slice %arg6[%dma_wait3A_463, %dma_wait3A_464] : memref<32x128xi32, #tpu.memory_space<vmem>> -> memref<16x128xi32, #tpu.memory_space<vmem>>
          %dma_wait3A_466 = arith.constant 0 : i32
          %dma_wait3A_467 = arith.constant 0 : i32
          %dma_wait3A_468 = tpu.memref_slice %arg3[%dma_wait3A_466, %dma_wait3A_467] : memref<2560x128xi32, #tpu.memory_space<hbm>> -> memref<16x128xi32, #tpu.memory_space<hbm>>
          tpu.wait_dma2 semaphore(%arg14 : memref<!tpu.dma_semaphore, #tpu.memory_space<semaphore_mem>>) src(%dma_wait3A_468 : memref<16x128xi32, #tpu.memory_space<hbm>>) dst(%dma_wait3A_465 : memref<16x128xi32, #tpu.memory_space<vmem>>)
          %dma_wait3A_469 = arith.constant 0 : i32
          %dma_wait3A_470 = arith.constant 0 : i32
          %dma_wait3A_471 = tpu.memref_slice %arg7[%dma_wait3A_469, %dma_wait3A_470] : memref<32x128xi32, #tpu.memory_space<vmem>> -> memref<16x128xi32, #tpu.memory_space<vmem>>
          %dma_wait3A_472 = arith.constant 0 : i32
          %dma_wait3A_473 = arith.constant 0 : i32
          %dma_wait3A_474 = tpu.memref_slice %arg4[%dma_wait3A_472, %dma_wait3A_473] : memref<2560x128xi32, #tpu.memory_space<hbm>> -> memref<16x128xi32, #tpu.memory_space<hbm>>
          %dma_wait3A_475 = arith.constant 0 : i32
          %dma_wait3A_476 = arith.constant 0 : i32
          %dma_wait3A_477 = tpu.memref_slice %arg7[%dma_wait3A_475, %dma_wait3A_476] : memref<32x128xi32, #tpu.memory_space<vmem>> -> memref<16x128xi32, #tpu.memory_space<vmem>>
          %dma_wait3A_478 = arith.constant 0 : i32
          %dma_wait3A_479 = arith.constant 0 : i32
          %dma_wait3A_480 = tpu.memref_slice %arg4[%dma_wait3A_478, %dma_wait3A_479] : memref<2560x128xi32, #tpu.memory_space<hbm>> -> memref<16x128xi32, #tpu.memory_space<hbm>>
          tpu.wait_dma2 semaphore(%arg14 : memref<!tpu.dma_semaphore, #tpu.memory_space<semaphore_mem>>) src(%dma_wait3A_480 : memref<16x128xi32, #tpu.memory_space<hbm>>) dst(%dma_wait3A_477 : memref<16x128xi32, #tpu.memory_space<vmem>>)
        } else {
        }
      } else {
      }
      %lt3A_298 = arith.constant 80 : i32
      %lt3A_299 = arith.cmpi slt, %add3A_184, %lt3A_298 : i32
      %convert_element_type3A_300 = arith.extui %lt3A_299 : i1 to i32
      %cond3A_301 = arith.constant 0 : i32
      %cond3A_302 = arith.cmpi ne, %convert_element_type3A_300, %cond3A_301 : i32
      scf.if %cond3A_302 {
        %jit3A_395 = arith.constant 16 : i32
        %div3A_396 = arith.divsi %add3A_184, %jit3A_395 : i32
        %sign3A_397 = arith.constant 0 : i32
        %sign3A_398 = arith.cmpi sgt, %add3A_184, %sign3A_397 : i32
        %sign3A_399 = arith.extui %sign3A_398 : i1 to i32
        %sign3A_400 = arith.constant 0 : i32
        %sign3A_401 = arith.cmpi slt, %add3A_184, %sign3A_400 : i32
        %sign3A_402 = arith.extui %sign3A_401 : i1 to i32
        %sign3A_403 = arith.subi %sign3A_399, %sign3A_402 : i32
        %sign3A_404 = arith.constant 0 : i32
        %sign3A_405 = arith.cmpi sgt, %jit3A_395, %sign3A_404 : i32
        %sign3A_406 = arith.extui %sign3A_405 : i1 to i32
        %sign3A_407 = arith.constant 0 : i32
        %sign3A_408 = arith.cmpi slt, %jit3A_395, %sign3A_407 : i32
        %sign3A_409 = arith.extui %sign3A_408 : i1 to i32
        %sign3A_410 = arith.subi %sign3A_406, %sign3A_409 : i32
        %ne3A_411 = arith.cmpi ne, %sign3A_403, %sign3A_410 : i32
        %rem3A_412 = arith.remsi %add3A_184, %jit3A_395 : i32
        %ne3A_413 = arith.constant 0 : i32
        %ne3A_414 = arith.cmpi ne, %rem3A_412, %ne3A_413 : i32
        %and3A_415 = arith.andi %ne3A_411, %ne3A_414 : i1
        %sub3A_416 = arith.constant 1 : i32
        %sub3A_417 = arith.subi %div3A_396, %sub3A_416 : i32
        %select_n3A_418 = arith.select %and3A_415, %sub3A_417, %div3A_396 : i32
        %jit3A_419 = arith.constant 2 : i32
        %eq3A_420 = arith.constant 0 : i32
        %eq3A_421 = arith.cmpi eq, %jit3A_419, %eq3A_420 : i32
        %jit3A_422 = arith.constant 1 : i32
        %select_n3A_423 = arith.select %eq3A_421, %jit3A_422, %jit3A_419 : i32
        %rem3A_424 = arith.remsi %select_n3A_418, %select_n3A_423 : i32
        %ne3A_425 = arith.constant 0 : i32
        %ne3A_426 = arith.cmpi ne, %rem3A_424, %ne3A_425 : i32
        %lt3A_427 = arith.constant 0 : i32
        %lt3A_428 = arith.cmpi slt, %rem3A_424, %lt3A_427 : i32
        %lt3A_429 = arith.constant 0 : i32
        %lt3A_430 = arith.cmpi slt, %select_n3A_423, %lt3A_429 : i32
        %ne3A_431 = arith.xori %lt3A_428, %lt3A_430 : i1
        %and3A_432 = arith.andi %ne3A_431, %ne3A_426 : i1
        %add3A_433 = arith.addi %rem3A_424, %select_n3A_423 : i32
        %select_n3A_434 = arith.select %and3A_432, %add3A_433, %rem3A_424 : i32
        %mul3A_435 = arith.constant 16 : i32
        %mul3A_436 = arith.muli %select_n3A_434, %mul3A_435 : i32
        %rem3A_437 = arith.constant 16 : i32
        %rem3A_438 = arith.remsi %add3A_184, %rem3A_437 : i32
        %add3A_439 = arith.addi %mul3A_436, %rem3A_438 : i32
        %dma_start3A_440 = arith.constant 0 : i32
        %dma_start3A_441 = tpu.memref_slice %arg6[%add3A_439, %dma_start3A_440] : memref<32x128xi32, #tpu.memory_space<vmem>> -> memref<1x128xi32, #tpu.memory_space<vmem>>
        %dma_start3A_442 = tpu.memref_squeeze %dma_start3A_441 : memref<1x128xi32, #tpu.memory_space<vmem>> -> memref<128xi32, #tpu.memory_space<vmem>>
        %dma_start3A_443 = arith.constant 0 : i32
        %dma_start3A_444 = arith.constant 0 : i32
        %dma_start3A_445 = tpu.memref_slice %arg2[%scan3A_166, %dma_start3A_443, %dma_start3A_444] : memref<1x10000x128xf32, #tpu.memory_space<hbm>> -> memref<1x10000x128xf32, #tpu.memory_space<hbm>>
        %dma_start3A_446 = tpu.memref_squeeze %dma_start3A_445 : memref<1x10000x128xf32, #tpu.memory_space<hbm>> -> memref<10000x128xf32, #tpu.memory_space<hbm>>
        %dma_start3A_447 = arith.constant 0 : i32
        %dma_start3A_448 = arith.constant 0 : i32
        %dma_start3A_449 = tpu.memref_slice %dma_start3A_446[%dma_start3A_447, %dma_start3A_448] : memref<10000x128xf32, #tpu.memory_space<hbm>> -> memref<10000x128xf32, #tpu.memory_space<hbm>>
        tpu.enqueue_indirect_dma source(%dma_start3A_449 : memref<10000x128xf32, #tpu.memory_space<hbm>>) target(%arg8 : memref<128x128xf32, #tpu.memory_space<vmem>>) offsets(%dma_start3A_442 : memref<128xi32, #tpu.memory_space<vmem>>) semaphore(%arg11 : memref<!tpu.dma_semaphore, #tpu.memory_space<semaphore_mem>>)
      } else {
      }
      %dma_wait3A_303 = arith.constant 0 : i32
      %dma_wait3A_304 = arith.constant 0 : i32
      %dma_wait3A_305 = tpu.memref_slice %arg6[%dma_wait3A_303, %dma_wait3A_304] : memref<32x128xi32, #tpu.memory_space<vmem>> -> memref<1x128xi32, #tpu.memory_space<vmem>>
      %dma_wait3A_306 = tpu.memref_squeeze %dma_wait3A_305 : memref<1x128xi32, #tpu.memory_space<vmem>> -> memref<128xi32, #tpu.memory_space<vmem>>
      %dma_wait3A_307 = arith.constant 0 : i32
      %dma_wait3A_308 = arith.constant 0 : i32
      %dma_wait3A_309 = tpu.memref_slice %arg2[%scan3A_166, %dma_wait3A_307, %dma_wait3A_308] : memref<1x10000x128xf32, #tpu.memory_space<hbm>> -> memref<1x10000x128xf32, #tpu.memory_space<hbm>>
      %dma_wait3A_310 = tpu.memref_squeeze %dma_wait3A_309 : memref<1x10000x128xf32, #tpu.memory_space<hbm>> -> memref<10000x128xf32, #tpu.memory_space<hbm>>
      %dma_wait3A_311 = arith.constant 0 : i32
      %dma_wait3A_312 = arith.constant 0 : i32
      %dma_wait3A_313 = tpu.memref_slice %dma_wait3A_310[%dma_wait3A_311, %dma_wait3A_312] : memref<10000x128xf32, #tpu.memory_space<hbm>> -> memref<10000x128xf32, #tpu.memory_space<hbm>>
      tpu.wait_indirect_dma semaphore(%arg12 : memref<!tpu.dma_semaphore, #tpu.memory_space<semaphore_mem>>) src(%dma_wait3A_313 : memref<10000x128xf32, #tpu.memory_space<hbm>>) dst(%arg9 : memref<128x128xf32, #tpu.memory_space<vmem>>)
      %jit3A_314 = arith.constant 16 : i32
      %div3A_315 = arith.divsi %add3A_182, %jit3A_314 : i32
      %sign3A_316 = arith.constant 0 : i32
      %sign3A_317 = arith.cmpi sgt, %add3A_182, %sign3A_316 : i32
      %sign3A_318 = arith.extui %sign3A_317 : i1 to i32
      %sign3A_319 = arith.constant 0 : i32
      %sign3A_320 = arith.cmpi slt, %add3A_182, %sign3A_319 : i32
      %sign3A_321 = arith.extui %sign3A_320 : i1 to i32
      %sign3A_322 = arith.subi %sign3A_318, %sign3A_321 : i32
      %sign3A_323 = arith.constant 0 : i32
      %sign3A_324 = arith.cmpi sgt, %jit3A_314, %sign3A_323 : i32
      %sign3A_325 = arith.extui %sign3A_324 : i1 to i32
      %sign3A_326 = arith.constant 0 : i32
      %sign3A_327 = arith.cmpi slt, %jit3A_314, %sign3A_326 : i32
      %sign3A_328 = arith.extui %sign3A_327 : i1 to i32
      %sign3A_329 = arith.subi %sign3A_325, %sign3A_328 : i32
      %ne3A_330 = arith.cmpi ne, %sign3A_322, %sign3A_329 : i32
      %rem3A_331 = arith.remsi %add3A_182, %jit3A_314 : i32
      %ne3A_332 = arith.constant 0 : i32
      %ne3A_333 = arith.cmpi ne, %rem3A_331, %ne3A_332 : i32
      %and3A_334 = arith.andi %ne3A_330, %ne3A_333 : i1
      %sub3A_335 = arith.constant 1 : i32
      %sub3A_336 = arith.subi %div3A_315, %sub3A_335 : i32
      %select_n3A_337 = arith.select %and3A_334, %sub3A_336, %div3A_315 : i32
      %jit3A_338 = arith.constant 2 : i32
      %eq3A_339 = arith.constant 0 : i32
      %eq3A_340 = arith.cmpi eq, %jit3A_338, %eq3A_339 : i32
      %jit3A_341 = arith.constant 1 : i32
      %select_n3A_342 = arith.select %eq3A_340, %jit3A_341, %jit3A_338 : i32
      %rem3A_343 = arith.remsi %select_n3A_337, %select_n3A_342 : i32
      %ne3A_344 = arith.constant 0 : i32
      %ne3A_345 = arith.cmpi ne, %rem3A_343, %ne3A_344 : i32
      %lt3A_346 = arith.constant 0 : i32
      %lt3A_347 = arith.cmpi slt, %rem3A_343, %lt3A_346 : i32
      %lt3A_348 = arith.constant 0 : i32
      %lt3A_349 = arith.cmpi slt, %select_n3A_342, %lt3A_348 : i32
      %ne3A_350 = arith.xori %lt3A_347, %lt3A_349 : i1
      %and3A_351 = arith.andi %ne3A_350, %ne3A_345 : i1
      %add3A_352 = arith.addi %rem3A_343, %select_n3A_342 : i32
      %select_n3A_353 = arith.select %and3A_351, %add3A_352, %rem3A_343 : i32
      %mul3A_354 = arith.constant 16 : i32
      %mul3A_355 = arith.muli %select_n3A_353, %mul3A_354 : i32
      %rem3A_356 = arith.constant 16 : i32
      %rem3A_357 = arith.remsi %add3A_182, %rem3A_356 : i32
      %add3A_358 = arith.addi %mul3A_355, %rem3A_357 : i32
      "tpu.region"() ({
        %run_scoped3A = tpu.sem_alloc : memref<!tpu.dma_semaphore, #tpu.memory_space<semaphore_mem>>
        %dma_start3A_395 = arith.constant 0 : i32
        %dma_start3A_396 = tpu.memref_slice %arg7[%add3A_358, %dma_start3A_395] : memref<32x128xi32, #tpu.memory_space<vmem>> -> memref<1x128xi32, #tpu.memory_space<vmem>>
        %dma_start3A_397 = tpu.memref_squeeze %dma_start3A_396 : memref<1x128xi32, #tpu.memory_space<vmem>> -> memref<128xi32, #tpu.memory_space<vmem>>
        %dma_start3A_398 = arith.constant 0 : i32
        %dma_start3A_399 = arith.constant 0 : i32
        %dma_start3A_400 = tpu.memref_slice %arg10[%dma_start3A_398, %dma_start3A_399] : memref<10096x128xf32, #tpu.memory_space<vmem_shared>> -> memref<10096x128xf32, #tpu.memory_space<vmem_shared>>
        tpu.enqueue_indirect_dma source(%arg9 : memref<128x128xf32, #tpu.memory_space<vmem>>) target(%dma_start3A_400 : memref<10096x128xf32, #tpu.memory_space<vmem_shared>>) offsets(%dma_start3A_397 : memref<128xi32, #tpu.memory_space<vmem>>) semaphore(%run_scoped3A : memref<!tpu.dma_semaphore, #tpu.memory_space<semaphore_mem>>) {add = true}
        %dma_wait3A_401 = arith.constant 0 : i32
        %dma_wait3A_402 = tpu.memref_slice %arg7[%add3A_358, %dma_wait3A_401] : memref<32x128xi32, #tpu.memory_space<vmem>> -> memref<1x128xi32, #tpu.memory_space<vmem>>
        %dma_wait3A_403 = tpu.memref_squeeze %dma_wait3A_402 : memref<1x128xi32, #tpu.memory_space<vmem>> -> memref<128xi32, #tpu.memory_space<vmem>>
        %dma_wait3A_404 = arith.constant 0 : i32
        %dma_wait3A_405 = arith.constant 0 : i32
        %dma_wait3A_406 = tpu.memref_slice %arg10[%dma_wait3A_404, %dma_wait3A_405] : memref<10096x128xf32, #tpu.memory_space<vmem_shared>> -> memref<10096x128xf32, #tpu.memory_space<vmem_shared>>
        tpu.wait_indirect_dma semaphore(%run_scoped3A : memref<!tpu.dma_semaphore, #tpu.memory_space<semaphore_mem>>) src(%arg9 : memref<128x128xf32, #tpu.memory_space<vmem>>) dst(%dma_wait3A_406 : memref<10096x128xf32, #tpu.memory_space<vmem_shared>>)
        tpu.yield
      }) : () -> ()
      %rem3A_359 = arith.constant 16 : i32
      %rem3A_360 = arith.remsi %add3A_184, %rem3A_359 : i32
      %eq3A_361 = arith.constant 0 : i32
      %eq3A_362 = arith.cmpi eq, %rem3A_360, %eq3A_361 : i32
      %jit3A_363 = arith.constant 16 : i32
      %div3A_364 = arith.divsi %add3A_184, %jit3A_363 : i32
      %sign3A_365 = arith.constant 0 : i32
      %sign3A_366 = arith.cmpi sgt, %add3A_184, %sign3A_365 : i32
      %sign3A_367 = arith.extui %sign3A_366 : i1 to i32
      %sign3A_368 = arith.constant 0 : i32
      %sign3A_369 = arith.cmpi slt, %add3A_184, %sign3A_368 : i32
      %sign3A_370 = arith.extui %sign3A_369 : i1 to i32
      %sign3A_371 = arith.subi %sign3A_367, %sign3A_370 : i32
      %sign3A_372 = arith.constant 0 : i32
      %sign3A_373 = arith.cmpi sgt, %jit3A_363, %sign3A_372 : i32
      %sign3A_374 = arith.extui %sign3A_373 : i1 to i32
      %sign3A_375 = arith.constant 0 : i32
      %sign3A_376 = arith.cmpi slt, %jit3A_363, %sign3A_375 : i32
      %sign3A_377 = arith.extui %sign3A_376 : i1 to i32
      %sign3A_378 = arith.subi %sign3A_374, %sign3A_377 : i32
      %ne3A_379 = arith.cmpi ne, %sign3A_371, %sign3A_378 : i32
      %rem3A_380 = arith.remsi %add3A_184, %jit3A_363 : i32
      %ne3A_381 = arith.constant 0 : i32
      %ne3A_382 = arith.cmpi ne, %rem3A_380, %ne3A_381 : i32
      %and3A_383 = arith.andi %ne3A_379, %ne3A_382 : i1
      %sub3A_384 = arith.constant 1 : i32
      %sub3A_385 = arith.subi %div3A_364, %sub3A_384 : i32
      %select_n3A_386 = arith.select %and3A_383, %sub3A_385, %div3A_364 : i32
      %add3A_387 = arith.constant 1 : i32
      %add3A_388 = arith.addi %select_n3A_386, %add3A_387 : i32
      %lt3A_389 = arith.constant 5 : i32
      %lt3A_390 = arith.cmpi slt, %add3A_388, %lt3A_389 : i32
      %and3A_391 = arith.andi %eq3A_362, %lt3A_390 : i1
      %convert_element_type3A_392 = arith.extui %and3A_391 : i1 to i32
      %cond3A_393 = arith.constant 0 : i32
      %cond3A_394 = arith.cmpi ne, %convert_element_type3A_392, %cond3A_393 : i32
      scf.if %cond3A_394 {
        %jit3A_395 = arith.constant 16 : i32
        %div3A_396 = arith.divsi %add3A_184, %jit3A_395 : i32
        %sign3A_397 = arith.constant 0 : i32
        %sign3A_398 = arith.cmpi sgt, %add3A_184, %sign3A_397 : i32
        %sign3A_399 = arith.extui %sign3A_398 : i1 to i32
        %sign3A_400 = arith.constant 0 : i32
        %sign3A_401 = arith.cmpi slt, %add3A_184, %sign3A_400 : i32
        %sign3A_402 = arith.extui %sign3A_401 : i1 to i32
        %sign3A_403 = arith.subi %sign3A_399, %sign3A_402 : i32
        %sign3A_404 = arith.constant 0 : i32
        %sign3A_405 = arith.cmpi sgt, %jit3A_395, %sign3A_404 : i32
        %sign3A_406 = arith.extui %sign3A_405 : i1 to i32
        %sign3A_407 = arith.constant 0 : i32
        %sign3A_408 = arith.cmpi slt, %jit3A_395, %sign3A_407 : i32
        %sign3A_409 = arith.extui %sign3A_408 : i1 to i32
        %sign3A_410 = arith.subi %sign3A_406, %sign3A_409 : i32
        %ne3A_411 = arith.cmpi ne, %sign3A_403, %sign3A_410 : i32
        %rem3A_412 = arith.remsi %add3A_184, %jit3A_395 : i32
        %ne3A_413 = arith.constant 0 : i32
        %ne3A_414 = arith.cmpi ne, %rem3A_412, %ne3A_413 : i32
        %and3A_415 = arith.andi %ne3A_411, %ne3A_414 : i1
        %sub3A_416 = arith.constant 1 : i32
        %sub3A_417 = arith.subi %div3A_396, %sub3A_416 : i32
        %select_n3A_418 = arith.select %and3A_415, %sub3A_417, %div3A_396 : i32
        %add3A_419 = arith.constant 1 : i32
        %add3A_420 = arith.addi %select_n3A_418, %add3A_419 : i32
        %rem3A_421 = arith.constant 2 : i32
        %rem3A_422 = arith.remsi %add3A_420, %rem3A_421 : i32
        %eq3A_423 = arith.constant 0 : i32
        %eq3A_424 = arith.cmpi eq, %rem3A_422, %eq3A_423 : i32
        %convert_element_type3A_425 = arith.extui %eq3A_424 : i1 to i32
        %cond3A_426 = arith.constant 0 : i32
        %cond3A_427 = arith.cmpi ne, %convert_element_type3A_425, %cond3A_426 : i32
        scf.if %cond3A_427 {
          %jit3A_435 = arith.constant 2 : i32
          %eq3A_436 = arith.constant 0 : i32
          %eq3A_437 = arith.cmpi eq, %jit3A_435, %eq3A_436 : i32
          %jit3A_438 = arith.constant 1 : i32
          %select_n3A_439 = arith.select %eq3A_437, %jit3A_438, %jit3A_435 : i32
          %rem3A_440 = arith.remsi %add3A_420, %select_n3A_439 : i32
          %ne3A_441 = arith.constant 0 : i32
          %ne3A_442 = arith.cmpi ne, %rem3A_440, %ne3A_441 : i32
          %lt3A_443 = arith.constant 0 : i32
          %lt3A_444 = arith.cmpi slt, %rem3A_440, %lt3A_443 : i32
          %lt3A_445 = arith.constant 0 : i32
          %lt3A_446 = arith.cmpi slt, %select_n3A_439, %lt3A_445 : i32
          %ne3A_447 = arith.xori %lt3A_444, %lt3A_446 : i1
          %and3A_448 = arith.andi %ne3A_447, %ne3A_442 : i1
          %add3A_449 = arith.addi %rem3A_440, %select_n3A_439 : i32
          %select_n3A_450 = arith.select %and3A_448, %add3A_449, %rem3A_440 : i32
          %mul3A_451 = arith.constant 16 : i32
          %mul3A_452 = arith.muli %select_n3A_450, %mul3A_451 : i32
          %mul3A_453 = arith.constant 16 : i32
          %mul3A_454 = arith.muli %add3A_420, %mul3A_453 : i32
          %add3A_455 = arith.addi %mul3A_47, %mul3A_454 : i32
          %dma_start3A_456 = arith.constant 0 : i32
          %dma_start3A_457 = tpu.memref_slice %arg6[%mul3A_452, %dma_start3A_456] : memref<32x128xi32, #tpu.memory_space<vmem>> -> memref<16x128xi32, #tpu.memory_space<vmem>>
          %dma_start3A_458 = arith.constant 0 : i32
          %dma_start3A_459 = tpu.memref_slice %arg3[%add3A_455, %dma_start3A_458] : memref<2560x128xi32, #tpu.memory_space<hbm>> -> memref<16x128xi32, #tpu.memory_space<hbm>>
          %dma_start3A_460 = arith.constant 0 : i32
          %dma_start3A_461 = tpu.memref_slice %arg6[%mul3A_452, %dma_start3A_460] : memref<32x128xi32, #tpu.memory_space<vmem>> -> memref<16x128xi32, #tpu.memory_space<vmem>>
          %dma_start3A_462 = arith.constant 0 : i32
          %dma_start3A_463 = tpu.memref_slice %arg3[%add3A_455, %dma_start3A_462] : memref<2560x128xi32, #tpu.memory_space<hbm>> -> memref<16x128xi32, #tpu.memory_space<hbm>>
          tpu.enqueue_dma source(%dma_start3A_463 : memref<16x128xi32, #tpu.memory_space<hbm>>) target(%dma_start3A_461 : memref<16x128xi32, #tpu.memory_space<vmem>>) target_semaphore(%arg13 : memref<!tpu.dma_semaphore, #tpu.memory_space<semaphore_mem>>)
          %mul3A_464 = arith.constant 16 : i32
          %mul3A_465 = arith.muli %add3A_420, %mul3A_464 : i32
          %add3A_466 = arith.addi %mul3A_47, %mul3A_465 : i32
          %dma_start3A_467 = arith.constant 0 : i32
          %dma_start3A_468 = tpu.memref_slice %arg7[%mul3A_452, %dma_start3A_467] : memref<32x128xi32, #tpu.memory_space<vmem>> -> memref<16x128xi32, #tpu.memory_space<vmem>>
          %dma_start3A_469 = arith.constant 0 : i32
          %dma_start3A_470 = tpu.memref_slice %arg4[%add3A_466, %dma_start3A_469] : memref<2560x128xi32, #tpu.memory_space<hbm>> -> memref<16x128xi32, #tpu.memory_space<hbm>>
          %dma_start3A_471 = arith.constant 0 : i32
          %dma_start3A_472 = tpu.memref_slice %arg7[%mul3A_452, %dma_start3A_471] : memref<32x128xi32, #tpu.memory_space<vmem>> -> memref<16x128xi32, #tpu.memory_space<vmem>>
          %dma_start3A_473 = arith.constant 0 : i32
          %dma_start3A_474 = tpu.memref_slice %arg4[%add3A_466, %dma_start3A_473] : memref<2560x128xi32, #tpu.memory_space<hbm>> -> memref<16x128xi32, #tpu.memory_space<hbm>>
          tpu.enqueue_dma source(%dma_start3A_474 : memref<16x128xi32, #tpu.memory_space<hbm>>) target(%dma_start3A_472 : memref<16x128xi32, #tpu.memory_space<vmem>>) target_semaphore(%arg13 : memref<!tpu.dma_semaphore, #tpu.memory_space<semaphore_mem>>)
        } else {
        }
        %rem3A_428 = arith.constant 2 : i32
        %rem3A_429 = arith.remsi %add3A_420, %rem3A_428 : i32
        %eq3A_430 = arith.constant 1 : i32
        %eq3A_431 = arith.cmpi eq, %rem3A_429, %eq3A_430 : i32
        %convert_element_type3A_432 = arith.extui %eq3A_431 : i1 to i32
        %cond3A_433 = arith.constant 0 : i32
        %cond3A_434 = arith.cmpi ne, %convert_element_type3A_432, %cond3A_433 : i32
        scf.if %cond3A_434 {
          %jit3A_435 = arith.constant 2 : i32
          %eq3A_436 = arith.constant 0 : i32
          %eq3A_437 = arith.cmpi eq, %jit3A_435, %eq3A_436 : i32
          %jit3A_438 = arith.constant 1 : i32
          %select_n3A_439 = arith.select %eq3A_437, %jit3A_438, %jit3A_435 : i32
          %rem3A_440 = arith.remsi %add3A_420, %select_n3A_439 : i32
          %ne3A_441 = arith.constant 0 : i32
          %ne3A_442 = arith.cmpi ne, %rem3A_440, %ne3A_441 : i32
          %lt3A_443 = arith.constant 0 : i32
          %lt3A_444 = arith.cmpi slt, %rem3A_440, %lt3A_443 : i32
          %lt3A_445 = arith.constant 0 : i32
          %lt3A_446 = arith.cmpi slt, %select_n3A_439, %lt3A_445 : i32
          %ne3A_447 = arith.xori %lt3A_444, %lt3A_446 : i1
          %and3A_448 = arith.andi %ne3A_447, %ne3A_442 : i1
          %add3A_449 = arith.addi %rem3A_440, %select_n3A_439 : i32
          %select_n3A_450 = arith.select %and3A_448, %add3A_449, %rem3A_440 : i32
          %mul3A_451 = arith.constant 16 : i32
          %mul3A_452 = arith.muli %select_n3A_450, %mul3A_451 : i32
          %mul3A_453 = arith.constant 16 : i32
          %mul3A_454 = arith.muli %add3A_420, %mul3A_453 : i32
          %add3A_455 = arith.addi %mul3A_47, %mul3A_454 : i32
          %dma_start3A_456 = arith.constant 0 : i32
          %dma_start3A_457 = tpu.memref_slice %arg6[%mul3A_452, %dma_start3A_456] : memref<32x128xi32, #tpu.memory_space<vmem>> -> memref<16x128xi32, #tpu.memory_space<vmem>>
          %dma_start3A_458 = arith.constant 0 : i32
          %dma_start3A_459 = tpu.memref_slice %arg3[%add3A_455, %dma_start3A_458] : memref<2560x128xi32, #tpu.memory_space<hbm>> -> memref<16x128xi32, #tpu.memory_space<hbm>>
          %dma_start3A_460 = arith.constant 0 : i32
          %dma_start3A_461 = tpu.memref_slice %arg6[%mul3A_452, %dma_start3A_460] : memref<32x128xi32, #tpu.memory_space<vmem>> -> memref<16x128xi32, #tpu.memory_space<vmem>>
          %dma_start3A_462 = arith.constant 0 : i32
          %dma_start3A_463 = tpu.memref_slice %arg3[%add3A_455, %dma_start3A_462] : memref<2560x128xi32, #tpu.memory_space<hbm>> -> memref<16x128xi32, #tpu.memory_space<hbm>>
          tpu.enqueue_dma source(%dma_start3A_463 : memref<16x128xi32, #tpu.memory_space<hbm>>) target(%dma_start3A_461 : memref<16x128xi32, #tpu.memory_space<vmem>>) target_semaphore(%arg14 : memref<!tpu.dma_semaphore, #tpu.memory_space<semaphore_mem>>)
          %mul3A_464 = arith.constant 16 : i32
          %mul3A_465 = arith.muli %add3A_420, %mul3A_464 : i32
          %add3A_466 = arith.addi %mul3A_47, %mul3A_465 : i32
          %dma_start3A_467 = arith.constant 0 : i32
          %dma_start3A_468 = tpu.memref_slice %arg7[%mul3A_452, %dma_start3A_467] : memref<32x128xi32, #tpu.memory_space<vmem>> -> memref<16x128xi32, #tpu.memory_space<vmem>>
          %dma_start3A_469 = arith.constant 0 : i32
          %dma_start3A_470 = tpu.memref_slice %arg4[%add3A_466, %dma_start3A_469] : memref<2560x128xi32, #tpu.memory_space<hbm>> -> memref<16x128xi32, #tpu.memory_space<hbm>>
          %dma_start3A_471 = arith.constant 0 : i32
          %dma_start3A_472 = tpu.memref_slice %arg7[%mul3A_452, %dma_start3A_471] : memref<32x128xi32, #tpu.memory_space<vmem>> -> memref<16x128xi32, #tpu.memory_space<vmem>>
          %dma_start3A_473 = arith.constant 0 : i32
          %dma_start3A_474 = tpu.memref_slice %arg4[%add3A_466, %dma_start3A_473] : memref<2560x128xi32, #tpu.memory_space<hbm>> -> memref<16x128xi32, #tpu.memory_space<hbm>>
          tpu.enqueue_dma source(%dma_start3A_474 : memref<16x128xi32, #tpu.memory_space<hbm>>) target(%dma_start3A_472 : memref<16x128xi32, #tpu.memory_space<vmem>>) target_semaphore(%arg14 : memref<!tpu.dma_semaphore, #tpu.memory_space<semaphore_mem>>)
        } else {
        }
      } else {
      }
    }
    %scan3A_171 = arith.constant 40 : i32
    %barrier3A_172 = arith.constant 0 : index
    tpu.barrier barrier_id(%barrier3A_172)
    "tpu.region"() ({
      %run_scoped3A = tpu.sem_alloc : memref<!tpu.dma_semaphore, #tpu.memory_space<semaphore_mem>>
      %dma_start3A_178 = arith.constant 0 : i32
      %dma_start3A_179 = arith.constant 0 : i32
      %dma_start3A_180 = tpu.memref_slice %arg5[%arg0, %dma_start3A_178, %dma_start3A_179] : memref<2x10000x128xf32, #tpu.memory_space<hbm>> -> memref<1x10000x128xf32, #tpu.memory_space<hbm>>
      %dma_start3A_181 = tpu.memref_squeeze %dma_start3A_180 : memref<1x10000x128xf32, #tpu.memory_space<hbm>> -> memref<10000x128xf32, #tpu.memory_space<hbm>>
      %dma_start3A_182 = arith.constant 0 : i32
      %dma_start3A_183 = tpu.memref_slice %dma_start3A_181[%mul3A_0, %dma_start3A_182] : memref<10000x128xf32, #tpu.memory_space<hbm>> -> memref<624x128xf32, #tpu.memory_space<hbm>>
      %dma_start3A_184 = arith.constant 0 : i32
      %dma_start3A_185 = tpu.memref_slice %arg10[%mul3A_0, %dma_start3A_184] : memref<10096x128xf32, #tpu.memory_space<vmem_shared>> -> memref<624x128xf32, #tpu.memory_space<vmem_shared>>
      tpu.enqueue_dma source(%dma_start3A_185 : memref<624x128xf32, #tpu.memory_space<vmem_shared>>) target(%dma_start3A_183 : memref<624x128xf32, #tpu.memory_space<hbm>>) target_semaphore(%run_scoped3A : memref<!tpu.dma_semaphore, #tpu.memory_space<semaphore_mem>>)
      %dma_wait3A_186 = arith.constant 0 : i32
      %dma_wait3A_187 = arith.constant 0 : i32
      %dma_wait3A_188 = tpu.memref_slice %arg5[%arg0, %dma_wait3A_186, %dma_wait3A_187] : memref<2x10000x128xf32, #tpu.memory_space<hbm>> -> memref<1x10000x128xf32, #tpu.memory_space<hbm>>
      %dma_wait3A_189 = tpu.memref_squeeze %dma_wait3A_188 : memref<1x10000x128xf32, #tpu.memory_space<hbm>> -> memref<10000x128xf32, #tpu.memory_space<hbm>>
      %dma_wait3A_190 = arith.constant 0 : i32
      %dma_wait3A_191 = tpu.memref_slice %dma_wait3A_189[%mul3A_0, %dma_wait3A_190] : memref<10000x128xf32, #tpu.memory_space<hbm>> -> memref<624x128xf32, #tpu.memory_space<hbm>>
      %dma_wait3A_192 = arith.constant 0 : i32
      %dma_wait3A_193 = tpu.memref_slice %arg10[%mul3A_0, %dma_wait3A_192] : memref<10096x128xf32, #tpu.memory_space<vmem_shared>> -> memref<624x128xf32, #tpu.memory_space<vmem_shared>>
      tpu.wait_dma2 semaphore(%run_scoped3A : memref<!tpu.dma_semaphore, #tpu.memory_space<semaphore_mem>>) src(%dma_wait3A_193 : memref<624x128xf32, #tpu.memory_space<vmem_shared>>) dst(%dma_wait3A_191 : memref<624x128xf32, #tpu.memory_space<hbm>>)
      tpu.yield
    }) : () -> ()
    %eq3A_173 = arith.constant 15 : i32
    %eq3A_174 = arith.cmpi eq, %arg1, %eq3A_173 : i32
    %convert_element_type3A_175 = arith.extui %eq3A_174 : i1 to i32
    %cond3A_176 = arith.constant 0 : i32
    %cond3A_177 = arith.cmpi ne, %convert_element_type3A_175, %cond3A_176 : i32
    scf.if %cond3A_177 {
      "tpu.region"() ({
        %run_scoped3A = tpu.sem_alloc : memref<!tpu.dma_semaphore, #tpu.memory_space<semaphore_mem>>
        %dma_start3A_178 = arith.constant 0 : i32
        %dma_start3A_179 = arith.constant 0 : i32
        %dma_start3A_180 = tpu.memref_slice %arg5[%arg0, %dma_start3A_178, %dma_start3A_179] : memref<2x10000x128xf32, #tpu.memory_space<hbm>> -> memref<1x10000x128xf32, #tpu.memory_space<hbm>>
        %dma_start3A_181 = tpu.memref_squeeze %dma_start3A_180 : memref<1x10000x128xf32, #tpu.memory_space<hbm>> -> memref<10000x128xf32, #tpu.memory_space<hbm>>
        %dma_start3A_182 = arith.constant 9984 : i32
        %dma_start3A_183 = arith.constant 0 : i32
        %dma_start3A_184 = tpu.memref_slice %dma_start3A_181[%dma_start3A_182, %dma_start3A_183] : memref<10000x128xf32, #tpu.memory_space<hbm>> -> memref<16x128xf32, #tpu.memory_space<hbm>>
        %dma_start3A_185 = arith.constant 9984 : i32
        %dma_start3A_186 = arith.constant 0 : i32
        %dma_start3A_187 = tpu.memref_slice %arg10[%dma_start3A_185, %dma_start3A_186] : memref<10096x128xf32, #tpu.memory_space<vmem_shared>> -> memref<16x128xf32, #tpu.memory_space<vmem_shared>>
        tpu.enqueue_dma source(%dma_start3A_187 : memref<16x128xf32, #tpu.memory_space<vmem_shared>>) target(%dma_start3A_184 : memref<16x128xf32, #tpu.memory_space<hbm>>) target_semaphore(%run_scoped3A : memref<!tpu.dma_semaphore, #tpu.memory_space<semaphore_mem>>)
        %dma_wait3A_188 = arith.constant 0 : i32
        %dma_wait3A_189 = arith.constant 0 : i32
        %dma_wait3A_190 = tpu.memref_slice %arg5[%arg0, %dma_wait3A_188, %dma_wait3A_189] : memref<2x10000x128xf32, #tpu.memory_space<hbm>> -> memref<1x10000x128xf32, #tpu.memory_space<hbm>>
        %dma_wait3A_191 = tpu.memref_squeeze %dma_wait3A_190 : memref<1x10000x128xf32, #tpu.memory_space<hbm>> -> memref<10000x128xf32, #tpu.memory_space<hbm>>
        %dma_wait3A_192 = arith.constant 9984 : i32
        %dma_wait3A_193 = arith.constant 0 : i32
        %dma_wait3A_194 = tpu.memref_slice %dma_wait3A_191[%dma_wait3A_192, %dma_wait3A_193] : memref<10000x128xf32, #tpu.memory_space<hbm>> -> memref<16x128xf32, #tpu.memory_space<hbm>>
        %dma_wait3A_195 = arith.constant 9984 : i32
        %dma_wait3A_196 = arith.constant 0 : i32
        %dma_wait3A_197 = tpu.memref_slice %arg10[%dma_wait3A_195, %dma_wait3A_196] : memref<10096x128xf32, #tpu.memory_space<vmem_shared>> -> memref<16x128xf32, #tpu.memory_space<vmem_shared>>
        tpu.wait_dma2 semaphore(%run_scoped3A : memref<!tpu.dma_semaphore, #tpu.memory_space<semaphore_mem>>) src(%dma_wait3A_197 : memref<16x128xf32, #tpu.memory_space<vmem_shared>>) dst(%dma_wait3A_194 : memref<16x128xf32, #tpu.memory_space<hbm>>)
        tpu.yield
      }) : () -> ()
    } else {
    }
    return
  }
}

#map = affine_map<(d0, d1) -> (0, 0, 0)>
#map1 = affine_map<(d0, d1) -> (0, 0)>
module attributes {stable_mosaic.version = 14 : i64} {
  func.func @agg(%arg0: i32, %arg1: i32, %arg2: memref<2x10000x128xf32, #tpu.memory_space<hbm>>, %arg3: memref<2560x128xi32, #tpu.memory_space<hbm>>, %arg4: memref<2560x128xi32, #tpu.memory_space<hbm>>, %arg5: memref<2x10000x128xf32, #tpu.memory_space<hbm>>, %arg6: memref<32x128xi32, #tpu.memory_space<vmem>>, %arg7: memref<32x128xi32, #tpu.memory_space<vmem>>, %arg8: memref<128x128xf32, #tpu.memory_space<vmem>>, %arg9: memref<128x128xf32, #tpu.memory_space<vmem>>, %arg10: memref<10096x128xf32, #tpu.memory_space<vmem_shared>>, %arg11: memref<!tpu.dma_semaphore, #tpu.memory_space<semaphore_mem>>, %arg12: memref<!tpu.dma_semaphore, #tpu.memory_space<semaphore_mem>>, %arg13: memref<!tpu.dma_semaphore, #tpu.memory_space<semaphore_mem>>, %arg14: memref<!tpu.dma_semaphore, #tpu.memory_space<semaphore_mem>>) attributes {dimension_semantics = [#tpu.dimension_semantics<core_parallel>, #tpu.dimension_semantics<subcore_parallel>], iteration_bounds = array<i64: 2, 16>, scalar_prefetch = 0 : i64, scratch_operands = 9 : i64, tpu.core_type = #tpu.core_type<sc_vector_subcore>, window_params = [{transform_indices = #map}, {transform_indices = #map1}, {transform_indices = #map1}, {transform_indices = #map}]} {
    %mul3A = arith.constant 624 : i32
    %mul3A_0 = arith.muli %arg1, %mul3A : i32
    %broadcast_in_dim3A = arith.constant 0.000000e+00 : f32
    %broadcast_in_dim3A_1 = vector.broadcast %broadcast_in_dim3A : f32 to vector<16xf32>
    %scan3A = arith.constant 0 : i32
    %scan3A_2 = arith.constant 0 : i32
    %scan3A_3 = arith.constant 128 : i32
    %scan3A_4 = arith.addi %scan3A_2, %scan3A_3 : i32
    %scan3A_5 = arith.constant 1 : i32
    scf.for %scan3A_173 = %scan3A_2 to %scan3A_4 step %scan3A_5  : i32 {
      %swap3A = arith.index_cast %scan3A_173 : i32 to index
      %swap3A_174 = arith.constant 0 : index
      %swap3A_175 = tpu.vector_load %arg8[%swap3A, %swap3A_174] {strides = array<i32>} : memref<128x128xf32, #tpu.memory_space<vmem>>, vector<1x16xf32>,
      %swap3A_176 = vector.shape_cast %swap3A_175 : vector<1x16xf32> to vector<16xf32>
      %swap3A_177 = vector.shape_cast %broadcast_in_dim3A_1 : vector<16xf32> to vector<1x16xf32>
      tpu.vector_store %arg8[%swap3A, %swap3A_174], %swap3A_177 {strides = array<i32>} : memref<128x128xf32, #tpu.memory_space<vmem>>, vector<1x16xf32>,
      %swap3A_178 = arith.index_cast %scan3A_173 : i32 to index
      %swap3A_179 = arith.constant 16 : index
      %swap3A_180 = tpu.vector_load %arg8[%swap3A_178, %swap3A_179] {strides = array<i32>} : memref<128x128xf32, #tpu.memory_space<vmem>>, vector<1x16xf32>,
      %swap3A_181 = vector.shape_cast %swap3A_180 : vector<1x16xf32> to vector<16xf32>
      %swap3A_182 = vector.shape_cast %broadcast_in_dim3A_1 : vector<16xf32> to vector<1x16xf32>
      tpu.vector_store %arg8[%swap3A_178, %swap3A_179], %swap3A_182 {strides = array<i32>} : memref<128x128xf32, #tpu.memory_space<vmem>>, vector<1x16xf32>,
      %swap3A_183 = arith.index_cast %scan3A_173 : i32 to index
      %swap3A_184 = arith.constant 32 : index
      %swap3A_185 = tpu.vector_load %arg8[%swap3A_183, %swap3A_184] {strides = array<i32>} : memref<128x128xf32, #tpu.memory_space<vmem>>, vector<1x16xf32>,
      %swap3A_186 = vector.shape_cast %swap3A_185 : vector<1x16xf32> to vector<16xf32>
      %swap3A_187 = vector.shape_cast %broadcast_in_dim3A_1 : vector<16xf32> to vector<1x16xf32>
      tpu.vector_store %arg8[%swap3A_183, %swap3A_184], %swap3A_187 {strides = array<i32>} : memref<128x128xf32, #tpu.memory_space<vmem>>, vector<1x16xf32>,
      %swap3A_188 = arith.index_cast %scan3A_173 : i32 to index
      %swap3A_189 = arith.constant 48 : index
      %swap3A_190 = tpu.vector_load %arg8[%swap3A_188, %swap3A_189] {strides = array<i32>} : memref<128x128xf32, #tpu.memory_space<vmem>>, vector<1x16xf32>,
      %swap3A_191 = vector.shape_cast %swap3A_190 : vector<1x16xf32> to vector<16xf32>
      %swap3A_192 = vector.shape_cast %broadcast_in_dim3A_1 : vector<16xf32> to vector<1x16xf32>
      tpu.vector_store %arg8[%swap3A_188, %swap3A_189], %swap3A_192 {strides = array<i32>} : memref<128x128xf32, #tpu.memory_space<vmem>>, vector<1x16xf32>,
      %swap3A_193 = arith.index_cast %scan3A_173 : i32 to index
      %swap3A_194 = arith.constant 64 : index
      %swap3A_195 = tpu.vector_load %arg8[%swap3A_193, %swap3A_194] {strides = array<i32>} : memref<128x128xf32, #tpu.memory_space<vmem>>, vector<1x16xf32>,
      %swap3A_196 = vector.shape_cast %swap3A_195 : vector<1x16xf32> to vector<16xf32>
      %swap3A_197 = vector.shape_cast %broadcast_in_dim3A_1 : vector<16xf32> to vector<1x16xf32>
      tpu.vector_store %arg8[%swap3A_193, %swap3A_194], %swap3A_197 {strides = array<i32>} : memref<128x128xf32, #tpu.memory_space<vmem>>, vector<1x16xf32>,
      %swap3A_198 = arith.index_cast %scan3A_173 : i32 to index
      %swap3A_199 = arith.constant 80 : index
      %swap3A_200 = tpu.vector_load %arg8[%swap3A_198, %swap3A_199] {strides = array<i32>} : memref<128x128xf32, #tpu.memory_space<vmem>>, vector<1x16xf32>,
      %swap3A_201 = vector.shape_cast %swap3A_200 : vector<1x16xf32> to vector<16xf32>
      %swap3A_202 = vector.shape_cast %broadcast_in_dim3A_1 : vector<16xf32> to vector<1x16xf32>
      tpu.vector_store %arg8[%swap3A_198, %swap3A_199], %swap3A_202 {strides = array<i32>} : memref<128x128xf32, #tpu.memory_space<vmem>>, vector<1x16xf32>,
      %swap3A_203 = arith.index_cast %scan3A_173 : i32 to index
      %swap3A_204 = arith.constant 96 : index
      %swap3A_205 = tpu.vector_load %arg8[%swap3A_203, %swap3A_204] {strides = array<i32>} : memref<128x128xf32, #tpu.memory_space<vmem>>, vector<1x16xf32>,
      %swap3A_206 = vector.shape_cast %swap3A_205 : vector<1x16xf32> to vector<16xf32>
      %swap3A_207 = vector.shape_cast %broadcast_in_dim3A_1 : vector<16xf32> to vector<1x16xf32>
      tpu.vector_store %arg8[%swap3A_203, %swap3A_204], %swap3A_207 {strides = array<i32>} : memref<128x128xf32, #tpu.memory_space<vmem>>, vector<1x16xf32>,
      %swap3A_208 = arith.index_cast %scan3A_173 : i32 to index
      %swap3A_209 = arith.constant 112 : index
      %swap3A_210 = tpu.vector_load %arg8[%swap3A_208, %swap3A_209] {strides = array<i32>} : memref<128x128xf32, #tpu.memory_space<vmem>>, vector<1x16xf32>,
      %swap3A_211 = vector.shape_cast %swap3A_210 : vector<1x16xf32> to vector<16xf32>
      %swap3A_212 = vector.shape_cast %broadcast_in_dim3A_1 : vector<16xf32> to vector<1x16xf32>
      tpu.vector_store %arg8[%swap3A_208, %swap3A_209], %swap3A_212 {strides = array<i32>} : memref<128x128xf32, #tpu.memory_space<vmem>>, vector<1x16xf32>,
    }
    %scan3A_6 = arith.constant 128 : i32
    %add3A = arith.constant 0 : i32
    %add3A_7 = arith.addi %mul3A_0, %add3A : i32
    %dma_start3A = arith.constant 0 : i32
    %dma_start3A_8 = tpu.memref_slice %arg10[%add3A_7, %dma_start3A] : memref<10096x128xf32, #tpu.memory_space<vmem_shared>> -> memref<128x128xf32, #tpu.memory_space<vmem_shared>>
    %dma_start3A_9 = arith.constant 0 : i32
    %dma_start3A_10 = tpu.memref_slice %arg10[%add3A_7, %dma_start3A_9] : memref<10096x128xf32, #tpu.memory_space<vmem_shared>> -> memref<128x128xf32, #tpu.memory_space<vmem_shared>>
    tpu.enqueue_dma source(%arg8 : memref<128x128xf32, #tpu.memory_space<vmem>>) target(%dma_start3A_10 : memref<128x128xf32, #tpu.memory_space<vmem_shared>>) target_semaphore(%arg12 : memref<!tpu.dma_semaphore, #tpu.memory_space<semaphore_mem>>)
    %add3A_11 = arith.constant 128 : i32
    %add3A_12 = arith.addi %mul3A_0, %add3A_11 : i32
    %dma_start3A_13 = arith.constant 0 : i32
    %dma_start3A_14 = tpu.memref_slice %arg10[%add3A_12, %dma_start3A_13] : memref<10096x128xf32, #tpu.memory_space<vmem_shared>> -> memref<128x128xf32, #tpu.memory_space<vmem_shared>>
    %dma_start3A_15 = arith.constant 0 : i32
    %dma_start3A_16 = tpu.memref_slice %arg10[%add3A_12, %dma_start3A_15] : memref<10096x128xf32, #tpu.memory_space<vmem_shared>> -> memref<128x128xf32, #tpu.memory_space<vmem_shared>>
    tpu.enqueue_dma source(%arg8 : memref<128x128xf32, #tpu.memory_space<vmem>>) target(%dma_start3A_16 : memref<128x128xf32, #tpu.memory_space<vmem_shared>>) target_semaphore(%arg12 : memref<!tpu.dma_semaphore, #tpu.memory_space<semaphore_mem>>)
    %add3A_17 = arith.constant 256 : i32
    %add3A_18 = arith.addi %mul3A_0, %add3A_17 : i32
    %dma_start3A_19 = arith.constant 0 : i32
    %dma_start3A_20 = tpu.memref_slice %arg10[%add3A_18, %dma_start3A_19] : memref<10096x128xf32, #tpu.memory_space<vmem_shared>> -> memref<128x128xf32, #tpu.memory_space<vmem_shared>>
    %dma_start3A_21 = arith.constant 0 : i32
    %dma_start3A_22 = tpu.memref_slice %arg10[%add3A_18, %dma_start3A_21] : memref<10096x128xf32, #tpu.memory_space<vmem_shared>> -> memref<128x128xf32, #tpu.memory_space<vmem_shared>>
    tpu.enqueue_dma source(%arg8 : memref<128x128xf32, #tpu.memory_space<vmem>>) target(%dma_start3A_22 : memref<128x128xf32, #tpu.memory_space<vmem_shared>>) target_semaphore(%arg12 : memref<!tpu.dma_semaphore, #tpu.memory_space<semaphore_mem>>)
    %add3A_23 = arith.constant 384 : i32
    %add3A_24 = arith.addi %mul3A_0, %add3A_23 : i32
    %dma_start3A_25 = arith.constant 0 : i32
    %dma_start3A_26 = tpu.memref_slice %arg10[%add3A_24, %dma_start3A_25] : memref<10096x128xf32, #tpu.memory_space<vmem_shared>> -> memref<128x128xf32, #tpu.memory_space<vmem_shared>>
    %dma_start3A_27 = arith.constant 0 : i32
    %dma_start3A_28 = tpu.memref_slice %arg10[%add3A_24, %dma_start3A_27] : memref<10096x128xf32, #tpu.memory_space<vmem_shared>> -> memref<128x128xf32, #tpu.memory_space<vmem_shared>>
    tpu.enqueue_dma source(%arg8 : memref<128x128xf32, #tpu.memory_space<vmem>>) target(%dma_start3A_28 : memref<128x128xf32, #tpu.memory_space<vmem_shared>>) target_semaphore(%arg12 : memref<!tpu.dma_semaphore, #tpu.memory_space<semaphore_mem>>)
    %add3A_29 = arith.constant 512 : i32
    %add3A_30 = arith.addi %mul3A_0, %add3A_29 : i32
    %dma_start3A_31 = arith.constant 0 : i32
    %dma_start3A_32 = arith.constant 0 : i32
    %dma_start3A_33 = tpu.memref_slice %arg8[%dma_start3A_31, %dma_start3A_32] : memref<128x128xf32, #tpu.memory_space<vmem>> -> memref<112x128xf32, #tpu.memory_space<vmem>>
    %dma_start3A_34 = arith.constant 0 : i32
    %dma_start3A_35 = tpu.memref_slice %arg10[%add3A_30, %dma_start3A_34] : memref<10096x128xf32, #tpu.memory_space<vmem_shared>> -> memref<112x128xf32, #tpu.memory_space<vmem_shared>>
    %dma_start3A_36 = arith.constant 0 : i32
    %dma_start3A_37 = tpu.memref_slice %arg10[%add3A_30, %dma_start3A_36] : memref<10096x128xf32, #tpu.memory_space<vmem_shared>> -> memref<112x128xf32, #tpu.memory_space<vmem_shared>>
    %dma_start3A_38 = arith.constant 0 : i32
    %dma_start3A_39 = arith.constant 0 : i32
    %dma_start3A_40 = tpu.memref_slice %arg8[%dma_start3A_38, %dma_start3A_39] : memref<128x128xf32, #tpu.memory_space<vmem>> -> memref<112x128xf32, #tpu.memory_space<vmem>>
    tpu.enqueue_dma source(%dma_start3A_40 : memref<112x128xf32, #tpu.memory_space<vmem>>) target(%dma_start3A_37 : memref<112x128xf32, #tpu.memory_space<vmem_shared>>) target_semaphore(%arg12 : memref<!tpu.dma_semaphore, #tpu.memory_space<semaphore_mem>>)
    %eq3A = arith.constant 15 : i32
    %eq3A_41 = arith.cmpi eq, %arg1, %eq3A : i32
    %convert_element_type3A = arith.extui %eq3A_41 : i1 to i32
    %cond3A = arith.constant 0 : i32
    %cond3A_42 = arith.cmpi ne, %convert_element_type3A, %cond3A : i32
    scf.if %cond3A_42 {
      %dma_start3A_173 = arith.constant 0 : i32
      %dma_start3A_174 = arith.constant 0 : i32
      %dma_start3A_175 = tpu.memref_slice %arg8[%dma_start3A_173, %dma_start3A_174] : memref<128x128xf32, #tpu.memory_space<vmem>> -> memref<112x128xf32, #tpu.memory_space<vmem>>
      %dma_start3A_176 = arith.constant 9984 : i32
      %dma_start3A_177 = arith.constant 0 : i32
      %dma_start3A_178 = tpu.memref_slice %arg10[%dma_start3A_176, %dma_start3A_177] : memref<10096x128xf32, #tpu.memory_space<vmem_shared>> -> memref<112x128xf32, #tpu.memory_space<vmem_shared>>
      %dma_start3A_179 = arith.constant 9984 : i32
      %dma_start3A_180 = arith.constant 0 : i32
      %dma_start3A_181 = tpu.memref_slice %arg10[%dma_start3A_179, %dma_start3A_180] : memref<10096x128xf32, #tpu.memory_space<vmem_shared>> -> memref<112x128xf32, #tpu.memory_space<vmem_shared>>
      %dma_start3A_182 = arith.constant 0 : i32
      %dma_start3A_183 = arith.constant 0 : i32
      %dma_start3A_184 = tpu.memref_slice %arg8[%dma_start3A_182, %dma_start3A_183] : memref<128x128xf32, #tpu.memory_space<vmem>> -> memref<112x128xf32, #tpu.memory_space<vmem>>
      tpu.enqueue_dma source(%dma_start3A_184 : memref<112x128xf32, #tpu.memory_space<vmem>>) target(%dma_start3A_181 : memref<112x128xf32, #tpu.memory_space<vmem_shared>>) target_semaphore(%arg12 : memref<!tpu.dma_semaphore, #tpu.memory_space<semaphore_mem>>)
    } else {
    }
    %mul3A_43 = arith.constant 160 : i32
    %mul3A_44 = arith.muli %arg1, %mul3A_43 : i32
    %add3A_45 = arith.constant 0 : i32
    %add3A_46 = arith.addi %mul3A_44, %add3A_45 : i32
    %dma_start3A_47 = arith.constant 0 : i32
    %dma_start3A_48 = arith.constant 0 : i32
    %dma_start3A_49 = tpu.memref_slice %arg6[%dma_start3A_47, %dma_start3A_48] : memref<32x128xi32, #tpu.memory_space<vmem>> -> memref<16x128xi32, #tpu.memory_space<vmem>>
    %dma_start3A_50 = arith.constant 0 : i32
    %dma_start3A_51 = tpu.memref_slice %arg3[%add3A_46, %dma_start3A_50] : memref<2560x128xi32, #tpu.memory_space<hbm>> -> memref<16x128xi32, #tpu.memory_space<hbm>>
    %dma_start3A_52 = arith.constant 0 : i32
    %dma_start3A_53 = arith.constant 0 : i32
    %dma_start3A_54 = tpu.memref_slice %arg6[%dma_start3A_52, %dma_start3A_53] : memref<32x128xi32, #tpu.memory_space<vmem>> -> memref<16x128xi32, #tpu.memory_space<vmem>>
    %dma_start3A_55 = arith.constant 0 : i32
    %dma_start3A_56 = tpu.memref_slice %arg3[%add3A_46, %dma_start3A_55] : memref<2560x128xi32, #tpu.memory_space<hbm>> -> memref<16x128xi32, #tpu.memory_space<hbm>>
    tpu.enqueue_dma source(%dma_start3A_56 : memref<16x128xi32, #tpu.memory_space<hbm>>) target(%dma_start3A_54 : memref<16x128xi32, #tpu.memory_space<vmem>>) target_semaphore(%arg13 : memref<!tpu.dma_semaphore, #tpu.memory_space<semaphore_mem>>)
    %add3A_57 = arith.constant 0 : i32
    %add3A_58 = arith.addi %mul3A_44, %add3A_57 : i32
    %dma_start3A_59 = arith.constant 0 : i32
    %dma_start3A_60 = arith.constant 0 : i32
    %dma_start3A_61 = tpu.memref_slice %arg7[%dma_start3A_59, %dma_start3A_60] : memref<32x128xi32, #tpu.memory_space<vmem>> -> memref<16x128xi32, #tpu.memory_space<vmem>>
    %dma_start3A_62 = arith.constant 0 : i32
    %dma_start3A_63 = tpu.memref_slice %arg4[%add3A_58, %dma_start3A_62] : memref<2560x128xi32, #tpu.memory_space<hbm>> -> memref<16x128xi32, #tpu.memory_space<hbm>>
    %dma_start3A_64 = arith.constant 0 : i32
    %dma_start3A_65 = arith.constant 0 : i32
    %dma_start3A_66 = tpu.memref_slice %arg7[%dma_start3A_64, %dma_start3A_65] : memref<32x128xi32, #tpu.memory_space<vmem>> -> memref<16x128xi32, #tpu.memory_space<vmem>>
    %dma_start3A_67 = arith.constant 0 : i32
    %dma_start3A_68 = tpu.memref_slice %arg4[%add3A_58, %dma_start3A_67] : memref<2560x128xi32, #tpu.memory_space<hbm>> -> memref<16x128xi32, #tpu.memory_space<hbm>>
    tpu.enqueue_dma source(%dma_start3A_68 : memref<16x128xi32, #tpu.memory_space<hbm>>) target(%dma_start3A_66 : memref<16x128xi32, #tpu.memory_space<vmem>>) target_semaphore(%arg13 : memref<!tpu.dma_semaphore, #tpu.memory_space<semaphore_mem>>)
    %add3A_69 = arith.constant 16 : i32
    %add3A_70 = arith.addi %mul3A_44, %add3A_69 : i32
    %dma_start3A_71 = arith.constant 16 : i32
    %dma_start3A_72 = arith.constant 0 : i32
    %dma_start3A_73 = tpu.memref_slice %arg6[%dma_start3A_71, %dma_start3A_72] : memref<32x128xi32, #tpu.memory_space<vmem>> -> memref<16x128xi32, #tpu.memory_space<vmem>>
    %dma_start3A_74 = arith.constant 0 : i32
    %dma_start3A_75 = tpu.memref_slice %arg3[%add3A_70, %dma_start3A_74] : memref<2560x128xi32, #tpu.memory_space<hbm>> -> memref<16x128xi32, #tpu.memory_space<hbm>>
    %dma_start3A_76 = arith.constant 16 : i32
    %dma_start3A_77 = arith.constant 0 : i32
    %dma_start3A_78 = tpu.memref_slice %arg6[%dma_start3A_76, %dma_start3A_77] : memref<32x128xi32, #tpu.memory_space<vmem>> -> memref<16x128xi32, #tpu.memory_space<vmem>>
    %dma_start3A_79 = arith.constant 0 : i32
    %dma_start3A_80 = tpu.memref_slice %arg3[%add3A_70, %dma_start3A_79] : memref<2560x128xi32, #tpu.memory_space<hbm>> -> memref<16x128xi32, #tpu.memory_space<hbm>>
    tpu.enqueue_dma source(%dma_start3A_80 : memref<16x128xi32, #tpu.memory_space<hbm>>) target(%dma_start3A_78 : memref<16x128xi32, #tpu.memory_space<vmem>>) target_semaphore(%arg14 : memref<!tpu.dma_semaphore, #tpu.memory_space<semaphore_mem>>)
    %add3A_81 = arith.constant 16 : i32
    %add3A_82 = arith.addi %mul3A_44, %add3A_81 : i32
    %dma_start3A_83 = arith.constant 16 : i32
    %dma_start3A_84 = arith.constant 0 : i32
    %dma_start3A_85 = tpu.memref_slice %arg7[%dma_start3A_83, %dma_start3A_84] : memref<32x128xi32, #tpu.memory_space<vmem>> -> memref<16x128xi32, #tpu.memory_space<vmem>>
    %dma_start3A_86 = arith.constant 0 : i32
    %dma_start3A_87 = tpu.memref_slice %arg4[%add3A_82, %dma_start3A_86] : memref<2560x128xi32, #tpu.memory_space<hbm>> -> memref<16x128xi32, #tpu.memory_space<hbm>>
    %dma_start3A_88 = arith.constant 16 : i32
    %dma_start3A_89 = arith.constant 0 : i32
    %dma_start3A_90 = tpu.memref_slice %arg7[%dma_start3A_88, %dma_start3A_89] : memref<32x128xi32, #tpu.memory_space<vmem>> -> memref<16x128xi32, #tpu.memory_space<vmem>>
    %dma_start3A_91 = arith.constant 0 : i32
    %dma_start3A_92 = tpu.memref_slice %arg4[%add3A_82, %dma_start3A_91] : memref<2560x128xi32, #tpu.memory_space<hbm>> -> memref<16x128xi32, #tpu.memory_space<hbm>>
    tpu.enqueue_dma source(%dma_start3A_92 : memref<16x128xi32, #tpu.memory_space<hbm>>) target(%dma_start3A_90 : memref<16x128xi32, #tpu.memory_space<vmem>>) target_semaphore(%arg14 : memref<!tpu.dma_semaphore, #tpu.memory_space<semaphore_mem>>)
    %dma_wait3A = arith.constant 0 : i32
    %dma_wait3A_93 = tpu.memref_slice %arg10[%mul3A_0, %dma_wait3A] : memref<10096x128xf32, #tpu.memory_space<vmem_shared>> -> memref<128x128xf32, #tpu.memory_space<vmem_shared>>
    %dma_wait3A_94 = arith.constant 0 : i32
    %dma_wait3A_95 = tpu.memref_slice %arg10[%mul3A_0, %dma_wait3A_94] : memref<10096x128xf32, #tpu.memory_space<vmem_shared>> -> memref<128x128xf32, #tpu.memory_space<vmem_shared>>
    tpu.wait_dma2 semaphore(%arg12 : memref<!tpu.dma_semaphore, #tpu.memory_space<semaphore_mem>>) src(%arg8 : memref<128x128xf32, #tpu.memory_space<vmem>>) dst(%dma_wait3A_95 : memref<128x128xf32, #tpu.memory_space<vmem_shared>>)
    %dma_wait3A_96 = arith.constant 0 : i32
    %dma_wait3A_97 = tpu.memref_slice %arg10[%mul3A_0, %dma_wait3A_96] : memref<10096x128xf32, #tpu.memory_space<vmem_shared>> -> memref<128x128xf32, #tpu.memory_space<vmem_shared>>
    %dma_wait3A_98 = arith.constant 0 : i32
    %dma_wait3A_99 = tpu.memref_slice %arg10[%mul3A_0, %dma_wait3A_98] : memref<10096x128xf32, #tpu.memory_space<vmem_shared>> -> memref<128x128xf32, #tpu.memory_space<vmem_shared>>
    tpu.wait_dma2 semaphore(%arg12 : memref<!tpu.dma_semaphore, #tpu.memory_space<semaphore_mem>>) src(%arg8 : memref<128x128xf32, #tpu.memory_space<vmem>>) dst(%dma_wait3A_99 : memref<128x128xf32, #tpu.memory_space<vmem_shared>>)
    %dma_wait3A_100 = arith.constant 0 : i32
    %dma_wait3A_101 = tpu.memref_slice %arg10[%mul3A_0, %dma_wait3A_100] : memref<10096x128xf32, #tpu.memory_space<vmem_shared>> -> memref<128x128xf32, #tpu.memory_space<vmem_shared>>
    %dma_wait3A_102 = arith.constant 0 : i32
    %dma_wait3A_103 = tpu.memref_slice %arg10[%mul3A_0, %dma_wait3A_102] : memref<10096x128xf32, #tpu.memory_space<vmem_shared>> -> memref<128x128xf32, #tpu.memory_space<vmem_shared>>
    tpu.wait_dma2 semaphore(%arg12 : memref<!tpu.dma_semaphore, #tpu.memory_space<semaphore_mem>>) src(%arg8 : memref<128x128xf32, #tpu.memory_space<vmem>>) dst(%dma_wait3A_103 : memref<128x128xf32, #tpu.memory_space<vmem_shared>>)
    %dma_wait3A_104 = arith.constant 0 : i32
    %dma_wait3A_105 = tpu.memref_slice %arg10[%mul3A_0, %dma_wait3A_104] : memref<10096x128xf32, #tpu.memory_space<vmem_shared>> -> memref<128x128xf32, #tpu.memory_space<vmem_shared>>
    %dma_wait3A_106 = arith.constant 0 : i32
    %dma_wait3A_107 = tpu.memref_slice %arg10[%mul3A_0, %dma_wait3A_106] : memref<10096x128xf32, #tpu.memory_space<vmem_shared>> -> memref<128x128xf32, #tpu.memory_space<vmem_shared>>
    tpu.wait_dma2 semaphore(%arg12 : memref<!tpu.dma_semaphore, #tpu.memory_space<semaphore_mem>>) src(%arg8 : memref<128x128xf32, #tpu.memory_space<vmem>>) dst(%dma_wait3A_107 : memref<128x128xf32, #tpu.memory_space<vmem_shared>>)
    %dma_wait3A_108 = arith.constant 0 : i32
    %dma_wait3A_109 = arith.constant 0 : i32
    %dma_wait3A_110 = tpu.memref_slice %arg8[%dma_wait3A_108, %dma_wait3A_109] : memref<128x128xf32, #tpu.memory_space<vmem>> -> memref<112x128xf32, #tpu.memory_space<vmem>>
    %dma_wait3A_111 = arith.constant 0 : i32
    %dma_wait3A_112 = tpu.memref_slice %arg10[%mul3A_0, %dma_wait3A_111] : memref<10096x128xf32, #tpu.memory_space<vmem_shared>> -> memref<112x128xf32, #tpu.memory_space<vmem_shared>>
    %dma_wait3A_113 = arith.constant 0 : i32
    %dma_wait3A_114 = tpu.memref_slice %arg10[%mul3A_0, %dma_wait3A_113] : memref<10096x128xf32, #tpu.memory_space<vmem_shared>> -> memref<112x128xf32, #tpu.memory_space<vmem_shared>>
    %dma_wait3A_115 = arith.constant 0 : i32
    %dma_wait3A_116 = arith.constant 0 : i32
    %dma_wait3A_117 = tpu.memref_slice %arg8[%dma_wait3A_115, %dma_wait3A_116] : memref<128x128xf32, #tpu.memory_space<vmem>> -> memref<112x128xf32, #tpu.memory_space<vmem>>
    tpu.wait_dma2 semaphore(%arg12 : memref<!tpu.dma_semaphore, #tpu.memory_space<semaphore_mem>>) src(%dma_wait3A_117 : memref<112x128xf32, #tpu.memory_space<vmem>>) dst(%dma_wait3A_114 : memref<112x128xf32, #tpu.memory_space<vmem_shared>>)
    %eq3A_118 = arith.constant 15 : i32
    %eq3A_119 = arith.cmpi eq, %arg1, %eq3A_118 : i32
    %convert_element_type3A_120 = arith.extui %eq3A_119 : i1 to i32
    %cond3A_121 = arith.constant 0 : i32
    %cond3A_122 = arith.cmpi ne, %convert_element_type3A_120, %cond3A_121 : i32
    scf.if %cond3A_122 {
      %dma_wait3A_173 = arith.constant 0 : i32
      %dma_wait3A_174 = arith.constant 0 : i32
      %dma_wait3A_175 = tpu.memref_slice %arg8[%dma_wait3A_173, %dma_wait3A_174] : memref<128x128xf32, #tpu.memory_space<vmem>> -> memref<112x128xf32, #tpu.memory_space<vmem>>
      %dma_wait3A_176 = arith.constant 0 : i32
      %dma_wait3A_177 = tpu.memref_slice %arg10[%mul3A_0, %dma_wait3A_176] : memref<10096x128xf32, #tpu.memory_space<vmem_shared>> -> memref<112x128xf32, #tpu.memory_space<vmem_shared>>
      %dma_wait3A_178 = arith.constant 0 : i32
      %dma_wait3A_179 = tpu.memref_slice %arg10[%mul3A_0, %dma_wait3A_178] : memref<10096x128xf32, #tpu.memory_space<vmem_shared>> -> memref<112x128xf32, #tpu.memory_space<vmem_shared>>
      %dma_wait3A_180 = arith.constant 0 : i32
      %dma_wait3A_181 = arith.constant 0 : i32
      %dma_wait3A_182 = tpu.memref_slice %arg8[%dma_wait3A_180, %dma_wait3A_181] : memref<128x128xf32, #tpu.memory_space<vmem>> -> memref<112x128xf32, #tpu.memory_space<vmem>>
      tpu.wait_dma2 semaphore(%arg12 : memref<!tpu.dma_semaphore, #tpu.memory_space<semaphore_mem>>) src(%dma_wait3A_182 : memref<112x128xf32, #tpu.memory_space<vmem>>) dst(%dma_wait3A_179 : memref<112x128xf32, #tpu.memory_space<vmem_shared>>)
    } else {
    }
    %barrier3A = arith.constant 0 : index
    tpu.barrier barrier_id(%barrier3A)
    %dma_wait3A_123 = arith.constant 0 : i32
    %dma_wait3A_124 = arith.constant 0 : i32
    %dma_wait3A_125 = tpu.memref_slice %arg6[%dma_wait3A_123, %dma_wait3A_124] : memref<32x128xi32, #tpu.memory_space<vmem>> -> memref<16x128xi32, #tpu.memory_space<vmem>>
    %dma_wait3A_126 = arith.constant 0 : i32
    %dma_wait3A_127 = arith.constant 0 : i32
    %dma_wait3A_128 = tpu.memref_slice %arg3[%dma_wait3A_126, %dma_wait3A_127] : memref<2560x128xi32, #tpu.memory_space<hbm>> -> memref<16x128xi32, #tpu.memory_space<hbm>>
    %dma_wait3A_129 = arith.constant 0 : i32
    %dma_wait3A_130 = arith.constant 0 : i32
    %dma_wait3A_131 = tpu.memref_slice %arg6[%dma_wait3A_129, %dma_wait3A_130] : memref<32x128xi32, #tpu.memory_space<vmem>> -> memref<16x128xi32, #tpu.memory_space<vmem>>
    %dma_wait3A_132 = arith.constant 0 : i32
    %dma_wait3A_133 = arith.constant 0 : i32
    %dma_wait3A_134 = tpu.memref_slice %arg3[%dma_wait3A_132, %dma_wait3A_133] : memref<2560x128xi32, #tpu.memory_space<hbm>> -> memref<16x128xi32, #tpu.memory_space<hbm>>
    tpu.wait_dma2 semaphore(%arg13 : memref<!tpu.dma_semaphore, #tpu.memory_space<semaphore_mem>>) src(%dma_wait3A_134 : memref<16x128xi32, #tpu.memory_space<hbm>>) dst(%dma_wait3A_131 : memref<16x128xi32, #tpu.memory_space<vmem>>)
    %dma_wait3A_135 = arith.constant 0 : i32
    %dma_wait3A_136 = arith.constant 0 : i32
    %dma_wait3A_137 = tpu.memref_slice %arg7[%dma_wait3A_135, %dma_wait3A_136] : memref<32x128xi32, #tpu.memory_space<vmem>> -> memref<16x128xi32, #tpu.memory_space<vmem>>
    %dma_wait3A_138 = arith.constant 0 : i32
    %dma_wait3A_139 = arith.constant 0 : i32
    %dma_wait3A_140 = tpu.memref_slice %arg4[%dma_wait3A_138, %dma_wait3A_139] : memref<2560x128xi32, #tpu.memory_space<hbm>> -> memref<16x128xi32, #tpu.memory_space<hbm>>
    %dma_wait3A_141 = arith.constant 0 : i32
    %dma_wait3A_142 = arith.constant 0 : i32
    %dma_wait3A_143 = tpu.memref_slice %arg7[%dma_wait3A_141, %dma_wait3A_142] : memref<32x128xi32, #tpu.memory_space<vmem>> -> memref<16x128xi32, #tpu.memory_space<vmem>>
    %dma_wait3A_144 = arith.constant 0 : i32
    %dma_wait3A_145 = arith.constant 0 : i32
    %dma_wait3A_146 = tpu.memref_slice %arg4[%dma_wait3A_144, %dma_wait3A_145] : memref<2560x128xi32, #tpu.memory_space<hbm>> -> memref<16x128xi32, #tpu.memory_space<hbm>>
    tpu.wait_dma2 semaphore(%arg13 : memref<!tpu.dma_semaphore, #tpu.memory_space<semaphore_mem>>) src(%dma_wait3A_146 : memref<16x128xi32, #tpu.memory_space<hbm>>) dst(%dma_wait3A_143 : memref<16x128xi32, #tpu.memory_space<vmem>>)
    %rem3A = arith.constant 0 : i32
    %rem3A_147 = arith.constant 16 : i32
    %rem3A_148 = arith.remsi %rem3A, %rem3A_147 : i32
    %add3A_149 = arith.constant 0 : i32
    %add3A_150 = arith.addi %add3A_149, %rem3A_148 : i32
    %dma_start3A_151 = arith.constant 0 : i32
    %dma_start3A_152 = tpu.memref_slice %arg6[%add3A_150, %dma_start3A_151] : memref<32x128xi32, #tpu.memory_space<vmem>> -> memref<1x128xi32, #tpu.memory_space<vmem>>
    %dma_start3A_153 = tpu.memref_squeeze %dma_start3A_152 : memref<1x128xi32, #tpu.memory_space<vmem>> -> memref<128xi32, #tpu.memory_space<vmem>>
    %dma_start3A_154 = arith.constant 0 : i32
    %dma_start3A_155 = arith.constant 0 : i32
    %dma_start3A_156 = tpu.memref_slice %arg2[%arg0, %dma_start3A_154, %dma_start3A_155] : memref<2x10000x128xf32, #tpu.memory_space<hbm>> -> memref<1x10000x128xf32, #tpu.memory_space<hbm>>
    %dma_start3A_157 = tpu.memref_squeeze %dma_start3A_156 : memref<1x10000x128xf32, #tpu.memory_space<hbm>> -> memref<10000x128xf32, #tpu.memory_space<hbm>>
    %dma_start3A_158 = arith.constant 0 : i32
    %dma_start3A_159 = arith.constant 0 : i32
    %dma_start3A_160 = tpu.memref_slice %dma_start3A_157[%dma_start3A_158, %dma_start3A_159] : memref<10000x128xf32, #tpu.memory_space<hbm>> -> memref<10000x128xf32, #tpu.memory_space<hbm>>
    tpu.enqueue_indirect_dma source(%dma_start3A_160 : memref<10000x128xf32, #tpu.memory_space<hbm>>) target(%arg8 : memref<128x128xf32, #tpu.memory_space<vmem>>) offsets(%dma_start3A_153 : memref<128xi32, #tpu.memory_space<vmem>>) semaphore(%arg11 : memref<!tpu.dma_semaphore, #tpu.memory_space<semaphore_mem>>)
    %scan3A_161 = arith.constant 0 : i32
    %scan3A_162 = arith.constant 0 : i32
    %scan3A_163 = arith.constant 80 : i32
    %scan3A_164 = arith.addi %scan3A_162, %scan3A_163 : i32
    %scan3A_165 = arith.constant 1 : i32
    scf.for %scan3A_173 = %scan3A_162 to %scan3A_164 step %scan3A_165  : i32 {
      %mul3A_174 = arith.constant 2 : i32
      %mul3A_175 = arith.muli %mul3A_174, %scan3A_173 : i32
      %add3A_176 = arith.constant 1 : i32
      %add3A_177 = arith.addi %mul3A_175, %add3A_176 : i32
      %add3A_178 = arith.constant 2 : i32
      %add3A_179 = arith.addi %mul3A_175, %add3A_178 : i32
      %jit3A = arith.constant 16 : i32
      %div3A = arith.divsi %add3A_177, %jit3A : i32
      %sign3A = arith.constant 0 : i32
      %sign3A_180 = arith.cmpi sgt, %add3A_177, %sign3A : i32
      %sign3A_181 = arith.extui %sign3A_180 : i1 to i32
      %sign3A_182 = arith.constant 0 : i32
      %sign3A_183 = arith.cmpi slt, %add3A_177, %sign3A_182 : i32
      %sign3A_184 = arith.extui %sign3A_183 : i1 to i32
      %sign3A_185 = arith.subi %sign3A_181, %sign3A_184 : i32
      %sign3A_186 = arith.constant 0 : i32
      %sign3A_187 = arith.cmpi sgt, %jit3A, %sign3A_186 : i32
      %sign3A_188 = arith.extui %sign3A_187 : i1 to i32
      %sign3A_189 = arith.constant 0 : i32
      %sign3A_190 = arith.cmpi slt, %jit3A, %sign3A_189 : i32
      %sign3A_191 = arith.extui %sign3A_190 : i1 to i32
      %sign3A_192 = arith.subi %sign3A_188, %sign3A_191 : i32
      %ne3A = arith.cmpi ne, %sign3A_185, %sign3A_192 : i32
      %rem3A_193 = arith.remsi %add3A_177, %jit3A : i32
      %ne3A_194 = arith.constant 0 : i32
      %ne3A_195 = arith.cmpi ne, %rem3A_193, %ne3A_194 : i32
      %and3A = arith.andi %ne3A, %ne3A_195 : i1
      %sub3A = arith.constant 1 : i32
      %sub3A_196 = arith.subi %div3A, %sub3A : i32
      %select_n3A = arith.select %and3A, %sub3A_196, %div3A : i32
      %jit3A_197 = arith.constant 2 : i32
      %eq3A_198 = arith.constant 0 : i32
      %eq3A_199 = arith.cmpi eq, %jit3A_197, %eq3A_198 : i32
      %jit3A_200 = arith.constant 1 : i32
      %select_n3A_201 = arith.select %eq3A_199, %jit3A_200, %jit3A_197 : i32
      %rem3A_202 = arith.remsi %select_n3A, %select_n3A_201 : i32
      %ne3A_203 = arith.constant 0 : i32
      %ne3A_204 = arith.cmpi ne, %rem3A_202, %ne3A_203 : i32
      %lt3A = arith.constant 0 : i32
      %lt3A_205 = arith.cmpi slt, %rem3A_202, %lt3A : i32
      %lt3A_206 = arith.constant 0 : i32
      %lt3A_207 = arith.cmpi slt, %select_n3A_201, %lt3A_206 : i32
      %ne3A_208 = arith.xori %lt3A_205, %lt3A_207 : i1
      %and3A_209 = arith.andi %ne3A_208, %ne3A_204 : i1
      %add3A_210 = arith.addi %rem3A_202, %select_n3A_201 : i32
      %select_n3A_211 = arith.select %and3A_209, %add3A_210, %rem3A_202 : i32
      %mul3A_212 = arith.constant 16 : i32
      %mul3A_213 = arith.muli %select_n3A_211, %mul3A_212 : i32
      %rem3A_214 = arith.constant 16 : i32
      %rem3A_215 = arith.remsi %add3A_177, %rem3A_214 : i32
      %add3A_216 = arith.addi %mul3A_213, %rem3A_215 : i32
      %dma_start3A_217 = arith.constant 0 : i32
      %dma_start3A_218 = tpu.memref_slice %arg6[%add3A_216, %dma_start3A_217] : memref<32x128xi32, #tpu.memory_space<vmem>> -> memref<1x128xi32, #tpu.memory_space<vmem>>
      %dma_start3A_219 = tpu.memref_squeeze %dma_start3A_218 : memref<1x128xi32, #tpu.memory_space<vmem>> -> memref<128xi32, #tpu.memory_space<vmem>>
      %dma_start3A_220 = arith.constant 0 : i32
      %dma_start3A_221 = arith.constant 0 : i32
      %dma_start3A_222 = tpu.memref_slice %arg2[%arg0, %dma_start3A_220, %dma_start3A_221] : memref<2x10000x128xf32, #tpu.memory_space<hbm>> -> memref<1x10000x128xf32, #tpu.memory_space<hbm>>
      %dma_start3A_223 = tpu.memref_squeeze %dma_start3A_222 : memref<1x10000x128xf32, #tpu.memory_space<hbm>> -> memref<10000x128xf32, #tpu.memory_space<hbm>>
      %dma_start3A_224 = arith.constant 0 : i32
      %dma_start3A_225 = arith.constant 0 : i32
      %dma_start3A_226 = tpu.memref_slice %dma_start3A_223[%dma_start3A_224, %dma_start3A_225] : memref<10000x128xf32, #tpu.memory_space<hbm>> -> memref<10000x128xf32, #tpu.memory_space<hbm>>
      tpu.enqueue_indirect_dma source(%dma_start3A_226 : memref<10000x128xf32, #tpu.memory_space<hbm>>) target(%arg9 : memref<128x128xf32, #tpu.memory_space<vmem>>) offsets(%dma_start3A_219 : memref<128xi32, #tpu.memory_space<vmem>>) semaphore(%arg12 : memref<!tpu.dma_semaphore, #tpu.memory_space<semaphore_mem>>)
      %dma_wait3A_227 = arith.constant 0 : i32
      %dma_wait3A_228 = arith.constant 0 : i32
      %dma_wait3A_229 = tpu.memref_slice %arg6[%dma_wait3A_227, %dma_wait3A_228] : memref<32x128xi32, #tpu.memory_space<vmem>> -> memref<1x128xi32, #tpu.memory_space<vmem>>
      %dma_wait3A_230 = tpu.memref_squeeze %dma_wait3A_229 : memref<1x128xi32, #tpu.memory_space<vmem>> -> memref<128xi32, #tpu.memory_space<vmem>>
      %dma_wait3A_231 = arith.constant 0 : i32
      %dma_wait3A_232 = arith.constant 0 : i32
      %dma_wait3A_233 = tpu.memref_slice %arg2[%arg0, %dma_wait3A_231, %dma_wait3A_232] : memref<2x10000x128xf32, #tpu.memory_space<hbm>> -> memref<1x10000x128xf32, #tpu.memory_space<hbm>>
      %dma_wait3A_234 = tpu.memref_squeeze %dma_wait3A_233 : memref<1x10000x128xf32, #tpu.memory_space<hbm>> -> memref<10000x128xf32, #tpu.memory_space<hbm>>
      %dma_wait3A_235 = arith.constant 0 : i32
      %dma_wait3A_236 = arith.constant 0 : i32
      %dma_wait3A_237 = tpu.memref_slice %dma_wait3A_234[%dma_wait3A_235, %dma_wait3A_236] : memref<10000x128xf32, #tpu.memory_space<hbm>> -> memref<10000x128xf32, #tpu.memory_space<hbm>>
      tpu.wait_indirect_dma semaphore(%arg11 : memref<!tpu.dma_semaphore, #tpu.memory_space<semaphore_mem>>) src(%dma_wait3A_237 : memref<10000x128xf32, #tpu.memory_space<hbm>>) dst(%arg8 : memref<128x128xf32, #tpu.memory_space<vmem>>)
      %jit3A_238 = arith.constant 16 : i32
      %div3A_239 = arith.divsi %mul3A_175, %jit3A_238 : i32
      %sign3A_240 = arith.constant 0 : i32
      %sign3A_241 = arith.cmpi sgt, %mul3A_175, %sign3A_240 : i32
      %sign3A_242 = arith.extui %sign3A_241 : i1 to i32
      %sign3A_243 = arith.constant 0 : i32
      %sign3A_244 = arith.cmpi slt, %mul3A_175, %sign3A_243 : i32
      %sign3A_245 = arith.extui %sign3A_244 : i1 to i32
      %sign3A_246 = arith.subi %sign3A_242, %sign3A_245 : i32
      %sign3A_247 = arith.constant 0 : i32
      %sign3A_248 = arith.cmpi sgt, %jit3A_238, %sign3A_247 : i32
      %sign3A_249 = arith.extui %sign3A_248 : i1 to i32
      %sign3A_250 = arith.constant 0 : i32
      %sign3A_251 = arith.cmpi slt, %jit3A_238, %sign3A_250 : i32
      %sign3A_252 = arith.extui %sign3A_251 : i1 to i32
      %sign3A_253 = arith.subi %sign3A_249, %sign3A_252 : i32
      %ne3A_254 = arith.cmpi ne, %sign3A_246, %sign3A_253 : i32
      %rem3A_255 = arith.remsi %mul3A_175, %jit3A_238 : i32
      %ne3A_256 = arith.constant 0 : i32
      %ne3A_257 = arith.cmpi ne, %rem3A_255, %ne3A_256 : i32
      %and3A_258 = arith.andi %ne3A_254, %ne3A_257 : i1
      %sub3A_259 = arith.constant 1 : i32
      %sub3A_260 = arith.subi %div3A_239, %sub3A_259 : i32
      %select_n3A_261 = arith.select %and3A_258, %sub3A_260, %div3A_239 : i32
      %jit3A_262 = arith.constant 2 : i32
      %eq3A_263 = arith.constant 0 : i32
      %eq3A_264 = arith.cmpi eq, %jit3A_262, %eq3A_263 : i32
      %jit3A_265 = arith.constant 1 : i32
      %select_n3A_266 = arith.select %eq3A_264, %jit3A_265, %jit3A_262 : i32
      %rem3A_267 = arith.remsi %select_n3A_261, %select_n3A_266 : i32
      %ne3A_268 = arith.constant 0 : i32
      %ne3A_269 = arith.cmpi ne, %rem3A_267, %ne3A_268 : i32
      %lt3A_270 = arith.constant 0 : i32
      %lt3A_271 = arith.cmpi slt, %rem3A_267, %lt3A_270 : i32
      %lt3A_272 = arith.constant 0 : i32
      %lt3A_273 = arith.cmpi slt, %select_n3A_266, %lt3A_272 : i32
      %ne3A_274 = arith.xori %lt3A_271, %lt3A_273 : i1
      %and3A_275 = arith.andi %ne3A_274, %ne3A_269 : i1
      %add3A_276 = arith.addi %rem3A_267, %select_n3A_266 : i32
      %select_n3A_277 = arith.select %and3A_275, %add3A_276, %rem3A_267 : i32
      %mul3A_278 = arith.constant 16 : i32
      %mul3A_279 = arith.muli %select_n3A_277, %mul3A_278 : i32
      %rem3A_280 = arith.constant 16 : i32
      %rem3A_281 = arith.remsi %mul3A_175, %rem3A_280 : i32
      %add3A_282 = arith.addi %mul3A_279, %rem3A_281 : i32
      "tpu.region"() ({
        %run_scoped3A = tpu.sem_alloc : memref<!tpu.dma_semaphore, #tpu.memory_space<semaphore_mem>>
        %dma_start3A_390 = arith.constant 0 : i32
        %dma_start3A_391 = tpu.memref_slice %arg7[%add3A_282, %dma_start3A_390] : memref<32x128xi32, #tpu.memory_space<vmem>> -> memref<1x128xi32, #tpu.memory_space<vmem>>
        %dma_start3A_392 = tpu.memref_squeeze %dma_start3A_391 : memref<1x128xi32, #tpu.memory_space<vmem>> -> memref<128xi32, #tpu.memory_space<vmem>>
        %dma_start3A_393 = arith.constant 0 : i32
        %dma_start3A_394 = arith.constant 0 : i32
        %dma_start3A_395 = tpu.memref_slice %arg10[%dma_start3A_393, %dma_start3A_394] : memref<10096x128xf32, #tpu.memory_space<vmem_shared>> -> memref<10096x128xf32, #tpu.memory_space<vmem_shared>>
        tpu.enqueue_indirect_dma source(%arg8 : memref<128x128xf32, #tpu.memory_space<vmem>>) target(%dma_start3A_395 : memref<10096x128xf32, #tpu.memory_space<vmem_shared>>) offsets(%dma_start3A_392 : memref<128xi32, #tpu.memory_space<vmem>>) semaphore(%run_scoped3A : memref<!tpu.dma_semaphore, #tpu.memory_space<semaphore_mem>>) {add = true}
        %dma_wait3A_396 = arith.constant 0 : i32
        %dma_wait3A_397 = tpu.memref_slice %arg7[%add3A_282, %dma_wait3A_396] : memref<32x128xi32, #tpu.memory_space<vmem>> -> memref<1x128xi32, #tpu.memory_space<vmem>>
        %dma_wait3A_398 = tpu.memref_squeeze %dma_wait3A_397 : memref<1x128xi32, #tpu.memory_space<vmem>> -> memref<128xi32, #tpu.memory_space<vmem>>
        %dma_wait3A_399 = arith.constant 0 : i32
        %dma_wait3A_400 = arith.constant 0 : i32
        %dma_wait3A_401 = tpu.memref_slice %arg10[%dma_wait3A_399, %dma_wait3A_400] : memref<10096x128xf32, #tpu.memory_space<vmem_shared>> -> memref<10096x128xf32, #tpu.memory_space<vmem_shared>>
        tpu.wait_indirect_dma semaphore(%run_scoped3A : memref<!tpu.dma_semaphore, #tpu.memory_space<semaphore_mem>>) src(%arg8 : memref<128x128xf32, #tpu.memory_space<vmem>>) dst(%dma_wait3A_401 : memref<10096x128xf32, #tpu.memory_space<vmem_shared>>)
        tpu.yield
      }) : () -> ()
      %lt3A_283 = arith.constant 160 : i32
      %lt3A_284 = arith.cmpi slt, %add3A_179, %lt3A_283 : i32
      %rem3A_285 = arith.constant 16 : i32
      %rem3A_286 = arith.remsi %add3A_179, %rem3A_285 : i32
      %eq3A_287 = arith.constant 0 : i32
      %eq3A_288 = arith.cmpi eq, %rem3A_286, %eq3A_287 : i32
      %and3A_289 = arith.andi %lt3A_284, %eq3A_288 : i1
      %convert_element_type3A_290 = arith.extui %and3A_289 : i1 to i32
      %cond3A_291 = arith.constant 0 : i32
      %cond3A_292 = arith.cmpi ne, %convert_element_type3A_290, %cond3A_291 : i32
      scf.if %cond3A_292 {
        %jit3A_390 = arith.constant 16 : i32
        %div3A_391 = arith.divsi %add3A_179, %jit3A_390 : i32
        %sign3A_392 = arith.constant 0 : i32
        %sign3A_393 = arith.cmpi sgt, %add3A_179, %sign3A_392 : i32
        %sign3A_394 = arith.extui %sign3A_393 : i1 to i32
        %sign3A_395 = arith.constant 0 : i32
        %sign3A_396 = arith.cmpi slt, %add3A_179, %sign3A_395 : i32
        %sign3A_397 = arith.extui %sign3A_396 : i1 to i32
        %sign3A_398 = arith.subi %sign3A_394, %sign3A_397 : i32
        %sign3A_399 = arith.constant 0 : i32
        %sign3A_400 = arith.cmpi sgt, %jit3A_390, %sign3A_399 : i32
        %sign3A_401 = arith.extui %sign3A_400 : i1 to i32
        %sign3A_402 = arith.constant 0 : i32
        %sign3A_403 = arith.cmpi slt, %jit3A_390, %sign3A_402 : i32
        %sign3A_404 = arith.extui %sign3A_403 : i1 to i32
        %sign3A_405 = arith.subi %sign3A_401, %sign3A_404 : i32
        %ne3A_406 = arith.cmpi ne, %sign3A_398, %sign3A_405 : i32
        %rem3A_407 = arith.remsi %add3A_179, %jit3A_390 : i32
        %ne3A_408 = arith.constant 0 : i32
        %ne3A_409 = arith.cmpi ne, %rem3A_407, %ne3A_408 : i32
        %and3A_410 = arith.andi %ne3A_406, %ne3A_409 : i1
        %sub3A_411 = arith.constant 1 : i32
        %sub3A_412 = arith.subi %div3A_391, %sub3A_411 : i32
        %select_n3A_413 = arith.select %and3A_410, %sub3A_412, %div3A_391 : i32
        %rem3A_414 = arith.constant 2 : i32
        %rem3A_415 = arith.remsi %select_n3A_413, %rem3A_414 : i32
        %eq3A_416 = arith.constant 0 : i32
        %eq3A_417 = arith.cmpi eq, %rem3A_415, %eq3A_416 : i32
        %convert_element_type3A_418 = arith.extui %eq3A_417 : i1 to i32
        %cond3A_419 = arith.constant 0 : i32
        %cond3A_420 = arith.cmpi ne, %convert_element_type3A_418, %cond3A_419 : i32
        scf.if %cond3A_420 {
          %dma_wait3A_452 = arith.constant 0 : i32
          %dma_wait3A_453 = arith.constant 0 : i32
          %dma_wait3A_454 = tpu.memref_slice %arg6[%dma_wait3A_452, %dma_wait3A_453] : memref<32x128xi32, #tpu.memory_space<vmem>> -> memref<16x128xi32, #tpu.memory_space<vmem>>
          %dma_wait3A_455 = arith.constant 0 : i32
          %dma_wait3A_456 = arith.constant 0 : i32
          %dma_wait3A_457 = tpu.memref_slice %arg3[%dma_wait3A_455, %dma_wait3A_456] : memref<2560x128xi32, #tpu.memory_space<hbm>> -> memref<16x128xi32, #tpu.memory_space<hbm>>
          %dma_wait3A_458 = arith.constant 0 : i32
          %dma_wait3A_459 = arith.constant 0 : i32
          %dma_wait3A_460 = tpu.memref_slice %arg6[%dma_wait3A_458, %dma_wait3A_459] : memref<32x128xi32, #tpu.memory_space<vmem>> -> memref<16x128xi32, #tpu.memory_space<vmem>>
          %dma_wait3A_461 = arith.constant 0 : i32
          %dma_wait3A_462 = arith.constant 0 : i32
          %dma_wait3A_463 = tpu.memref_slice %arg3[%dma_wait3A_461, %dma_wait3A_462] : memref<2560x128xi32, #tpu.memory_space<hbm>> -> memref<16x128xi32, #tpu.memory_space<hbm>>
          tpu.wait_dma2 semaphore(%arg13 : memref<!tpu.dma_semaphore, #tpu.memory_space<semaphore_mem>>) src(%dma_wait3A_463 : memref<16x128xi32, #tpu.memory_space<hbm>>) dst(%dma_wait3A_460 : memref<16x128xi32, #tpu.memory_space<vmem>>)
          %dma_wait3A_464 = arith.constant 0 : i32
          %dma_wait3A_465 = arith.constant 0 : i32
          %dma_wait3A_466 = tpu.memref_slice %arg7[%dma_wait3A_464, %dma_wait3A_465] : memref<32x128xi32, #tpu.memory_space<vmem>> -> memref<16x128xi32, #tpu.memory_space<vmem>>
          %dma_wait3A_467 = arith.constant 0 : i32
          %dma_wait3A_468 = arith.constant 0 : i32
          %dma_wait3A_469 = tpu.memref_slice %arg4[%dma_wait3A_467, %dma_wait3A_468] : memref<2560x128xi32, #tpu.memory_space<hbm>> -> memref<16x128xi32, #tpu.memory_space<hbm>>
          %dma_wait3A_470 = arith.constant 0 : i32
          %dma_wait3A_471 = arith.constant 0 : i32
          %dma_wait3A_472 = tpu.memref_slice %arg7[%dma_wait3A_470, %dma_wait3A_471] : memref<32x128xi32, #tpu.memory_space<vmem>> -> memref<16x128xi32, #tpu.memory_space<vmem>>
          %dma_wait3A_473 = arith.constant 0 : i32
          %dma_wait3A_474 = arith.constant 0 : i32
          %dma_wait3A_475 = tpu.memref_slice %arg4[%dma_wait3A_473, %dma_wait3A_474] : memref<2560x128xi32, #tpu.memory_space<hbm>> -> memref<16x128xi32, #tpu.memory_space<hbm>>
          tpu.wait_dma2 semaphore(%arg13 : memref<!tpu.dma_semaphore, #tpu.memory_space<semaphore_mem>>) src(%dma_wait3A_475 : memref<16x128xi32, #tpu.memory_space<hbm>>) dst(%dma_wait3A_472 : memref<16x128xi32, #tpu.memory_space<vmem>>)
        } else {
        }
        %jit3A_421 = arith.constant 16 : i32
        %div3A_422 = arith.divsi %add3A_179, %jit3A_421 : i32
        %sign3A_423 = arith.constant 0 : i32
        %sign3A_424 = arith.cmpi sgt, %add3A_179, %sign3A_423 : i32
        %sign3A_425 = arith.extui %sign3A_424 : i1 to i32
        %sign3A_426 = arith.constant 0 : i32
        %sign3A_427 = arith.cmpi slt, %add3A_179, %sign3A_426 : i32
        %sign3A_428 = arith.extui %sign3A_427 : i1 to i32
        %sign3A_429 = arith.subi %sign3A_425, %sign3A_428 : i32
        %sign3A_430 = arith.constant 0 : i32
        %sign3A_431 = arith.cmpi sgt, %jit3A_421, %sign3A_430 : i32
        %sign3A_432 = arith.extui %sign3A_431 : i1 to i32
        %sign3A_433 = arith.constant 0 : i32
        %sign3A_434 = arith.cmpi slt, %jit3A_421, %sign3A_433 : i32
        %sign3A_435 = arith.extui %sign3A_434 : i1 to i32
        %sign3A_436 = arith.subi %sign3A_432, %sign3A_435 : i32
        %ne3A_437 = arith.cmpi ne, %sign3A_429, %sign3A_436 : i32
        %rem3A_438 = arith.remsi %add3A_179, %jit3A_421 : i32
        %ne3A_439 = arith.constant 0 : i32
        %ne3A_440 = arith.cmpi ne, %rem3A_438, %ne3A_439 : i32
        %and3A_441 = arith.andi %ne3A_437, %ne3A_440 : i1
        %sub3A_442 = arith.constant 1 : i32
        %sub3A_443 = arith.subi %div3A_422, %sub3A_442 : i32
        %select_n3A_444 = arith.select %and3A_441, %sub3A_443, %div3A_422 : i32
        %rem3A_445 = arith.constant 2 : i32
        %rem3A_446 = arith.remsi %select_n3A_444, %rem3A_445 : i32
        %eq3A_447 = arith.constant 1 : i32
        %eq3A_448 = arith.cmpi eq, %rem3A_446, %eq3A_447 : i32
        %convert_element_type3A_449 = arith.extui %eq3A_448 : i1 to i32
        %cond3A_450 = arith.constant 0 : i32
        %cond3A_451 = arith.cmpi ne, %convert_element_type3A_449, %cond3A_450 : i32
        scf.if %cond3A_451 {
          %dma_wait3A_452 = arith.constant 0 : i32
          %dma_wait3A_453 = arith.constant 0 : i32
          %dma_wait3A_454 = tpu.memref_slice %arg6[%dma_wait3A_452, %dma_wait3A_453] : memref<32x128xi32, #tpu.memory_space<vmem>> -> memref<16x128xi32, #tpu.memory_space<vmem>>
          %dma_wait3A_455 = arith.constant 0 : i32
          %dma_wait3A_456 = arith.constant 0 : i32
          %dma_wait3A_457 = tpu.memref_slice %arg3[%dma_wait3A_455, %dma_wait3A_456] : memref<2560x128xi32, #tpu.memory_space<hbm>> -> memref<16x128xi32, #tpu.memory_space<hbm>>
          %dma_wait3A_458 = arith.constant 0 : i32
          %dma_wait3A_459 = arith.constant 0 : i32
          %dma_wait3A_460 = tpu.memref_slice %arg6[%dma_wait3A_458, %dma_wait3A_459] : memref<32x128xi32, #tpu.memory_space<vmem>> -> memref<16x128xi32, #tpu.memory_space<vmem>>
          %dma_wait3A_461 = arith.constant 0 : i32
          %dma_wait3A_462 = arith.constant 0 : i32
          %dma_wait3A_463 = tpu.memref_slice %arg3[%dma_wait3A_461, %dma_wait3A_462] : memref<2560x128xi32, #tpu.memory_space<hbm>> -> memref<16x128xi32, #tpu.memory_space<hbm>>
          tpu.wait_dma2 semaphore(%arg14 : memref<!tpu.dma_semaphore, #tpu.memory_space<semaphore_mem>>) src(%dma_wait3A_463 : memref<16x128xi32, #tpu.memory_space<hbm>>) dst(%dma_wait3A_460 : memref<16x128xi32, #tpu.memory_space<vmem>>)
          %dma_wait3A_464 = arith.constant 0 : i32
          %dma_wait3A_465 = arith.constant 0 : i32
          %dma_wait3A_466 = tpu.memref_slice %arg7[%dma_wait3A_464, %dma_wait3A_465] : memref<32x128xi32, #tpu.memory_space<vmem>> -> memref<16x128xi32, #tpu.memory_space<vmem>>
          %dma_wait3A_467 = arith.constant 0 : i32
          %dma_wait3A_468 = arith.constant 0 : i32
          %dma_wait3A_469 = tpu.memref_slice %arg4[%dma_wait3A_467, %dma_wait3A_468] : memref<2560x128xi32, #tpu.memory_space<hbm>> -> memref<16x128xi32, #tpu.memory_space<hbm>>
          %dma_wait3A_470 = arith.constant 0 : i32
          %dma_wait3A_471 = arith.constant 0 : i32
          %dma_wait3A_472 = tpu.memref_slice %arg7[%dma_wait3A_470, %dma_wait3A_471] : memref<32x128xi32, #tpu.memory_space<vmem>> -> memref<16x128xi32, #tpu.memory_space<vmem>>
          %dma_wait3A_473 = arith.constant 0 : i32
          %dma_wait3A_474 = arith.constant 0 : i32
          %dma_wait3A_475 = tpu.memref_slice %arg4[%dma_wait3A_473, %dma_wait3A_474] : memref<2560x128xi32, #tpu.memory_space<hbm>> -> memref<16x128xi32, #tpu.memory_space<hbm>>
          tpu.wait_dma2 semaphore(%arg14 : memref<!tpu.dma_semaphore, #tpu.memory_space<semaphore_mem>>) src(%dma_wait3A_475 : memref<16x128xi32, #tpu.memory_space<hbm>>) dst(%dma_wait3A_472 : memref<16x128xi32, #tpu.memory_space<vmem>>)
        } else {
        }
      } else {
      }
      %lt3A_293 = arith.constant 160 : i32
      %lt3A_294 = arith.cmpi slt, %add3A_179, %lt3A_293 : i32
      %convert_element_type3A_295 = arith.extui %lt3A_294 : i1 to i32
      %cond3A_296 = arith.constant 0 : i32
      %cond3A_297 = arith.cmpi ne, %convert_element_type3A_295, %cond3A_296 : i32
      scf.if %cond3A_297 {
        %jit3A_390 = arith.constant 16 : i32
        %div3A_391 = arith.divsi %add3A_179, %jit3A_390 : i32
        %sign3A_392 = arith.constant 0 : i32
        %sign3A_393 = arith.cmpi sgt, %add3A_179, %sign3A_392 : i32
        %sign3A_394 = arith.extui %sign3A_393 : i1 to i32
        %sign3A_395 = arith.constant 0 : i32
        %sign3A_396 = arith.cmpi slt, %add3A_179, %sign3A_395 : i32
        %sign3A_397 = arith.extui %sign3A_396 : i1 to i32
        %sign3A_398 = arith.subi %sign3A_394, %sign3A_397 : i32
        %sign3A_399 = arith.constant 0 : i32
        %sign3A_400 = arith.cmpi sgt, %jit3A_390, %sign3A_399 : i32
        %sign3A_401 = arith.extui %sign3A_400 : i1 to i32
        %sign3A_402 = arith.constant 0 : i32
        %sign3A_403 = arith.cmpi slt, %jit3A_390, %sign3A_402 : i32
        %sign3A_404 = arith.extui %sign3A_403 : i1 to i32
        %sign3A_405 = arith.subi %sign3A_401, %sign3A_404 : i32
        %ne3A_406 = arith.cmpi ne, %sign3A_398, %sign3A_405 : i32
        %rem3A_407 = arith.remsi %add3A_179, %jit3A_390 : i32
        %ne3A_408 = arith.constant 0 : i32
        %ne3A_409 = arith.cmpi ne, %rem3A_407, %ne3A_408 : i32
        %and3A_410 = arith.andi %ne3A_406, %ne3A_409 : i1
        %sub3A_411 = arith.constant 1 : i32
        %sub3A_412 = arith.subi %div3A_391, %sub3A_411 : i32
        %select_n3A_413 = arith.select %and3A_410, %sub3A_412, %div3A_391 : i32
        %jit3A_414 = arith.constant 2 : i32
        %eq3A_415 = arith.constant 0 : i32
        %eq3A_416 = arith.cmpi eq, %jit3A_414, %eq3A_415 : i32
        %jit3A_417 = arith.constant 1 : i32
        %select_n3A_418 = arith.select %eq3A_416, %jit3A_417, %jit3A_414 : i32
        %rem3A_419 = arith.remsi %select_n3A_413, %select_n3A_418 : i32
        %ne3A_420 = arith.constant 0 : i32
        %ne3A_421 = arith.cmpi ne, %rem3A_419, %ne3A_420 : i32
        %lt3A_422 = arith.constant 0 : i32
        %lt3A_423 = arith.cmpi slt, %rem3A_419, %lt3A_422 : i32
        %lt3A_424 = arith.constant 0 : i32
        %lt3A_425 = arith.cmpi slt, %select_n3A_418, %lt3A_424 : i32
        %ne3A_426 = arith.xori %lt3A_423, %lt3A_425 : i1
        %and3A_427 = arith.andi %ne3A_426, %ne3A_421 : i1
        %add3A_428 = arith.addi %rem3A_419, %select_n3A_418 : i32
        %select_n3A_429 = arith.select %and3A_427, %add3A_428, %rem3A_419 : i32
        %mul3A_430 = arith.constant 16 : i32
        %mul3A_431 = arith.muli %select_n3A_429, %mul3A_430 : i32
        %rem3A_432 = arith.constant 16 : i32
        %rem3A_433 = arith.remsi %add3A_179, %rem3A_432 : i32
        %add3A_434 = arith.addi %mul3A_431, %rem3A_433 : i32
        %dma_start3A_435 = arith.constant 0 : i32
        %dma_start3A_436 = tpu.memref_slice %arg6[%add3A_434, %dma_start3A_435] : memref<32x128xi32, #tpu.memory_space<vmem>> -> memref<1x128xi32, #tpu.memory_space<vmem>>
        %dma_start3A_437 = tpu.memref_squeeze %dma_start3A_436 : memref<1x128xi32, #tpu.memory_space<vmem>> -> memref<128xi32, #tpu.memory_space<vmem>>
        %dma_start3A_438 = arith.constant 0 : i32
        %dma_start3A_439 = arith.constant 0 : i32
        %dma_start3A_440 = tpu.memref_slice %arg2[%arg0, %dma_start3A_438, %dma_start3A_439] : memref<2x10000x128xf32, #tpu.memory_space<hbm>> -> memref<1x10000x128xf32, #tpu.memory_space<hbm>>
        %dma_start3A_441 = tpu.memref_squeeze %dma_start3A_440 : memref<1x10000x128xf32, #tpu.memory_space<hbm>> -> memref<10000x128xf32, #tpu.memory_space<hbm>>
        %dma_start3A_442 = arith.constant 0 : i32
        %dma_start3A_443 = arith.constant 0 : i32
        %dma_start3A_444 = tpu.memref_slice %dma_start3A_441[%dma_start3A_442, %dma_start3A_443] : memref<10000x128xf32, #tpu.memory_space<hbm>> -> memref<10000x128xf32, #tpu.memory_space<hbm>>
        tpu.enqueue_indirect_dma source(%dma_start3A_444 : memref<10000x128xf32, #tpu.memory_space<hbm>>) target(%arg8 : memref<128x128xf32, #tpu.memory_space<vmem>>) offsets(%dma_start3A_437 : memref<128xi32, #tpu.memory_space<vmem>>) semaphore(%arg11 : memref<!tpu.dma_semaphore, #tpu.memory_space<semaphore_mem>>)
      } else {
      }
      %dma_wait3A_298 = arith.constant 0 : i32
      %dma_wait3A_299 = arith.constant 0 : i32
      %dma_wait3A_300 = tpu.memref_slice %arg6[%dma_wait3A_298, %dma_wait3A_299] : memref<32x128xi32, #tpu.memory_space<vmem>> -> memref<1x128xi32, #tpu.memory_space<vmem>>
      %dma_wait3A_301 = tpu.memref_squeeze %dma_wait3A_300 : memref<1x128xi32, #tpu.memory_space<vmem>> -> memref<128xi32, #tpu.memory_space<vmem>>
      %dma_wait3A_302 = arith.constant 0 : i32
      %dma_wait3A_303 = arith.constant 0 : i32
      %dma_wait3A_304 = tpu.memref_slice %arg2[%arg0, %dma_wait3A_302, %dma_wait3A_303] : memref<2x10000x128xf32, #tpu.memory_space<hbm>> -> memref<1x10000x128xf32, #tpu.memory_space<hbm>>
      %dma_wait3A_305 = tpu.memref_squeeze %dma_wait3A_304 : memref<1x10000x128xf32, #tpu.memory_space<hbm>> -> memref<10000x128xf32, #tpu.memory_space<hbm>>
      %dma_wait3A_306 = arith.constant 0 : i32
      %dma_wait3A_307 = arith.constant 0 : i32
      %dma_wait3A_308 = tpu.memref_slice %dma_wait3A_305[%dma_wait3A_306, %dma_wait3A_307] : memref<10000x128xf32, #tpu.memory_space<hbm>> -> memref<10000x128xf32, #tpu.memory_space<hbm>>
      tpu.wait_indirect_dma semaphore(%arg12 : memref<!tpu.dma_semaphore, #tpu.memory_space<semaphore_mem>>) src(%dma_wait3A_308 : memref<10000x128xf32, #tpu.memory_space<hbm>>) dst(%arg9 : memref<128x128xf32, #tpu.memory_space<vmem>>)
      %jit3A_309 = arith.constant 16 : i32
      %div3A_310 = arith.divsi %add3A_177, %jit3A_309 : i32
      %sign3A_311 = arith.constant 0 : i32
      %sign3A_312 = arith.cmpi sgt, %add3A_177, %sign3A_311 : i32
      %sign3A_313 = arith.extui %sign3A_312 : i1 to i32
      %sign3A_314 = arith.constant 0 : i32
      %sign3A_315 = arith.cmpi slt, %add3A_177, %sign3A_314 : i32
      %sign3A_316 = arith.extui %sign3A_315 : i1 to i32
      %sign3A_317 = arith.subi %sign3A_313, %sign3A_316 : i32
      %sign3A_318 = arith.constant 0 : i32
      %sign3A_319 = arith.cmpi sgt, %jit3A_309, %sign3A_318 : i32
      %sign3A_320 = arith.extui %sign3A_319 : i1 to i32
      %sign3A_321 = arith.constant 0 : i32
      %sign3A_322 = arith.cmpi slt, %jit3A_309, %sign3A_321 : i32
      %sign3A_323 = arith.extui %sign3A_322 : i1 to i32
      %sign3A_324 = arith.subi %sign3A_320, %sign3A_323 : i32
      %ne3A_325 = arith.cmpi ne, %sign3A_317, %sign3A_324 : i32
      %rem3A_326 = arith.remsi %add3A_177, %jit3A_309 : i32
      %ne3A_327 = arith.constant 0 : i32
      %ne3A_328 = arith.cmpi ne, %rem3A_326, %ne3A_327 : i32
      %and3A_329 = arith.andi %ne3A_325, %ne3A_328 : i1
      %sub3A_330 = arith.constant 1 : i32
      %sub3A_331 = arith.subi %div3A_310, %sub3A_330 : i32
      %select_n3A_332 = arith.select %and3A_329, %sub3A_331, %div3A_310 : i32
      %jit3A_333 = arith.constant 2 : i32
      %eq3A_334 = arith.constant 0 : i32
      %eq3A_335 = arith.cmpi eq, %jit3A_333, %eq3A_334 : i32
      %jit3A_336 = arith.constant 1 : i32
      %select_n3A_337 = arith.select %eq3A_335, %jit3A_336, %jit3A_333 : i32
      %rem3A_338 = arith.remsi %select_n3A_332, %select_n3A_337 : i32
      %ne3A_339 = arith.constant 0 : i32
      %ne3A_340 = arith.cmpi ne, %rem3A_338, %ne3A_339 : i32
      %lt3A_341 = arith.constant 0 : i32
      %lt3A_342 = arith.cmpi slt, %rem3A_338, %lt3A_341 : i32
      %lt3A_343 = arith.constant 0 : i32
      %lt3A_344 = arith.cmpi slt, %select_n3A_337, %lt3A_343 : i32
      %ne3A_345 = arith.xori %lt3A_342, %lt3A_344 : i1
      %and3A_346 = arith.andi %ne3A_345, %ne3A_340 : i1
      %add3A_347 = arith.addi %rem3A_338, %select_n3A_337 : i32
      %select_n3A_348 = arith.select %and3A_346, %add3A_347, %rem3A_338 : i32
      %mul3A_349 = arith.constant 16 : i32
      %mul3A_350 = arith.muli %select_n3A_348, %mul3A_349 : i32
      %rem3A_351 = arith.constant 16 : i32
      %rem3A_352 = arith.remsi %add3A_177, %rem3A_351 : i32
      %add3A_353 = arith.addi %mul3A_350, %rem3A_352 : i32
      "tpu.region"() ({
        %run_scoped3A = tpu.sem_alloc : memref<!tpu.dma_semaphore, #tpu.memory_space<semaphore_mem>>
        %dma_start3A_390 = arith.constant 0 : i32
        %dma_start3A_391 = tpu.memref_slice %arg7[%add3A_353, %dma_start3A_390] : memref<32x128xi32, #tpu.memory_space<vmem>> -> memref<1x128xi32, #tpu.memory_space<vmem>>
        %dma_start3A_392 = tpu.memref_squeeze %dma_start3A_391 : memref<1x128xi32, #tpu.memory_space<vmem>> -> memref<128xi32, #tpu.memory_space<vmem>>
        %dma_start3A_393 = arith.constant 0 : i32
        %dma_start3A_394 = arith.constant 0 : i32
        %dma_start3A_395 = tpu.memref_slice %arg10[%dma_start3A_393, %dma_start3A_394] : memref<10096x128xf32, #tpu.memory_space<vmem_shared>> -> memref<10096x128xf32, #tpu.memory_space<vmem_shared>>
        tpu.enqueue_indirect_dma source(%arg9 : memref<128x128xf32, #tpu.memory_space<vmem>>) target(%dma_start3A_395 : memref<10096x128xf32, #tpu.memory_space<vmem_shared>>) offsets(%dma_start3A_392 : memref<128xi32, #tpu.memory_space<vmem>>) semaphore(%run_scoped3A : memref<!tpu.dma_semaphore, #tpu.memory_space<semaphore_mem>>) {add = true}
        %dma_wait3A_396 = arith.constant 0 : i32
        %dma_wait3A_397 = tpu.memref_slice %arg7[%add3A_353, %dma_wait3A_396] : memref<32x128xi32, #tpu.memory_space<vmem>> -> memref<1x128xi32, #tpu.memory_space<vmem>>
        %dma_wait3A_398 = tpu.memref_squeeze %dma_wait3A_397 : memref<1x128xi32, #tpu.memory_space<vmem>> -> memref<128xi32, #tpu.memory_space<vmem>>
        %dma_wait3A_399 = arith.constant 0 : i32
        %dma_wait3A_400 = arith.constant 0 : i32
        %dma_wait3A_401 = tpu.memref_slice %arg10[%dma_wait3A_399, %dma_wait3A_400] : memref<10096x128xf32, #tpu.memory_space<vmem_shared>> -> memref<10096x128xf32, #tpu.memory_space<vmem_shared>>
        tpu.wait_indirect_dma semaphore(%run_scoped3A : memref<!tpu.dma_semaphore, #tpu.memory_space<semaphore_mem>>) src(%arg9 : memref<128x128xf32, #tpu.memory_space<vmem>>) dst(%dma_wait3A_401 : memref<10096x128xf32, #tpu.memory_space<vmem_shared>>)
        tpu.yield
      }) : () -> ()
      %rem3A_354 = arith.constant 16 : i32
      %rem3A_355 = arith.remsi %add3A_179, %rem3A_354 : i32
      %eq3A_356 = arith.constant 0 : i32
      %eq3A_357 = arith.cmpi eq, %rem3A_355, %eq3A_356 : i32
      %jit3A_358 = arith.constant 16 : i32
      %div3A_359 = arith.divsi %add3A_179, %jit3A_358 : i32
      %sign3A_360 = arith.constant 0 : i32
      %sign3A_361 = arith.cmpi sgt, %add3A_179, %sign3A_360 : i32
      %sign3A_362 = arith.extui %sign3A_361 : i1 to i32
      %sign3A_363 = arith.constant 0 : i32
      %sign3A_364 = arith.cmpi slt, %add3A_179, %sign3A_363 : i32
      %sign3A_365 = arith.extui %sign3A_364 : i1 to i32
      %sign3A_366 = arith.subi %sign3A_362, %sign3A_365 : i32
      %sign3A_367 = arith.constant 0 : i32
      %sign3A_368 = arith.cmpi sgt, %jit3A_358, %sign3A_367 : i32
      %sign3A_369 = arith.extui %sign3A_368 : i1 to i32
      %sign3A_370 = arith.constant 0 : i32
      %sign3A_371 = arith.cmpi slt, %jit3A_358, %sign3A_370 : i32
      %sign3A_372 = arith.extui %sign3A_371 : i1 to i32
      %sign3A_373 = arith.subi %sign3A_369, %sign3A_372 : i32
      %ne3A_374 = arith.cmpi ne, %sign3A_366, %sign3A_373 : i32
      %rem3A_375 = arith.remsi %add3A_179, %jit3A_358 : i32
      %ne3A_376 = arith.constant 0 : i32
      %ne3A_377 = arith.cmpi ne, %rem3A_375, %ne3A_376 : i32
      %and3A_378 = arith.andi %ne3A_374, %ne3A_377 : i1
      %sub3A_379 = arith.constant 1 : i32
      %sub3A_380 = arith.subi %div3A_359, %sub3A_379 : i32
      %select_n3A_381 = arith.select %and3A_378, %sub3A_380, %div3A_359 : i32
      %add3A_382 = arith.constant 1 : i32
      %add3A_383 = arith.addi %select_n3A_381, %add3A_382 : i32
      %lt3A_384 = arith.constant 10 : i32
      %lt3A_385 = arith.cmpi slt, %add3A_383, %lt3A_384 : i32
      %and3A_386 = arith.andi %eq3A_357, %lt3A_385 : i1
      %convert_element_type3A_387 = arith.extui %and3A_386 : i1 to i32
      %cond3A_388 = arith.constant 0 : i32
      %cond3A_389 = arith.cmpi ne, %convert_element_type3A_387, %cond3A_388 : i32
      scf.if %cond3A_389 {
        %jit3A_390 = arith.constant 16 : i32
        %div3A_391 = arith.divsi %add3A_179, %jit3A_390 : i32
        %sign3A_392 = arith.constant 0 : i32
        %sign3A_393 = arith.cmpi sgt, %add3A_179, %sign3A_392 : i32
        %sign3A_394 = arith.extui %sign3A_393 : i1 to i32
        %sign3A_395 = arith.constant 0 : i32
        %sign3A_396 = arith.cmpi slt, %add3A_179, %sign3A_395 : i32
        %sign3A_397 = arith.extui %sign3A_396 : i1 to i32
        %sign3A_398 = arith.subi %sign3A_394, %sign3A_397 : i32
        %sign3A_399 = arith.constant 0 : i32
        %sign3A_400 = arith.cmpi sgt, %jit3A_390, %sign3A_399 : i32
        %sign3A_401 = arith.extui %sign3A_400 : i1 to i32
        %sign3A_402 = arith.constant 0 : i32
        %sign3A_403 = arith.cmpi slt, %jit3A_390, %sign3A_402 : i32
        %sign3A_404 = arith.extui %sign3A_403 : i1 to i32
        %sign3A_405 = arith.subi %sign3A_401, %sign3A_404 : i32
        %ne3A_406 = arith.cmpi ne, %sign3A_398, %sign3A_405 : i32
        %rem3A_407 = arith.remsi %add3A_179, %jit3A_390 : i32
        %ne3A_408 = arith.constant 0 : i32
        %ne3A_409 = arith.cmpi ne, %rem3A_407, %ne3A_408 : i32
        %and3A_410 = arith.andi %ne3A_406, %ne3A_409 : i1
        %sub3A_411 = arith.constant 1 : i32
        %sub3A_412 = arith.subi %div3A_391, %sub3A_411 : i32
        %select_n3A_413 = arith.select %and3A_410, %sub3A_412, %div3A_391 : i32
        %add3A_414 = arith.constant 1 : i32
        %add3A_415 = arith.addi %select_n3A_413, %add3A_414 : i32
        %rem3A_416 = arith.constant 2 : i32
        %rem3A_417 = arith.remsi %add3A_415, %rem3A_416 : i32
        %eq3A_418 = arith.constant 0 : i32
        %eq3A_419 = arith.cmpi eq, %rem3A_417, %eq3A_418 : i32
        %convert_element_type3A_420 = arith.extui %eq3A_419 : i1 to i32
        %cond3A_421 = arith.constant 0 : i32
        %cond3A_422 = arith.cmpi ne, %convert_element_type3A_420, %cond3A_421 : i32
        scf.if %cond3A_422 {
          %jit3A_430 = arith.constant 2 : i32
          %eq3A_431 = arith.constant 0 : i32
          %eq3A_432 = arith.cmpi eq, %jit3A_430, %eq3A_431 : i32
          %jit3A_433 = arith.constant 1 : i32
          %select_n3A_434 = arith.select %eq3A_432, %jit3A_433, %jit3A_430 : i32
          %rem3A_435 = arith.remsi %add3A_415, %select_n3A_434 : i32
          %ne3A_436 = arith.constant 0 : i32
          %ne3A_437 = arith.cmpi ne, %rem3A_435, %ne3A_436 : i32
          %lt3A_438 = arith.constant 0 : i32
          %lt3A_439 = arith.cmpi slt, %rem3A_435, %lt3A_438 : i32
          %lt3A_440 = arith.constant 0 : i32
          %lt3A_441 = arith.cmpi slt, %select_n3A_434, %lt3A_440 : i32
          %ne3A_442 = arith.xori %lt3A_439, %lt3A_441 : i1
          %and3A_443 = arith.andi %ne3A_442, %ne3A_437 : i1
          %add3A_444 = arith.addi %rem3A_435, %select_n3A_434 : i32
          %select_n3A_445 = arith.select %and3A_443, %add3A_444, %rem3A_435 : i32
          %mul3A_446 = arith.constant 16 : i32
          %mul3A_447 = arith.muli %select_n3A_445, %mul3A_446 : i32
          %mul3A_448 = arith.constant 16 : i32
          %mul3A_449 = arith.muli %add3A_415, %mul3A_448 : i32
          %add3A_450 = arith.addi %mul3A_44, %mul3A_449 : i32
          %dma_start3A_451 = arith.constant 0 : i32
          %dma_start3A_452 = tpu.memref_slice %arg6[%mul3A_447, %dma_start3A_451] : memref<32x128xi32, #tpu.memory_space<vmem>> -> memref<16x128xi32, #tpu.memory_space<vmem>>
          %dma_start3A_453 = arith.constant 0 : i32
          %dma_start3A_454 = tpu.memref_slice %arg3[%add3A_450, %dma_start3A_453] : memref<2560x128xi32, #tpu.memory_space<hbm>> -> memref<16x128xi32, #tpu.memory_space<hbm>>
          %dma_start3A_455 = arith.constant 0 : i32
          %dma_start3A_456 = tpu.memref_slice %arg6[%mul3A_447, %dma_start3A_455] : memref<32x128xi32, #tpu.memory_space<vmem>> -> memref<16x128xi32, #tpu.memory_space<vmem>>
          %dma_start3A_457 = arith.constant 0 : i32
          %dma_start3A_458 = tpu.memref_slice %arg3[%add3A_450, %dma_start3A_457] : memref<2560x128xi32, #tpu.memory_space<hbm>> -> memref<16x128xi32, #tpu.memory_space<hbm>>
          tpu.enqueue_dma source(%dma_start3A_458 : memref<16x128xi32, #tpu.memory_space<hbm>>) target(%dma_start3A_456 : memref<16x128xi32, #tpu.memory_space<vmem>>) target_semaphore(%arg13 : memref<!tpu.dma_semaphore, #tpu.memory_space<semaphore_mem>>)
          %mul3A_459 = arith.constant 16 : i32
          %mul3A_460 = arith.muli %add3A_415, %mul3A_459 : i32
          %add3A_461 = arith.addi %mul3A_44, %mul3A_460 : i32
          %dma_start3A_462 = arith.constant 0 : i32
          %dma_start3A_463 = tpu.memref_slice %arg7[%mul3A_447, %dma_start3A_462] : memref<32x128xi32, #tpu.memory_space<vmem>> -> memref<16x128xi32, #tpu.memory_space<vmem>>
          %dma_start3A_464 = arith.constant 0 : i32
          %dma_start3A_465 = tpu.memref_slice %arg4[%add3A_461, %dma_start3A_464] : memref<2560x128xi32, #tpu.memory_space<hbm>> -> memref<16x128xi32, #tpu.memory_space<hbm>>
          %dma_start3A_466 = arith.constant 0 : i32
          %dma_start3A_467 = tpu.memref_slice %arg7[%mul3A_447, %dma_start3A_466] : memref<32x128xi32, #tpu.memory_space<vmem>> -> memref<16x128xi32, #tpu.memory_space<vmem>>
          %dma_start3A_468 = arith.constant 0 : i32
          %dma_start3A_469 = tpu.memref_slice %arg4[%add3A_461, %dma_start3A_468] : memref<2560x128xi32, #tpu.memory_space<hbm>> -> memref<16x128xi32, #tpu.memory_space<hbm>>
          tpu.enqueue_dma source(%dma_start3A_469 : memref<16x128xi32, #tpu.memory_space<hbm>>) target(%dma_start3A_467 : memref<16x128xi32, #tpu.memory_space<vmem>>) target_semaphore(%arg13 : memref<!tpu.dma_semaphore, #tpu.memory_space<semaphore_mem>>)
        } else {
        }
        %rem3A_423 = arith.constant 2 : i32
        %rem3A_424 = arith.remsi %add3A_415, %rem3A_423 : i32
        %eq3A_425 = arith.constant 1 : i32
        %eq3A_426 = arith.cmpi eq, %rem3A_424, %eq3A_425 : i32
        %convert_element_type3A_427 = arith.extui %eq3A_426 : i1 to i32
        %cond3A_428 = arith.constant 0 : i32
        %cond3A_429 = arith.cmpi ne, %convert_element_type3A_427, %cond3A_428 : i32
        scf.if %cond3A_429 {
          %jit3A_430 = arith.constant 2 : i32
          %eq3A_431 = arith.constant 0 : i32
          %eq3A_432 = arith.cmpi eq, %jit3A_430, %eq3A_431 : i32
          %jit3A_433 = arith.constant 1 : i32
          %select_n3A_434 = arith.select %eq3A_432, %jit3A_433, %jit3A_430 : i32
          %rem3A_435 = arith.remsi %add3A_415, %select_n3A_434 : i32
          %ne3A_436 = arith.constant 0 : i32
          %ne3A_437 = arith.cmpi ne, %rem3A_435, %ne3A_436 : i32
          %lt3A_438 = arith.constant 0 : i32
          %lt3A_439 = arith.cmpi slt, %rem3A_435, %lt3A_438 : i32
          %lt3A_440 = arith.constant 0 : i32
          %lt3A_441 = arith.cmpi slt, %select_n3A_434, %lt3A_440 : i32
          %ne3A_442 = arith.xori %lt3A_439, %lt3A_441 : i1
          %and3A_443 = arith.andi %ne3A_442, %ne3A_437 : i1
          %add3A_444 = arith.addi %rem3A_435, %select_n3A_434 : i32
          %select_n3A_445 = arith.select %and3A_443, %add3A_444, %rem3A_435 : i32
          %mul3A_446 = arith.constant 16 : i32
          %mul3A_447 = arith.muli %select_n3A_445, %mul3A_446 : i32
          %mul3A_448 = arith.constant 16 : i32
          %mul3A_449 = arith.muli %add3A_415, %mul3A_448 : i32
          %add3A_450 = arith.addi %mul3A_44, %mul3A_449 : i32
          %dma_start3A_451 = arith.constant 0 : i32
          %dma_start3A_452 = tpu.memref_slice %arg6[%mul3A_447, %dma_start3A_451] : memref<32x128xi32, #tpu.memory_space<vmem>> -> memref<16x128xi32, #tpu.memory_space<vmem>>
          %dma_start3A_453 = arith.constant 0 : i32
          %dma_start3A_454 = tpu.memref_slice %arg3[%add3A_450, %dma_start3A_453] : memref<2560x128xi32, #tpu.memory_space<hbm>> -> memref<16x128xi32, #tpu.memory_space<hbm>>
          %dma_start3A_455 = arith.constant 0 : i32
          %dma_start3A_456 = tpu.memref_slice %arg6[%mul3A_447, %dma_start3A_455] : memref<32x128xi32, #tpu.memory_space<vmem>> -> memref<16x128xi32, #tpu.memory_space<vmem>>
          %dma_start3A_457 = arith.constant 0 : i32
          %dma_start3A_458 = tpu.memref_slice %arg3[%add3A_450, %dma_start3A_457] : memref<2560x128xi32, #tpu.memory_space<hbm>> -> memref<16x128xi32, #tpu.memory_space<hbm>>
          tpu.enqueue_dma source(%dma_start3A_458 : memref<16x128xi32, #tpu.memory_space<hbm>>) target(%dma_start3A_456 : memref<16x128xi32, #tpu.memory_space<vmem>>) target_semaphore(%arg14 : memref<!tpu.dma_semaphore, #tpu.memory_space<semaphore_mem>>)
          %mul3A_459 = arith.constant 16 : i32
          %mul3A_460 = arith.muli %add3A_415, %mul3A_459 : i32
          %add3A_461 = arith.addi %mul3A_44, %mul3A_460 : i32
          %dma_start3A_462 = arith.constant 0 : i32
          %dma_start3A_463 = tpu.memref_slice %arg7[%mul3A_447, %dma_start3A_462] : memref<32x128xi32, #tpu.memory_space<vmem>> -> memref<16x128xi32, #tpu.memory_space<vmem>>
          %dma_start3A_464 = arith.constant 0 : i32
          %dma_start3A_465 = tpu.memref_slice %arg4[%add3A_461, %dma_start3A_464] : memref<2560x128xi32, #tpu.memory_space<hbm>> -> memref<16x128xi32, #tpu.memory_space<hbm>>
          %dma_start3A_466 = arith.constant 0 : i32
          %dma_start3A_467 = tpu.memref_slice %arg7[%mul3A_447, %dma_start3A_466] : memref<32x128xi32, #tpu.memory_space<vmem>> -> memref<16x128xi32, #tpu.memory_space<vmem>>
          %dma_start3A_468 = arith.constant 0 : i32
          %dma_start3A_469 = tpu.memref_slice %arg4[%add3A_461, %dma_start3A_468] : memref<2560x128xi32, #tpu.memory_space<hbm>> -> memref<16x128xi32, #tpu.memory_space<hbm>>
          tpu.enqueue_dma source(%dma_start3A_469 : memref<16x128xi32, #tpu.memory_space<hbm>>) target(%dma_start3A_467 : memref<16x128xi32, #tpu.memory_space<vmem>>) target_semaphore(%arg14 : memref<!tpu.dma_semaphore, #tpu.memory_space<semaphore_mem>>)
        } else {
        }
      } else {
      }
    }
    %scan3A_166 = arith.constant 80 : i32
    %barrier3A_167 = arith.constant 0 : index
    tpu.barrier barrier_id(%barrier3A_167)
    "tpu.region"() ({
      %run_scoped3A = tpu.sem_alloc : memref<!tpu.dma_semaphore, #tpu.memory_space<semaphore_mem>>
      %dma_start3A_173 = arith.constant 0 : i32
      %dma_start3A_174 = arith.constant 0 : i32
      %dma_start3A_175 = tpu.memref_slice %arg5[%arg0, %dma_start3A_173, %dma_start3A_174] : memref<2x10000x128xf32, #tpu.memory_space<hbm>> -> memref<1x10000x128xf32, #tpu.memory_space<hbm>>
      %dma_start3A_176 = tpu.memref_squeeze %dma_start3A_175 : memref<1x10000x128xf32, #tpu.memory_space<hbm>> -> memref<10000x128xf32, #tpu.memory_space<hbm>>
      %dma_start3A_177 = arith.constant 0 : i32
      %dma_start3A_178 = tpu.memref_slice %dma_start3A_176[%mul3A_0, %dma_start3A_177] : memref<10000x128xf32, #tpu.memory_space<hbm>> -> memref<624x128xf32, #tpu.memory_space<hbm>>
      %dma_start3A_179 = arith.constant 0 : i32
      %dma_start3A_180 = tpu.memref_slice %arg10[%mul3A_0, %dma_start3A_179] : memref<10096x128xf32, #tpu.memory_space<vmem_shared>> -> memref<624x128xf32, #tpu.memory_space<vmem_shared>>
      tpu.enqueue_dma source(%dma_start3A_180 : memref<624x128xf32, #tpu.memory_space<vmem_shared>>) target(%dma_start3A_178 : memref<624x128xf32, #tpu.memory_space<hbm>>) target_semaphore(%run_scoped3A : memref<!tpu.dma_semaphore, #tpu.memory_space<semaphore_mem>>)
      %dma_wait3A_181 = arith.constant 0 : i32
      %dma_wait3A_182 = arith.constant 0 : i32
      %dma_wait3A_183 = tpu.memref_slice %arg5[%arg0, %dma_wait3A_181, %dma_wait3A_182] : memref<2x10000x128xf32, #tpu.memory_space<hbm>> -> memref<1x10000x128xf32, #tpu.memory_space<hbm>>
      %dma_wait3A_184 = tpu.memref_squeeze %dma_wait3A_183 : memref<1x10000x128xf32, #tpu.memory_space<hbm>> -> memref<10000x128xf32, #tpu.memory_space<hbm>>
      %dma_wait3A_185 = arith.constant 0 : i32
      %dma_wait3A_186 = tpu.memref_slice %dma_wait3A_184[%mul3A_0, %dma_wait3A_185] : memref<10000x128xf32, #tpu.memory_space<hbm>> -> memref<624x128xf32, #tpu.memory_space<hbm>>
      %dma_wait3A_187 = arith.constant 0 : i32
      %dma_wait3A_188 = tpu.memref_slice %arg10[%mul3A_0, %dma_wait3A_187] : memref<10096x128xf32, #tpu.memory_space<vmem_shared>> -> memref<624x128xf32, #tpu.memory_space<vmem_shared>>
      tpu.wait_dma2 semaphore(%run_scoped3A : memref<!tpu.dma_semaphore, #tpu.memory_space<semaphore_mem>>) src(%dma_wait3A_188 : memref<624x128xf32, #tpu.memory_space<vmem_shared>>) dst(%dma_wait3A_186 : memref<624x128xf32, #tpu.memory_space<hbm>>)
      tpu.yield
    }) : () -> ()
    %eq3A_168 = arith.constant 15 : i32
    %eq3A_169 = arith.cmpi eq, %arg1, %eq3A_168 : i32
    %convert_element_type3A_170 = arith.extui %eq3A_169 : i1 to i32
    %cond3A_171 = arith.constant 0 : i32
    %cond3A_172 = arith.cmpi ne, %convert_element_type3A_170, %cond3A_171 : i32
    scf.if %cond3A_172 {
      "tpu.region"() ({
        %run_scoped3A = tpu.sem_alloc : memref<!tpu.dma_semaphore, #tpu.memory_space<semaphore_mem>>
        %dma_start3A_173 = arith.constant 0 : i32
        %dma_start3A_174 = arith.constant 0 : i32
        %dma_start3A_175 = tpu.memref_slice %arg5[%arg0, %dma_start3A_173, %dma_start3A_174] : memref<2x10000x128xf32, #tpu.memory_space<hbm>> -> memref<1x10000x128xf32, #tpu.memory_space<hbm>>
        %dma_start3A_176 = tpu.memref_squeeze %dma_start3A_175 : memref<1x10000x128xf32, #tpu.memory_space<hbm>> -> memref<10000x128xf32, #tpu.memory_space<hbm>>
        %dma_start3A_177 = arith.constant 9984 : i32
        %dma_start3A_178 = arith.constant 0 : i32
        %dma_start3A_179 = tpu.memref_slice %dma_start3A_176[%dma_start3A_177, %dma_start3A_178] : memref<10000x128xf32, #tpu.memory_space<hbm>> -> memref<16x128xf32, #tpu.memory_space<hbm>>
        %dma_start3A_180 = arith.constant 9984 : i32
        %dma_start3A_181 = arith.constant 0 : i32
        %dma_start3A_182 = tpu.memref_slice %arg10[%dma_start3A_180, %dma_start3A_181] : memref<10096x128xf32, #tpu.memory_space<vmem_shared>> -> memref<16x128xf32, #tpu.memory_space<vmem_shared>>
        tpu.enqueue_dma source(%dma_start3A_182 : memref<16x128xf32, #tpu.memory_space<vmem_shared>>) target(%dma_start3A_179 : memref<16x128xf32, #tpu.memory_space<hbm>>) target_semaphore(%run_scoped3A : memref<!tpu.dma_semaphore, #tpu.memory_space<semaphore_mem>>)
        %dma_wait3A_183 = arith.constant 0 : i32
        %dma_wait3A_184 = arith.constant 0 : i32
        %dma_wait3A_185 = tpu.memref_slice %arg5[%arg0, %dma_wait3A_183, %dma_wait3A_184] : memref<2x10000x128xf32, #tpu.memory_space<hbm>> -> memref<1x10000x128xf32, #tpu.memory_space<hbm>>
        %dma_wait3A_186 = tpu.memref_squeeze %dma_wait3A_185 : memref<1x10000x128xf32, #tpu.memory_space<hbm>> -> memref<10000x128xf32, #tpu.memory_space<hbm>>
        %dma_wait3A_187 = arith.constant 9984 : i32
        %dma_wait3A_188 = arith.constant 0 : i32
        %dma_wait3A_189 = tpu.memref_slice %dma_wait3A_186[%dma_wait3A_187, %dma_wait3A_188] : memref<10000x128xf32, #tpu.memory_space<hbm>> -> memref<16x128xf32, #tpu.memory_space<hbm>>
        %dma_wait3A_190 = arith.constant 9984 : i32
        %dma_wait3A_191 = arith.constant 0 : i32
        %dma_wait3A_192 = tpu.memref_slice %arg10[%dma_wait3A_190, %dma_wait3A_191] : memref<10096x128xf32, #tpu.memory_space<vmem_shared>> -> memref<16x128xf32, #tpu.memory_space<vmem_shared>>
        tpu.wait_dma2 semaphore(%run_scoped3A : memref<!tpu.dma_semaphore, #tpu.memory_space<semaphore_mem>>) src(%dma_wait3A_192 : memref<16x128xf32, #tpu.memory_space<vmem_shared>>) dst(%dma_wait3A_189 : memref<16x128xf32, #tpu.memory_space<hbm>>)
        tpu.yield
      }) : () -> ()
    } else {
    }
    return
  }
}

module attributes {stable_mosaic.version = 14 : i64} {
  func.func @_prep_body(%arg0: i32, %arg1: memref<2000x128xf32, #tpu.memory_space<vmem>>, %arg2: memref<1x128xf32, #tpu.memory_space<vmem>>, %arg3: memref<2000x128xf32, #tpu.memory_space<vmem>>) attributes {dimension_semantics = [#tpu.dimension_semantics<arbitrary>], iteration_bounds = array<i64: 5>, scalar_prefetch = 0 : i64, scratch_operands = 0 : i64, tpu.core_type = #tpu.core_type<tc>, window_params = [{transform_indices = @transform_0, window_bounds = array<i64: 2000, 128>}, {pipeline_mode = #tpu.pipeline_mode<synchronous>, transform_indices = @transform_1, window_bounds = array<i64: 1, 128>}, {transform_indices = @transform_2, window_bounds = array<i64: 2000, 128>}]} {
    %get3A = arith.constant 0 : index
    %get3A_0 = arith.constant 0 : index
    %get3A_1 = vector.load %arg1[%get3A, %get3A_0] : memref<2000x128xf32, #tpu.memory_space<vmem>>, vector<2000x128xf32>
    %get3A_2 = arith.constant 0 : index
    %get3A_3 = arith.constant 0 : index
    %get3A_4 = vector.load %arg2[%get3A_2, %get3A_3] : memref<1x128xf32, #tpu.memory_space<vmem>>, vector<1x128xf32>
    %add3A = vector.broadcast %get3A_4 : vector<1x128xf32> to vector<2000x128xf32>
    %add3A_5 = arith.addf %get3A_1, %add3A : vector<2000x128xf32>
    %swap3A = arith.constant 0 : index
    %swap3A_6 = arith.constant 0 : index
    %swap3A_7 = vector.load %arg3[%swap3A, %swap3A_6] : memref<2000x128xf32, #tpu.memory_space<vmem>>, vector<2000x128xf32>
    tpu.vector_store %arg3[%swap3A, %swap3A_6], %add3A_5 {strides = array<i32>} : memref<2000x128xf32, #tpu.memory_space<vmem>>, vector<2000x128xf32>,
    return
  }
  func.func @transform_0(%arg0: i32) -> (i32, i32) {
    %c0_i32 = arith.constant 0 : i32
    %c0_i32_0 = arith.constant 0 : i32
    return %arg0, %c0_i32 : i32, i32
  }
  func.func @transform_1(%arg0: i32) -> (i32, i32) {
    %c0_i32 = arith.constant 0 : i32
    %c0_i32_0 = arith.constant 0 : i32
    %c0_i32_1 = arith.constant 0 : i32
    return %c0_i32, %c0_i32_0 : i32, i32
  }
  func.func @transform_2(%arg0: i32) -> (i32, i32) {
    %c0_i32 = arith.constant 0 : i32
    %c0_i32_0 = arith.constant 0 : i32
    return %arg0, %c0_i32 : i32, i32
  }
}

module attributes {stable_mosaic.version = 14 : i64} {
  func.func @_mm1_body(%arg0: i32, %arg1: memref<2x2000x128xf32, #tpu.memory_space<vmem>>, %arg2: memref<128x256xf32, #tpu.memory_space<vmem>>, %arg3: memref<1x256xf32, #tpu.memory_space<vmem>>, %arg4: memref<1x256xf32, #tpu.memory_space<vmem>>, %arg5: memref<2x2000x128xf32, #tpu.memory_space<vmem>>) attributes {dimension_semantics = [#tpu.dimension_semantics<arbitrary>], iteration_bounds = array<i64: 5>, scalar_prefetch = 0 : i64, scratch_operands = 0 : i64, tpu.core_type = #tpu.core_type<tc>, window_params = [{transform_indices = @transform_0, window_bounds = array<i64: 2, 2000, 128>}, {pipeline_mode = #tpu.pipeline_mode<synchronous>, transform_indices = @transform_1, window_bounds = array<i64: 128, 256>}, {pipeline_mode = #tpu.pipeline_mode<synchronous>, transform_indices = @transform_2, window_bounds = array<i64: 1, 256>}, {pipeline_mode = #tpu.pipeline_mode<synchronous>, transform_indices = @transform_3, window_bounds = array<i64: 1, 256>}, {transform_indices = @transform_4, window_bounds = array<i64: 2, 2000, 128>}]} {
    %get3A = arith.constant 0 : index
    %get3A_0 = arith.constant 0 : index
    %get3A_1 = arith.constant 0 : index
    %get3A_2 = vector.load %arg1[%get3A, %get3A_0, %get3A_1] : memref<2x2000x128xf32, #tpu.memory_space<vmem>>, vector<1x2000x128xf32>
    %get3A_3 = vector.shape_cast %get3A_2 : vector<1x2000x128xf32> to vector<2000x128xf32>
    %get3A_4 = arith.constant 1 : index
    %get3A_5 = arith.constant 0 : index
    %get3A_6 = arith.constant 0 : index
    %get3A_7 = vector.load %arg1[%get3A_4, %get3A_5, %get3A_6] : memref<2x2000x128xf32, #tpu.memory_space<vmem>>, vector<1x2000x128xf32>
    %get3A_8 = vector.shape_cast %get3A_7 : vector<1x2000x128xf32> to vector<2000x128xf32>
    %add3A = arith.addf %get3A_3, %get3A_8 : vector<2000x128xf32>
    %get3A_9 = arith.constant 0 : index
    %get3A_10 = arith.constant 0 : index
    %get3A_11 = vector.load %arg2[%get3A_9, %get3A_10] : memref<128x256xf32, #tpu.memory_space<vmem>>, vector<128x256xf32>
    %dot_general3A = arith.constant dense<0.000000e+00> : vector<2000x256xf32>
    %dot_general3A_12 = tpu.matmul %add3A, %get3A_11, %dot_general3A {dimension_numbers = #tpu.dot_dimension_numbers<[1], [0], [0], [1], [0, 0, 1, 1], [], []>, transpose_lhs_hint = false} : vector<2000x128xf32>, vector<128x256xf32>, vector<2000x256xf32> -> vector<2000x256xf32>
    %get3A_13 = arith.constant 0 : index
    %get3A_14 = arith.constant 0 : index
    %get3A_15 = vector.load %arg3[%get3A_13, %get3A_14] : memref<1x256xf32, #tpu.memory_space<vmem>>, vector<1x256xf32>
    %add3A_16 = vector.broadcast %get3A_15 : vector<1x256xf32> to vector<2000x256xf32>
    %add3A_17 = arith.addf %dot_general3A_12, %add3A_16 : vector<2000x256xf32>
    %max3A = arith.constant 0.000000e+00 : f32
    %max3A_18 = vector.broadcast %max3A : f32 to vector<2000x256xf32>
    %max3A_19 = arith.maximumf %add3A_17, %max3A_18 : vector<2000x256xf32>
    %get3A_20 = arith.constant 0 : index
    %get3A_21 = arith.constant 0 : index
    %get3A_22 = vector.load %arg4[%get3A_20, %get3A_21] : memref<1x256xf32, #tpu.memory_space<vmem>>, vector<1x256xf32>
    %add3A_23 = vector.broadcast %get3A_22 : vector<1x256xf32> to vector<2000x256xf32>
    %add3A_24 = arith.addf %max3A_19, %add3A_23 : vector<2000x256xf32>
    %slice3A = vector.extract_strided_slice %add3A_24 {offsets = [0, 0], sizes = [2000, 128], strides = [1, 1]} : vector<2000x256xf32> to vector<2000x128xf32>
    %swap3A = arith.constant 0 : index
    %swap3A_25 = arith.constant 0 : index
    %swap3A_26 = arith.constant 0 : index
    %swap3A_27 = vector.load %arg5[%swap3A, %swap3A_25, %swap3A_26] : memref<2x2000x128xf32, #tpu.memory_space<vmem>>, vector<1x2000x128xf32>
    %swap3A_28 = vector.shape_cast %swap3A_27 : vector<1x2000x128xf32> to vector<2000x128xf32>
    %swap3A_29 = vector.shape_cast %slice3A : vector<2000x128xf32> to vector<1x2000x128xf32>
    tpu.vector_store %arg5[%swap3A, %swap3A_25, %swap3A_26], %swap3A_29 {strides = array<i32>} : memref<2x2000x128xf32, #tpu.memory_space<vmem>>, vector<1x2000x128xf32>,
    %slice3A_30 = vector.extract_strided_slice %add3A_24 {offsets = [0, 128], sizes = [2000, 128], strides = [1, 1]} : vector<2000x256xf32> to vector<2000x128xf32>
    %swap3A_31 = arith.constant 1 : index
    %swap3A_32 = arith.constant 0 : index
    %swap3A_33 = arith.constant 0 : index
    %swap3A_34 = vector.load %arg5[%swap3A_31, %swap3A_32, %swap3A_33] : memref<2x2000x128xf32, #tpu.memory_space<vmem>>, vector<1x2000x128xf32>
    %swap3A_35 = vector.shape_cast %swap3A_34 : vector<1x2000x128xf32> to vector<2000x128xf32>
    %swap3A_36 = vector.shape_cast %slice3A_30 : vector<2000x128xf32> to vector<1x2000x128xf32>
    tpu.vector_store %arg5[%swap3A_31, %swap3A_32, %swap3A_33], %swap3A_36 {strides = array<i32>} : memref<2x2000x128xf32, #tpu.memory_space<vmem>>, vector<1x2000x128xf32>,
    return
  }
  func.func @transform_0(%arg0: i32) -> (i32, i32, i32) {
    %c0_i32 = arith.constant 0 : i32
    %c0_i32_0 = arith.constant 0 : i32
    %c0_i32_1 = arith.constant 0 : i32
    return %c0_i32, %arg0, %c0_i32_0 : i32, i32, i32
  }
  func.func @transform_1(%arg0: i32) -> (i32, i32) {
    %c0_i32 = arith.constant 0 : i32
    %c0_i32_0 = arith.constant 0 : i32
    %c0_i32_1 = arith.constant 0 : i32
    return %c0_i32, %c0_i32_0 : i32, i32
  }
  func.func @transform_2(%arg0: i32) -> (i32, i32) {
    %c0_i32 = arith.constant 0 : i32
    %c0_i32_0 = arith.constant 0 : i32
    %c0_i32_1 = arith.constant 0 : i32
    return %c0_i32, %c0_i32_0 : i32, i32
  }
  func.func @transform_3(%arg0: i32) -> (i32, i32) {
    %c0_i32 = arith.constant 0 : i32
    %c0_i32_0 = arith.constant 0 : i32
    %c0_i32_1 = arith.constant 0 : i32
    return %c0_i32, %c0_i32_0 : i32, i32
  }
  func.func @transform_4(%arg0: i32) -> (i32, i32, i32) {
    %c0_i32 = arith.constant 0 : i32
    %c0_i32_0 = arith.constant 0 : i32
    %c0_i32_1 = arith.constant 0 : i32
    return %c0_i32, %arg0, %c0_i32_0 : i32, i32, i32
  }
}

module attributes {stable_mosaic.version = 14 : i64} {
  func.func @_mm23_body(%arg0: i32, %arg1: memref<2x2000x128xf32, #tpu.memory_space<vmem>>, %arg2: memref<256x256xf32, #tpu.memory_space<vmem>>, %arg3: memref<1x256xf32, #tpu.memory_space<vmem>>, %arg4: memref<1x256xf32, #tpu.memory_space<vmem>>, %arg5: memref<256x128xf32, #tpu.memory_space<vmem>>, %arg6: memref<2000x128xf32, #tpu.memory_space<vmem>>) attributes {dimension_semantics = [#tpu.dimension_semantics<arbitrary>], iteration_bounds = array<i64: 5>, scalar_prefetch = 0 : i64, scratch_operands = 0 : i64, tpu.core_type = #tpu.core_type<tc>, window_params = [{transform_indices = @transform_0, window_bounds = array<i64: 2, 2000, 128>}, {pipeline_mode = #tpu.pipeline_mode<synchronous>, transform_indices = @transform_1, window_bounds = array<i64: 256, 256>}, {pipeline_mode = #tpu.pipeline_mode<synchronous>, transform_indices = @transform_2, window_bounds = array<i64: 1, 256>}, {pipeline_mode = #tpu.pipeline_mode<synchronous>, transform_indices = @transform_3, window_bounds = array<i64: 1, 256>}, {pipeline_mode = #tpu.pipeline_mode<synchronous>, transform_indices = @transform_4, window_bounds = array<i64: 256, 128>}, {transform_indices = @transform_5, window_bounds = array<i64: 2000, 128>}]} {
    %get3A = arith.constant 0 : index
    %get3A_0 = arith.constant 0 : index
    %get3A_1 = arith.constant 0 : index
    %get3A_2 = vector.load %arg1[%get3A, %get3A_0, %get3A_1] : memref<2x2000x128xf32, #tpu.memory_space<vmem>>, vector<1x2000x128xf32>
    %get3A_3 = vector.shape_cast %get3A_2 : vector<1x2000x128xf32> to vector<2000x128xf32>
    %get3A_4 = arith.constant 0 : index
    %get3A_5 = arith.constant 0 : index
    %get3A_6 = vector.load %arg2[%get3A_4, %get3A_5] : memref<256x256xf32, #tpu.memory_space<vmem>>, vector<128x256xf32>
    %dot_general3A = arith.constant dense<0.000000e+00> : vector<2000x256xf32>
    %dot_general3A_7 = tpu.matmul %get3A_3, %get3A_6, %dot_general3A {dimension_numbers = #tpu.dot_dimension_numbers<[1], [0], [0], [1], [0, 0, 1, 1], [], []>, transpose_lhs_hint = false} : vector<2000x128xf32>, vector<128x256xf32>, vector<2000x256xf32> -> vector<2000x256xf32>
    %get3A_8 = arith.constant 1 : index
    %get3A_9 = arith.constant 0 : index
    %get3A_10 = arith.constant 0 : index
    %get3A_11 = vector.load %arg1[%get3A_8, %get3A_9, %get3A_10] : memref<2x2000x128xf32, #tpu.memory_space<vmem>>, vector<1x2000x128xf32>
    %get3A_12 = vector.shape_cast %get3A_11 : vector<1x2000x128xf32> to vector<2000x128xf32>
    %get3A_13 = arith.constant 128 : index
    %get3A_14 = arith.constant 0 : index
    %get3A_15 = vector.load %arg2[%get3A_13, %get3A_14] : memref<256x256xf32, #tpu.memory_space<vmem>>, vector<128x256xf32>
    %dot_general3A_16 = arith.constant dense<0.000000e+00> : vector<2000x256xf32>
    %dot_general3A_17 = tpu.matmul %get3A_12, %get3A_15, %dot_general3A_16 {dimension_numbers = #tpu.dot_dimension_numbers<[1], [0], [0], [1], [0, 0, 1, 1], [], []>, transpose_lhs_hint = false} : vector<2000x128xf32>, vector<128x256xf32>, vector<2000x256xf32> -> vector<2000x256xf32>
    %add3A = arith.addf %dot_general3A_7, %dot_general3A_17 : vector<2000x256xf32>
    %get3A_18 = arith.constant 0 : index
    %get3A_19 = arith.constant 0 : index
    %get3A_20 = vector.load %arg3[%get3A_18, %get3A_19] : memref<1x256xf32, #tpu.memory_space<vmem>>, vector<1x256xf32>
    %add3A_21 = vector.broadcast %get3A_20 : vector<1x256xf32> to vector<2000x256xf32>
    %add3A_22 = arith.addf %add3A, %add3A_21 : vector<2000x256xf32>
    %max3A = arith.constant 0.000000e+00 : f32
    %max3A_23 = vector.broadcast %max3A : f32 to vector<2000x256xf32>
    %max3A_24 = arith.maximumf %add3A_22, %max3A_23 : vector<2000x256xf32>
    %get3A_25 = arith.constant 0 : index
    %get3A_26 = arith.constant 0 : index
    %get3A_27 = vector.load %arg4[%get3A_25, %get3A_26] : memref<1x256xf32, #tpu.memory_space<vmem>>, vector<1x256xf32>
    %add3A_28 = vector.broadcast %get3A_27 : vector<1x256xf32> to vector<2000x256xf32>
    %add3A_29 = arith.addf %max3A_24, %add3A_28 : vector<2000x256xf32>
    %get3A_30 = arith.constant 0 : index
    %get3A_31 = arith.constant 0 : index
    %get3A_32 = vector.load %arg5[%get3A_30, %get3A_31] : memref<256x128xf32, #tpu.memory_space<vmem>>, vector<256x128xf32>
    %dot_general3A_33 = arith.constant dense<0.000000e+00> : vector<2000x128xf32>
    %dot_general3A_34 = tpu.matmul %add3A_29, %get3A_32, %dot_general3A_33 {dimension_numbers = #tpu.dot_dimension_numbers<[1], [0], [0], [1], [0, 0, 1, 1], [], []>, transpose_lhs_hint = false} : vector<2000x256xf32>, vector<256x128xf32>, vector<2000x128xf32> -> vector<2000x128xf32>
    %swap3A = arith.constant 0 : index
    %swap3A_35 = arith.constant 0 : index
    %swap3A_36 = vector.load %arg6[%swap3A, %swap3A_35] : memref<2000x128xf32, #tpu.memory_space<vmem>>, vector<2000x128xf32>
    tpu.vector_store %arg6[%swap3A, %swap3A_35], %dot_general3A_34 {strides = array<i32>} : memref<2000x128xf32, #tpu.memory_space<vmem>>, vector<2000x128xf32>,
    return
  }
  func.func @transform_0(%arg0: i32) -> (i32, i32, i32) {
    %c0_i32 = arith.constant 0 : i32
    %c0_i32_0 = arith.constant 0 : i32
    %c0_i32_1 = arith.constant 0 : i32
    return %c0_i32, %arg0, %c0_i32_0 : i32, i32, i32
  }
  func.func @transform_1(%arg0: i32) -> (i32, i32) {
    %c0_i32 = arith.constant 0 : i32
    %c0_i32_0 = arith.constant 0 : i32
    %c0_i32_1 = arith.constant 0 : i32
    return %c0_i32, %c0_i32_0 : i32, i32
  }
  func.func @transform_2(%arg0: i32) -> (i32, i32) {
    %c0_i32 = arith.constant 0 : i32
    %c0_i32_0 = arith.constant 0 : i32
    %c0_i32_1 = arith.constant 0 : i32
    return %c0_i32, %c0_i32_0 : i32, i32
  }
  func.func @transform_3(%arg0: i32) -> (i32, i32) {
    %c0_i32 = arith.constant 0 : i32
    %c0_i32_0 = arith.constant 0 : i32
    %c0_i32_1 = arith.constant 0 : i32
    return %c0_i32, %c0_i32_0 : i32, i32
  }
  func.func @transform_4(%arg0: i32) -> (i32, i32) {
    %c0_i32 = arith.constant 0 : i32
    %c0_i32_0 = arith.constant 0 : i32
    %c0_i32_1 = arith.constant 0 : i32
    return %c0_i32, %c0_i32_0 : i32, i32
  }
  func.func @transform_5(%arg0: i32) -> (i32, i32) {
    %c0_i32 = arith.constant 0 : i32
    %c0_i32_0 = arith.constant 0 : i32
    return %arg0, %c0_i32 : i32, i32
  }
}

module attributes {stable_mosaic.version = 14 : i64} {
  func.func @_final_body(%arg0: i32, %arg1: memref<2x2000x128xf32, #tpu.memory_space<vmem>>, %arg2: memref<1x128xf32, #tpu.memory_space<vmem>>, %arg3: memref<2000x128xf32, #tpu.memory_space<vmem>>) attributes {dimension_semantics = [#tpu.dimension_semantics<arbitrary>], iteration_bounds = array<i64: 5>, scalar_prefetch = 0 : i64, scratch_operands = 0 : i64, tpu.core_type = #tpu.core_type<tc>, window_params = [{transform_indices = @transform_0, window_bounds = array<i64: 2, 2000, 128>}, {pipeline_mode = #tpu.pipeline_mode<synchronous>, transform_indices = @transform_1, window_bounds = array<i64: 1, 128>}, {transform_indices = @transform_2, window_bounds = array<i64: 2000, 128>}]} {
    %get3A = arith.constant 0 : index
    %get3A_0 = arith.constant 0 : index
    %get3A_1 = arith.constant 0 : index
    %get3A_2 = vector.load %arg1[%get3A, %get3A_0, %get3A_1] : memref<2x2000x128xf32, #tpu.memory_space<vmem>>, vector<1x2000x128xf32>
    %get3A_3 = vector.shape_cast %get3A_2 : vector<1x2000x128xf32> to vector<2000x128xf32>
    %get3A_4 = arith.constant 1 : index
    %get3A_5 = arith.constant 0 : index
    %get3A_6 = arith.constant 0 : index
    %get3A_7 = vector.load %arg1[%get3A_4, %get3A_5, %get3A_6] : memref<2x2000x128xf32, #tpu.memory_space<vmem>>, vector<1x2000x128xf32>
    %get3A_8 = vector.shape_cast %get3A_7 : vector<1x2000x128xf32> to vector<2000x128xf32>
    %add3A = arith.addf %get3A_3, %get3A_8 : vector<2000x128xf32>
    %get3A_9 = arith.constant 0 : index
    %get3A_10 = arith.constant 0 : index
    %get3A_11 = vector.load %arg2[%get3A_9, %get3A_10] : memref<1x128xf32, #tpu.memory_space<vmem>>, vector<1x128xf32>
    %add3A_12 = vector.broadcast %get3A_11 : vector<1x128xf32> to vector<2000x128xf32>
    %add3A_13 = arith.addf %add3A, %add3A_12 : vector<2000x128xf32>
    %swap3A = arith.constant 0 : index
    %swap3A_14 = arith.constant 0 : index
    %swap3A_15 = vector.load %arg3[%swap3A, %swap3A_14] : memref<2000x128xf32, #tpu.memory_space<vmem>>, vector<2000x128xf32>
    tpu.vector_store %arg3[%swap3A, %swap3A_14], %add3A_13 {strides = array<i32>} : memref<2000x128xf32, #tpu.memory_space<vmem>>, vector<2000x128xf32>,
    return
  }
  func.func @transform_0(%arg0: i32) -> (i32, i32, i32) {
    %c0_i32 = arith.constant 0 : i32
    %c0_i32_0 = arith.constant 0 : i32
    %c0_i32_1 = arith.constant 0 : i32
    return %c0_i32, %arg0, %c0_i32_0 : i32, i32, i32
  }
  func.func @transform_1(%arg0: i32) -> (i32, i32) {
    %c0_i32 = arith.constant 0 : i32
    %c0_i32_0 = arith.constant 0 : i32
    %c0_i32_1 = arith.constant 0 : i32
    return %c0_i32, %c0_i32_0 : i32, i32
  }
  func.func @transform_2(%arg0: i32) -> (i32, i32) {
    %c0_i32 = arith.constant 0 : i32
    %c0_i32_0 = arith.constant 0 : i32
    return %arg0, %c0_i32 : i32, i32
  }
}

</mosaic_0001>

<sc_bundles>
// kernel: kernel.12.cloned.1.call-start
scs
__scs_entry_jumppad:
0x0: {  	(pc) =	sbr.rel $0x88, $3  }
0x1: {  	(tag) =	ssettag $0x0;
	lr =	simm.s32 $0x1  }
0x2: {  	[smem:$0x3F96] =	sst lr;
	_ =	strace $0xD0000000  }
0x3: {  	_ = 	snop  }
0x4: {  	_ = 	snop  }
0x5: {  	_ = 	snop  }
0x6: {  	_ = 	snop  }
0x7: {  	_ = 	snop  }
__scs_overlays_trampoline_lowered:
0x8: {  	[smem:$0x3FA5] =	sst s0  }
0x9: {  	[smem:$0x3FA6] =	sst s1  }
0xa: {  	[smem:$0x3FA7] =	sst s2  }
0xb: {  	[smem:$0x3FA8] =	sst s3  }
0xc: {  	[smem:$0x3FA9] =	sst s4  }
0xd: {  	[smem:$0x3FAA] =	sst s5  }
0xe: {  	[smem:$0x3FAB] =	sst s6  }
0xf: {  	[smem:$0x3FAC] =	sst s7  }
0x10: {  	[smem:$0x3FAD] =	sst s8  }
0x11: {  	[smem:$0x3FAE] =	sst s9;
	s0 =	simm.s32 @!p0 $0x0  }
0x12: {  	s1 =	sld [smem:$0x3F94];
	s0 =	simm.s32 @p0 $0x1  }
0x13: {  	[smem:$0x3FAF] =	sst s0;
	s0 =	simm.s32 @!p1 $0x0  }
0x14: {  	s2 =	sld [smem:$0x3F93];
	s0 =	simm.s32 @p1 $0x1  }
0x15: {  	[smem:$0x3FB0] =	sst s0;
	s0 =	simm.s32 @!p2 $0x0  }
0x16: {  	s3 =	sld [smem:$0x3FDB];
	s0 =	simm.s32 @p2 $0x1  }
0x17: {  	s4 =	simm.s32 $0x1BF5;
	[smem:$0x3FB2] =	sst s0  }
0x18: {  	s0 =	sld [smem:$0x3F95];
	_ =	swait.ge [sflag:s4], $0x0  }
0x19: {  	s7 =	sld [smem:$0x3F96]  }
0x1a: {  	s8 =	sadd.s32 $0xFFFFE003, lr  }
0x1b: {  	s9 =	sadd.s32 $0xFFFFFEF7, lr;
	s5 =	simm.s32 $0xFFFFFFFF;
	p2 =	slt.u32 s8, $0xFFFFF086  }
0x1c: {  	p1 =	slt.u32 s9, $0xF7A;
	s5 =	simm.s32 @!p2 $0x0  }
0x1d: {  	s5 =	simm.s32 @p1 $0x1;
	p0 =	seq.s32 s7, s2  }
0x1e: {  	s7 =	smul.u32 @!p0 $0xF7A, s2;
	p2 =	seq.s32 @!p0 s5, $0x0  }
0x1f: {  	s9 =	smul.u32 $0xF7A, s1;
	s8 =	simm.s32 @!p0 $0x1BF5;
	p2 =	por !p2, p0  }
0x20: {  	[sflag:s8] =	ssyncset.s32 @!p0 $0xFFFFF086;
	s6 =	sadd.s32 @!p0 s3, s7;
	s7 =	simm.s32 @!p0 $0x108  }
0x21: {  	s3 =	sadd.s32 s3, s9;
	s6 =	sadd.s32 @!p0 $0x88, s6;
	s7 =	simm.s32 @p2 $0x1082  }
0x22: {  	[simem:s7], [sflag:s8] =	dma.local @!p0 [hbm:s6], $0xF7A  }
0x23: {  	s9 =	sor.u32 $0xD0000000, s2;
	s6 =	simm.s32 $0x108;
	_ =	swait.ge @!p0 [sflag:s8], $0x0  }
0x24: {  	s3 =	sadd.s32 $0x88, s3;
	s6 =	simm.s32 @!p1 $0x1082;
	[sflag:s4] =	ssyncset.s32 $0xFFFFF086  }
0x25: {  	[simem:s6], [sflag:s4] =	dma.local [hbm:s3], $0xF7A  }
0x26: {  	[smem:$0x3F96] =	sst s1;
	(tag) =	ssettag s2;
	_ =	strace s9  }
0x27: {  	s1 =	sld [smem:$0x3FA6]  }
0x28: {  	s2 =	sld [smem:$0x3FA7]  }
0x29: {  	s4 =	sld [smem:$0x3FA9]  }
0x2a: {  	p0 =	seq.s32 s5, $0x0;
	s5 =	sld [smem:$0x3FAA]  }
0x2b: {  	s6 =	sld [smem:$0x3FAB]  }
0x2c: {  	s7 =	sld [smem:$0x3FAC]  }
0x2d: {  	s3 =	simm.s32 $0x108;
	s8 =	sld [smem:$0x3FAD]  }
0x2e: {  	s3 =	simm.s32 @!p0 $0x1082;
	s9 =	sld [smem:$0x3FAE]  }
0x2f: {  	lr =	sadd.s32 s0, s3;
	s0 =	sld [smem:$0x3FA5]  }
0x30: {  	s3 =	sld [smem:$0x3FA8]  }
0x31: {  	[smem:$0x3FB1] =	sst s10  }
0x32: {  	s10 =	sld [smem:$0x3FAF];
	_ =	sdelay $0x3  }
0x33: {  	p0 =	seq.s32 s10, $0x1;
	s10 =	sld [smem:$0x3FB1];
	_ =	sdelay $0x3  }
0x34: {  	[smem:$0x3FB1] =	sst s10  }
0x35: {  	s10 =	sld [smem:$0x3FB0];
	_ =	sdelay $0x3  }
0x36: {  	p1 =	seq.s32 s10, $0x1;
	s10 =	sld [smem:$0x3FB1];
	_ =	sdelay $0x3  }
0x37: {  	[smem:$0x3FB1] =	sst s10  }
0x38: {  	s10 =	sld [smem:$0x3FB2]  }
0x39: {  	_ = 	snop;
	(pc) =	sbr.ind lr, $3  }
0x3a: {  	_ = 	snop  }
0x3b: {  	_ = 	snop  }
0x3c: {  	p2 =	seq.s32 s10, $0x1;
	s10 =	sld [smem:$0x3FB1]  }
0x3d: {  	_ =	shalt  }
0x3e: {  	_ =	shalt  }
0x3f: {  	_ =	shalt  }
0x40: {  	_ =	shalt  }
0x41: {  	_ =	shalt  }
0x42: {  	_ =	shalt  }
0x43: {  	_ =	shalt  }
0x44: {  	_ =	shalt  }
0x45: {  	_ =	shalt  }
0x46: {  	_ =	shalt  }
0x47: {  	_ =	shalt  }
0x48: {  	_ =	shalt  }
0x49: {  	_ =	shalt  }
0x4a: {  	_ =	shalt  }
0x4b: {  	_ =	shalt  }
0x4c: {  	_ =	shalt  }
0x4d: {  	_ =	shalt  }
0x4e: {  	_ =	shalt  }
0x4f: {  	_ =	shalt  }
0x50: {  	_ =	shalt  }
0x51: {  	_ =	shalt  }
0x52: {  	_ =	shalt  }
0x53: {  	_ =	shalt  }
0x54: {  	_ =	shalt  }
0x55: {  	_ =	shalt  }
0x56: {  	_ =	shalt  }
0x57: {  	_ =	shalt  }
0x58: {  	_ =	shalt  }
0x59: {  	_ =	shalt  }
0x5a: {  	_ =	shalt  }
0x5b: {  	_ =	shalt  }
0x5c: {  	_ =	shalt  }
0x5d: {  	_ =	shalt  }
0x5e: {  	_ =	shalt  }
0x5f: {  	_ =	shalt  }
0x60: {  	_ =	shalt  }
0x61: {  	_ =	shalt  }
0x62: {  	_ =	shalt  }
0x63: {  	_ =	shalt  }
0x64: {  	_ =	shalt  }
0x65: {  	_ =	shalt  }
0x66: {  	_ =	shalt  }
0x67: {  	_ =	shalt  }
0x68: {  	_ =	shalt  }
0x69: {  	_ =	shalt  }
0x6a: {  	_ =	shalt  }
0x6b: {  	_ =	shalt  }
0x6c: {  	_ =	shalt  }
0x6d: {  	_ =	shalt  }
0x6e: {  	_ =	shalt  }
0x6f: {  	_ =	shalt  }
0x70: {  	_ =	shalt  }
0x71: {  	_ =	shalt  }
0x72: {  	_ =	shalt  }
0x73: {  	_ =	shalt  }
0x74: {  	_ =	shalt  }
0x75: {  	_ =	shalt  }
0x76: {  	_ =	shalt  }
0x77: {  	_ =	shalt  }
0x78: {  	_ =	shalt  }
0x79: {  	_ =	shalt  }
0x7a: {  	_ =	shalt  }
0x7b: {  	_ =	shalt  }
0x7c: {  	_ =	shalt  }
0x7d: {  	_ =	shalt  }
0x7e: {  	_ =	shalt  }
0x7f: {  	_ =	shalt  }
0x80: {  	_ =	shalt  }
0x81: {  	_ =	shalt  }
0x82: {  	_ =	shalt  }
0x83: {  	_ =	shalt  }
0x84: {  	_ =	shalt  }
0x85: {  	_ =	shalt  }
0x86: {  	_ =	shalt  }
0x87: {  	_ =	shalt  }
.Lfunc_end0:
.L_simem_size_0:
called_computation.1_lowered:
.L_overlay_start_0:
0x88: {  	s2 =	sld [smem:$0x3FD9]  }
0x89: {  	s3 =	sld [smem:$0x3FFE];
	_ =	sdelay $0x1  }
0x8a: {  	s1 =	srdreg.scid  }
0x8b: {  	s0 =	sand.u32 $0x1, s1  }
0x8c: {  	s16 =	sshll.u32 s0, $0xA;
	s2 =	sadd.s32 s3, s2  }
0x8d: {  	s2 =	sadd.s32 s2, s16  }
0x8e: {  	[smem:$0x3FBD] =	sst s2  }
0x8f: {  	_ = 	snop  }
0x90: {  	(tm) =	ssettm $0x1  }
0x91: {  	s17 =	sld [smem:$0x3FFB];
	_ =	sdelay $0x3  }
0x92: {  	_ =	strace s17  }
0x93: {  	s2 =	sld [smem:$0x3FFC];
	_ =	sdelay $0x3  }
0x94: {  	_ =	strace s2  }
0x95: {  	s2 =	sld [smem:$0x3FFD];
	_ =	sdelay $0x3  }
0x96: {  	_ =	strace s2  }
0x97: {  	_ =	strace $0x8FFFFFFF  }
0x98: {  	s18 =	sld [smem:$0x3FDB];
	_ =	sdelay $0x1  }
0x99: {  	s19 =	simm.s32 $_scs_section_size  }
0x9a: {  	s4 =	simm.s32 $_size__tile_overlayer_lowered;
	s5 =	simm.s32 $_tile_overlayer_lowered  }
0x9b: {  	s22 =	simm.s32 $0x1BFF;
	s21 =	sshll.u32 s5, $0x1;
	s2 =	sadd.s32 s19, s18  }
0x9c: {  	s6 =	simm.s32 $0x0;
	s20 =	sshll.u32 s4, $0x1;
	s4 =	sadd.s32 s21, s2  }
0x9d: {  	[timem:s6], [sflag:s22] =	dma.local [hbm:s4], s20  }
0x9e: {  	_ =	swait.ge [sflag:s22], s20  }
0x9f: {  	s3 =	ssub.s32 $0x0, s20;
	[sflag:s22] =	ssyncset.done $0x0  }
0xa0: {  	[sflag:s22] =	ssyncadd.s32 s3;
	_ =	sdelay $0x1  }
0xa1: {  	s23 =	simm.s32 $0x1B8B  }
0xa2: {  	_ =	swait.ge [sflag:s23], $0x1  }
0xa3: {  	[sflag:s23] =	ssyncset.done $0x0  }
0xa4: {  	s25 =	simm.s32 $0x1B8E;
	s24 =	sld [smem:$0x3FFE];
	[sflag:s23] =	ssyncadd.s32 $0xFFFFFFFF  }
0xa5: {  	s26 =	simm.s32 $execute0_lowered;
	[smem:$0x3FD2] =	sst s25  }
0xa6: {  	s4 =	sshll.u32 s26, $0x1;
	_ =	strace $0x80000049;
	[dreg:$0x1] =	wrdreg $0xFFFFFFFF  }
0xa7: {  	s28 =	simm.s32 $_size_execute0_lowered;
	s2 =	sadd.s32 s2, s4;
	[dreg:$0x0] =	wrdreg $0x0  }
0xa8: {  	s4 =	sshll.u32 s28, $0x1;
	[dreg:$0x2] =	wrdreg s2  }
0xa9: {  	[dreg:$0x3] =	wrdreg s4  }
0xaa: {  	[dreg:$0x4] =	wrdreg $0xC0  }
0xab: {  	_ =	task [dreg:s6], $0x5FFFF  }
0xac: {  	[dreg:$0x1] =	wrdreg $0xFFFFFFFF  }
0xad: {  	[dreg:$0x0] =	wrdreg $0x60  }
0xae: {  	[dreg:$0x2] =	wrdreg s24  }
0xaf: {  	[dreg:$0x3] =	wrdreg $0xA0000  }
0xb0: {  	[dreg:$0x4] =	wrdreg $0x9  }
0xb1: {  	_ =	task.clear_ibuf [dreg:s6], $0x5FFFF;
	_ =	strace $0x90000049  }
0xb2: {  	s29 =	simm.s32 $0x9;
	_ =	strace $0x8000004B  }
0xb3: {  	_ =	swait.ge [sflag:s29], $0x1  }
0xb4: {  	[sflag:s29] =	ssyncadd.s32 $0xFFFFFFFF  }
0xb5: {  	_ =	strace $0x9000004B  }
0xb6: {  	_ =	sfence  }
0xb7: {  	s30 =	sld [smem:$0x0];
	_ =	sdelay $0x2  }
0xb8: {  	s31 =	sshll.u32 s1, $0xD;
	s1 =	sshrl.u32 s1, $0x2  }
0xb9: {  	s3 =	sand.u32 $0x4000, s31;
	s1 =	sadd.s32 s1, s30  }
0xba: {  	s0 =	sor.u32 s3, s0;
	s1 =	sshll.u32 s1, $0x11  }
0xbb: {  	s0 =	sor.u32 s1, s0  }
0xbc: {  	s0 =	sadd.s32 $0x8F2B, s0  }
0xbd: {  	[sflag:s0] =	ssyncadd.remote.s32 $0x1  }
0xbe: {  	_ =	sfence.sel $0xFFFF  }
0xbf: {  	[dreg:$0x0] =	wrdreg $0xFFFFFFFF;
	(pc) =	sbr.abs _section_cstart, $3  }
0xc0: {  	[dreg:$0x1] =	wrdreg $0xFFFFFFFF  }
0xc1: {  	_ =	task.clear_ibuf [dreg:s6], $0x2FFFF;
	_ =	strace $0x9FFFFFFF  }
0xc2: {  	(tm) =	ssettm $0x7FFFFFFF  }
0xc3: {  	_ =	shalt  }
tec
execute0_lowered:
.L_overlay_start_1:
0x0: {  	(tag) =	ssettag $0x1  }
0x1: {  	s0 =	rddreg [dreg:$0x0]  }
0x2: {  	s1 =	rddreg [dreg:$0x1];
	s3 =	simm.s32 $0x0;
	s2 =	srdreg.scid  }
0x3: {  	s10 =	stileid.u32;
	s19 =	simm.s32 $0x2000;
	s28 =	simm.s32 $0x6000  }
0x4: {  	s29 =	simm.s32 $0x1;
	s30 =	simm.s32 $0x5;
	s6 =	smul.u32 $0x4E000, s10  }
0x5: {  	[smem:$0x7FF] =	sst s3;
	s2 =	sand.u32 $0x1, s2;
	s23 =	smul.u32 $0xA00, s10  }
0x6: {  	s4 =	sadd.s32 $0x2600, s0;
	s5 =	sadd.s32 $0xC600, s0;
	s9 =	smul.u32 $0x5000, s10  }
0x7: {  	s11 =	sadd.s32 $0x138000, s1;
	s31 =	smul.u32 $0x2700, s10;
	p0 =	sne.s32 s10, $0xF  }
0x8: {  	_ =	strace $0x8000004A;
	s7 =	smul.u32 $0x27100, s2;
	s2 =	ssub.s32 $0x2, s2  }
0x9: {  	s8 =	sshrl.u32 s2, $0x1;
	s6 =	sshrl.u32 s6, $0x2;
	s12 =	sadd.s32 s4, s23  }
0xa: {  	s26 =	sor.u32 $0x100, s23;
	s13 =	sadd.s32 s5, s23;
	[dreg:$0x3] =	wrdreg s9  }
0xb: {  	s23 =	simm.s32 $0x2;
	s0 =	sadd.s32 s7, s0;
	s6 =	sadd.s32 s6, s1  }
0xc: {  	s2 =	ssub.s32 s2, s8;
	s14 =	sadd.s32 s4, s26;
	s21 =	sadd.s32 $0x4000, s6  }
0xd: {  	s15 =	sadd.s32 s5, s26;
	s22 =	sadd.s32 $0x8000, s6;
	[dreg:$0x4] =	wrdreg s21  }
0xe: {  	s26 =	simm.s32 $0x80;
	s24 =	sadd.s32 $0xC000, s6;
	[dreg:$0x5] =	wrdreg s22  }
0xf: {  	s25 =	sadd.s32 $0x10000, s6;
	s16 =	sadd.s32 $0x16600, s0;
	[dreg:$0x6] =	wrdreg s24  }
0x10: {  	s17 =	sadd.s32 $0x64800, s0;
	s18 =	smax.u32 s2, $0x1;
	[dreg:$0x7] =	wrdreg s25  }
0x11: {  	v0 =	vimm.f32 $0.0e+00;
	s24 =	simm.s32 $0x3;
	s25 =	sadd.s32 s31, s17;
	s21 =	simm.s32 $0x0  }
.LBB2_1:
0x12: {  	s0 =	simm.s32 $0x0;
	s2 =	simm.s32 $0x200  }
.LBB2_2:
0x13: {  	p1 =	sne.s32 s2, $0xFE00;
	[tilespmem:s0+$0x2070] =	vst v0  }
0x14: {  	[tilespmem:s0+$0x2000] =	vst v0  }
0x15: {  	[tilespmem:s0+$0x2010] =	vst v0  }
.Ltmp0:
0x16: {  	[tilespmem:s0+$0x2020] =	vst v0;
	(pc) =	sbr.rel @p1 .LBB2_2-.Ltmp0, $4  }
0x17: {  	[tilespmem:s0+$0x2030] =	vst v0  }
0x18: {  	[tilespmem:s0+$0x2040] =	vst v0  }
0x19: {  	[tilespmem:s0+$0x2050] =	vst v0  }
0x1a: {  	[tilespmem:s0+$0x2060] =	vst v0;
	s0 =	sshra.s32 s2, $0x2;
	s2 =	sadd.s32 $0x200, s2  }
0x1b: {  	[tilespmem:s0+$0x2070] =	vst v0  }
0x1c: {  	[tilespmem:s0+$0x2000] =	vst v0  }
0x1d: {  	[tilespmem:s0+$0x2010] =	vst v0  }
0x1e: {  	[tilespmem:s0+$0x2020] =	vst v0  }
0x1f: {  	[tilespmem:s0+$0x2030] =	vst v0  }
0x20: {  	[tilespmem:s0+$0x2040] =	vst v0  }
0x21: {  	[tilespmem:s0+$0x2050] =	vst v0  }
0x22: {  	[tilespmem:s0+$0x2060] =	vst v0  }
0x23: {  	[spmem:s6] =	stream.linear.scatter [tilespmem:s19], [sflag:$0x2], $0x4000, $0x38;
	[tilespmem:$0x1DB80] =	vst v63  }
0x24: {  	s9 =	rddreg [dreg:$0x4]  }
0x25: {  	[spmem:s9] =	stream.linear.scatter [tilespmem:s19], [sflag:$0x2], $0x4000, $0x38;
	[tilespmem:$0x1DB80] =	vst v63  }
0x26: {  	s10 =	rddreg [dreg:$0x5]  }
0x27: {  	[spmem:s10] =	stream.linear.scatter [tilespmem:s19], [sflag:$0x2], $0x4000, $0x38;
	[tilespmem:$0x1DB80] =	vst v63  }
0x28: {  	s20 =	rddreg [dreg:$0x6]  }
0x29: {  	[spmem:s20] =	stream.linear.scatter [tilespmem:s19], [sflag:$0x2], $0x4000, $0x38;
	[tilespmem:$0x1DB80] =	vst v63  }
0x2a: {  	s22 =	rddreg [dreg:$0x7]  }
0x2b: {  	[spmem:s22] =	stream.linear.scatter [tilespmem:s19], [sflag:$0x2], $0x3800, $0x38;
	[tilespmem:$0x1DB80] =	vst v63  }
0x2c: {  	s0 =	simm.s32 @!p0 $0x2000  }
0x2d: {  	[spmem:s11] =	stream.linear.scatter @!p0 [tilespmem:s0], [sflag:$0x2], $0x3800, $0x38;
	[tilespmem:$0x1DB80] =	vst v63  }
0x2e: {  	_ = 	snop  }
0x2f: {  	[tilespmem:s3], [sflag:$0x3] =	stream.linear.gather [hbm4b:s12+s3], $0x800, $0x38;
	[tilespmem:$0x1DB80] =	vst v63  }
0x30: {  	s2 =	simm.s32 $0x1000  }
0x31: {  	[tilespmem:s2], [sflag:$0x3] =	stream.linear.gather [hbm4b:s13+s3], $0x800, $0x38;
	[tilespmem:$0x1DB80] =	vst v63  }
0x32: {  	s7 =	simm.s32 $0x800  }
0x33: {  	[tilespmem:s7], [sflag:$0x4] =	stream.linear.gather [hbm4b:s14+s3], $0x800, $0x38;
	[tilespmem:$0x1DB80] =	vst v63  }
0x34: {  	s8 =	simm.s32 $0x1800  }
0x35: {  	[tilespmem:s8], [sflag:$0x4] =	stream.linear.gather [hbm4b:s15+s3], $0x800, $0x38;
	[tilespmem:$0x1DB80] =	vst v63  }
0x36: {  	_ =	swait.ge [sflag:s23], $0x4000  }
0x37: {  	[sflag:s23] =	ssyncset.done $0x0  }
0x38: {  	[sflag:s23] =	ssyncadd.s32 $0xFFFFC000  }
0x39: {  	_ =	swait.ge [sflag:s23], $0x4000  }
0x3a: {  	[sflag:s23] =	ssyncset.done $0x0  }
0x3b: {  	[sflag:s23] =	ssyncadd.s32 $0xFFFFC000  }
0x3c: {  	_ =	swait.ge [sflag:s23], $0x4000  }
0x3d: {  	[sflag:s23] =	ssyncset.done $0x0  }
0x3e: {  	[sflag:s23] =	ssyncadd.s32 $0xFFFFC000  }
0x3f: {  	_ =	swait.ge [sflag:s23], $0x4000  }
0x40: {  	[sflag:s23] =	ssyncset.done $0x0  }
0x41: {  	[sflag:s23] =	ssyncadd.s32 $0xFFFFC000  }
0x42: {  	_ =	swait.ge [sflag:s23], $0x3800  }
0x43: {  	[sflag:s23] =	ssyncset.done $0x0  }
0x44: {  	s0 =	simm.s32 @!p0 $0x2;
	[sflag:s23] =	ssyncadd.s32 $0xFFFFC800  }
0x45: {  	_ =	swait.ge @!p0 [sflag:s0], $0x3800  }
0x46: {  	[sflag:s0] =	ssyncset.done @!p0 $0x0  }
0x47: {  	[sflag:s0] =	ssyncadd.s32 @!p0 $0xFFFFC800  }
0x48: {  	[bflag:$0x0] =	sbarrier.arrive $0xFFFF  }
0x49: {  	_ =	swait.ge [sflag:s24], $0x800  }
0x4a: {  	[sflag:s24] =	ssyncset.done $0x0  }
0x4b: {  	[sflag:s24] =	ssyncadd.s32 $0xFFFFF800  }
0x4c: {  	_ =	swait.ge [sflag:s24], $0x800  }
0x4d: {  	s9 =	simm.s32 $0x0;
	[sflag:s24] =	ssyncset.done $0x0  }
0x4e: {  	s2 =	sand.u32 $0xF00, s9;
	[sflag:s24] =	ssyncadd.s32 $0xFFFFF800  }
0x4f: {  	[tilespmem:s19], [sflag:$0x1] =	stream.indirect.gather [hbm4b:s16+s26], $0x80, s9, s26, $0xb8;
	[tilespmem:$0x1DB80] =	vst v63  }
0x50: {  	s2 =	sor.u32 $0x80, s2;
	s7 =	simm.s32 $0x2  }
0x51: {  	[tilespmem:s28], [sflag:$0x2] =	stream.indirect.gather [hbm4b:s16+s26], $0x80, s2, s26, $0xb8;
	[tilespmem:$0x1DB80] =	vst v63  }
0x52: {  	s8 =	sand.u32 $0xE, s7;
	s0 =	sand.u32 $0x3C00, s9;
	_ =	swait.ge [sflag:s29], $0x4000  }
0x53: {  	p1 =	sne.s32 s8, $0x0;
	s0 =	sshrl.u32 s0, $0x2;
	[sflag:s29] =	ssyncset.done $0x0  }
0x54: {  	s7 =	sand.u32 @!p1 $0x10, s7;
	s0 =	sor.u32 $0x1000, s0;
	[sflag:s29] =	ssyncadd.s32 $0xFFFFC000  }
0x55: {  	[spmem:s1] =	stream.indirect.scatter.add.f32 [tilespmem:s19], [sflag:$0x5], $0x80, s0, s26, $0xb8;
	[tilespmem:$0x1DB80] =	vst v63  }
0x56: {  	p2 =	seq.s32 @!p1 s7, $0x0;
	_ =	swait.ge [sflag:s30], $0x4000  }
0x57: {  	p2 =	por !p2, p1;
	s0 =	simm.s32 @!p1 $0x3;
	[sflag:s30] =	ssyncset.done $0x0  }
0x58: {  	s0 =	simm.s32 @p2 $0x4;
	[sflag:s30] =	ssyncadd.s32 $0xFFFFC000  }
0x59: {  	_ =	swait.ge @!p1 [sflag:s0], $0x800  }
0x5a: {  	[sflag:s0] =	ssyncset.done @!p1 $0x0  }
0x5b: {  	[sflag:s0] =	ssyncadd.s32 @!p1 $0xFFFFF800  }
0x5c: {  	s22 =	simm.s32 $0x400;
	_ =	swait.ge @!p1 [sflag:s0], $0x800  }
0x5d: {  	s10 =	sand.u32 $0x3C00, s22;
	[sflag:s0] =	ssyncset.done @!p1 $0x0  }
0x5e: {  	s7 =	sshrl.u32 s10, $0x2;
	[sflag:s0] =	ssyncadd.s32 @!p1 $0xFFFFF800;
	p1 =	por $0x0, $0x0  }
0x5f: {  	[tilespmem:s19], [sflag:$0x1] =	stream.indirect.gather [hbm4b:s16+s26], $0x80, s7, s26, $0xb8;
	[tilespmem:$0x1DB80] =	vst v63  }
0x60: {  	p2 =	sne.s32 @!p1 s8, $0x0  }
0x61: {  	_ =	swait.ge [sflag:s23], $0x4000;
	p3 =	por p2, p1  }
0x62: {  	s20 =	sor.u32 $0x1000, s2;
	[sflag:s23] =	ssyncset.done $0x0;
	s2 =	simm.s32 @!p3 $0x1  }
0x63: {  	[sflag:s23] =	ssyncadd.s32 $0xFFFFC000;
	s2 =	sand.u32 @!p3 $0x1, s2  }
0x64: {  	[spmem:s1] =	stream.indirect.scatter.add.f32 [tilespmem:s28], [sflag:$0x5], $0x80, s20, s26, $0xb8;
	[tilespmem:$0x1DB80] =	vst v63  }
0x65: {  	s31 =	simm.s32 $0x4;
	p4 =	seq.s32 @!p3 s2, $0x1;
	_ =	swait.ge [sflag:s30], $0x4000  }
0x66: {  	s20 =	simm.s32 $0x100;
	p5 =	por @!p1 !p4, p2;
	s0 =	rddreg [dreg:$0x3]  }
0x67: {  	p2 =	por @!p1 p4, p2;
	p5 =	por p5, p1;
	s0 =	sadd.s32 @!p3 $0x800, s0  }
0x68: {  	[sflag:s30] =	ssyncset.done $0x0;
	s8 =	simm.s32 @!p5 $0x0;
	s0 =	sshrl.u32 @!p3 s0, $0x3  }
0x69: {  	s7 =	simm.s32 @!p5 $0x800;
	[sflag:s30] =	ssyncadd.s32 $0xFFFFC000;
	s2 =	sadd.s32 @!p3 s4, s0  }
0x6a: {  	[tilespmem:s7], [sflag:$0x4] =	stream.linear.gather @!p5 [hbm4b:s2+s8], $0x800, $0x38;
	[tilespmem:$0x1DB80] =	vst v63  }
0x6b: {  	p2 =	por p2, p1;
	s7 =	sadd.s32 @!p3 s5, s0;
	s0 =	simm.s32 @!p5 $0x1800  }
0x6c: {  	[tilespmem:s0], [sflag:$0x4] =	stream.linear.gather @!p5 [hbm4b:s7+s8], $0x800, $0x38;
	[tilespmem:$0x1DB80] =	vst v63  }
0x6d: {  	s9 =	simm.s32 @!p2 $0x1000;
	s0 =	simm.s32 $0x1;
	s8 =	simm.s32 @!p2 $0x0  }
.LBB2_4:
0x6e: {  	[tilespmem:s8], [sflag:$0x3] =	stream.linear.gather @!p2 [hbm4b:s2+s8], $0x800, $0x38;
	[tilespmem:$0x1DB80] =	vst v63  }
0x6f: {  	s10 =	sand.u32 $0xF00, s20  }
0x70: {  	[tilespmem:s9], [sflag:$0x3] =	stream.linear.gather @!p2 [hbm4b:s7+s8], $0x800, $0x38;
	[tilespmem:$0x1DB80] =	vst v63  }
0x71: {  	s2 =	smov.u32 s31;
	s7 =	sor.u32 $0x80, s10  }
0x72: {  	[tilespmem:s28], [sflag:$0x2] =	stream.indirect.gather [hbm4b:s16+s26], $0x80, s7, s26, $0xb8;
	[tilespmem:$0x1DB80] =	vst v63  }
0x73: {  	s10 =	sand.u32 $0x3C00, s22;
	s9 =	sand.u32 $0xE, s2;
	_ =	swait.ge [sflag:s29], $0x4000  }
0x74: {  	s8 =	sshrl.u32 s10, $0x2;
	p2 =	sne.s32 s9, $0x0;
	[sflag:s29] =	ssyncset.done $0x0  }
0x75: {  	s8 =	sor.u32 $0x1000, s8;
	s10 =	sand.u32 @!p2 $0x10, s2;
	[sflag:s29] =	ssyncadd.s32 $0xFFFFC000  }
0x76: {  	[spmem:s1] =	stream.indirect.scatter.add.f32 [tilespmem:s19], [sflag:$0x5], $0x80, s8, s26, $0xb8;
	[tilespmem:$0x1DB80] =	vst v63  }
0x77: {  	p3 =	seq.s32 @!p2 s10, $0x0;
	_ =	swait.ge [sflag:s30], $0x4000  }
0x78: {  	p3 =	por !p3, p2;
	s8 =	simm.s32 @!p2 $0x3;
	[sflag:s30] =	ssyncset.done $0x0  }
0x79: {  	s8 =	simm.s32 @p3 $0x4;
	[sflag:s30] =	ssyncadd.s32 $0xFFFFC000  }
0x7a: {  	_ =	swait.ge @!p2 [sflag:s8], $0x800  }
0x7b: {  	[sflag:s8] =	ssyncset.done @!p2 $0x0  }
0x7c: {  	[sflag:s8] =	ssyncadd.s32 @!p2 $0xFFFFF800  }
0x7d: {  	s22 =	sadd.s32 $0x400, s22;
	_ =	swait.ge @!p2 [sflag:s8], $0x800  }
0x7e: {  	s10 =	sand.u32 $0x3C00, s22;
	[sflag:s8] =	ssyncset.done @!p2 $0x0  }
0x7f: {  	s10 =	sshrl.u32 s10, $0x2;
	[sflag:s8] =	ssyncadd.s32 @!p2 $0xFFFFF800;
	p2 =	sgt.u32 s0, $0x46  }
0x80: {  	[tilespmem:s19], [sflag:$0x1] =	stream.indirect.gather [hbm4b:s16+s26], $0x80, s10, s26, $0xb8;
	[tilespmem:$0x1DB80] =	vst v63  }
0x81: {  	p4 =	sne.s32 @!p2 s9, $0x0  }
0x82: {  	_ =	swait.ge [sflag:s23], $0x4000;
	p3 =	por p4, p2  }
0x83: {  	s31 =	sadd.s32 $0x2, s31;
	[sflag:s23] =	ssyncset.done $0x0;
	s2 =	sshrl.u32 @!p3 s2, $0x4  }
0x84: {  	s7 =	sor.u32 $0x1000, s7;
	[sflag:s23] =	ssyncadd.s32 $0xFFFFC000;
	s2 =	sadd.s32 @!p3 $0x1, s2  }
0x85: {  	[spmem:s1] =	stream.indirect.scatter.add.f32 [tilespmem:s28], [sflag:$0x5], $0x80, s7, s26, $0xb8;
	[tilespmem:$0x1DB80] =	vst v63  }
0x86: {  	s20 =	sadd.s32 $0x100, s20;
	p1 =	sne.s32 s31, $0xA0;
	s8 =	sand.u32 @!p3 $0x1, s2  }
0x87: {  	s2 =	sshll.u32 @!p3 s2, $0xB;
	_ =	swait.ge [sflag:s30], $0x4000;
	p5 =	seq.s32 @!p3 s8, $0x1  }
0x88: {  	s7 =	rddreg [dreg:$0x3];
	p6 =	por @!p2 !p5, p4;
	p4 =	por @!p2 p5, p4  }
0x89: {  	[sflag:s30] =	ssyncset.done $0x0;
	s2 =	sadd.s32 @!p3 s7, s2;
	p5 =	por p6, p2  }
0x8a: {  	[sflag:s30] =	ssyncadd.s32 $0xFFFFC000;
	s7 =	sshrl.u32 @!p3 s2, $0x3;
	s8 =	simm.s32 @!p5 $0x0  }
.Ltmp1:
0x8b: {  	s9 =	simm.s32 @!p5 $0x800;
	s2 =	sadd.s32 @!p3 s4, s7;
	(pc) =	sbr.rel @p1 .LBB2_4-.Ltmp1, $4  }
0x8c: {  	[tilespmem:s9], [sflag:$0x4] =	stream.linear.gather @!p5 [hbm4b:s2+s8], $0x800, $0x38;
	[tilespmem:$0x1DB80] =	vst v63  }
0x8d: {  	p2 =	por p4, p2;
	s7 =	sadd.s32 @!p3 s5, s7;
	s9 =	simm.s32 @!p5 $0x1800  }
0x8e: {  	[tilespmem:s9], [sflag:$0x4] =	stream.linear.gather @!p5 [hbm4b:s7+s8], $0x800, $0x38;
	[tilespmem:$0x1DB80] =	vst v63  }
0x8f: {  	s0 =	sadd.s32 $0x1, s0;
	s8 =	simm.s32 @!p2 $0x0;
	s9 =	simm.s32 @!p2 $0x1000  }
0x90: {  	[tilespmem:s8], [sflag:$0x3] =	stream.linear.gather @!p2 [hbm4b:s2+s8], $0x800, $0x38;
	[tilespmem:$0x1DB80] =	vst v63  }
0x91: {  	_ = 	snop  }
0x92: {  	[tilespmem:s9], [sflag:$0x3] =	stream.linear.gather @!p2 [hbm4b:s7+s8], $0x800, $0x38;
	[tilespmem:$0x1DB80] =	vst v63  }
0x93: {  	s0 =	simm.s32 $0xF80  }
0x94: {  	[tilespmem:s28], [sflag:$0x2] =	stream.indirect.gather [hbm4b:s16+s26], $0x80, s0, s26, $0xb8;
	[tilespmem:$0x1DB80] =	vst v63  }
0x95: {  	_ =	swait.ge [sflag:s29], $0x4000  }
0x96: {  	[sflag:s29] =	ssyncset.done $0x0  }
0x97: {  	s10 =	simm.s32 $0x1F00;
	[sflag:s29] =	ssyncadd.s32 $0xFFFFC000  }
0x98: {  	[spmem:s1] =	stream.indirect.scatter.add.f32 [tilespmem:s19], [sflag:$0x5], $0x80, s10, s26, $0xb8;
	[tilespmem:$0x1DB80] =	vst v63  }
0x99: {  	_ =	swait.ge [sflag:s30], $0x4000  }
0x9a: {  	[sflag:s30] =	ssyncset.done $0x0  }
0x9b: {  	[sflag:s30] =	ssyncadd.s32 $0xFFFFC000  }
0x9c: {  	_ =	swait.ge [sflag:s23], $0x4000  }
0x9d: {  	[sflag:s23] =	ssyncset.done $0x0  }
0x9e: {  	s20 =	simm.s32 $0x1F80;
	[sflag:s23] =	ssyncadd.s32 $0xFFFFC000  }
0x9f: {  	[spmem:s1] =	stream.indirect.scatter.add.f32 [tilespmem:s28], [sflag:$0x5], $0x80, s20, s26, $0xb8;
	[tilespmem:$0x1DB80] =	vst v63  }
0xa0: {  	_ =	swait.ge [sflag:s30], $0x4000  }
0xa1: {  	s22 =	stileid.u32;
	[sflag:s30] =	ssyncset.done $0x0  }
0xa2: {  	s0 =	sshll.u32 s22, $0x6;
	[sflag:s30] =	ssyncadd.s32 $0xFFFFC000  }
0xa3: {  	s31 =	sshrl.u32 s6, $0x3;
	s0 =	sor.u32 $0x1C05, s0;
	[bflag:$0x0] =	sbarrier.arrive $0xFFFF  }
0xa4: {  	[hbm:s25], [sflag:s0] =	dma.local [spmem:s31], $0x2700  }
0xa5: {  	_ =	swait.ge [sflag:s30], $0x2700  }
0xa6: {  	s2 =	sadd.s32 @!p0 $0x27000, s17;
	s21 =	sadd.s32 $0x1, s21;
	[sflag:s30] =	ssyncset.done $0x0  }
0xa7: {  	p1 =	sne.s32 s21, s18;
	s7 =	sshrl.u32 @!p0 s11, $0x3;
	[sflag:s30] =	ssyncadd.s32 $0xFFFFD900  }
0xa8: {  	[hbm:s2], [sflag:s0] =	dma.local @!p0 [spmem:s7], $0x100  }
.Ltmp2:
0xa9: {  	_ = 	snop;
	(pc) =	sbr.rel @p1 .LBB2_1-.Ltmp2, $4  }
0xaa: {  	s0 =	simm.s32 @!p0 $0x5  }
0xab: {  	_ =	swait.ge @!p0 [sflag:s0], $0x100  }
0xac: {  	[sflag:s0] =	ssyncset.done @!p0 $0x0  }
0xad: {  	[sflag:s0] =	ssyncadd.s32 @!p0 $0xFFFFFF00  }
0xae: {  	_ =	sfence.sel $0x180000  }
0xaf: {  	[bflag:$0x0] =	sbarrier.arrive $0xFFFF  }
0xb0: {  	_ =	strace $0x9000004A  }
0xb1: {  	s0 =	stileid.u32;
	[bflag:$0x2] =	sbarrier.arrive $0xFFFF  }
0xb2: {  	p0 =	sne.s32 s0, $0x0;
	s0 =	rddreg [dreg:$0x2]  }
0xb3: {  	s0 =	sadd.s32 @!p0 $0x100000, s0  }
0xb4: {  	[sflag:s0] =	ssyncadd.tile.s32 @!p0 $0x1;
	_ =	shalt  }
.Lfunc_end2:
_tile_overlayer_lowered:
.L_overlay_start_2:
0xb5: {  	(tag) =	ssettag $0x2  }
0xb6: {  	s0 =	rddreg [dreg:$0x0];
	s2 =	stileid.u32  }
0xb7: {  	s1 =	rddreg [dreg:$0x1];
	p0 =	sne.s32 s2, $0x0  }
0xb8: {  	s3 =	rddreg [dreg:$0x2];
	[bflag:$0x3] =	sbarrier.arrive $0xFFFF;
	s2 =	simm.s32 @!p0 $0x1C05  }
0xb9: {  	[timem:s3], [sflag:s2] =	dma.local @!p0 [hbm:s0], s1  }
0xba: {  	s0 =	simm.s32 @!p0 $0x5  }
0xbb: {  	_ =	swait.ge @!p0 [sflag:s0], s1  }
0xbc: {  	s1 =	ssub.s32 @!p0 $0x0, s1;
	[sflag:s0] =	ssyncset.done @!p0 $0x0  }
0xbd: {  	[sflag:s0] =	ssyncadd.s32 @!p0 s1  }
0xbe: {  	[bflag:$0x3] =	sbarrier.arrive $0xFFFF  }
0xbf: {  	_ =	shalt  }

// kernel: kernel.15.cloned.1.call-start
scs
__scs_entry_jumppad:
0x0: {  	(pc) =	sbr.rel $0x88, $3  }
0x1: {  	(tag) =	ssettag $0x0;
	lr =	simm.s32 $0x1  }
0x2: {  	[smem:$0x3F96] =	sst lr;
	_ =	strace $0xD0000000  }
0x3: {  	_ = 	snop  }
0x4: {  	_ = 	snop  }
0x5: {  	_ = 	snop  }
0x6: {  	_ = 	snop  }
0x7: {  	_ = 	snop  }
__scs_overlays_trampoline_lowered:
0x8: {  	[smem:$0x3FA5] =	sst s0  }
0x9: {  	[smem:$0x3FA6] =	sst s1  }
0xa: {  	[smem:$0x3FA7] =	sst s2  }
0xb: {  	[smem:$0x3FA8] =	sst s3  }
0xc: {  	[smem:$0x3FA9] =	sst s4  }
0xd: {  	[smem:$0x3FAA] =	sst s5  }
0xe: {  	[smem:$0x3FAB] =	sst s6  }
0xf: {  	[smem:$0x3FAC] =	sst s7  }
0x10: {  	[smem:$0x3FAD] =	sst s8  }
0x11: {  	[smem:$0x3FAE] =	sst s9;
	s0 =	simm.s32 @!p0 $0x0  }
0x12: {  	s1 =	sld [smem:$0x3F94];
	s0 =	simm.s32 @p0 $0x1  }
0x13: {  	[smem:$0x3FAF] =	sst s0;
	s0 =	simm.s32 @!p1 $0x0  }
0x14: {  	s2 =	sld [smem:$0x3F93];
	s0 =	simm.s32 @p1 $0x1  }
0x15: {  	[smem:$0x3FB0] =	sst s0;
	s0 =	simm.s32 @!p2 $0x0  }
0x16: {  	s3 =	sld [smem:$0x3FDB];
	s0 =	simm.s32 @p2 $0x1  }
0x17: {  	s4 =	simm.s32 $0x1BF5;
	[smem:$0x3FB2] =	sst s0  }
0x18: {  	s0 =	sld [smem:$0x3F95];
	_ =	swait.ge [sflag:s4], $0x0  }
0x19: {  	s7 =	sld [smem:$0x3F96]  }
0x1a: {  	s8 =	sadd.s32 $0xFFFFE003, lr  }
0x1b: {  	s9 =	sadd.s32 $0xFFFFFEF7, lr;
	s5 =	simm.s32 $0xFFFFFFFF;
	p2 =	slt.u32 s8, $0xFFFFF086  }
0x1c: {  	p1 =	slt.u32 s9, $0xF7A;
	s5 =	simm.s32 @!p2 $0x0  }
0x1d: {  	s5 =	simm.s32 @p1 $0x1;
	p0 =	seq.s32 s7, s2  }
0x1e: {  	s7 =	smul.u32 @!p0 $0xF7A, s2;
	p2 =	seq.s32 @!p0 s5, $0x0  }
0x1f: {  	s9 =	smul.u32 $0xF7A, s1;
	s8 =	simm.s32 @!p0 $0x1BF5;
	p2 =	por !p2, p0  }
0x20: {  	[sflag:s8] =	ssyncset.s32 @!p0 $0xFFFFF086;
	s6 =	sadd.s32 @!p0 s3, s7;
	s7 =	simm.s32 @!p0 $0x108  }
0x21: {  	s3 =	sadd.s32 s3, s9;
	s6 =	sadd.s32 @!p0 $0x88, s6;
	s7 =	simm.s32 @p2 $0x1082  }
0x22: {  	[simem:s7], [sflag:s8] =	dma.local @!p0 [hbm:s6], $0xF7A  }
0x23: {  	s9 =	sor.u32 $0xD0000000, s2;
	s6 =	simm.s32 $0x108;
	_ =	swait.ge @!p0 [sflag:s8], $0x0  }
0x24: {  	s3 =	sadd.s32 $0x88, s3;
	s6 =	simm.s32 @!p1 $0x1082;
	[sflag:s4] =	ssyncset.s32 $0xFFFFF086  }
0x25: {  	[simem:s6], [sflag:s4] =	dma.local [hbm:s3], $0xF7A  }
0x26: {  	[smem:$0x3F96] =	sst s1;
	(tag) =	ssettag s2;
	_ =	strace s9  }
0x27: {  	s1 =	sld [smem:$0x3FA6]  }
0x28: {  	s2 =	sld [smem:$0x3FA7]  }
0x29: {  	s4 =	sld [smem:$0x3FA9]  }
0x2a: {  	p0 =	seq.s32 s5, $0x0;
	s5 =	sld [smem:$0x3FAA]  }
0x2b: {  	s6 =	sld [smem:$0x3FAB]  }
0x2c: {  	s7 =	sld [smem:$0x3FAC]  }
0x2d: {  	s3 =	simm.s32 $0x108;
	s8 =	sld [smem:$0x3FAD]  }
0x2e: {  	s3 =	simm.s32 @!p0 $0x1082;
	s9 =	sld [smem:$0x3FAE]  }
0x2f: {  	lr =	sadd.s32 s0, s3;
	s0 =	sld [smem:$0x3FA5]  }
0x30: {  	s3 =	sld [smem:$0x3FA8]  }
0x31: {  	[smem:$0x3FB1] =	sst s10  }
0x32: {  	s10 =	sld [smem:$0x3FAF];
	_ =	sdelay $0x3  }
0x33: {  	p0 =	seq.s32 s10, $0x1;
	s10 =	sld [smem:$0x3FB1];
	_ =	sdelay $0x3  }
0x34: {  	[smem:$0x3FB1] =	sst s10  }
0x35: {  	s10 =	sld [smem:$0x3FB0];
	_ =	sdelay $0x3  }
0x36: {  	p1 =	seq.s32 s10, $0x1;
	s10 =	sld [smem:$0x3FB1];
	_ =	sdelay $0x3  }
0x37: {  	[smem:$0x3FB1] =	sst s10  }
0x38: {  	s10 =	sld [smem:$0x3FB2]  }
0x39: {  	_ = 	snop;
	(pc) =	sbr.ind lr, $3  }
0x3a: {  	_ = 	snop  }
0x3b: {  	_ = 	snop  }
0x3c: {  	p2 =	seq.s32 s10, $0x1;
	s10 =	sld [smem:$0x3FB1]  }
0x3d: {  	_ =	shalt  }
0x3e: {  	_ =	shalt  }
0x3f: {  	_ =	shalt  }
0x40: {  	_ =	shalt  }
0x41: {  	_ =	shalt  }
0x42: {  	_ =	shalt  }
0x43: {  	_ =	shalt  }
0x44: {  	_ =	shalt  }
0x45: {  	_ =	shalt  }
0x46: {  	_ =	shalt  }
0x47: {  	_ =	shalt  }
0x48: {  	_ =	shalt  }
0x49: {  	_ =	shalt  }
0x4a: {  	_ =	shalt  }
0x4b: {  	_ =	shalt  }
0x4c: {  	_ =	shalt  }
0x4d: {  	_ =	shalt  }
0x4e: {  	_ =	shalt  }
0x4f: {  	_ =	shalt  }
0x50: {  	_ =	shalt  }
0x51: {  	_ =	shalt  }
0x52: {  	_ =	shalt  }
0x53: {  	_ =	shalt  }
0x54: {  	_ =	shalt  }
0x55: {  	_ =	shalt  }
0x56: {  	_ =	shalt  }
0x57: {  	_ =	shalt  }
0x58: {  	_ =	shalt  }
0x59: {  	_ =	shalt  }
0x5a: {  	_ =	shalt  }
0x5b: {  	_ =	shalt  }
0x5c: {  	_ =	shalt  }
0x5d: {  	_ =	shalt  }
0x5e: {  	_ =	shalt  }
0x5f: {  	_ =	shalt  }
0x60: {  	_ =	shalt  }
0x61: {  	_ =	shalt  }
0x62: {  	_ =	shalt  }
0x63: {  	_ =	shalt  }
0x64: {  	_ =	shalt  }
0x65: {  	_ =	shalt  }
0x66: {  	_ =	shalt  }
0x67: {  	_ =	shalt  }
0x68: {  	_ =	shalt  }
0x69: {  	_ =	shalt  }
0x6a: {  	_ =	shalt  }
0x6b: {  	_ =	shalt  }
0x6c: {  	_ =	shalt  }
0x6d: {  	_ =	shalt  }
0x6e: {  	_ =	shalt  }
0x6f: {  	_ =	shalt  }
0x70: {  	_ =	shalt  }
0x71: {  	_ =	shalt  }
0x72: {  	_ =	shalt  }
0x73: {  	_ =	shalt  }
0x74: {  	_ =	shalt  }
0x75: {  	_ =	shalt  }
0x76: {  	_ =	shalt  }
0x77: {  	_ =	shalt  }
0x78: {  	_ =	shalt  }
0x79: {  	_ =	shalt  }
0x7a: {  	_ =	shalt  }
0x7b: {  	_ =	shalt  }
0x7c: {  	_ =	shalt  }
0x7d: {  	_ =	shalt  }
0x7e: {  	_ =	shalt  }
0x7f: {  	_ =	shalt  }
0x80: {  	_ =	shalt  }
0x81: {  	_ =	shalt  }
0x82: {  	_ =	shalt  }
0x83: {  	_ =	shalt  }
0x84: {  	_ =	shalt  }
0x85: {  	_ =	shalt  }
0x86: {  	_ =	shalt  }
0x87: {  	_ =	shalt  }
.Lfunc_end0:
.L_simem_size_0:
called_computation.2_lowered:
.L_overlay_start_0:
0x88: {  	s2 =	sld [smem:$0x3FD9]  }
0x89: {  	s3 =	sld [smem:$0x3FFE];
	_ =	sdelay $0x1  }
0x8a: {  	s1 =	srdreg.scid  }
0x8b: {  	s0 =	sand.u32 $0x1, s1  }
0x8c: {  	s17 =	sshll.u32 s0, $0xA;
	s2 =	sadd.s32 s3, s2  }
0x8d: {  	s2 =	sadd.s32 s2, s17  }
0x8e: {  	[smem:$0x3FBD] =	sst s2  }
0x8f: {  	_ = 	snop  }
0x90: {  	s2 =	sld [smem:$0x3FD0];
	(tm) =	ssettm $0x1  }
0x91: {  	s18 =	sld [smem:$0x3FFB];
	_ =	sdelay $0x3  }
0x92: {  	_ =	strace s18  }
0x93: {  	s3 =	sld [smem:$0x3FFC];
	_ =	sdelay $0x3  }
0x94: {  	_ =	strace s3  }
0x95: {  	s3 =	sld [smem:$0x3FFD];
	_ =	sdelay $0x3  }
0x96: {  	_ =	strace s3  }
0x97: {  	_ =	strace $0x8FFFFFFF  }
0x98: {  	s19 =	sld [smem:$0x3FDB];
	_ =	sdelay $0x1  }
0x99: {  	s4 =	simm.s32 $_scs_section_size  }
0x9a: {  	s5 =	simm.s32 $_size__tile_overlayer_lowered;
	s6 =	simm.s32 $_tile_overlayer_lowered  }
0x9b: {  	s22 =	simm.s32 $0x1BFF;
	s21 =	sshll.u32 s6, $0x1;
	s3 =	sadd.s32 s4, s19  }
0x9c: {  	s7 =	simm.s32 $0x0;
	s20 =	sshll.u32 s5, $0x1;
	s5 =	sadd.s32 s21, s3  }
0x9d: {  	[timem:s7], [sflag:s22] =	dma.local [hbm:s5], s20  }
0x9e: {  	_ =	swait.ge [sflag:s22], s20  }
0x9f: {  	s4 =	ssub.s32 $0x0, s20;
	[sflag:s22] =	ssyncset.done $0x0  }
0xa0: {  	[sflag:s22] =	ssyncadd.s32 s4;
	_ =	sdelay $0x1  }
0xa1: {  	s23 =	simm.s32 $0x1B8B  }
0xa2: {  	_ =	swait.ge [sflag:s23], $0x1  }
0xa3: {  	[sflag:s23] =	ssyncset.done $0x0  }
0xa4: {  	s25 =	simm.s32 $0x1B8E;
	s24 =	sld [smem:$0x3FFE];
	[sflag:s23] =	ssyncadd.s32 $0xFFFFFFFF  }
0xa5: {  	s26 =	simm.s32 $execute0_lowered;
	[smem:$0x3FD2] =	sst s25  }
0xa6: {  	s5 =	sshll.u32 s26, $0x1;
	_ =	strace $0x8000004C;
	[dreg:$0x1] =	wrdreg $0xFFFFFFFF  }
0xa7: {  	s28 =	simm.s32 $_size_execute0_lowered;
	s3 =	sadd.s32 s3, s5;
	[dreg:$0x0] =	wrdreg $0x0  }
0xa8: {  	s5 =	sshll.u32 s28, $0x1;
	[dreg:$0x2] =	wrdreg s3  }
0xa9: {  	[dreg:$0x3] =	wrdreg s5  }
0xaa: {  	[dreg:$0x4] =	wrdreg $0xC0  }
0xab: {  	_ =	task [dreg:s7], $0x5FFFF  }
0xac: {  	[dreg:$0x1] =	wrdreg $0xFFFFFFFF  }
0xad: {  	[dreg:$0x0] =	wrdreg $0x60  }
0xae: {  	[dreg:$0x2] =	wrdreg s2  }
0xaf: {  	[dreg:$0x3] =	wrdreg s24  }
0xb0: {  	[dreg:$0x4] =	wrdreg $0xA0000  }
0xb1: {  	[dreg:$0x5] =	wrdreg $0x9  }
0xb2: {  	_ =	task.clear_ibuf [dreg:s7], $0x6FFFF;
	_ =	strace $0x9000004C  }
0xb3: {  	s29 =	simm.s32 $0x9;
	_ =	strace $0x8000004E  }
0xb4: {  	_ =	swait.ge [sflag:s29], $0x1  }
0xb5: {  	[sflag:s29] =	ssyncadd.s32 $0xFFFFFFFF  }
0xb6: {  	_ =	strace $0x9000004E  }
0xb7: {  	_ =	sfence  }
0xb8: {  	s30 =	sld [smem:$0x0];
	_ =	sdelay $0x2  }
0xb9: {  	s31 =	sshll.u32 s1, $0xD;
	s1 =	sshrl.u32 s1, $0x2  }
0xba: {  	s3 =	sand.u32 $0x4000, s31;
	s1 =	sadd.s32 s1, s30  }
0xbb: {  	s0 =	sor.u32 s3, s0;
	s1 =	sshll.u32 s1, $0x11  }
0xbc: {  	s0 =	sor.u32 s1, s0  }
0xbd: {  	s0 =	sadd.s32 $0x8F2B, s0  }
0xbe: {  	[sflag:s0] =	ssyncadd.remote.s32 $0x1  }
0xbf: {  	_ =	sfence.sel $0xFFFF  }
0xc0: {  	[dreg:$0x0] =	wrdreg $0xFFFFFFFF;
	(pc) =	sbr.abs _section_cstart, $3  }
0xc1: {  	[dreg:$0x1] =	wrdreg $0xFFFFFFFF  }
0xc2: {  	_ =	task.clear_ibuf [dreg:s7], $0x2FFFF;
	_ =	strace $0x9FFFFFFF  }
0xc3: {  	(tm) =	ssettm $0x7FFFFFFF  }
tec
execute0_lowered:
.L_overlay_start_1:
0x0: {  	(tag) =	ssettag $0x1  }
0x1: {  	s1 =	rddreg [dreg:$0x0]  }
0x2: {  	s0 =	rddreg [dreg:$0x1]  }
0x3: {  	s2 =	rddreg [dreg:$0x2];
	s3 =	simm.s32 $0x0  }
0x4: {  	s4 =	srdreg.scid;
	s11 =	stileid.u32;
	s28 =	simm.s32 $0x80  }
0x5: {  	s29 =	simm.s32 $0x6000;
	s30 =	simm.s32 $0x1;
	s31 =	simm.s32 $0x5  }
0x6: {  	[smem:$0x7FF] =	sst s3;
	s4 =	sand.u32 $0x1, s4;
	s8 =	smul.u32 $0x4E000, s11  }
0x7: {  	s5 =	sadd.s32 $0x2600, s0;
	s6 =	sadd.s32 $0xC600, s0;
	s26 =	smul.u32 $0x2700, s11  }
0x8: {  	s13 =	sadd.s32 $0x138000, s2;
	p2 =	sne.s32 s11, $0xF;
	s7 =	smul.u32 $0x27100, s4  }
0x9: {  	s9 =	ssub.s32 $0x2, s4;
	s4 =	sshll.u32 s4, $0x4;
	s19 =	sshrl.u32 s8, $0x2  }
0xa: {  	s20 =	sshrl.u32 s9, $0x1;
	s4 =	sor.u32 s11, s4;
	s0 =	sadd.s32 s7, s0  }
0xb: {  	s7 =	sadd.s32 s19, s2;
	s8 =	ssub.s32 s9, s20;
	s9 =	smul.u32 $0x2800, s4  }
0xc: {  	_ =	strace $0x8000004D;
	s4 =	smul.u32 $0x500, s4;
	s21 =	sadd.s32 $0x4000, s7  }
0xd: {  	s20 =	simm.s32 $0x2000;
	s10 =	sadd.s32 $0x8000, s7;
	[dreg:$0x4] =	wrdreg s21  }
0xe: {  	s22 =	sadd.s32 $0xC000, s7;
	s23 =	sadd.s32 $0x10000, s7;
	[dreg:$0x5] =	wrdreg s10  }
0xf: {  	s18 =	sadd.s32 $0x16600, s0;
	s19 =	smax.u32 s8, $0x1;
	[dreg:$0x6] =	wrdreg s22  }
0x10: {  	s0 =	simm.s32 @!p2 $0x0;
	[dreg:$0x7] =	wrdreg s23;
	s24 =	sshrl.u32 s9, $0x3  }
0x11: {  	s12 =	sadd.s32 s5, s4;
	s15 =	sadd.s32 s6, s4;
	s23 =	simm.s32 $0x0  }
0x12: {  	s0 =	simm.s32 @p2 $0x1;
	[dreg:$0x8] =	wrdreg s12;
	s25 =	sadd.s32 $0x100, s24  }
0x13: {  	s24 =	simm.s32 $0x2;
	[smem:$0x7FD] =	sst s0;
	s16 =	sadd.s32 s5, s25  }
0x14: {  	v0 =	vimm.f32 $0.0e+00;
	s17 =	sadd.s32 s6, s25;
	s25 =	sadd.s32 s26, s18;
	s26 =	simm.s32 $0x3  }
.LBB2_1:
0x15: {  	s0 =	simm.s32 $0x0;
	s4 =	simm.s32 $0x200  }
.LBB2_2:
0x16: {  	p1 =	sne.s32 s4, $0xFE00;
	[tilespmem:s0+$0x2070] =	vst v0  }
0x17: {  	[tilespmem:s0+$0x2000] =	vst v0  }
0x18: {  	[tilespmem:s0+$0x2010] =	vst v0  }
.Ltmp0:
0x19: {  	[tilespmem:s0+$0x2020] =	vst v0;
	(pc) =	sbr.rel @p1 .LBB2_2-.Ltmp0, $4  }
0x1a: {  	[tilespmem:s0+$0x2030] =	vst v0  }
0x1b: {  	[tilespmem:s0+$0x2040] =	vst v0  }
0x1c: {  	[tilespmem:s0+$0x2050] =	vst v0  }
0x1d: {  	[tilespmem:s0+$0x2060] =	vst v0;
	s0 =	sshra.s32 s4, $0x2;
	s4 =	sadd.s32 $0x200, s4  }
0x1e: {  	[tilespmem:s0+$0x2070] =	vst v0  }
0x1f: {  	[tilespmem:s0+$0x2000] =	vst v0  }
0x20: {  	[tilespmem:s0+$0x2010] =	vst v0  }
0x21: {  	[tilespmem:s0+$0x2020] =	vst v0  }
0x22: {  	[tilespmem:s0+$0x2030] =	vst v0  }
0x23: {  	[tilespmem:s0+$0x2040] =	vst v0  }
0x24: {  	[tilespmem:s0+$0x2050] =	vst v0  }
0x25: {  	[tilespmem:s0+$0x2060] =	vst v0  }
0x26: {  	[spmem:s7] =	stream.linear.scatter [tilespmem:s20], [sflag:$0x2], $0x4000, $0x38;
	[tilespmem:$0x1DB80] =	vst v63  }
0x27: {  	s14 =	rddreg [dreg:$0x4]  }
0x28: {  	[spmem:s14] =	stream.linear.scatter [tilespmem:s20], [sflag:$0x2], $0x4000, $0x38;
	[tilespmem:$0x1DB80] =	vst v63  }
0x29: {  	s21 =	rddreg [dreg:$0x5]  }
0x2a: {  	[spmem:s21] =	stream.linear.scatter [tilespmem:s20], [sflag:$0x2], $0x4000, $0x38;
	[tilespmem:$0x1DB80] =	vst v63  }
0x2b: {  	s22 =	rddreg [dreg:$0x6]  }
0x2c: {  	[spmem:s22] =	stream.linear.scatter [tilespmem:s20], [sflag:$0x2], $0x4000, $0x38;
	[tilespmem:$0x1DB80] =	vst v63  }
0x2d: {  	s4 =	rddreg [dreg:$0x7]  }
0x2e: {  	[spmem:s4] =	stream.linear.scatter [tilespmem:s20], [sflag:$0x2], $0x3800, $0x38;
	[tilespmem:$0x1DB80] =	vst v63  }
0x2f: {  	s0 =	simm.s32 @!p2 $0x2000  }
0x30: {  	[spmem:s13] =	stream.linear.scatter @!p2 [tilespmem:s0], [sflag:$0x2], $0x3800, $0x38;
	[tilespmem:$0x1DB80] =	vst v63  }
0x31: {  	s8 =	rddreg [dreg:$0x8]  }
0x32: {  	[tilespmem:s3], [sflag:$0x3] =	stream.linear.gather [hbm4b:s8+s3], $0x800, $0x38;
	[tilespmem:$0x1DB80] =	vst v63  }
0x33: {  	s10 =	simm.s32 $0x1000  }
0x34: {  	[tilespmem:s10], [sflag:$0x3] =	stream.linear.gather [hbm4b:s15+s3], $0x800, $0x38;
	[tilespmem:$0x1DB80] =	vst v63  }
0x35: {  	s11 =	simm.s32 $0x800  }
0x36: {  	[tilespmem:s11], [sflag:$0x4] =	stream.linear.gather [hbm4b:s16+s3], $0x800, $0x38;
	[tilespmem:$0x1DB80] =	vst v63  }
0x37: {  	s12 =	simm.s32 $0x1800  }
0x38: {  	[tilespmem:s12], [sflag:$0x4] =	stream.linear.gather [hbm4b:s17+s3], $0x800, $0x38;
	[tilespmem:$0x1DB80] =	vst v63  }
0x39: {  	_ =	swait.ge [sflag:s24], $0x4000  }
0x3a: {  	[sflag:s24] =	ssyncset.done $0x0  }
0x3b: {  	[sflag:s24] =	ssyncadd.s32 $0xFFFFC000  }
0x3c: {  	_ =	swait.ge [sflag:s24], $0x4000  }
0x3d: {  	[sflag:s24] =	ssyncset.done $0x0  }
0x3e: {  	[sflag:s24] =	ssyncadd.s32 $0xFFFFC000  }
0x3f: {  	_ =	swait.ge [sflag:s24], $0x4000  }
0x40: {  	[sflag:s24] =	ssyncset.done $0x0  }
0x41: {  	[sflag:s24] =	ssyncadd.s32 $0xFFFFC000  }
0x42: {  	_ =	swait.ge [sflag:s24], $0x4000  }
0x43: {  	[sflag:s24] =	ssyncset.done $0x0  }
0x44: {  	[sflag:s24] =	ssyncadd.s32 $0xFFFFC000  }
0x45: {  	_ =	swait.ge [sflag:s24], $0x3800  }
0x46: {  	[sflag:s24] =	ssyncset.done $0x0  }
0x47: {  	s0 =	simm.s32 @!p2 $0x2;
	[sflag:s24] =	ssyncadd.s32 $0xFFFFC800  }
0x48: {  	_ =	swait.ge @!p2 [sflag:s0], $0x3800  }
0x49: {  	[sflag:s0] =	ssyncset.done @!p2 $0x0  }
0x4a: {  	[sflag:s0] =	ssyncadd.s32 @!p2 $0xFFFFC800  }
0x4b: {  	[bflag:$0x0] =	sbarrier.arrive $0xFFFF  }
0x4c: {  	_ =	swait.ge [sflag:s26], $0x800  }
0x4d: {  	[sflag:s26] =	ssyncset.done $0x0  }
0x4e: {  	[sflag:s26] =	ssyncadd.s32 $0xFFFFF800  }
0x4f: {  	_ =	swait.ge [sflag:s26], $0x800  }
0x50: {  	s0 =	simm.s32 $0x0;
	[sflag:s26] =	ssyncset.done $0x0  }
0x51: {  	s4 =	sand.u32 $0xF00, s0;
	[sflag:s26] =	ssyncadd.s32 $0xFFFFF800  }
0x52: {  	[tilespmem:s20], [sflag:$0x1] =	stream.indirect.gather [hbm4b:s1+s28], $0x80, s0, s28, $0xb8;
	[tilespmem:$0x1DB80] =	vst v63  }
0x53: {  	s8 =	sor.u32 $0x80, s4;
	s4 =	simm.s32 $0x2  }
0x54: {  	[tilespmem:s29], [sflag:$0x2] =	stream.indirect.gather [hbm4b:s1+s28], $0x80, s8, s28, $0xb8;
	[tilespmem:$0x1DB80] =	vst v63  }
0x55: {  	s10 =	sand.u32 $0x3C00, s0;
	s11 =	sand.u32 $0xE, s4;
	_ =	swait.ge [sflag:s30], $0x4000  }
0x56: {  	s10 =	sshrl.u32 s10, $0x2;
	p3 =	sne.s32 s11, $0x0;
	[sflag:s30] =	ssyncset.done $0x0  }
0x57: {  	s10 =	sor.u32 $0x1000, s10;
	s4 =	sand.u32 @!p3 $0x10, s4;
	[sflag:s30] =	ssyncadd.s32 $0xFFFFC000  }
0x58: {  	[spmem:s2] =	stream.indirect.scatter.add.f32 [tilespmem:s20], [sflag:$0x5], $0x80, s10, s28, $0xb8;
	[tilespmem:$0x1DB80] =	vst v63  }
0x59: {  	p1 =	seq.s32 @!p3 s4, $0x0;
	_ =	swait.ge [sflag:s31], $0x4000  }
0x5a: {  	p1 =	por !p1, p3;
	s10 =	simm.s32 @!p3 $0x3;
	[sflag:s31] =	ssyncset.done $0x0  }
0x5b: {  	s10 =	simm.s32 @p1 $0x4;
	[sflag:s31] =	ssyncadd.s32 $0xFFFFC000  }
0x5c: {  	_ =	swait.ge @!p3 [sflag:s10], $0x800  }
0x5d: {  	[sflag:s10] =	ssyncset.done @!p3 $0x0  }
0x5e: {  	p1 =	por $0x0, $0x0;
	[sflag:s10] =	ssyncadd.s32 @!p3 $0xFFFFF800  }
0x5f: {  	s4 =	simm.s32 $0x400;
	p4 =	sne.s32 @!p1 s11, $0x0;
	_ =	swait.ge @!p3 [sflag:s10], $0x800  }
0x60: {  	s14 =	sand.u32 $0x3C00, s4;
	p2 =	por p4, p1;
	[sflag:s10] =	ssyncset.done @!p3 $0x0  }
0x61: {  	s22 =	sshrl.u32 s14, $0x2;
	s21 =	simm.s32 @!p2 $0x1;
	[sflag:s10] =	ssyncadd.s32 @!p3 $0xFFFFF800  }
0x62: {  	[tilespmem:s20], [sflag:$0x1] =	stream.indirect.gather [hbm4b:s1+s28], $0x80, s22, s28, $0xb8;
	[tilespmem:$0x1DB80] =	vst v63  }
0x63: {  	s10 =	sand.u32 @!p2 $0x1, s21;
	_ =	swait.ge [sflag:s24], $0x4000  }
0x64: {  	p3 =	seq.s32 @!p2 s10, $0x1;
	s10 =	sadd.s32 @!p2 $0x800, s9;
	[sflag:s24] =	ssyncset.done $0x0  }
0x65: {  	s8 =	sor.u32 $0x1000, s8;
	s10 =	sshrl.u32 @!p2 s10, $0x3;
	[sflag:s24] =	ssyncadd.s32 $0xFFFFC000  }
0x66: {  	[spmem:s2] =	stream.indirect.scatter.add.f32 [tilespmem:s29], [sflag:$0x5], $0x80, s8, s28, $0xb8;
	[tilespmem:$0x1DB80] =	vst v63  }
0x67: {  	p5 =	por @!p1 !p3, p4;
	p3 =	por @!p1 p3, p4;
	_ =	swait.ge [sflag:s31], $0x4000  }
0x68: {  	s11 =	sadd.s32 @!p2 s5, s10;
	p4 =	por p5, p1;
	[sflag:s31] =	ssyncset.done $0x0  }
0x69: {  	s21 =	simm.s32 @!p4 $0x0;
	s8 =	simm.s32 @!p4 $0x800;
	[sflag:s31] =	ssyncadd.s32 $0xFFFFC000  }
0x6a: {  	[tilespmem:s8], [sflag:$0x4] =	stream.linear.gather @!p4 [hbm4b:s11+s21], $0x800, $0x38;
	[tilespmem:$0x1DB80] =	vst v63  }
0x6b: {  	s8 =	sadd.s32 @!p2 s6, s10;
	s10 =	simm.s32 @!p4 $0x1800;
	p2 =	por p3, p1  }
0x6c: {  	[tilespmem:s10], [sflag:$0x4] =	stream.linear.gather @!p4 [hbm4b:s8+s21], $0x800, $0x38;
	[tilespmem:$0x1DB80] =	vst v63  }
0x6d: {  	s10 =	simm.s32 @!p2 $0x0  }
0x6e: {  	[tilespmem:s10], [sflag:$0x3] =	stream.linear.gather @!p2 [hbm4b:s11+s10], $0x800, $0x38;
	[tilespmem:$0x1DB80] =	vst v63  }
0x6f: {  	s22 =	simm.s32 $0x100;
	s21 =	simm.s32 $0x4;
	s11 =	simm.s32 @!p2 $0x1000  }
.LBB2_4:
0x70: {  	s12 =	sand.u32 $0xF00, s22  }
0x71: {  	s0 =	sadd.s32 $0x1, s0;
	s14 =	smov.u32 s21;
	s21 =	sadd.s32 $0x2, s21  }
0x72: {  	[tilespmem:s11], [sflag:$0x3] =	stream.linear.gather @!p2 [hbm4b:s8+s10], $0x800, $0x38;
	[tilespmem:$0x1DB80] =	vst v63  }
0x73: {  	s8 =	sor.u32 $0x80, s12;
	p1 =	sne.s32 s21, $0x50  }
0x74: {  	[tilespmem:s29], [sflag:$0x2] =	stream.indirect.gather [hbm4b:s1+s28], $0x80, s8, s28, $0xb8;
	[tilespmem:$0x1DB80] =	vst v63  }
0x75: {  	s10 =	sand.u32 $0x3C00, s4;
	p2 =	sgt.u32 s0, $0x1E;
	_ =	swait.ge [sflag:s30], $0x4000  }
0x76: {  	s11 =	sand.u32 $0xE, s14;
	s10 =	sshrl.u32 s10, $0x2;
	[sflag:s30] =	ssyncset.done $0x0  }
0x77: {  	p4 =	sne.s32 s11, $0x0;
	s10 =	sor.u32 $0x1000, s10;
	[sflag:s30] =	ssyncadd.s32 $0xFFFFC000  }
0x78: {  	[spmem:s2] =	stream.indirect.scatter.add.f32 [tilespmem:s20], [sflag:$0x5], $0x80, s10, s28, $0xb8;
	[tilespmem:$0x1DB80] =	vst v63  }
0x79: {  	p5 =	sne.s32 @!p2 s11, $0x0;
	s10 =	sand.u32 @!p4 $0x10, s14;
	_ =	swait.ge [sflag:s31], $0x4000  }
0x7a: {  	p3 =	seq.s32 @!p4 s10, $0x0;
	s10 =	simm.s32 @!p4 $0x3;
	[sflag:s31] =	ssyncset.done $0x0  }
0x7b: {  	p6 =	por !p3, p4;
	p3 =	por p5, p2;
	[sflag:s31] =	ssyncadd.s32 $0xFFFFC000  }
0x7c: {  	s10 =	simm.s32 @p6 $0x4;
	s11 =	sshrl.u32 @!p3 s14, $0x4  }
0x7d: {  	s4 =	sadd.s32 $0x400, s4;
	s11 =	sadd.s32 @!p3 $0x1, s11;
	_ =	swait.ge @!p4 [sflag:s10], $0x800  }
0x7e: {  	s12 =	sand.u32 @!p3 $0x1, s11;
	s11 =	sshll.u32 @!p3 s11, $0xB;
	[sflag:s10] =	ssyncset.done @!p4 $0x0  }
0x7f: {  	p0 =	seq.s32 @!p3 s12, $0x1;
	s11 =	sadd.s32 @!p3 s9, s11;
	[sflag:s10] =	ssyncadd.s32 @!p4 $0xFFFFF800  }
0x80: {  	s11 =	sshrl.u32 @!p3 s11, $0x3;
	p6 =	por @!p2 !p0, p5;
	_ =	swait.ge @!p4 [sflag:s10], $0x800  }
0x81: {  	s12 =	sand.u32 $0x3C00, s4;
	p5 =	por @!p2 p0, p5;
	[sflag:s10] =	ssyncset.done @!p4 $0x0  }
0x82: {  	[sflag:s10] =	ssyncadd.s32 @!p4 $0xFFFFF800;
	s10 =	sshrl.u32 s12, $0x2  }
0x83: {  	[tilespmem:s20], [sflag:$0x1] =	stream.indirect.gather [hbm4b:s1+s28], $0x80, s10, s28, $0xb8;
	[tilespmem:$0x1DB80] =	vst v63  }
0x84: {  	_ =	swait.ge [sflag:s24], $0x4000  }
0x85: {  	s8 =	sor.u32 $0x1000, s8;
	[sflag:s24] =	ssyncset.done $0x0  }
0x86: {  	[sflag:s24] =	ssyncadd.s32 $0xFFFFC000  }
0x87: {  	[spmem:s2] =	stream.indirect.scatter.add.f32 [tilespmem:s29], [sflag:$0x5], $0x80, s8, s28, $0xb8;
	[tilespmem:$0x1DB80] =	vst v63  }
0x88: {  	p0 =	por p6, p2;
	s12 =	sadd.s32 @!p3 s5, s11;
	_ =	swait.ge [sflag:s31], $0x4000  }
0x89: {  	s14 =	simm.s32 @!p0 $0x800;
	s10 =	simm.s32 @!p0 $0x0;
	[sflag:s31] =	ssyncset.done $0x0  }
0x8a: {  	s8 =	sadd.s32 @!p3 s6, s11;
	s11 =	simm.s32 @!p0 $0x1800;
	[sflag:s31] =	ssyncadd.s32 $0xFFFFC000  }
0x8b: {  	[tilespmem:s14], [sflag:$0x4] =	stream.linear.gather @!p0 [hbm4b:s12+s10], $0x800, $0x38;
	[tilespmem:$0x1DB80] =	vst v63  }
.Ltmp1:
0x8c: {  	_ = 	snop;
	(pc) =	sbr.rel @p1 .LBB2_4-.Ltmp1, $4  }
0x8d: {  	p2 =	por p5, p2  }
0x8e: {  	[tilespmem:s11], [sflag:$0x4] =	stream.linear.gather @!p0 [hbm4b:s8+s10], $0x800, $0x38;
	[tilespmem:$0x1DB80] =	vst v63  }
0x8f: {  	s22 =	sadd.s32 $0x100, s22;
	s10 =	simm.s32 @!p2 $0x0;
	s11 =	simm.s32 @!p2 $0x1000  }
0x90: {  	[tilespmem:s10], [sflag:$0x3] =	stream.linear.gather @!p2 [hbm4b:s12+s10], $0x800, $0x38;
	[tilespmem:$0x1DB80] =	vst v63  }
0x91: {  	[tilespmem:s11], [sflag:$0x3] =	stream.linear.gather @!p2 [hbm4b:s8+s10], $0x800, $0x38;
	[tilespmem:$0x1DB80] =	vst v63  }
0x92: {  	s0 =	simm.s32 $0x780  }
0x93: {  	[tilespmem:s29], [sflag:$0x2] =	stream.indirect.gather [hbm4b:s1+s28], $0x80, s0, s28, $0xb8;
	[tilespmem:$0x1DB80] =	vst v63  }
0x94: {  	_ =	swait.ge [sflag:s30], $0x4000  }
0x95: {  	[sflag:s30] =	ssyncset.done $0x0  }
0x96: {  	s12 =	simm.s32 $0x1700;
	[sflag:s30] =	ssyncadd.s32 $0xFFFFC000  }
0x97: {  	[spmem:s2] =	stream.indirect.scatter.add.f32 [tilespmem:s20], [sflag:$0x5], $0x80, s12, s28, $0xb8;
	[tilespmem:$0x1DB80] =	vst v63  }
0x98: {  	_ =	swait.ge [sflag:s31], $0x4000  }
0x99: {  	[sflag:s31] =	ssyncset.done $0x0  }
0x9a: {  	[sflag:s31] =	ssyncadd.s32 $0xFFFFC000  }
0x9b: {  	_ =	swait.ge [sflag:s24], $0x4000  }
0x9c: {  	[sflag:s24] =	ssyncset.done $0x0  }
0x9d: {  	s14 =	simm.s32 $0x1780;
	[sflag:s24] =	ssyncadd.s32 $0xFFFFC000  }
0x9e: {  	[spmem:s2] =	stream.indirect.scatter.add.f32 [tilespmem:s29], [sflag:$0x5], $0x80, s14, s28, $0xb8;
	[tilespmem:$0x1DB80] =	vst v63  }
0x9f: {  	_ =	swait.ge [sflag:s31], $0x4000  }
0xa0: {  	s21 =	stileid.u32;
	[sflag:s31] =	ssyncset.done $0x0  }
0xa1: {  	s0 =	sshll.u32 s21, $0x6;
	[sflag:s31] =	ssyncadd.s32 $0xFFFFC000  }
0xa2: {  	s4 =	sshrl.u32 s7, $0x3;
	s0 =	sor.u32 $0x1C05, s0;
	[bflag:$0x0] =	sbarrier.arrive $0xFFFF  }
0xa3: {  	[hbm:s25], [sflag:s0] =	dma.local [spmem:s4], $0x2700  }
0xa4: {  	_ =	swait.ge [sflag:s31], $0x2700  }
0xa5: {  	s22 =	sld [smem:$0x7FD];
	_ =	sdelay $0x1  }
0xa6: {  	s23 =	sadd.s32 $0x1, s23  }
0xa7: {  	p0 =	sne.s32 s23, s19;
	[sflag:s31] =	ssyncset.done $0x0;
	p2 =	seq.s32 s22, $0x1  }
0xa8: {  	[sflag:s31] =	ssyncadd.s32 $0xFFFFD900;
	s4 =	sadd.s32 @!p2 $0x27000, s18;
	s8 =	sshrl.u32 @!p2 s13, $0x3  }
0xa9: {  	[hbm:s4], [sflag:s0] =	dma.local @!p2 [spmem:s8], $0x100  }
.Ltmp2:
0xaa: {  	_ = 	snop;
	(pc) =	sbr.rel @p0 .LBB2_1-.Ltmp2, $4  }
0xab: {  	s0 =	simm.s32 @!p2 $0x5  }
0xac: {  	_ =	swait.ge @!p2 [sflag:s0], $0x100  }
0xad: {  	[sflag:s0] =	ssyncset.done @!p2 $0x0  }
0xae: {  	[sflag:s0] =	ssyncadd.s32 @!p2 $0xFFFFFF00  }
0xaf: {  	_ =	sfence.sel $0x180000  }
0xb0: {  	[bflag:$0x0] =	sbarrier.arrive $0xFFFF  }
0xb1: {  	_ =	strace $0x9000004D  }
0xb2: {  	s0 =	stileid.u32;
	[bflag:$0x2] =	sbarrier.arrive $0xFFFF  }
0xb3: {  	p0 =	sne.s32 s0, $0x0;
	s0 =	rddreg [dreg:$0x3]  }
0xb4: {  	s0 =	sadd.s32 @!p0 $0x100000, s0  }
0xb5: {  	[sflag:s0] =	ssyncadd.tile.s32 @!p0 $0x1;
	_ =	shalt  }
.Lfunc_end2:
_tile_overlayer_lowered:
.L_overlay_start_2:
0xb6: {  	(tag) =	ssettag $0x2  }
0xb7: {  	s0 =	rddreg [dreg:$0x0];
	s2 =	stileid.u32  }
0xb8: {  	s1 =	rddreg [dreg:$0x1];
	p0 =	sne.s32 s2, $0x0  }
0xb9: {  	s3 =	rddreg [dreg:$0x2];
	[bflag:$0x3] =	sbarrier.arrive $0xFFFF;
	s2 =	simm.s32 @!p0 $0x1C05  }
0xba: {  	[timem:s3], [sflag:s2] =	dma.local @!p0 [hbm:s0], s1  }
0xbb: {  	s0 =	simm.s32 @!p0 $0x5  }
0xbc: {  	_ =	swait.ge @!p0 [sflag:s0], s1  }
0xbd: {  	s1 =	ssub.s32 @!p0 $0x0, s1;
	[sflag:s0] =	ssyncset.done @!p0 $0x0  }
0xbe: {  	[sflag:s0] =	ssyncadd.s32 @!p0 s1  }
0xbf: {  	[bflag:$0x3] =	sbarrier.arrive $0xFFFF  }
0xc0: {  	_ =	shalt  }

// kernel: kernel.9.cloned.1.call-start
scs
__scs_entry_jumppad:
0x0: {  	(pc) =	sbr.rel $0x88, $3  }
0x1: {  	(tag) =	ssettag $0x0;
	lr =	simm.s32 $0x1  }
0x2: {  	[smem:$0x3F96] =	sst lr;
	_ =	strace $0xD0000000  }
0x3: {  	_ = 	snop  }
0x4: {  	_ = 	snop  }
0x5: {  	_ = 	snop  }
0x6: {  	_ = 	snop  }
0x7: {  	_ = 	snop  }
__scs_overlays_trampoline_lowered:
0x8: {  	[smem:$0x3FA5] =	sst s0  }
0x9: {  	[smem:$0x3FA6] =	sst s1  }
0xa: {  	[smem:$0x3FA7] =	sst s2  }
0xb: {  	[smem:$0x3FA8] =	sst s3  }
0xc: {  	[smem:$0x3FA9] =	sst s4  }
0xd: {  	[smem:$0x3FAA] =	sst s5  }
0xe: {  	[smem:$0x3FAB] =	sst s6  }
0xf: {  	[smem:$0x3FAC] =	sst s7  }
0x10: {  	[smem:$0x3FAD] =	sst s8  }
0x11: {  	[smem:$0x3FAE] =	sst s9;
	s0 =	simm.s32 @!p0 $0x0  }
0x12: {  	s1 =	sld [smem:$0x3F94];
	s0 =	simm.s32 @p0 $0x1  }
0x13: {  	[smem:$0x3FAF] =	sst s0;
	s0 =	simm.s32 @!p1 $0x0  }
0x14: {  	s2 =	sld [smem:$0x3F93];
	s0 =	simm.s32 @p1 $0x1  }
0x15: {  	[smem:$0x3FB0] =	sst s0;
	s0 =	simm.s32 @!p2 $0x0  }
0x16: {  	s3 =	sld [smem:$0x3FDB];
	s0 =	simm.s32 @p2 $0x1  }
0x17: {  	s4 =	simm.s32 $0x1BF5;
	[smem:$0x3FB2] =	sst s0  }
0x18: {  	s0 =	sld [smem:$0x3F95];
	_ =	swait.ge [sflag:s4], $0x0  }
0x19: {  	s7 =	sld [smem:$0x3F96]  }
0x1a: {  	s8 =	sadd.s32 $0xFFFFE003, lr  }
0x1b: {  	s9 =	sadd.s32 $0xFFFFFEF7, lr;
	s5 =	simm.s32 $0xFFFFFFFF;
	p2 =	slt.u32 s8, $0xFFFFF086  }
0x1c: {  	p1 =	slt.u32 s9, $0xF7A;
	s5 =	simm.s32 @!p2 $0x0  }
0x1d: {  	s5 =	simm.s32 @p1 $0x1;
	p0 =	seq.s32 s7, s2  }
0x1e: {  	s7 =	smul.u32 @!p0 $0xF7A, s2;
	p2 =	seq.s32 @!p0 s5, $0x0  }
0x1f: {  	s9 =	smul.u32 $0xF7A, s1;
	s8 =	simm.s32 @!p0 $0x1BF5;
	p2 =	por !p2, p0  }
0x20: {  	[sflag:s8] =	ssyncset.s32 @!p0 $0xFFFFF086;
	s6 =	sadd.s32 @!p0 s3, s7;
	s7 =	simm.s32 @!p0 $0x108  }
0x21: {  	s3 =	sadd.s32 s3, s9;
	s6 =	sadd.s32 @!p0 $0x88, s6;
	s7 =	simm.s32 @p2 $0x1082  }
0x22: {  	[simem:s7], [sflag:s8] =	dma.local @!p0 [hbm:s6], $0xF7A  }
0x23: {  	s9 =	sor.u32 $0xD0000000, s2;
	s6 =	simm.s32 $0x108;
	_ =	swait.ge @!p0 [sflag:s8], $0x0  }
0x24: {  	s3 =	sadd.s32 $0x88, s3;
	s6 =	simm.s32 @!p1 $0x1082;
	[sflag:s4] =	ssyncset.s32 $0xFFFFF086  }
0x25: {  	[simem:s6], [sflag:s4] =	dma.local [hbm:s3], $0xF7A  }
0x26: {  	[smem:$0x3F96] =	sst s1;
	(tag) =	ssettag s2;
	_ =	strace s9  }
0x27: {  	s1 =	sld [smem:$0x3FA6]  }
0x28: {  	s2 =	sld [smem:$0x3FA7]  }
0x29: {  	s4 =	sld [smem:$0x3FA9]  }
0x2a: {  	p0 =	seq.s32 s5, $0x0;
	s5 =	sld [smem:$0x3FAA]  }
0x2b: {  	s6 =	sld [smem:$0x3FAB]  }
0x2c: {  	s7 =	sld [smem:$0x3FAC]  }
0x2d: {  	s3 =	simm.s32 $0x108;
	s8 =	sld [smem:$0x3FAD]  }
0x2e: {  	s3 =	simm.s32 @!p0 $0x1082;
	s9 =	sld [smem:$0x3FAE]  }
0x2f: {  	lr =	sadd.s32 s0, s3;
	s0 =	sld [smem:$0x3FA5]  }
0x30: {  	s3 =	sld [smem:$0x3FA8]  }
0x31: {  	[smem:$0x3FB1] =	sst s10  }
0x32: {  	s10 =	sld [smem:$0x3FAF];
	_ =	sdelay $0x3  }
0x33: {  	p0 =	seq.s32 s10, $0x1;
	s10 =	sld [smem:$0x3FB1];
	_ =	sdelay $0x3  }
0x34: {  	[smem:$0x3FB1] =	sst s10  }
0x35: {  	s10 =	sld [smem:$0x3FB0];
	_ =	sdelay $0x3  }
0x36: {  	p1 =	seq.s32 s10, $0x1;
	s10 =	sld [smem:$0x3FB1];
	_ =	sdelay $0x3  }
0x37: {  	[smem:$0x3FB1] =	sst s10  }
0x38: {  	s10 =	sld [smem:$0x3FB2]  }
0x39: {  	_ = 	snop;
	(pc) =	sbr.ind lr, $3  }
0x3a: {  	_ = 	snop  }
0x3b: {  	_ = 	snop  }
0x3c: {  	p2 =	seq.s32 s10, $0x1;
	s10 =	sld [smem:$0x3FB1]  }
0x3d: {  	_ =	shalt  }
0x3e: {  	_ =	shalt  }
0x3f: {  	_ =	shalt  }
0x40: {  	_ =	shalt  }
0x41: {  	_ =	shalt  }
0x42: {  	_ =	shalt  }
0x43: {  	_ =	shalt  }
0x44: {  	_ =	shalt  }
0x45: {  	_ =	shalt  }
0x46: {  	_ =	shalt  }
0x47: {  	_ =	shalt  }
0x48: {  	_ =	shalt  }
0x49: {  	_ =	shalt  }
0x4a: {  	_ =	shalt  }
0x4b: {  	_ =	shalt  }
0x4c: {  	_ =	shalt  }
0x4d: {  	_ =	shalt  }
0x4e: {  	_ =	shalt  }
0x4f: {  	_ =	shalt  }
0x50: {  	_ =	shalt  }
0x51: {  	_ =	shalt  }
0x52: {  	_ =	shalt  }
0x53: {  	_ =	shalt  }
0x54: {  	_ =	shalt  }
0x55: {  	_ =	shalt  }
0x56: {  	_ =	shalt  }
0x57: {  	_ =	shalt  }
0x58: {  	_ =	shalt  }
0x59: {  	_ =	shalt  }
0x5a: {  	_ =	shalt  }
0x5b: {  	_ =	shalt  }
0x5c: {  	_ =	shalt  }
0x5d: {  	_ =	shalt  }
0x5e: {  	_ =	shalt  }
0x5f: {  	_ =	shalt  }
0x60: {  	_ =	shalt  }
0x61: {  	_ =	shalt  }
0x62: {  	_ =	shalt  }
0x63: {  	_ =	shalt  }
0x64: {  	_ =	shalt  }
0x65: {  	_ =	shalt  }
0x66: {  	_ =	shalt  }
0x67: {  	_ =	shalt  }
0x68: {  	_ =	shalt  }
0x69: {  	_ =	shalt  }
0x6a: {  	_ =	shalt  }
0x6b: {  	_ =	shalt  }
0x6c: {  	_ =	shalt  }
0x6d: {  	_ =	shalt  }
0x6e: {  	_ =	shalt  }
0x6f: {  	_ =	shalt  }
0x70: {  	_ =	shalt  }
0x71: {  	_ =	shalt  }
0x72: {  	_ =	shalt  }
0x73: {  	_ =	shalt  }
0x74: {  	_ =	shalt  }
0x75: {  	_ =	shalt  }
0x76: {  	_ =	shalt  }
0x77: {  	_ =	shalt  }
0x78: {  	_ =	shalt  }
0x79: {  	_ =	shalt  }
0x7a: {  	_ =	shalt  }
0x7b: {  	_ =	shalt  }
0x7c: {  	_ =	shalt  }
0x7d: {  	_ =	shalt  }
0x7e: {  	_ =	shalt  }
0x7f: {  	_ =	shalt  }
0x80: {  	_ =	shalt  }
0x81: {  	_ =	shalt  }
0x82: {  	_ =	shalt  }
0x83: {  	_ =	shalt  }
0x84: {  	_ =	shalt  }
0x85: {  	_ =	shalt  }
0x86: {  	_ =	shalt  }
0x87: {  	_ =	shalt  }
.Lfunc_end0:
.L_simem_size_0:
called_computation_lowered:
.L_overlay_start_0:
0x88: {  	s2 =	sld [smem:$0x3FD9]  }
0x89: {  	s3 =	sld [smem:$0x3FFE];
	_ =	sdelay $0x1  }
0x8a: {  	s1 =	srdreg.scid  }
0x8b: {  	s0 =	sand.u32 $0x1, s1  }
0x8c: {  	s17 =	sshll.u32 s0, $0xA;
	s2 =	sadd.s32 s3, s2  }
0x8d: {  	s2 =	sadd.s32 s2, s17  }
0x8e: {  	[smem:$0x3FBD] =	sst s2  }
0x8f: {  	_ = 	snop  }
0x90: {  	s2 =	sld [smem:$0x3FD0];
	(tm) =	ssettm $0x1  }
0x91: {  	s18 =	sld [smem:$0x3FFB];
	_ =	sdelay $0x3  }
0x92: {  	_ =	strace s18  }
0x93: {  	s3 =	sld [smem:$0x3FFC];
	_ =	sdelay $0x3  }
0x94: {  	_ =	strace s3  }
0x95: {  	s3 =	sld [smem:$0x3FFD];
	_ =	sdelay $0x3  }
0x96: {  	_ =	strace s3  }
0x97: {  	_ =	strace $0x8FFFFFFF  }
0x98: {  	s19 =	sld [smem:$0x3FDB];
	_ =	sdelay $0x1  }
0x99: {  	s4 =	simm.s32 $_scs_section_size  }
0x9a: {  	s5 =	simm.s32 $_size__tile_overlayer_lowered;
	s6 =	simm.s32 $_tile_overlayer_lowered  }
0x9b: {  	s22 =	simm.s32 $0x1BFF;
	s21 =	sshll.u32 s6, $0x1;
	s3 =	sadd.s32 s4, s19  }
0x9c: {  	s7 =	simm.s32 $0x0;
	s20 =	sshll.u32 s5, $0x1;
	s5 =	sadd.s32 s21, s3  }
0x9d: {  	[timem:s7], [sflag:s22] =	dma.local [hbm:s5], s20  }
0x9e: {  	_ =	swait.ge [sflag:s22], s20  }
0x9f: {  	s4 =	ssub.s32 $0x0, s20;
	[sflag:s22] =	ssyncset.done $0x0  }
0xa0: {  	[sflag:s22] =	ssyncadd.s32 s4;
	_ =	sdelay $0x1  }
0xa1: {  	s23 =	simm.s32 $0x1B8B  }
0xa2: {  	_ =	swait.ge [sflag:s23], $0x1  }
0xa3: {  	[sflag:s23] =	ssyncset.done $0x0  }
0xa4: {  	s25 =	simm.s32 $0x1B8E;
	s24 =	sld [smem:$0x3FFE];
	[sflag:s23] =	ssyncadd.s32 $0xFFFFFFFF  }
0xa5: {  	s26 =	simm.s32 $execute0_lowered;
	[smem:$0x3FD2] =	sst s25  }
0xa6: {  	s5 =	sshll.u32 s26, $0x1;
	_ =	strace $0x80000046;
	[dreg:$0x1] =	wrdreg $0xFFFFFFFF  }
0xa7: {  	s28 =	simm.s32 $_size_execute0_lowered;
	s3 =	sadd.s32 s3, s5;
	[dreg:$0x0] =	wrdreg $0x0  }
0xa8: {  	s5 =	sshll.u32 s28, $0x1;
	[dreg:$0x2] =	wrdreg s3  }
0xa9: {  	[dreg:$0x3] =	wrdreg s5  }
0xaa: {  	[dreg:$0x4] =	wrdreg $0xC0  }
0xab: {  	_ =	task [dreg:s7], $0x5FFFF  }
0xac: {  	[dreg:$0x1] =	wrdreg $0xFFFFFFFF  }
0xad: {  	[dreg:$0x0] =	wrdreg $0x60  }
0xae: {  	[dreg:$0x2] =	wrdreg s2  }
0xaf: {  	[dreg:$0x3] =	wrdreg s24  }
0xb0: {  	[dreg:$0x4] =	wrdreg $0xA0000  }
0xb1: {  	[dreg:$0x5] =	wrdreg $0x9  }
0xb2: {  	_ =	task.clear_ibuf [dreg:s7], $0x6FFFF;
	_ =	strace $0x90000046  }
0xb3: {  	s29 =	simm.s32 $0x9;
	_ =	strace $0x80000048  }
0xb4: {  	_ =	swait.ge [sflag:s29], $0x1  }
0xb5: {  	[sflag:s29] =	ssyncadd.s32 $0xFFFFFFFF  }
0xb6: {  	_ =	strace $0x90000048  }
0xb7: {  	_ =	sfence  }
0xb8: {  	s30 =	sld [smem:$0x0];
	_ =	sdelay $0x2  }
0xb9: {  	s31 =	sshll.u32 s1, $0xD;
	s1 =	sshrl.u32 s1, $0x2  }
0xba: {  	s3 =	sand.u32 $0x4000, s31;
	s1 =	sadd.s32 s1, s30  }
0xbb: {  	s0 =	sor.u32 s3, s0;
	s1 =	sshll.u32 s1, $0x11  }
0xbc: {  	s0 =	sor.u32 s1, s0  }
0xbd: {  	s0 =	sadd.s32 $0x8F2B, s0  }
0xbe: {  	[sflag:s0] =	ssyncadd.remote.s32 $0x1  }
0xbf: {  	_ =	sfence.sel $0xFFFF  }
0xc0: {  	[dreg:$0x0] =	wrdreg $0xFFFFFFFF;
	(pc) =	sbr.abs _section_cstart, $3  }
0xc1: {  	[dreg:$0x1] =	wrdreg $0xFFFFFFFF  }
0xc2: {  	_ =	task.clear_ibuf [dreg:s7], $0x2FFFF;
	_ =	strace $0x9FFFFFFF  }
0xc3: {  	(tm) =	ssettm $0x7FFFFFFF  }
tec
execute0_lowered:
.L_overlay_start_1:
0x0: {  	(tag) =	ssettag $0x1  }
0x1: {  	s1 =	rddreg [dreg:$0x0]  }
0x2: {  	s0 =	rddreg [dreg:$0x1]  }
0x3: {  	s2 =	rddreg [dreg:$0x2];
	s3 =	simm.s32 $0x0  }
0x4: {  	s4 =	srdreg.scid;
	s11 =	stileid.u32;
	s28 =	simm.s32 $0x80  }
0x5: {  	s29 =	simm.s32 $0x6000;
	s30 =	simm.s32 $0x1;
	s31 =	simm.s32 $0x5  }
0x6: {  	[smem:$0x7FF] =	sst s3;
	s4 =	sand.u32 $0x1, s4;
	s8 =	smul.u32 $0x4E000, s11  }
0x7: {  	s5 =	sadd.s32 $0x2600, s0;
	s6 =	sadd.s32 $0xC600, s0;
	s26 =	smul.u32 $0x2700, s11  }
0x8: {  	s13 =	sadd.s32 $0x138000, s2;
	p2 =	sne.s32 s11, $0xF;
	s7 =	smul.u32 $0x27100, s4  }
0x9: {  	s9 =	ssub.s32 $0x2, s4;
	s4 =	sshll.u32 s4, $0x4;
	s19 =	sshrl.u32 s8, $0x2  }
0xa: {  	s20 =	sshrl.u32 s9, $0x1;
	s4 =	sor.u32 s11, s4;
	s0 =	sadd.s32 s7, s0  }
0xb: {  	s7 =	sadd.s32 s19, s2;
	s8 =	ssub.s32 s9, s20;
	s9 =	smul.u32 $0x2800, s4  }
0xc: {  	_ =	strace $0x80000047;
	s4 =	smul.u32 $0x500, s4;
	s21 =	sadd.s32 $0x4000, s7  }
0xd: {  	s20 =	simm.s32 $0x2000;
	s10 =	sadd.s32 $0x8000, s7;
	[dreg:$0x4] =	wrdreg s21  }
0xe: {  	s22 =	sadd.s32 $0xC000, s7;
	s23 =	sadd.s32 $0x10000, s7;
	[dreg:$0x5] =	wrdreg s10  }
0xf: {  	s18 =	sadd.s32 $0x16600, s0;
	s19 =	smax.u32 s8, $0x1;
	[dreg:$0x6] =	wrdreg s22  }
0x10: {  	s0 =	simm.s32 @!p2 $0x0;
	[dreg:$0x7] =	wrdreg s23;
	s24 =	sshrl.u32 s9, $0x3  }
0x11: {  	s12 =	sadd.s32 s5, s4;
	s15 =	sadd.s32 s6, s4;
	s23 =	simm.s32 $0x0  }
0x12: {  	s0 =	simm.s32 @p2 $0x1;
	[dreg:$0x8] =	wrdreg s12;
	s25 =	sadd.s32 $0x100, s24  }
0x13: {  	s24 =	simm.s32 $0x2;
	[smem:$0x7FD] =	sst s0;
	s16 =	sadd.s32 s5, s25  }
0x14: {  	v0 =	vimm.f32 $0.0e+00;
	s17 =	sadd.s32 s6, s25;
	s25 =	sadd.s32 s26, s18;
	s26 =	simm.s32 $0x3  }
.LBB2_1:
0x15: {  	s0 =	simm.s32 $0x0;
	s4 =	simm.s32 $0x200  }
.LBB2_2:
0x16: {  	p1 =	sne.s32 s4, $0xFE00;
	[tilespmem:s0+$0x2070] =	vst v0  }
0x17: {  	[tilespmem:s0+$0x2000] =	vst v0  }
0x18: {  	[tilespmem:s0+$0x2010] =	vst v0  }
.Ltmp0:
0x19: {  	[tilespmem:s0+$0x2020] =	vst v0;
	(pc) =	sbr.rel @p1 .LBB2_2-.Ltmp0, $4  }
0x1a: {  	[tilespmem:s0+$0x2030] =	vst v0  }
0x1b: {  	[tilespmem:s0+$0x2040] =	vst v0  }
0x1c: {  	[tilespmem:s0+$0x2050] =	vst v0  }
0x1d: {  	[tilespmem:s0+$0x2060] =	vst v0;
	s0 =	sshra.s32 s4, $0x2;
	s4 =	sadd.s32 $0x200, s4  }
0x1e: {  	[tilespmem:s0+$0x2070] =	vst v0  }
0x1f: {  	[tilespmem:s0+$0x2000] =	vst v0  }
0x20: {  	[tilespmem:s0+$0x2010] =	vst v0  }
0x21: {  	[tilespmem:s0+$0x2020] =	vst v0  }
0x22: {  	[tilespmem:s0+$0x2030] =	vst v0  }
0x23: {  	[tilespmem:s0+$0x2040] =	vst v0  }
0x24: {  	[tilespmem:s0+$0x2050] =	vst v0  }
0x25: {  	[tilespmem:s0+$0x2060] =	vst v0  }
0x26: {  	[spmem:s7] =	stream.linear.scatter [tilespmem:s20], [sflag:$0x2], $0x4000, $0x38;
	[tilespmem:$0x1DB80] =	vst v63  }
0x27: {  	s14 =	rddreg [dreg:$0x4]  }
0x28: {  	[spmem:s14] =	stream.linear.scatter [tilespmem:s20], [sflag:$0x2], $0x4000, $0x38;
	[tilespmem:$0x1DB80] =	vst v63  }
0x29: {  	s21 =	rddreg [dreg:$0x5]  }
0x2a: {  	[spmem:s21] =	stream.linear.scatter [tilespmem:s20], [sflag:$0x2], $0x4000, $0x38;
	[tilespmem:$0x1DB80] =	vst v63  }
0x2b: {  	s22 =	rddreg [dreg:$0x6]  }
0x2c: {  	[spmem:s22] =	stream.linear.scatter [tilespmem:s20], [sflag:$0x2], $0x4000, $0x38;
	[tilespmem:$0x1DB80] =	vst v63  }
0x2d: {  	s4 =	rddreg [dreg:$0x7]  }
0x2e: {  	[spmem:s4] =	stream.linear.scatter [tilespmem:s20], [sflag:$0x2], $0x3800, $0x38;
	[tilespmem:$0x1DB80] =	vst v63  }
0x2f: {  	s0 =	simm.s32 @!p2 $0x2000  }
0x30: {  	[spmem:s13] =	stream.linear.scatter @!p2 [tilespmem:s0], [sflag:$0x2], $0x3800, $0x38;
	[tilespmem:$0x1DB80] =	vst v63  }
0x31: {  	s8 =	rddreg [dreg:$0x8]  }
0x32: {  	[tilespmem:s3], [sflag:$0x3] =	stream.linear.gather [hbm4b:s8+s3], $0x800, $0x38;
	[tilespmem:$0x1DB80] =	vst v63  }
0x33: {  	s10 =	simm.s32 $0x1000  }
0x34: {  	[tilespmem:s10], [sflag:$0x3] =	stream.linear.gather [hbm4b:s15+s3], $0x800, $0x38;
	[tilespmem:$0x1DB80] =	vst v63  }
0x35: {  	s11 =	simm.s32 $0x800  }
0x36: {  	[tilespmem:s11], [sflag:$0x4] =	stream.linear.gather [hbm4b:s16+s3], $0x800, $0x38;
	[tilespmem:$0x1DB80] =	vst v63  }
0x37: {  	s12 =	simm.s32 $0x1800  }
0x38: {  	[tilespmem:s12], [sflag:$0x4] =	stream.linear.gather [hbm4b:s17+s3], $0x800, $0x38;
	[tilespmem:$0x1DB80] =	vst v63  }
0x39: {  	_ =	swait.ge [sflag:s24], $0x4000  }
0x3a: {  	[sflag:s24] =	ssyncset.done $0x0  }
0x3b: {  	[sflag:s24] =	ssyncadd.s32 $0xFFFFC000  }
0x3c: {  	_ =	swait.ge [sflag:s24], $0x4000  }
0x3d: {  	[sflag:s24] =	ssyncset.done $0x0  }
0x3e: {  	[sflag:s24] =	ssyncadd.s32 $0xFFFFC000  }
0x3f: {  	_ =	swait.ge [sflag:s24], $0x4000  }
0x40: {  	[sflag:s24] =	ssyncset.done $0x0  }
0x41: {  	[sflag:s24] =	ssyncadd.s32 $0xFFFFC000  }
0x42: {  	_ =	swait.ge [sflag:s24], $0x4000  }
0x43: {  	[sflag:s24] =	ssyncset.done $0x0  }
0x44: {  	[sflag:s24] =	ssyncadd.s32 $0xFFFFC000  }
0x45: {  	_ =	swait.ge [sflag:s24], $0x3800  }
0x46: {  	[sflag:s24] =	ssyncset.done $0x0  }
0x47: {  	s0 =	simm.s32 @!p2 $0x2;
	[sflag:s24] =	ssyncadd.s32 $0xFFFFC800  }
0x48: {  	_ =	swait.ge @!p2 [sflag:s0], $0x3800  }
0x49: {  	[sflag:s0] =	ssyncset.done @!p2 $0x0  }
0x4a: {  	[sflag:s0] =	ssyncadd.s32 @!p2 $0xFFFFC800  }
0x4b: {  	[bflag:$0x0] =	sbarrier.arrive $0xFFFF  }
0x4c: {  	_ =	swait.ge [sflag:s26], $0x800  }
0x4d: {  	[sflag:s26] =	ssyncset.done $0x0  }
0x4e: {  	[sflag:s26] =	ssyncadd.s32 $0xFFFFF800  }
0x4f: {  	_ =	swait.ge [sflag:s26], $0x800  }
0x50: {  	s0 =	simm.s32 $0x0;
	[sflag:s26] =	ssyncset.done $0x0  }
0x51: {  	s4 =	sand.u32 $0xF00, s0;
	[sflag:s26] =	ssyncadd.s32 $0xFFFFF800  }
0x52: {  	[tilespmem:s20], [sflag:$0x1] =	stream.indirect.gather [hbm4b:s1+s28], $0x80, s0, s28, $0xb8;
	[tilespmem:$0x1DB80] =	vst v63  }
0x53: {  	s8 =	sor.u32 $0x80, s4;
	s4 =	simm.s32 $0x2  }
0x54: {  	[tilespmem:s29], [sflag:$0x2] =	stream.indirect.gather [hbm4b:s1+s28], $0x80, s8, s28, $0xb8;
	[tilespmem:$0x1DB80] =	vst v63  }
0x55: {  	s10 =	sand.u32 $0x3C00, s0;
	s11 =	sand.u32 $0xE, s4;
	_ =	swait.ge [sflag:s30], $0x4000  }
0x56: {  	s10 =	sshrl.u32 s10, $0x2;
	p3 =	sne.s32 s11, $0x0;
	[sflag:s30] =	ssyncset.done $0x0  }
0x57: {  	s10 =	sor.u32 $0x1000, s10;
	s4 =	sand.u32 @!p3 $0x10, s4;
	[sflag:s30] =	ssyncadd.s32 $0xFFFFC000  }
0x58: {  	[spmem:s2] =	stream.indirect.scatter.add.f32 [tilespmem:s20], [sflag:$0x5], $0x80, s10, s28, $0xb8;
	[tilespmem:$0x1DB80] =	vst v63  }
0x59: {  	p1 =	seq.s32 @!p3 s4, $0x0;
	_ =	swait.ge [sflag:s31], $0x4000  }
0x5a: {  	p1 =	por !p1, p3;
	s10 =	simm.s32 @!p3 $0x3;
	[sflag:s31] =	ssyncset.done $0x0  }
0x5b: {  	s10 =	simm.s32 @p1 $0x4;
	[sflag:s31] =	ssyncadd.s32 $0xFFFFC000  }
0x5c: {  	_ =	swait.ge @!p3 [sflag:s10], $0x800  }
0x5d: {  	[sflag:s10] =	ssyncset.done @!p3 $0x0  }
0x5e: {  	p1 =	por $0x0, $0x0;
	[sflag:s10] =	ssyncadd.s32 @!p3 $0xFFFFF800  }
0x5f: {  	s4 =	simm.s32 $0x400;
	p4 =	sne.s32 @!p1 s11, $0x0;
	_ =	swait.ge @!p3 [sflag:s10], $0x800  }
0x60: {  	s14 =	sand.u32 $0x3C00, s4;
	p2 =	por p4, p1;
	[sflag:s10] =	ssyncset.done @!p3 $0x0  }
0x61: {  	s22 =	sshrl.u32 s14, $0x2;
	s21 =	simm.s32 @!p2 $0x1;
	[sflag:s10] =	ssyncadd.s32 @!p3 $0xFFFFF800  }
0x62: {  	[tilespmem:s20], [sflag:$0x1] =	stream.indirect.gather [hbm4b:s1+s28], $0x80, s22, s28, $0xb8;
	[tilespmem:$0x1DB80] =	vst v63  }
0x63: {  	s10 =	sand.u32 @!p2 $0x1, s21;
	_ =	swait.ge [sflag:s24], $0x4000  }
0x64: {  	p3 =	seq.s32 @!p2 s10, $0x1;
	s10 =	sadd.s32 @!p2 $0x800, s9;
	[sflag:s24] =	ssyncset.done $0x0  }
0x65: {  	s8 =	sor.u32 $0x1000, s8;
	s10 =	sshrl.u32 @!p2 s10, $0x3;
	[sflag:s24] =	ssyncadd.s32 $0xFFFFC000  }
0x66: {  	[spmem:s2] =	stream.indirect.scatter.add.f32 [tilespmem:s29], [sflag:$0x5], $0x80, s8, s28, $0xb8;
	[tilespmem:$0x1DB80] =	vst v63  }
0x67: {  	p5 =	por @!p1 !p3, p4;
	p3 =	por @!p1 p3, p4;
	_ =	swait.ge [sflag:s31], $0x4000  }
0x68: {  	s11 =	sadd.s32 @!p2 s5, s10;
	p4 =	por p5, p1;
	[sflag:s31] =	ssyncset.done $0x0  }
0x69: {  	s21 =	simm.s32 @!p4 $0x0;
	s8 =	simm.s32 @!p4 $0x800;
	[sflag:s31] =	ssyncadd.s32 $0xFFFFC000  }
0x6a: {  	[tilespmem:s8], [sflag:$0x4] =	stream.linear.gather @!p4 [hbm4b:s11+s21], $0x800, $0x38;
	[tilespmem:$0x1DB80] =	vst v63  }
0x6b: {  	s8 =	sadd.s32 @!p2 s6, s10;
	s10 =	simm.s32 @!p4 $0x1800;
	p2 =	por p3, p1  }
0x6c: {  	[tilespmem:s10], [sflag:$0x4] =	stream.linear.gather @!p4 [hbm4b:s8+s21], $0x800, $0x38;
	[tilespmem:$0x1DB80] =	vst v63  }
0x6d: {  	s10 =	simm.s32 @!p2 $0x0  }
0x6e: {  	[tilespmem:s10], [sflag:$0x3] =	stream.linear.gather @!p2 [hbm4b:s11+s10], $0x800, $0x38;
	[tilespmem:$0x1DB80] =	vst v63  }
0x6f: {  	s22 =	simm.s32 $0x100;
	s21 =	simm.s32 $0x4;
	s11 =	simm.s32 @!p2 $0x1000  }
.LBB2_4:
0x70: {  	s12 =	sand.u32 $0xF00, s22  }
0x71: {  	s0 =	sadd.s32 $0x1, s0;
	s14 =	smov.u32 s21;
	s21 =	sadd.s32 $0x2, s21  }
0x72: {  	[tilespmem:s11], [sflag:$0x3] =	stream.linear.gather @!p2 [hbm4b:s8+s10], $0x800, $0x38;
	[tilespmem:$0x1DB80] =	vst v63  }
0x73: {  	s8 =	sor.u32 $0x80, s12;
	p1 =	sne.s32 s21, $0x50  }
0x74: {  	[tilespmem:s29], [sflag:$0x2] =	stream.indirect.gather [hbm4b:s1+s28], $0x80, s8, s28, $0xb8;
	[tilespmem:$0x1DB80] =	vst v63  }
0x75: {  	s10 =	sand.u32 $0x3C00, s4;
	p2 =	sgt.u32 s0, $0x1E;
	_ =	swait.ge [sflag:s30], $0x4000  }
0x76: {  	s11 =	sand.u32 $0xE, s14;
	s10 =	sshrl.u32 s10, $0x2;
	[sflag:s30] =	ssyncset.done $0x0  }
0x77: {  	p4 =	sne.s32 s11, $0x0;
	s10 =	sor.u32 $0x1000, s10;
	[sflag:s30] =	ssyncadd.s32 $0xFFFFC000  }
0x78: {  	[spmem:s2] =	stream.indirect.scatter.add.f32 [tilespmem:s20], [sflag:$0x5], $0x80, s10, s28, $0xb8;
	[tilespmem:$0x1DB80] =	vst v63  }
0x79: {  	p5 =	sne.s32 @!p2 s11, $0x0;
	s10 =	sand.u32 @!p4 $0x10, s14;
	_ =	swait.ge [sflag:s31], $0x4000  }
0x7a: {  	p3 =	seq.s32 @!p4 s10, $0x0;
	s10 =	simm.s32 @!p4 $0x3;
	[sflag:s31] =	ssyncset.done $0x0  }
0x7b: {  	p6 =	por !p3, p4;
	p3 =	por p5, p2;
	[sflag:s31] =	ssyncadd.s32 $0xFFFFC000  }
0x7c: {  	s10 =	simm.s32 @p6 $0x4;
	s11 =	sshrl.u32 @!p3 s14, $0x4  }
0x7d: {  	s4 =	sadd.s32 $0x400, s4;
	s11 =	sadd.s32 @!p3 $0x1, s11;
	_ =	swait.ge @!p4 [sflag:s10], $0x800  }
0x7e: {  	s12 =	sand.u32 @!p3 $0x1, s11;
	s11 =	sshll.u32 @!p3 s11, $0xB;
	[sflag:s10] =	ssyncset.done @!p4 $0x0  }
0x7f: {  	p0 =	seq.s32 @!p3 s12, $0x1;
	s11 =	sadd.s32 @!p3 s9, s11;
	[sflag:s10] =	ssyncadd.s32 @!p4 $0xFFFFF800  }
0x80: {  	s11 =	sshrl.u32 @!p3 s11, $0x3;
	p6 =	por @!p2 !p0, p5;
	_ =	swait.ge @!p4 [sflag:s10], $0x800  }
0x81: {  	s12 =	sand.u32 $0x3C00, s4;
	p5 =	por @!p2 p0, p5;
	[sflag:s10] =	ssyncset.done @!p4 $0x0  }
0x82: {  	[sflag:s10] =	ssyncadd.s32 @!p4 $0xFFFFF800;
	s10 =	sshrl.u32 s12, $0x2  }
0x83: {  	[tilespmem:s20], [sflag:$0x1] =	stream.indirect.gather [hbm4b:s1+s28], $0x80, s10, s28, $0xb8;
	[tilespmem:$0x1DB80] =	vst v63  }
0x84: {  	_ =	swait.ge [sflag:s24], $0x4000  }
0x85: {  	s8 =	sor.u32 $0x1000, s8;
	[sflag:s24] =	ssyncset.done $0x0  }
0x86: {  	[sflag:s24] =	ssyncadd.s32 $0xFFFFC000  }
0x87: {  	[spmem:s2] =	stream.indirect.scatter.add.f32 [tilespmem:s29], [sflag:$0x5], $0x80, s8, s28, $0xb8;
	[tilespmem:$0x1DB80] =	vst v63  }
0x88: {  	p0 =	por p6, p2;
	s12 =	sadd.s32 @!p3 s5, s11;
	_ =	swait.ge [sflag:s31], $0x4000  }
0x89: {  	s14 =	simm.s32 @!p0 $0x800;
	s10 =	simm.s32 @!p0 $0x0;
	[sflag:s31] =	ssyncset.done $0x0  }
0x8a: {  	s8 =	sadd.s32 @!p3 s6, s11;
	s11 =	simm.s32 @!p0 $0x1800;
	[sflag:s31] =	ssyncadd.s32 $0xFFFFC000  }
0x8b: {  	[tilespmem:s14], [sflag:$0x4] =	stream.linear.gather @!p0 [hbm4b:s12+s10], $0x800, $0x38;
	[tilespmem:$0x1DB80] =	vst v63  }
.Ltmp1:
0x8c: {  	_ = 	snop;
	(pc) =	sbr.rel @p1 .LBB2_4-.Ltmp1, $4  }
0x8d: {  	p2 =	por p5, p2  }
0x8e: {  	[tilespmem:s11], [sflag:$0x4] =	stream.linear.gather @!p0 [hbm4b:s8+s10], $0x800, $0x38;
	[tilespmem:$0x1DB80] =	vst v63  }
0x8f: {  	s22 =	sadd.s32 $0x100, s22;
	s10 =	simm.s32 @!p2 $0x0;
	s11 =	simm.s32 @!p2 $0x1000  }
0x90: {  	[tilespmem:s10], [sflag:$0x3] =	stream.linear.gather @!p2 [hbm4b:s12+s10], $0x800, $0x38;
	[tilespmem:$0x1DB80] =	vst v63  }
0x91: {  	[tilespmem:s11], [sflag:$0x3] =	stream.linear.gather @!p2 [hbm4b:s8+s10], $0x800, $0x38;
	[tilespmem:$0x1DB80] =	vst v63  }
0x92: {  	s0 =	simm.s32 $0x780  }
0x93: {  	[tilespmem:s29], [sflag:$0x2] =	stream.indirect.gather [hbm4b:s1+s28], $0x80, s0, s28, $0xb8;
	[tilespmem:$0x1DB80] =	vst v63  }
0x94: {  	_ =	swait.ge [sflag:s30], $0x4000  }
0x95: {  	[sflag:s30] =	ssyncset.done $0x0  }
0x96: {  	s12 =	simm.s32 $0x1700;
	[sflag:s30] =	ssyncadd.s32 $0xFFFFC000  }
0x97: {  	[spmem:s2] =	stream.indirect.scatter.add.f32 [tilespmem:s20], [sflag:$0x5], $0x80, s12, s28, $0xb8;
	[tilespmem:$0x1DB80] =	vst v63  }
0x98: {  	_ =	swait.ge [sflag:s31], $0x4000  }
0x99: {  	[sflag:s31] =	ssyncset.done $0x0  }
0x9a: {  	[sflag:s31] =	ssyncadd.s32 $0xFFFFC000  }
0x9b: {  	_ =	swait.ge [sflag:s24], $0x4000  }
0x9c: {  	[sflag:s24] =	ssyncset.done $0x0  }
0x9d: {  	s14 =	simm.s32 $0x1780;
	[sflag:s24] =	ssyncadd.s32 $0xFFFFC000  }
0x9e: {  	[spmem:s2] =	stream.indirect.scatter.add.f32 [tilespmem:s29], [sflag:$0x5], $0x80, s14, s28, $0xb8;
	[tilespmem:$0x1DB80] =	vst v63  }
0x9f: {  	_ =	swait.ge [sflag:s31], $0x4000  }
0xa0: {  	s21 =	stileid.u32;
	[sflag:s31] =	ssyncset.done $0x0  }
0xa1: {  	s0 =	sshll.u32 s21, $0x6;
	[sflag:s31] =	ssyncadd.s32 $0xFFFFC000  }
0xa2: {  	s4 =	sshrl.u32 s7, $0x3;
	s0 =	sor.u32 $0x1C05, s0;
	[bflag:$0x0] =	sbarrier.arrive $0xFFFF  }
0xa3: {  	[hbm:s25], [sflag:s0] =	dma.local [spmem:s4], $0x2700  }
0xa4: {  	_ =	swait.ge [sflag:s31], $0x2700  }
0xa5: {  	s22 =	sld [smem:$0x7FD];
	_ =	sdelay $0x1  }
0xa6: {  	s23 =	sadd.s32 $0x1, s23  }
0xa7: {  	p0 =	sne.s32 s23, s19;
	[sflag:s31] =	ssyncset.done $0x0;
	p2 =	seq.s32 s22, $0x1  }
0xa8: {  	[sflag:s31] =	ssyncadd.s32 $0xFFFFD900;
	s4 =	sadd.s32 @!p2 $0x27000, s18;
	s8 =	sshrl.u32 @!p2 s13, $0x3  }
0xa9: {  	[hbm:s4], [sflag:s0] =	dma.local @!p2 [spmem:s8], $0x100  }
.Ltmp2:
0xaa: {  	_ = 	snop;
	(pc) =	sbr.rel @p0 .LBB2_1-.Ltmp2, $4  }
0xab: {  	s0 =	simm.s32 @!p2 $0x5  }
0xac: {  	_ =	swait.ge @!p2 [sflag:s0], $0x100  }
0xad: {  	[sflag:s0] =	ssyncset.done @!p2 $0x0  }
0xae: {  	[sflag:s0] =	ssyncadd.s32 @!p2 $0xFFFFFF00  }
0xaf: {  	_ =	sfence.sel $0x180000  }
0xb0: {  	[bflag:$0x0] =	sbarrier.arrive $0xFFFF  }
0xb1: {  	_ =	strace $0x90000047  }
0xb2: {  	s0 =	stileid.u32;
	[bflag:$0x2] =	sbarrier.arrive $0xFFFF  }
0xb3: {  	p0 =	sne.s32 s0, $0x0;
	s0 =	rddreg [dreg:$0x3]  }
0xb4: {  	s0 =	sadd.s32 @!p0 $0x100000, s0  }
0xb5: {  	[sflag:s0] =	ssyncadd.tile.s32 @!p0 $0x1;
	_ =	shalt  }
.Lfunc_end2:
_tile_overlayer_lowered:
.L_overlay_start_2:
0xb6: {  	(tag) =	ssettag $0x2  }
0xb7: {  	s0 =	rddreg [dreg:$0x0];
	s2 =	stileid.u32  }
0xb8: {  	s1 =	rddreg [dreg:$0x1];
	p0 =	sne.s32 s2, $0x0  }
0xb9: {  	s3 =	rddreg [dreg:$0x2];
	[bflag:$0x3] =	sbarrier.arrive $0xFFFF;
	s2 =	simm.s32 @!p0 $0x1C05  }
0xba: {  	[timem:s3], [sflag:s2] =	dma.local @!p0 [hbm:s0], s1  }
0xbb: {  	s0 =	simm.s32 @!p0 $0x5  }
0xbc: {  	_ =	swait.ge @!p0 [sflag:s0], s1  }
0xbd: {  	s1 =	ssub.s32 @!p0 $0x0, s1;
	[sflag:s0] =	ssyncset.done @!p0 $0x0  }
0xbe: {  	[sflag:s0] =	ssyncadd.s32 @!p0 s1  }
0xbf: {  	[bflag:$0x3] =	sbarrier.arrive $0xFFFF  }
0xc0: {  	_ =	shalt  }

</sc_bundles>
